<compile_context>
chip_gen: v7x
topology: tpu7x:2x2x1
jax: 0.10.2.dev20260603
libtpu: 0.0.44.dev20260713+nightly
codegen_flags: <defaults>
</compile_context>

<pallas_src>
import functools

import jax
import jax.numpy as jnp
from jax import lax
from jax.experimental import pallas as pl
from jax.experimental.pallas import tpu as pltpu
from jax.experimental.pallas import tpu_sc as plsc

N = 10000
FEAT = 128
HID = 128
LAT = 64
EPS = 1e-5

NSC = 2
NSUB = 16
NT = NSC * NSUB
CH = 64
NPAD = 10240
ROWS_PER_TILE = NPAD // NSUB
DEGW = 128
CORE0_FRAC = 0.5


def _sc_mesh():
    return plsc.VectorSubcoreMesh(core_axis_name="c", subcore_axis_name="s")


def _unpack_dst(packed_v, j, dbuf):
    for t in range(CH // 16):
        v = packed_v[j, pl.ds(16 * t, 16)]
        dbuf[pl.ds(16 * t, 16)] = jax.lax.shift_right_logical(v, 16)


def _unpack_src(packed_v, j, sbuf):
    for t in range(CH // 16):
        v = packed_v[j, pl.ds(16 * t, 16)]
        sbuf[pl.ds(16 * t, 16)] = jax.lax.bitwise_and(v, 0xFFFF)


def _sc_degree(packed_f, ones_b, zeros_b, nch):

    @functools.partial(
        pl.kernel,
        out_type=jax.ShapeDtypeStruct((NSC, NPAD, DEGW), jnp.float32),
        mesh=_sc_mesh(),
        scratch_types=[
            pltpu.VMEM((nch, CH), jnp.int32),
            pltpu.VMEM((CH,), jnp.int32),
            pltpu.VMEM((CH,), jnp.int32),
            pltpu.VMEM((CH, DEGW), jnp.float32),
            pltpu.VMEM((CH, DEGW), jnp.float32),
            pltpu.VMEM_SHARED((NPAD, DEGW), jnp.float32),
            pltpu.SemaphoreType.DMA,
            pltpu.SemaphoreType.DMA,
        ],
    )
    def k(packed_hbm, ones_hbm, zeros_hbm, out_hbm, packed_v, da_v, db_v,
          ones_v, stage_v, acc_sh, sem0, sem1):
        c = lax.axis_index("c")
        s = lax.axis_index("s")
        wid = c * NSUB + s
        start = pl.multiple_of(wid * nch, 8)
        pltpu.sync_copy(packed_hbm.at[pl.ds(start, nch)], packed_v)
        pltpu.sync_copy(ones_hbm, ones_v)
        pltpu.sync_copy(zeros_hbm, stage_v)
        row0 = s * ROWS_PER_TILE
        for k2 in range(ROWS_PER_TILE // CH):
            pltpu.sync_copy(stage_v, acc_sh.at[pl.ds(row0 + k2 * CH, CH)])
        plsc.subcore_barrier()

        def sc_start(dbuf, sem):
            pltpu.async_copy(ones_v, acc_sh.at[dbuf], sem, add=True)

        def sc_wait(dbuf, sem):
            pltpu.make_async_copy(ones_v, acc_sh.at[dbuf], sem).wait()

        _unpack_dst(packed_v, 0, da_v)
        sc_start(da_v, sem0)
        _unpack_dst(packed_v, 1, db_v)
        sc_start(db_v, sem1)

        def body(i, carry):
            j0 = 2 * i
            sc_wait(da_v, sem0)
            _unpack_dst(packed_v, j0, da_v)
            sc_start(da_v, sem0)
            sc_wait(db_v, sem1)
            _unpack_dst(packed_v, j0 + 1, db_v)
            sc_start(db_v, sem1)
            return carry

        lax.fori_loop(1, nch // 2, body, 0)
        sc_wait(da_v, sem0)
        sc_wait(db_v, sem1)
        plsc.subcore_barrier()
        for k2 in range(ROWS_PER_TILE // CH):
            r = row0 + k2 * CH
            pltpu.sync_copy(acc_sh.at[pl.ds(r, CH)], stage_v)
            pltpu.sync_copy(stage_v, out_hbm.at[c, pl.ds(r, CH)])

    return k(packed_f, ones_b, zeros_b)


def _sc_scatter(hp, packed_f, zeros_b, nch0, nch1):
    nchmax = max(nch0, nch1)

    @functools.partial(
        pl.kernel,
        out_type=jax.ShapeDtypeStruct((NSC, NPAD, FEAT), jnp.float32),
        mesh=_sc_mesh(),
        scratch_types=[
            pltpu.VMEM((nchmax, CH), jnp.int32),
            pltpu.VMEM((CH,), jnp.int32),
            pltpu.VMEM((CH,), jnp.int32),
            pltpu.VMEM((CH,), jnp.int32),
            pltpu.VMEM((CH,), jnp.int32),
            pltpu.VMEM((CH, FEAT), jnp.float32),
            pltpu.VMEM((CH, FEAT), jnp.float32),
            pltpu.VMEM_SHARED((NPAD, FEAT), jnp.float32),
            pltpu.SemaphoreType.DMA,
            pltpu.SemaphoreType.DMA,
        ],
    )
    def k(hp_hbm, packed_hbm, zeros_hbm, out_hbm, packed_v,
          sa_v, sb_v, da_v, db_v, rows0_v, rows1_v, acc_sh,
          gsem0, gsem1):
        c = lax.axis_index("c")
        s = lax.axis_index("s")

        @pl.when(c == 0)
        def _():
            start = pl.multiple_of(s * nch0, 8)
            pltpu.sync_copy(packed_hbm.at[pl.ds(start, nch0)],
                            packed_v.at[pl.ds(0, nch0)])

        @pl.when(c == 1)
        def _():
            start = pl.multiple_of(NSUB * nch0 + s * nch1, 8)
            pltpu.sync_copy(packed_hbm.at[pl.ds(start, nch1)],
                            packed_v.at[pl.ds(0, nch1)])

        pltpu.sync_copy(zeros_hbm, rows0_v)
        row0 = s * ROWS_PER_TILE
        for k2 in range(ROWS_PER_TILE // CH):
            pltpu.sync_copy(rows0_v, acc_sh.at[pl.ds(row0 + k2 * CH, CH)])
        plsc.subcore_barrier()

        def cvt(j, sbuf, dbuf):
            _unpack_src(packed_v, j, sbuf)
            _unpack_dst(packed_v, j, dbuf)

        def g(sbuf, rbuf, sem):
            return pltpu.make_async_copy(hp_hbm.at[sbuf], rbuf, sem)

        def run(nch_c):
            cvt(0, sa_v, da_v)
            g(sa_v, rows0_v, gsem0).start()

            def body(i, carry):
                j0 = 2 * i
                cvt(j0 + 1, sb_v, db_v)
                g(sb_v, rows1_v, gsem1).start()
                g(sa_v, rows0_v, gsem0).wait()
                pltpu.sync_copy(rows0_v, acc_sh.at[da_v], add=True)

                @pl.when(i < nch_c // 2 - 1)
                def _():
                    cvt(j0 + 2, sa_v, da_v)
                    g(sa_v, rows0_v, gsem0).start()

                g(sb_v, rows1_v, gsem1).wait()
                pltpu.sync_copy(rows1_v, acc_sh.at[db_v], add=True)
                return carry

            lax.fori_loop(0, nch_c // 2, body, 0)

        @pl.when(c == 0)
        def _():
            run(nch0)

        @pl.when(c == 1)
        def _():
            run(nch1)

        plsc.subcore_barrier()
        for k2 in range(ROWS_PER_TILE // CH):
            r = row0 + k2 * CH
            pltpu.sync_copy(acc_sh.at[pl.ds(r, CH)], rows0_v)
            pltpu.sync_copy(rows0_v, out_hbm.at[c, pl.ds(r, CH)])

    return k(hp, packed_f, zeros_b)


def _tc_a_body(x_ref, w_ref, deg_ref, hp_ref, dinv_ref):
    deg = deg_ref[:, 0:1] + deg_ref[:, 1:2] + 1.0
    rows = lax.broadcasted_iota(jnp.int32, (NPAD, 1), 0)
    dinv = jnp.where(rows < N, lax.rsqrt(deg), 0.0)
    dinv_ref[...] = dinv
    xw = jnp.dot(x_ref[...], w_ref[...], preferred_element_type=jnp.float32)
    hp_ref[0:N, :] = xw * dinv[0:N]
    hp_ref[N:NPAD, :] = jnp.zeros((NPAD - N, HID), jnp.float32)


def _bn_relu_cond(s0, s1, hp, dinv, b, g, be, hwc, hb):
    agg = (s0 + s1 + hp) * dinv + b
    rows = lax.broadcasted_iota(jnp.int32, (NPAD, 1), 0)
    valid = rows < N
    aggm = jnp.where(valid, agg, 0.0)
    mean = jnp.sum(aggm, axis=0, keepdims=True) * (1.0 / N)
    cent = agg - mean
    var = jnp.sum(jnp.where(valid, cent * cent, 0.0), axis=0,
                  keepdims=True) * (1.0 / N)
    hn = cent * lax.rsqrt(var + EPS) * g + be
    hom = jnp.sum(hwc, axis=0, keepdims=True) + hb
    return jnp.maximum(hn, 0.0) + hom


def _tc_b_body(s_ref, hp_ref, dinv_ref, b_ref, g_ref, be_ref, hwc_ref,
               hb_ref, w1_ref, hp1_ref):
    dinv = dinv_ref[...]
    h = _bn_relu_cond(s_ref[0], s_ref[1], hp_ref[...], dinv, b_ref[...],
                      g_ref[...], be_ref[...], hwc_ref[...], hb_ref[...])
    hp1_ref[...] = jnp.dot(h, w1_ref[...],
                           preferred_element_type=jnp.float32) * dinv


def _tc_c_body(s_ref, hp_ref, dinv_ref, b_ref, g_ref, be_ref, hwc_ref,
               hb_ref, muwh_ref, mucc_ref, mub_ref, lvwh_ref, lvcc_ref,
               lvb_ref, mu_ref, lv_ref):
    h = _bn_relu_cond(s_ref[0], s_ref[1], hp_ref[...], dinv_ref[...],
                      b_ref[...], g_ref[...], be_ref[...], hwc_ref[...],
                      hb_ref[...])
    mu_c = jnp.sum(mucc_ref[...], axis=0, keepdims=True) + mub_ref[...]
    lv_c = jnp.sum(lvcc_ref[...], axis=0, keepdims=True) + lvb_ref[...]
    hv = h[0:N, :]
    mu_ref[...] = jnp.dot(hv, muwh_ref[...],
                          preferred_element_type=jnp.float32) + mu_c
    lv_ref[...] = jnp.dot(hv, lvwh_ref[...],
                          preferred_element_type=jnp.float32) + lv_c


def _tc_a(x, W0, deg2):
    return pl.pallas_call(
        _tc_a_body,
        out_shape=[jax.ShapeDtypeStruct((NPAD, HID), jnp.float32),
                   jax.ShapeDtypeStruct((NPAD, 1), jnp.float32)],
    )(x, W0, deg2)


def _tc_b(S, hp0, dinv, b0, g0, beta0, hwc0, hb0, W1):
    return pl.pallas_call(
        _tc_b_body,
        out_shape=jax.ShapeDtypeStruct((NPAD, HID), jnp.float32),
    )(S, hp0, dinv, b0, g0, beta0, hwc0, hb0, W1)


def _tc_c(S, hp1, dinv, b1, g1, beta1, hwc1, hb1, muWh, mucc, mub, lvWh,
          lvcc, lvb):
    return pl.pallas_call(
        _tc_c_body,
        out_shape=[jax.ShapeDtypeStruct((N, LAT), jnp.float32),
                   jax.ShapeDtypeStruct((N, LAT), jnp.float32)],
    )(S, hp1, dinv, b1, g1, beta1, hwc1, hb1, muWh, mucc, mub, lvWh,
      lvcc, lvb)


def kernel(x, edge_index, homophily_cond, W0, b0, g0, beta0, hW0, hb0,
           W1, b1, g1, beta1, hW1, hb1, muW, mub, lvW, lvb):
    n, feat = x.shape
    e = edge_index.shape[1]
    tot = -(-e // (NSUB * CH))
    tot = -(-tot // 16) * 16
    nch0 = max(8, int(round(tot * CORE0_FRAC / 8)) * 8)
    nch1 = tot - nch0
    nch_sym = tot // 2
    epad = NSUB * tot * CH

    packed = jnp.bitwise_or(edge_index[0],
                            jnp.left_shift(edge_index[1], 16))
    spread = (jnp.arange(epad - e, dtype=jnp.int32) % (NPAD - N)) + N
    pad = jnp.bitwise_or(spread, jnp.left_shift(spread, 16))
    packed_f = jnp.concatenate([packed, pad]).reshape(NSUB * tot, CH)

    ones_b = jnp.ones((CH, DEGW), jnp.float32)
    zeros_deg = jnp.zeros((CH, DEGW), jnp.float32)
    zeros_rows = jnp.zeros((CH, FEAT), jnp.float32)

    deg_parts = _sc_degree(packed_f, ones_b, zeros_deg, nch_sym)
    deg2 = jnp.transpose(deg_parts[:, :, 0])
    hp0, dinv = _tc_a(x, W0, deg2)

    hc = homophily_cond[:, None]
    hwc0 = jnp.broadcast_to(hc, hW0.shape) * hW0
    hwc1 = jnp.broadcast_to(hc, hW1.shape) * hW1
    mucc = jnp.broadcast_to(hc, (3, LAT)) * muW[HID:]
    lvcc = jnp.broadcast_to(hc, (3, LAT)) * lvW[HID:]

    r2 = lambda v: v.reshape(1, -1)

    S0 = _sc_scatter(hp0, packed_f, zeros_rows, nch0, nch1)
    hp1 = _tc_b(S0, hp0, dinv, r2(b0), r2(g0), r2(beta0), hwc0, r2(hb0), W1)

    S1 = _sc_scatter(hp1, packed_f, zeros_rows, nch0, nch1)
    mu, lv = _tc_c(S1, hp1, dinv, r2(b1), r2(g1), r2(beta1), hwc1, r2(hb1),
                   muW[:HID], mucc, r2(mub), lvW[:HID], lvcc, r2(lvb))
    return (mu, lv)

# --- scband reference (transcript-rebuilt; emitter-appended) ---
"""Pipeline reference for scband-conditional-structure-encoder-11269994185476 (READ-ONLY COPY).

The authoritative reference and input builder live on the scoring server;
editing this copy changes nothing except your own understanding.
"""

import jax, jax.numpy as jnp
import numpy as np

N = 10000
E = 320000
FEAT = 128
HID = 128
LAT = 64
HOMD = 3
EPS = 1e-5


def gcn_conv(x, src, dst, W, b, n):
    h = x @ W
    deg = jnp.zeros((n,), dtype=h.dtype).at[dst].add(1.0)
    dinv = jnp.where(deg > 0, 1.0 / jnp.sqrt(deg), 0.0)
    norm = dinv[src] * dinv[dst]
    msg = h[src] * norm[:, None]
    agg = jnp.zeros((n, h.shape[1]), dtype=h.dtype).at[dst].add(msg)
    return agg + b


def batchnorm(h, gamma, beta):
    mean = jnp.mean(h, axis=0)
    var = jnp.var(h, axis=0)
    return (h - mean) / jnp.sqrt(var + EPS) * gamma + beta


def setup_inputs(seed: int = 0):
    key = jax.random.key(seed)
    ks = jax.random.split(key, 24)
    s = 0.05
    inp = {}
    inp["x"] = jax.random.normal(ks[0], (N, FEAT), dtype=jnp.float32)
    inp["edge_index"] = jax.random.randint(ks[1], (2, E), 0, N, dtype=jnp.int32)
    inp["homophily_cond"] = jax.random.uniform(ks[2], (HOMD,), dtype=jnp.float32)
    inp["W0"] = jax.random.normal(ks[3], (FEAT, HID), dtype=jnp.float32) * s
    inp["b0"] = jnp.zeros((HID,), dtype=jnp.float32)
    inp["g0"] = jnp.ones((HID,), dtype=jnp.float32)
    inp["beta0"] = jnp.zeros((HID,), dtype=jnp.float32)
    inp["hW0"] = jax.random.normal(ks[4], (HOMD, HID), dtype=jnp.float32) * s
    inp["hb0"] = jnp.zeros((HID,), dtype=jnp.float32)
    inp["W1"] = jax.random.normal(ks[5], (HID, HID), dtype=jnp.float32) * s
    inp["b1"] = jnp.zeros((HID,), dtype=jnp.float32)
    inp["g1"] = jnp.ones((HID,), dtype=jnp.float32)
    inp["beta1"] = jnp.zeros((HID,), dtype=jnp.float32)
    inp["hW1"] = jax.random.normal(ks[6], (HOMD, HID), dtype=jnp.float32) * s
    inp["hb1"] = jnp.zeros((HID,), dtype=jnp.float32)
    inp["muW"] = jax.random.normal(ks[7], (HID + HOMD, LAT), dtype=jnp.float32) * s
    inp["mub"] = jnp.zeros((LAT,), dtype=jnp.float32)
    inp["lvW"] = jax.random.normal(ks[8], (HID + HOMD, LAT), dtype=jnp.float32) * s
    inp["lvb"] = jnp.zeros((LAT,), dtype=jnp.float32)
    return inp


def _forward(x, homophily_cond, W0, b0, g0, beta0, hW0, hb0, W1, b1, g1, beta1, hW1, hb1, muW, mub, lvW, lvb, src, dst):
    n = x.shape[0]
    hom = jnp.broadcast_to(homophily_cond[None, :], (n, HOMD))
    h = x
    for (W, b, g, be, hW, hb) in ((W0, b0, g0, beta0, hW0, hb0), (W1, b1, g1, beta1, hW1, hb1)):
        h = gcn_conv(h, src, dst, W, b, n)
        h = batchnorm(h, g, be)
        h = jax.nn.relu(h)
        h = h + (hom @ hW + hb)
    hc = jnp.concatenate([h, hom], axis=1)
    mu = hc @ muW + mub
    logvar = hc @ lvW + lvb
    return (mu, logvar)


def reference(x, edge_index, homophily_cond, W0, b0, g0, beta0, hW0, hb0, W1, b1, g1, beta1, hW1, hb1, muW, mub, lvW, lvb):
    n = x.shape[0]
    sl = jnp.arange(n, dtype=edge_index.dtype)
    src = jnp.concatenate([edge_index[0], sl])
    dst = jnp.concatenate([edge_index[1], sl])
    return _forward(x, homophily_cond, W0, b0, g0, beta0, hW0, hb0, W1, b1, g1, beta1, hW1, hb1, muW, mub, lvW, lvb, src, dst)

if __name__ == "__main__":
    import jax
    _d = setup_inputs()
    print(jax.jit(kernel)(*tuple(_d.values())))

</pallas_src>

<mosaic_0001>
#map = affine_map<(d0, d1) -> (0, 0)>
#map1 = affine_map<(d0, d1) -> (0, 0, 0)>
module attributes {stable_mosaic.version = 14 : i64} {
  func.func @k(%arg0: i32, %arg1: i32, %arg2: memref<5120x64xi32, #tpu.memory_space<hbm>>, %arg3: memref<64x128xf32, #tpu.memory_space<hbm>>, %arg4: memref<64x128xf32, #tpu.memory_space<hbm>>, %arg5: memref<2x10240x128xf32, #tpu.memory_space<hbm>>, %arg6: memref<160x64xi32, #tpu.memory_space<vmem>>, %arg7: memref<64xi32, #tpu.memory_space<vmem>>, %arg8: memref<64xi32, #tpu.memory_space<vmem>>, %arg9: memref<64x128xf32, #tpu.memory_space<vmem>>, %arg10: memref<64x128xf32, #tpu.memory_space<vmem>>, %arg11: memref<10240x128xf32, #tpu.memory_space<vmem_shared>>, %arg12: memref<!tpu.dma_semaphore, #tpu.memory_space<semaphore_mem>>, %arg13: memref<!tpu.dma_semaphore, #tpu.memory_space<semaphore_mem>>) attributes {dimension_semantics = [#tpu.dimension_semantics<core_parallel>, #tpu.dimension_semantics<subcore_parallel>], iteration_bounds = array<i64: 2, 16>, scalar_prefetch = 0 : i64, scratch_operands = 8 : i64, tpu.core_type = #tpu.core_type<sc_vector_subcore>, window_params = [{transform_indices = #map}, {transform_indices = #map}, {transform_indices = #map}, {transform_indices = #map1}]} {
    %mul3A = arith.constant 16 : i32
    %mul3A_0 = arith.muli %arg0, %mul3A : i32
    %add3A = arith.addi %mul3A_0, %arg1 : i32
    %mul3A_1 = arith.constant 160 : i32
    %mul3A_2 = arith.muli %add3A, %mul3A_1 : i32
    %multiple_of3A = tpu.assume_multiple %mul3A_2, 8 : i32
    "tpu.region"() ({
      %run_scoped3A = tpu.sem_alloc : memref<!tpu.dma_semaphore, #tpu.memory_space<semaphore_mem>>
      %dma_start3A_154 = arith.constant 0 : i32
      %dma_start3A_155 = tpu.memref_slice %arg2[%multiple_of3A, %dma_start3A_154] : memref<5120x64xi32, #tpu.memory_space<hbm>> -> memref<160x64xi32, #tpu.memory_space<hbm>>
      %dma_start3A_156 = arith.constant 0 : i32
      %dma_start3A_157 = tpu.memref_slice %arg2[%multiple_of3A, %dma_start3A_156] : memref<5120x64xi32, #tpu.memory_space<hbm>> -> memref<160x64xi32, #tpu.memory_space<hbm>>
      tpu.enqueue_dma source(%dma_start3A_157 : memref<160x64xi32, #tpu.memory_space<hbm>>) target(%arg6 : memref<160x64xi32, #tpu.memory_space<vmem>>) target_semaphore(%run_scoped3A : memref<!tpu.dma_semaphore, #tpu.memory_space<semaphore_mem>>)
      %dma_wait3A_158 = arith.constant 0 : i32
      %dma_wait3A_159 = tpu.memref_slice %arg2[%multiple_of3A, %dma_wait3A_158] : memref<5120x64xi32, #tpu.memory_space<hbm>> -> memref<160x64xi32, #tpu.memory_space<hbm>>
      %dma_wait3A_160 = arith.constant 0 : i32
      %dma_wait3A_161 = tpu.memref_slice %arg2[%multiple_of3A, %dma_wait3A_160] : memref<5120x64xi32, #tpu.memory_space<hbm>> -> memref<160x64xi32, #tpu.memory_space<hbm>>
      tpu.wait_dma2 semaphore(%run_scoped3A : memref<!tpu.dma_semaphore, #tpu.memory_space<semaphore_mem>>) src(%dma_wait3A_161 : memref<160x64xi32, #tpu.memory_space<hbm>>) dst(%arg6 : memref<160x64xi32, #tpu.memory_space<vmem>>)
      tpu.yield
    }) : () -> ()
    "tpu.region"() ({
      %run_scoped3A = tpu.sem_alloc : memref<!tpu.dma_semaphore, #tpu.memory_space<semaphore_mem>>
      tpu.enqueue_dma source(%arg3 : memref<64x128xf32, #tpu.memory_space<hbm>>) target(%arg9 : memref<64x128xf32, #tpu.memory_space<vmem>>) target_semaphore(%run_scoped3A : memref<!tpu.dma_semaphore, #tpu.memory_space<semaphore_mem>>)
      tpu.wait_dma2 semaphore(%run_scoped3A : memref<!tpu.dma_semaphore, #tpu.memory_space<semaphore_mem>>) src(%arg3 : memref<64x128xf32, #tpu.memory_space<hbm>>) dst(%arg9 : memref<64x128xf32, #tpu.memory_space<vmem>>)
      tpu.yield
    }) : () -> ()
    "tpu.region"() ({
      %run_scoped3A = tpu.sem_alloc : memref<!tpu.dma_semaphore, #tpu.memory_space<semaphore_mem>>
      tpu.enqueue_dma source(%arg4 : memref<64x128xf32, #tpu.memory_space<hbm>>) target(%arg10 : memref<64x128xf32, #tpu.memory_space<vmem>>) target_semaphore(%run_scoped3A : memref<!tpu.dma_semaphore, #tpu.memory_space<semaphore_mem>>)
      tpu.wait_dma2 semaphore(%run_scoped3A : memref<!tpu.dma_semaphore, #tpu.memory_space<semaphore_mem>>) src(%arg4 : memref<64x128xf32, #tpu.memory_space<hbm>>) dst(%arg10 : memref<64x128xf32, #tpu.memory_space<vmem>>)
      tpu.yield
    }) : () -> ()
    %mul3A_3 = arith.constant 640 : i32
    %mul3A_4 = arith.muli %arg1, %mul3A_3 : i32
    %add3A_5 = arith.constant 0 : i32
    %add3A_6 = arith.addi %mul3A_4, %add3A_5 : i32
    "tpu.region"() ({
      %run_scoped3A = tpu.sem_alloc : memref<!tpu.dma_semaphore, #tpu.memory_space<semaphore_mem>>
      %dma_start3A_154 = arith.constant 0 : i32
      %dma_start3A_155 = tpu.memref_slice %arg11[%add3A_6, %dma_start3A_154] : memref<10240x128xf32, #tpu.memory_space<vmem_shared>> -> memref<64x128xf32, #tpu.memory_space<vmem_shared>>
      %dma_start3A_156 = arith.constant 0 : i32
      %dma_start3A_157 = tpu.memref_slice %arg11[%add3A_6, %dma_start3A_156] : memref<10240x128xf32, #tpu.memory_space<vmem_shared>> -> memref<64x128xf32, #tpu.memory_space<vmem_shared>>
      tpu.enqueue_dma source(%arg10 : memref<64x128xf32, #tpu.memory_space<vmem>>) target(%dma_start3A_157 : memref<64x128xf32, #tpu.memory_space<vmem_shared>>) target_semaphore(%run_scoped3A : memref<!tpu.dma_semaphore, #tpu.memory_space<semaphore_mem>>)
      %dma_wait3A_158 = arith.constant 0 : i32
      %dma_wait3A_159 = tpu.memref_slice %arg11[%add3A_6, %dma_wait3A_158] : memref<10240x128xf32, #tpu.memory_space<vmem_shared>> -> memref<64x128xf32, #tpu.memory_space<vmem_shared>>
      %dma_wait3A_160 = arith.constant 0 : i32
      %dma_wait3A_161 = tpu.memref_slice %arg11[%add3A_6, %dma_wait3A_160] : memref<10240x128xf32, #tpu.memory_space<vmem_shared>> -> memref<64x128xf32, #tpu.memory_space<vmem_shared>>
      tpu.wait_dma2 semaphore(%run_scoped3A : memref<!tpu.dma_semaphore, #tpu.memory_space<semaphore_mem>>) src(%arg10 : memref<64x128xf32, #tpu.memory_space<vmem>>) dst(%dma_wait3A_161 : memref<64x128xf32, #tpu.memory_space<vmem_shared>>)
      tpu.yield
    }) : () -> ()
    %add3A_7 = arith.constant 64 : i32
    %add3A_8 = arith.addi %mul3A_4, %add3A_7 : i32
    "tpu.region"() ({
      %run_scoped3A = tpu.sem_alloc : memref<!tpu.dma_semaphore, #tpu.memory_space<semaphore_mem>>
      %dma_start3A_154 = arith.constant 0 : i32
      %dma_start3A_155 = tpu.memref_slice %arg11[%add3A_8, %dma_start3A_154] : memref<10240x128xf32, #tpu.memory_space<vmem_shared>> -> memref<64x128xf32, #tpu.memory_space<vmem_shared>>
      %dma_start3A_156 = arith.constant 0 : i32
      %dma_start3A_157 = tpu.memref_slice %arg11[%add3A_8, %dma_start3A_156] : memref<10240x128xf32, #tpu.memory_space<vmem_shared>> -> memref<64x128xf32, #tpu.memory_space<vmem_shared>>
      tpu.enqueue_dma source(%arg10 : memref<64x128xf32, #tpu.memory_space<vmem>>) target(%dma_start3A_157 : memref<64x128xf32, #tpu.memory_space<vmem_shared>>) target_semaphore(%run_scoped3A : memref<!tpu.dma_semaphore, #tpu.memory_space<semaphore_mem>>)
      %dma_wait3A_158 = arith.constant 0 : i32
      %dma_wait3A_159 = tpu.memref_slice %arg11[%add3A_8, %dma_wait3A_158] : memref<10240x128xf32, #tpu.memory_space<vmem_shared>> -> memref<64x128xf32, #tpu.memory_space<vmem_shared>>
      %dma_wait3A_160 = arith.constant 0 : i32
      %dma_wait3A_161 = tpu.memref_slice %arg11[%add3A_8, %dma_wait3A_160] : memref<10240x128xf32, #tpu.memory_space<vmem_shared>> -> memref<64x128xf32, #tpu.memory_space<vmem_shared>>
      tpu.wait_dma2 semaphore(%run_scoped3A : memref<!tpu.dma_semaphore, #tpu.memory_space<semaphore_mem>>) src(%arg10 : memref<64x128xf32, #tpu.memory_space<vmem>>) dst(%dma_wait3A_161 : memref<64x128xf32, #tpu.memory_space<vmem_shared>>)
      tpu.yield
    }) : () -> ()
    %add3A_9 = arith.constant 128 : i32
    %add3A_10 = arith.addi %mul3A_4, %add3A_9 : i32
    "tpu.region"() ({
      %run_scoped3A = tpu.sem_alloc : memref<!tpu.dma_semaphore, #tpu.memory_space<semaphore_mem>>
      %dma_start3A_154 = arith.constant 0 : i32
      %dma_start3A_155 = tpu.memref_slice %arg11[%add3A_10, %dma_start3A_154] : memref<10240x128xf32, #tpu.memory_space<vmem_shared>> -> memref<64x128xf32, #tpu.memory_space<vmem_shared>>
      %dma_start3A_156 = arith.constant 0 : i32
      %dma_start3A_157 = tpu.memref_slice %arg11[%add3A_10, %dma_start3A_156] : memref<10240x128xf32, #tpu.memory_space<vmem_shared>> -> memref<64x128xf32, #tpu.memory_space<vmem_shared>>
      tpu.enqueue_dma source(%arg10 : memref<64x128xf32, #tpu.memory_space<vmem>>) target(%dma_start3A_157 : memref<64x128xf32, #tpu.memory_space<vmem_shared>>) target_semaphore(%run_scoped3A : memref<!tpu.dma_semaphore, #tpu.memory_space<semaphore_mem>>)
      %dma_wait3A_158 = arith.constant 0 : i32
      %dma_wait3A_159 = tpu.memref_slice %arg11[%add3A_10, %dma_wait3A_158] : memref<10240x128xf32, #tpu.memory_space<vmem_shared>> -> memref<64x128xf32, #tpu.memory_space<vmem_shared>>
      %dma_wait3A_160 = arith.constant 0 : i32
      %dma_wait3A_161 = tpu.memref_slice %arg11[%add3A_10, %dma_wait3A_160] : memref<10240x128xf32, #tpu.memory_space<vmem_shared>> -> memref<64x128xf32, #tpu.memory_space<vmem_shared>>
      tpu.wait_dma2 semaphore(%run_scoped3A : memref<!tpu.dma_semaphore, #tpu.memory_space<semaphore_mem>>) src(%arg10 : memref<64x128xf32, #tpu.memory_space<vmem>>) dst(%dma_wait3A_161 : memref<64x128xf32, #tpu.memory_space<vmem_shared>>)
      tpu.yield
    }) : () -> ()
    %add3A_11 = arith.constant 192 : i32
    %add3A_12 = arith.addi %mul3A_4, %add3A_11 : i32
    "tpu.region"() ({
      %run_scoped3A = tpu.sem_alloc : memref<!tpu.dma_semaphore, #tpu.memory_space<semaphore_mem>>
      %dma_start3A_154 = arith.constant 0 : i32
      %dma_start3A_155 = tpu.memref_slice %arg11[%add3A_12, %dma_start3A_154] : memref<10240x128xf32, #tpu.memory_space<vmem_shared>> -> memref<64x128xf32, #tpu.memory_space<vmem_shared>>
      %dma_start3A_156 = arith.constant 0 : i32
      %dma_start3A_157 = tpu.memref_slice %arg11[%add3A_12, %dma_start3A_156] : memref<10240x128xf32, #tpu.memory_space<vmem_shared>> -> memref<64x128xf32, #tpu.memory_space<vmem_shared>>
      tpu.enqueue_dma source(%arg10 : memref<64x128xf32, #tpu.memory_space<vmem>>) target(%dma_start3A_157 : memref<64x128xf32, #tpu.memory_space<vmem_shared>>) target_semaphore(%run_scoped3A : memref<!tpu.dma_semaphore, #tpu.memory_space<semaphore_mem>>)
      %dma_wait3A_158 = arith.constant 0 : i32
      %dma_wait3A_159 = tpu.memref_slice %arg11[%add3A_12, %dma_wait3A_158] : memref<10240x128xf32, #tpu.memory_space<vmem_shared>> -> memref<64x128xf32, #tpu.memory_space<vmem_shared>>
      %dma_wait3A_160 = arith.constant 0 : i32
      %dma_wait3A_161 = tpu.memref_slice %arg11[%add3A_12, %dma_wait3A_160] : memref<10240x128xf32, #tpu.memory_space<vmem_shared>> -> memref<64x128xf32, #tpu.memory_space<vmem_shared>>
      tpu.wait_dma2 semaphore(%run_scoped3A : memref<!tpu.dma_semaphore, #tpu.memory_space<semaphore_mem>>) src(%arg10 : memref<64x128xf32, #tpu.memory_space<vmem>>) dst(%dma_wait3A_161 : memref<64x128xf32, #tpu.memory_space<vmem_shared>>)
      tpu.yield
    }) : () -> ()
    %add3A_13 = arith.constant 256 : i32
    %add3A_14 = arith.addi %mul3A_4, %add3A_13 : i32
    "tpu.region"() ({
      %run_scoped3A = tpu.sem_alloc : memref<!tpu.dma_semaphore, #tpu.memory_space<semaphore_mem>>
      %dma_start3A_154 = arith.constant 0 : i32
      %dma_start3A_155 = tpu.memref_slice %arg11[%add3A_14, %dma_start3A_154] : memref<10240x128xf32, #tpu.memory_space<vmem_shared>> -> memref<64x128xf32, #tpu.memory_space<vmem_shared>>
      %dma_start3A_156 = arith.constant 0 : i32
      %dma_start3A_157 = tpu.memref_slice %arg11[%add3A_14, %dma_start3A_156] : memref<10240x128xf32, #tpu.memory_space<vmem_shared>> -> memref<64x128xf32, #tpu.memory_space<vmem_shared>>
      tpu.enqueue_dma source(%arg10 : memref<64x128xf32, #tpu.memory_space<vmem>>) target(%dma_start3A_157 : memref<64x128xf32, #tpu.memory_space<vmem_shared>>) target_semaphore(%run_scoped3A : memref<!tpu.dma_semaphore, #tpu.memory_space<semaphore_mem>>)
      %dma_wait3A_158 = arith.constant 0 : i32
      %dma_wait3A_159 = tpu.memref_slice %arg11[%add3A_14, %dma_wait3A_158] : memref<10240x128xf32, #tpu.memory_space<vmem_shared>> -> memref<64x128xf32, #tpu.memory_space<vmem_shared>>
      %dma_wait3A_160 = arith.constant 0 : i32
      %dma_wait3A_161 = tpu.memref_slice %arg11[%add3A_14, %dma_wait3A_160] : memref<10240x128xf32, #tpu.memory_space<vmem_shared>> -> memref<64x128xf32, #tpu.memory_space<vmem_shared>>
      tpu.wait_dma2 semaphore(%run_scoped3A : memref<!tpu.dma_semaphore, #tpu.memory_space<semaphore_mem>>) src(%arg10 : memref<64x128xf32, #tpu.memory_space<vmem>>) dst(%dma_wait3A_161 : memref<64x128xf32, #tpu.memory_space<vmem_shared>>)
      tpu.yield
    }) : () -> ()
    %add3A_15 = arith.constant 320 : i32
    %add3A_16 = arith.addi %mul3A_4, %add3A_15 : i32
    "tpu.region"() ({
      %run_scoped3A = tpu.sem_alloc : memref<!tpu.dma_semaphore, #tpu.memory_space<semaphore_mem>>
      %dma_start3A_154 = arith.constant 0 : i32
      %dma_start3A_155 = tpu.memref_slice %arg11[%add3A_16, %dma_start3A_154] : memref<10240x128xf32, #tpu.memory_space<vmem_shared>> -> memref<64x128xf32, #tpu.memory_space<vmem_shared>>
      %dma_start3A_156 = arith.constant 0 : i32
      %dma_start3A_157 = tpu.memref_slice %arg11[%add3A_16, %dma_start3A_156] : memref<10240x128xf32, #tpu.memory_space<vmem_shared>> -> memref<64x128xf32, #tpu.memory_space<vmem_shared>>
      tpu.enqueue_dma source(%arg10 : memref<64x128xf32, #tpu.memory_space<vmem>>) target(%dma_start3A_157 : memref<64x128xf32, #tpu.memory_space<vmem_shared>>) target_semaphore(%run_scoped3A : memref<!tpu.dma_semaphore, #tpu.memory_space<semaphore_mem>>)
      %dma_wait3A_158 = arith.constant 0 : i32
      %dma_wait3A_159 = tpu.memref_slice %arg11[%add3A_16, %dma_wait3A_158] : memref<10240x128xf32, #tpu.memory_space<vmem_shared>> -> memref<64x128xf32, #tpu.memory_space<vmem_shared>>
      %dma_wait3A_160 = arith.constant 0 : i32
      %dma_wait3A_161 = tpu.memref_slice %arg11[%add3A_16, %dma_wait3A_160] : memref<10240x128xf32, #tpu.memory_space<vmem_shared>> -> memref<64x128xf32, #tpu.memory_space<vmem_shared>>
      tpu.wait_dma2 semaphore(%run_scoped3A : memref<!tpu.dma_semaphore, #tpu.memory_space<semaphore_mem>>) src(%arg10 : memref<64x128xf32, #tpu.memory_space<vmem>>) dst(%dma_wait3A_161 : memref<64x128xf32, #tpu.memory_space<vmem_shared>>)
      tpu.yield
    }) : () -> ()
    %add3A_17 = arith.constant 384 : i32
    %add3A_18 = arith.addi %mul3A_4, %add3A_17 : i32
    "tpu.region"() ({
      %run_scoped3A = tpu.sem_alloc : memref<!tpu.dma_semaphore, #tpu.memory_space<semaphore_mem>>
      %dma_start3A_154 = arith.constant 0 : i32
      %dma_start3A_155 = tpu.memref_slice %arg11[%add3A_18, %dma_start3A_154] : memref<10240x128xf32, #tpu.memory_space<vmem_shared>> -> memref<64x128xf32, #tpu.memory_space<vmem_shared>>
      %dma_start3A_156 = arith.constant 0 : i32
      %dma_start3A_157 = tpu.memref_slice %arg11[%add3A_18, %dma_start3A_156] : memref<10240x128xf32, #tpu.memory_space<vmem_shared>> -> memref<64x128xf32, #tpu.memory_space<vmem_shared>>
      tpu.enqueue_dma source(%arg10 : memref<64x128xf32, #tpu.memory_space<vmem>>) target(%dma_start3A_157 : memref<64x128xf32, #tpu.memory_space<vmem_shared>>) target_semaphore(%run_scoped3A : memref<!tpu.dma_semaphore, #tpu.memory_space<semaphore_mem>>)
      %dma_wait3A_158 = arith.constant 0 : i32
      %dma_wait3A_159 = tpu.memref_slice %arg11[%add3A_18, %dma_wait3A_158] : memref<10240x128xf32, #tpu.memory_space<vmem_shared>> -> memref<64x128xf32, #tpu.memory_space<vmem_shared>>
      %dma_wait3A_160 = arith.constant 0 : i32
      %dma_wait3A_161 = tpu.memref_slice %arg11[%add3A_18, %dma_wait3A_160] : memref<10240x128xf32, #tpu.memory_space<vmem_shared>> -> memref<64x128xf32, #tpu.memory_space<vmem_shared>>
      tpu.wait_dma2 semaphore(%run_scoped3A : memref<!tpu.dma_semaphore, #tpu.memory_space<semaphore_mem>>) src(%arg10 : memref<64x128xf32, #tpu.memory_space<vmem>>) dst(%dma_wait3A_161 : memref<64x128xf32, #tpu.memory_space<vmem_shared>>)
      tpu.yield
    }) : () -> ()
    %add3A_19 = arith.constant 448 : i32
    %add3A_20 = arith.addi %mul3A_4, %add3A_19 : i32
    "tpu.region"() ({
      %run_scoped3A = tpu.sem_alloc : memref<!tpu.dma_semaphore, #tpu.memory_space<semaphore_mem>>
      %dma_start3A_154 = arith.constant 0 : i32
      %dma_start3A_155 = tpu.memref_slice %arg11[%add3A_20, %dma_start3A_154] : memref<10240x128xf32, #tpu.memory_space<vmem_shared>> -> memref<64x128xf32, #tpu.memory_space<vmem_shared>>
      %dma_start3A_156 = arith.constant 0 : i32
      %dma_start3A_157 = tpu.memref_slice %arg11[%add3A_20, %dma_start3A_156] : memref<10240x128xf32, #tpu.memory_space<vmem_shared>> -> memref<64x128xf32, #tpu.memory_space<vmem_shared>>
      tpu.enqueue_dma source(%arg10 : memref<64x128xf32, #tpu.memory_space<vmem>>) target(%dma_start3A_157 : memref<64x128xf32, #tpu.memory_space<vmem_shared>>) target_semaphore(%run_scoped3A : memref<!tpu.dma_semaphore, #tpu.memory_space<semaphore_mem>>)
      %dma_wait3A_158 = arith.constant 0 : i32
      %dma_wait3A_159 = tpu.memref_slice %arg11[%add3A_20, %dma_wait3A_158] : memref<10240x128xf32, #tpu.memory_space<vmem_shared>> -> memref<64x128xf32, #tpu.memory_space<vmem_shared>>
      %dma_wait3A_160 = arith.constant 0 : i32
      %dma_wait3A_161 = tpu.memref_slice %arg11[%add3A_20, %dma_wait3A_160] : memref<10240x128xf32, #tpu.memory_space<vmem_shared>> -> memref<64x128xf32, #tpu.memory_space<vmem_shared>>
      tpu.wait_dma2 semaphore(%run_scoped3A : memref<!tpu.dma_semaphore, #tpu.memory_space<semaphore_mem>>) src(%arg10 : memref<64x128xf32, #tpu.memory_space<vmem>>) dst(%dma_wait3A_161 : memref<64x128xf32, #tpu.memory_space<vmem_shared>>)
      tpu.yield
    }) : () -> ()
    %add3A_21 = arith.constant 512 : i32
    %add3A_22 = arith.addi %mul3A_4, %add3A_21 : i32
    "tpu.region"() ({
      %run_scoped3A = tpu.sem_alloc : memref<!tpu.dma_semaphore, #tpu.memory_space<semaphore_mem>>
      %dma_start3A_154 = arith.constant 0 : i32
      %dma_start3A_155 = tpu.memref_slice %arg11[%add3A_22, %dma_start3A_154] : memref<10240x128xf32, #tpu.memory_space<vmem_shared>> -> memref<64x128xf32, #tpu.memory_space<vmem_shared>>
      %dma_start3A_156 = arith.constant 0 : i32
      %dma_start3A_157 = tpu.memref_slice %arg11[%add3A_22, %dma_start3A_156] : memref<10240x128xf32, #tpu.memory_space<vmem_shared>> -> memref<64x128xf32, #tpu.memory_space<vmem_shared>>
      tpu.enqueue_dma source(%arg10 : memref<64x128xf32, #tpu.memory_space<vmem>>) target(%dma_start3A_157 : memref<64x128xf32, #tpu.memory_space<vmem_shared>>) target_semaphore(%run_scoped3A : memref<!tpu.dma_semaphore, #tpu.memory_space<semaphore_mem>>)
      %dma_wait3A_158 = arith.constant 0 : i32
      %dma_wait3A_159 = tpu.memref_slice %arg11[%add3A_22, %dma_wait3A_158] : memref<10240x128xf32, #tpu.memory_space<vmem_shared>> -> memref<64x128xf32, #tpu.memory_space<vmem_shared>>
      %dma_wait3A_160 = arith.constant 0 : i32
      %dma_wait3A_161 = tpu.memref_slice %arg11[%add3A_22, %dma_wait3A_160] : memref<10240x128xf32, #tpu.memory_space<vmem_shared>> -> memref<64x128xf32, #tpu.memory_space<vmem_shared>>
      tpu.wait_dma2 semaphore(%run_scoped3A : memref<!tpu.dma_semaphore, #tpu.memory_space<semaphore_mem>>) src(%arg10 : memref<64x128xf32, #tpu.memory_space<vmem>>) dst(%dma_wait3A_161 : memref<64x128xf32, #tpu.memory_space<vmem_shared>>)
      tpu.yield
    }) : () -> ()
    %add3A_23 = arith.constant 576 : i32
    %add3A_24 = arith.addi %mul3A_4, %add3A_23 : i32
    "tpu.region"() ({
      %run_scoped3A = tpu.sem_alloc : memref<!tpu.dma_semaphore, #tpu.memory_space<semaphore_mem>>
      %dma_start3A_154 = arith.constant 0 : i32
      %dma_start3A_155 = tpu.memref_slice %arg11[%add3A_24, %dma_start3A_154] : memref<10240x128xf32, #tpu.memory_space<vmem_shared>> -> memref<64x128xf32, #tpu.memory_space<vmem_shared>>
      %dma_start3A_156 = arith.constant 0 : i32
      %dma_start3A_157 = tpu.memref_slice %arg11[%add3A_24, %dma_start3A_156] : memref<10240x128xf32, #tpu.memory_space<vmem_shared>> -> memref<64x128xf32, #tpu.memory_space<vmem_shared>>
      tpu.enqueue_dma source(%arg10 : memref<64x128xf32, #tpu.memory_space<vmem>>) target(%dma_start3A_157 : memref<64x128xf32, #tpu.memory_space<vmem_shared>>) target_semaphore(%run_scoped3A : memref<!tpu.dma_semaphore, #tpu.memory_space<semaphore_mem>>)
      %dma_wait3A_158 = arith.constant 0 : i32
      %dma_wait3A_159 = tpu.memref_slice %arg11[%add3A_24, %dma_wait3A_158] : memref<10240x128xf32, #tpu.memory_space<vmem_shared>> -> memref<64x128xf32, #tpu.memory_space<vmem_shared>>
      %dma_wait3A_160 = arith.constant 0 : i32
      %dma_wait3A_161 = tpu.memref_slice %arg11[%add3A_24, %dma_wait3A_160] : memref<10240x128xf32, #tpu.memory_space<vmem_shared>> -> memref<64x128xf32, #tpu.memory_space<vmem_shared>>
      tpu.wait_dma2 semaphore(%run_scoped3A : memref<!tpu.dma_semaphore, #tpu.memory_space<semaphore_mem>>) src(%arg10 : memref<64x128xf32, #tpu.memory_space<vmem>>) dst(%dma_wait3A_161 : memref<64x128xf32, #tpu.memory_space<vmem_shared>>)
      tpu.yield
    }) : () -> ()
    %barrier3A = arith.constant 0 : index
    tpu.barrier barrier_id(%barrier3A)
    %get3A = arith.constant 0 : i32
    %get3A_25 = arith.index_cast %get3A : i32 to index
    %get3A_26 = arith.constant 0 : index
    %get3A_27 = tpu.vector_load %arg6[%get3A_25, %get3A_26] {strides = array<i32>} : memref<160x64xi32, #tpu.memory_space<vmem>>, vector<1x16xi32>,
    %get3A_28 = vector.shape_cast %get3A_27 : vector<1x16xi32> to vector<16xi32>
    %shift_right_logical3A = arith.constant 16 : i32
    %shift_right_logical3A_29 = vector.broadcast %shift_right_logical3A : i32 to vector<16xi32>
    %shift_right_logical3A_30 = arith.shrui %get3A_28, %shift_right_logical3A_29 : vector<16xi32>
    %swap3A = arith.constant 0 : index
    %swap3A_31 = tpu.vector_load %arg7[%swap3A] {strides = array<i32>} : memref<64xi32, #tpu.memory_space<vmem>>, vector<16xi32>,
    %swap3A_32 = vector.shape_cast %swap3A_31 : vector<16xi32> to vector<16xi32>
    %swap3A_33 = vector.shape_cast %shift_right_logical3A_30 : vector<16xi32> to vector<16xi32>
    tpu.vector_store %arg7[%swap3A], %swap3A_33 {strides = array<i32>} : memref<64xi32, #tpu.memory_space<vmem>>, vector<16xi32>,
    %get3A_34 = arith.constant 0 : i32
    %get3A_35 = arith.index_cast %get3A_34 : i32 to index
    %get3A_36 = arith.constant 16 : index
    %get3A_37 = tpu.vector_load %arg6[%get3A_35, %get3A_36] {strides = array<i32>} : memref<160x64xi32, #tpu.memory_space<vmem>>, vector<1x16xi32>,
    %get3A_38 = vector.shape_cast %get3A_37 : vector<1x16xi32> to vector<16xi32>
    %shift_right_logical3A_39 = arith.constant 16 : i32
    %shift_right_logical3A_40 = vector.broadcast %shift_right_logical3A_39 : i32 to vector<16xi32>
    %shift_right_logical3A_41 = arith.shrui %get3A_38, %shift_right_logical3A_40 : vector<16xi32>
    %swap3A_42 = arith.constant 16 : index
    %swap3A_43 = tpu.vector_load %arg7[%swap3A_42] {strides = array<i32>} : memref<64xi32, #tpu.memory_space<vmem>>, vector<16xi32>,
    %swap3A_44 = vector.shape_cast %swap3A_43 : vector<16xi32> to vector<16xi32>
    %swap3A_45 = vector.shape_cast %shift_right_logical3A_41 : vector<16xi32> to vector<16xi32>
    tpu.vector_store %arg7[%swap3A_42], %swap3A_45 {strides = array<i32>} : memref<64xi32, #tpu.memory_space<vmem>>, vector<16xi32>,
    %get3A_46 = arith.constant 0 : i32
    %get3A_47 = arith.index_cast %get3A_46 : i32 to index
    %get3A_48 = arith.constant 32 : index
    %get3A_49 = tpu.vector_load %arg6[%get3A_47, %get3A_48] {strides = array<i32>} : memref<160x64xi32, #tpu.memory_space<vmem>>, vector<1x16xi32>,
    %get3A_50 = vector.shape_cast %get3A_49 : vector<1x16xi32> to vector<16xi32>
    %shift_right_logical3A_51 = arith.constant 16 : i32
    %shift_right_logical3A_52 = vector.broadcast %shift_right_logical3A_51 : i32 to vector<16xi32>
    %shift_right_logical3A_53 = arith.shrui %get3A_50, %shift_right_logical3A_52 : vector<16xi32>
    %swap3A_54 = arith.constant 32 : index
    %swap3A_55 = tpu.vector_load %arg7[%swap3A_54] {strides = array<i32>} : memref<64xi32, #tpu.memory_space<vmem>>, vector<16xi32>,
    %swap3A_56 = vector.shape_cast %swap3A_55 : vector<16xi32> to vector<16xi32>
    %swap3A_57 = vector.shape_cast %shift_right_logical3A_53 : vector<16xi32> to vector<16xi32>
    tpu.vector_store %arg7[%swap3A_54], %swap3A_57 {strides = array<i32>} : memref<64xi32, #tpu.memory_space<vmem>>, vector<16xi32>,
    %get3A_58 = arith.constant 0 : i32
    %get3A_59 = arith.index_cast %get3A_58 : i32 to index
    %get3A_60 = arith.constant 48 : index
    %get3A_61 = tpu.vector_load %arg6[%get3A_59, %get3A_60] {strides = array<i32>} : memref<160x64xi32, #tpu.memory_space<vmem>>, vector<1x16xi32>,
    %get3A_62 = vector.shape_cast %get3A_61 : vector<1x16xi32> to vector<16xi32>
    %shift_right_logical3A_63 = arith.constant 16 : i32
    %shift_right_logical3A_64 = vector.broadcast %shift_right_logical3A_63 : i32 to vector<16xi32>
    %shift_right_logical3A_65 = arith.shrui %get3A_62, %shift_right_logical3A_64 : vector<16xi32>
    %swap3A_66 = arith.constant 48 : index
    %swap3A_67 = tpu.vector_load %arg7[%swap3A_66] {strides = array<i32>} : memref<64xi32, #tpu.memory_space<vmem>>, vector<16xi32>,
    %swap3A_68 = vector.shape_cast %swap3A_67 : vector<16xi32> to vector<16xi32>
    %swap3A_69 = vector.shape_cast %shift_right_logical3A_65 : vector<16xi32> to vector<16xi32>
    tpu.vector_store %arg7[%swap3A_66], %swap3A_69 {strides = array<i32>} : memref<64xi32, #tpu.memory_space<vmem>>, vector<16xi32>,
    %dma_start3A = arith.constant 0 : i32
    %dma_start3A_70 = arith.constant 0 : i32
    %dma_start3A_71 = tpu.memref_slice %arg11[%dma_start3A, %dma_start3A_70] : memref<10240x128xf32, #tpu.memory_space<vmem_shared>> -> memref<10240x128xf32, #tpu.memory_space<vmem_shared>>
    tpu.enqueue_indirect_dma source(%arg9 : memref<64x128xf32, #tpu.memory_space<vmem>>) target(%dma_start3A_71 : memref<10240x128xf32, #tpu.memory_space<vmem_shared>>) offsets(%arg7 : memref<64xi32, #tpu.memory_space<vmem>>) semaphore(%arg12 : memref<!tpu.dma_semaphore, #tpu.memory_space<semaphore_mem>>) {add = true}
    %get3A_72 = arith.constant 1 : i32
    %get3A_73 = arith.index_cast %get3A_72 : i32 to index
    %get3A_74 = arith.constant 0 : index
    %get3A_75 = tpu.vector_load %arg6[%get3A_73, %get3A_74] {strides = array<i32>} : memref<160x64xi32, #tpu.memory_space<vmem>>, vector<1x16xi32>,
    %get3A_76 = vector.shape_cast %get3A_75 : vector<1x16xi32> to vector<16xi32>
    %shift_right_logical3A_77 = arith.constant 16 : i32
    %shift_right_logical3A_78 = vector.broadcast %shift_right_logical3A_77 : i32 to vector<16xi32>
    %shift_right_logical3A_79 = arith.shrui %get3A_76, %shift_right_logical3A_78 : vector<16xi32>
    %swap3A_80 = arith.constant 0 : index
    %swap3A_81 = tpu.vector_load %arg8[%swap3A_80] {strides = array<i32>} : memref<64xi32, #tpu.memory_space<vmem>>, vector<16xi32>,
    %swap3A_82 = vector.shape_cast %swap3A_81 : vector<16xi32> to vector<16xi32>
    %swap3A_83 = vector.shape_cast %shift_right_logical3A_79 : vector<16xi32> to vector<16xi32>
    tpu.vector_store %arg8[%swap3A_80], %swap3A_83 {strides = array<i32>} : memref<64xi32, #tpu.memory_space<vmem>>, vector<16xi32>,
    %get3A_84 = arith.constant 1 : i32
    %get3A_85 = arith.index_cast %get3A_84 : i32 to index
    %get3A_86 = arith.constant 16 : index
    %get3A_87 = tpu.vector_load %arg6[%get3A_85, %get3A_86] {strides = array<i32>} : memref<160x64xi32, #tpu.memory_space<vmem>>, vector<1x16xi32>,
    %get3A_88 = vector.shape_cast %get3A_87 : vector<1x16xi32> to vector<16xi32>
    %shift_right_logical3A_89 = arith.constant 16 : i32
    %shift_right_logical3A_90 = vector.broadcast %shift_right_logical3A_89 : i32 to vector<16xi32>
    %shift_right_logical3A_91 = arith.shrui %get3A_88, %shift_right_logical3A_90 : vector<16xi32>
    %swap3A_92 = arith.constant 16 : index
    %swap3A_93 = tpu.vector_load %arg8[%swap3A_92] {strides = array<i32>} : memref<64xi32, #tpu.memory_space<vmem>>, vector<16xi32>,
    %swap3A_94 = vector.shape_cast %swap3A_93 : vector<16xi32> to vector<16xi32>
    %swap3A_95 = vector.shape_cast %shift_right_logical3A_91 : vector<16xi32> to vector<16xi32>
    tpu.vector_store %arg8[%swap3A_92], %swap3A_95 {strides = array<i32>} : memref<64xi32, #tpu.memory_space<vmem>>, vector<16xi32>,
    %get3A_96 = arith.constant 1 : i32
    %get3A_97 = arith.index_cast %get3A_96 : i32 to index
    %get3A_98 = arith.constant 32 : index
    %get3A_99 = tpu.vector_load %arg6[%get3A_97, %get3A_98] {strides = array<i32>} : memref<160x64xi32, #tpu.memory_space<vmem>>, vector<1x16xi32>,
    %get3A_100 = vector.shape_cast %get3A_99 : vector<1x16xi32> to vector<16xi32>
    %shift_right_logical3A_101 = arith.constant 16 : i32
    %shift_right_logical3A_102 = vector.broadcast %shift_right_logical3A_101 : i32 to vector<16xi32>
    %shift_right_logical3A_103 = arith.shrui %get3A_100, %shift_right_logical3A_102 : vector<16xi32>
    %swap3A_104 = arith.constant 32 : index
    %swap3A_105 = tpu.vector_load %arg8[%swap3A_104] {strides = array<i32>} : memref<64xi32, #tpu.memory_space<vmem>>, vector<16xi32>,
    %swap3A_106 = vector.shape_cast %swap3A_105 : vector<16xi32> to vector<16xi32>
    %swap3A_107 = vector.shape_cast %shift_right_logical3A_103 : vector<16xi32> to vector<16xi32>
    tpu.vector_store %arg8[%swap3A_104], %swap3A_107 {strides = array<i32>} : memref<64xi32, #tpu.memory_space<vmem>>, vector<16xi32>,
    %get3A_108 = arith.constant 1 : i32
    %get3A_109 = arith.index_cast %get3A_108 : i32 to index
    %get3A_110 = arith.constant 48 : index
    %get3A_111 = tpu.vector_load %arg6[%get3A_109, %get3A_110] {strides = array<i32>} : memref<160x64xi32, #tpu.memory_space<vmem>>, vector<1x16xi32>,
    %get3A_112 = vector.shape_cast %get3A_111 : vector<1x16xi32> to vector<16xi32>
    %shift_right_logical3A_113 = arith.constant 16 : i32
    %shift_right_logical3A_114 = vector.broadcast %shift_right_logical3A_113 : i32 to vector<16xi32>
    %shift_right_logical3A_115 = arith.shrui %get3A_112, %shift_right_logical3A_114 : vector<16xi32>
    %swap3A_116 = arith.constant 48 : index
    %swap3A_117 = tpu.vector_load %arg8[%swap3A_116] {strides = array<i32>} : memref<64xi32, #tpu.memory_space<vmem>>, vector<16xi32>,
    %swap3A_118 = vector.shape_cast %swap3A_117 : vector<16xi32> to vector<16xi32>
    %swap3A_119 = vector.shape_cast %shift_right_logical3A_115 : vector<16xi32> to vector<16xi32>
    tpu.vector_store %arg8[%swap3A_116], %swap3A_119 {strides = array<i32>} : memref<64xi32, #tpu.memory_space<vmem>>, vector<16xi32>,
    %dma_start3A_120 = arith.constant 0 : i32
    %dma_start3A_121 = arith.constant 0 : i32
    %dma_start3A_122 = tpu.memref_slice %arg11[%dma_start3A_120, %dma_start3A_121] : memref<10240x128xf32, #tpu.memory_space<vmem_shared>> -> memref<10240x128xf32, #tpu.memory_space<vmem_shared>>
    tpu.enqueue_indirect_dma source(%arg9 : memref<64x128xf32, #tpu.memory_space<vmem>>) target(%dma_start3A_122 : memref<10240x128xf32, #tpu.memory_space<vmem_shared>>) offsets(%arg8 : memref<64xi32, #tpu.memory_space<vmem>>) semaphore(%arg13 : memref<!tpu.dma_semaphore, #tpu.memory_space<semaphore_mem>>) {add = true}
    %scan3A = arith.constant 0 : i32
    %scan3A_123 = arith.constant 1 : i32
    %scan3A_124 = arith.constant 79 : i32
    %scan3A_125 = arith.addi %scan3A_123, %scan3A_124 : i32
    %scan3A_126 = arith.constant 1 : i32
    scf.for %scan3A_154 = %scan3A_123 to %scan3A_125 step %scan3A_126  : i32 {
      %mul3A_155 = arith.constant 2 : i32
      %mul3A_156 = arith.muli %mul3A_155, %scan3A_154 : i32
      %dma_wait3A_157 = arith.constant 0 : i32
      %dma_wait3A_158 = arith.constant 0 : i32
      %dma_wait3A_159 = tpu.memref_slice %arg11[%dma_wait3A_157, %dma_wait3A_158] : memref<10240x128xf32, #tpu.memory_space<vmem_shared>> -> memref<10240x128xf32, #tpu.memory_space<vmem_shared>>
      tpu.wait_indirect_dma semaphore(%arg12 : memref<!tpu.dma_semaphore, #tpu.memory_space<semaphore_mem>>) src(%arg9 : memref<64x128xf32, #tpu.memory_space<vmem>>) dst(%dma_wait3A_159 : memref<10240x128xf32, #tpu.memory_space<vmem_shared>>)
      %get3A_160 = arith.index_cast %mul3A_156 : i32 to index
      %get3A_161 = arith.constant 0 : index
      %get3A_162 = tpu.vector_load %arg6[%get3A_160, %get3A_161] {strides = array<i32>} : memref<160x64xi32, #tpu.memory_space<vmem>>, vector<1x16xi32>,
      %get3A_163 = vector.shape_cast %get3A_162 : vector<1x16xi32> to vector<16xi32>
      %shift_right_logical3A_164 = arith.constant 16 : i32
      %shift_right_logical3A_165 = vector.broadcast %shift_right_logical3A_164 : i32 to vector<16xi32>
      %shift_right_logical3A_166 = arith.shrui %get3A_163, %shift_right_logical3A_165 : vector<16xi32>
      %swap3A_167 = arith.constant 0 : index
      %swap3A_168 = tpu.vector_load %arg7[%swap3A_167] {strides = array<i32>} : memref<64xi32, #tpu.memory_space<vmem>>, vector<16xi32>,
      %swap3A_169 = vector.shape_cast %swap3A_168 : vector<16xi32> to vector<16xi32>
      %swap3A_170 = vector.shape_cast %shift_right_logical3A_166 : vector<16xi32> to vector<16xi32>
      tpu.vector_store %arg7[%swap3A_167], %swap3A_170 {strides = array<i32>} : memref<64xi32, #tpu.memory_space<vmem>>, vector<16xi32>,
      %get3A_171 = arith.index_cast %mul3A_156 : i32 to index
      %get3A_172 = arith.constant 16 : index
      %get3A_173 = tpu.vector_load %arg6[%get3A_171, %get3A_172] {strides = array<i32>} : memref<160x64xi32, #tpu.memory_space<vmem>>, vector<1x16xi32>,
      %get3A_174 = vector.shape_cast %get3A_173 : vector<1x16xi32> to vector<16xi32>
      %shift_right_logical3A_175 = arith.constant 16 : i32
      %shift_right_logical3A_176 = vector.broadcast %shift_right_logical3A_175 : i32 to vector<16xi32>
      %shift_right_logical3A_177 = arith.shrui %get3A_174, %shift_right_logical3A_176 : vector<16xi32>
      %swap3A_178 = arith.constant 16 : index
      %swap3A_179 = tpu.vector_load %arg7[%swap3A_178] {strides = array<i32>} : memref<64xi32, #tpu.memory_space<vmem>>, vector<16xi32>,
      %swap3A_180 = vector.shape_cast %swap3A_179 : vector<16xi32> to vector<16xi32>
      %swap3A_181 = vector.shape_cast %shift_right_logical3A_177 : vector<16xi32> to vector<16xi32>
      tpu.vector_store %arg7[%swap3A_178], %swap3A_181 {strides = array<i32>} : memref<64xi32, #tpu.memory_space<vmem>>, vector<16xi32>,
      %get3A_182 = arith.index_cast %mul3A_156 : i32 to index
      %get3A_183 = arith.constant 32 : index
      %get3A_184 = tpu.vector_load %arg6[%get3A_182, %get3A_183] {strides = array<i32>} : memref<160x64xi32, #tpu.memory_space<vmem>>, vector<1x16xi32>,
      %get3A_185 = vector.shape_cast %get3A_184 : vector<1x16xi32> to vector<16xi32>
      %shift_right_logical3A_186 = arith.constant 16 : i32
      %shift_right_logical3A_187 = vector.broadcast %shift_right_logical3A_186 : i32 to vector<16xi32>
      %shift_right_logical3A_188 = arith.shrui %get3A_185, %shift_right_logical3A_187 : vector<16xi32>
      %swap3A_189 = arith.constant 32 : index
      %swap3A_190 = tpu.vector_load %arg7[%swap3A_189] {strides = array<i32>} : memref<64xi32, #tpu.memory_space<vmem>>, vector<16xi32>,
      %swap3A_191 = vector.shape_cast %swap3A_190 : vector<16xi32> to vector<16xi32>
      %swap3A_192 = vector.shape_cast %shift_right_logical3A_188 : vector<16xi32> to vector<16xi32>
      tpu.vector_store %arg7[%swap3A_189], %swap3A_192 {strides = array<i32>} : memref<64xi32, #tpu.memory_space<vmem>>, vector<16xi32>,
      %get3A_193 = arith.index_cast %mul3A_156 : i32 to index
      %get3A_194 = arith.constant 48 : index
      %get3A_195 = tpu.vector_load %arg6[%get3A_193, %get3A_194] {strides = array<i32>} : memref<160x64xi32, #tpu.memory_space<vmem>>, vector<1x16xi32>,
      %get3A_196 = vector.shape_cast %get3A_195 : vector<1x16xi32> to vector<16xi32>
      %shift_right_logical3A_197 = arith.constant 16 : i32
      %shift_right_logical3A_198 = vector.broadcast %shift_right_logical3A_197 : i32 to vector<16xi32>
      %shift_right_logical3A_199 = arith.shrui %get3A_196, %shift_right_logical3A_198 : vector<16xi32>
      %swap3A_200 = arith.constant 48 : index
      %swap3A_201 = tpu.vector_load %arg7[%swap3A_200] {strides = array<i32>} : memref<64xi32, #tpu.memory_space<vmem>>, vector<16xi32>,
      %swap3A_202 = vector.shape_cast %swap3A_201 : vector<16xi32> to vector<16xi32>
      %swap3A_203 = vector.shape_cast %shift_right_logical3A_199 : vector<16xi32> to vector<16xi32>
      tpu.vector_store %arg7[%swap3A_200], %swap3A_203 {strides = array<i32>} : memref<64xi32, #tpu.memory_space<vmem>>, vector<16xi32>,
      %dma_start3A_204 = arith.constant 0 : i32
      %dma_start3A_205 = arith.constant 0 : i32
      %dma_start3A_206 = tpu.memref_slice %arg11[%dma_start3A_204, %dma_start3A_205] : memref<10240x128xf32, #tpu.memory_space<vmem_shared>> -> memref<10240x128xf32, #tpu.memory_space<vmem_shared>>
      tpu.enqueue_indirect_dma source(%arg9 : memref<64x128xf32, #tpu.memory_space<vmem>>) target(%dma_start3A_206 : memref<10240x128xf32, #tpu.memory_space<vmem_shared>>) offsets(%arg7 : memref<64xi32, #tpu.memory_space<vmem>>) semaphore(%arg12 : memref<!tpu.dma_semaphore, #tpu.memory_space<semaphore_mem>>) {add = true}
      %dma_wait3A_207 = arith.constant 0 : i32
      %dma_wait3A_208 = arith.constant 0 : i32
      %dma_wait3A_209 = tpu.memref_slice %arg11[%dma_wait3A_207, %dma_wait3A_208] : memref<10240x128xf32, #tpu.memory_space<vmem_shared>> -> memref<10240x128xf32, #tpu.memory_space<vmem_shared>>
      tpu.wait_indirect_dma semaphore(%arg13 : memref<!tpu.dma_semaphore, #tpu.memory_space<semaphore_mem>>) src(%arg9 : memref<64x128xf32, #tpu.memory_space<vmem>>) dst(%dma_wait3A_209 : memref<10240x128xf32, #tpu.memory_space<vmem_shared>>)
      %add3A_210 = arith.constant 1 : i32
      %add3A_211 = arith.addi %mul3A_156, %add3A_210 : i32
      %get3A_212 = arith.index_cast %add3A_211 : i32 to index
      %get3A_213 = arith.constant 0 : index
      %get3A_214 = tpu.vector_load %arg6[%get3A_212, %get3A_213] {strides = array<i32>} : memref<160x64xi32, #tpu.memory_space<vmem>>, vector<1x16xi32>,
      %get3A_215 = vector.shape_cast %get3A_214 : vector<1x16xi32> to vector<16xi32>
      %shift_right_logical3A_216 = arith.constant 16 : i32
      %shift_right_logical3A_217 = vector.broadcast %shift_right_logical3A_216 : i32 to vector<16xi32>
      %shift_right_logical3A_218 = arith.shrui %get3A_215, %shift_right_logical3A_217 : vector<16xi32>
      %swap3A_219 = arith.constant 0 : index
      %swap3A_220 = tpu.vector_load %arg8[%swap3A_219] {strides = array<i32>} : memref<64xi32, #tpu.memory_space<vmem>>, vector<16xi32>,
      %swap3A_221 = vector.shape_cast %swap3A_220 : vector<16xi32> to vector<16xi32>
      %swap3A_222 = vector.shape_cast %shift_right_logical3A_218 : vector<16xi32> to vector<16xi32>
      tpu.vector_store %arg8[%swap3A_219], %swap3A_222 {strides = array<i32>} : memref<64xi32, #tpu.memory_space<vmem>>, vector<16xi32>,
      %get3A_223 = arith.index_cast %add3A_211 : i32 to index
      %get3A_224 = arith.constant 16 : index
      %get3A_225 = tpu.vector_load %arg6[%get3A_223, %get3A_224] {strides = array<i32>} : memref<160x64xi32, #tpu.memory_space<vmem>>, vector<1x16xi32>,
      %get3A_226 = vector.shape_cast %get3A_225 : vector<1x16xi32> to vector<16xi32>
      %shift_right_logical3A_227 = arith.constant 16 : i32
      %shift_right_logical3A_228 = vector.broadcast %shift_right_logical3A_227 : i32 to vector<16xi32>
      %shift_right_logical3A_229 = arith.shrui %get3A_226, %shift_right_logical3A_228 : vector<16xi32>
      %swap3A_230 = arith.constant 16 : index
      %swap3A_231 = tpu.vector_load %arg8[%swap3A_230] {strides = array<i32>} : memref<64xi32, #tpu.memory_space<vmem>>, vector<16xi32>,
      %swap3A_232 = vector.shape_cast %swap3A_231 : vector<16xi32> to vector<16xi32>
      %swap3A_233 = vector.shape_cast %shift_right_logical3A_229 : vector<16xi32> to vector<16xi32>
      tpu.vector_store %arg8[%swap3A_230], %swap3A_233 {strides = array<i32>} : memref<64xi32, #tpu.memory_space<vmem>>, vector<16xi32>,
      %get3A_234 = arith.index_cast %add3A_211 : i32 to index
      %get3A_235 = arith.constant 32 : index
      %get3A_236 = tpu.vector_load %arg6[%get3A_234, %get3A_235] {strides = array<i32>} : memref<160x64xi32, #tpu.memory_space<vmem>>, vector<1x16xi32>,
      %get3A_237 = vector.shape_cast %get3A_236 : vector<1x16xi32> to vector<16xi32>
      %shift_right_logical3A_238 = arith.constant 16 : i32
      %shift_right_logical3A_239 = vector.broadcast %shift_right_logical3A_238 : i32 to vector<16xi32>
      %shift_right_logical3A_240 = arith.shrui %get3A_237, %shift_right_logical3A_239 : vector<16xi32>
      %swap3A_241 = arith.constant 32 : index
      %swap3A_242 = tpu.vector_load %arg8[%swap3A_241] {strides = array<i32>} : memref<64xi32, #tpu.memory_space<vmem>>, vector<16xi32>,
      %swap3A_243 = vector.shape_cast %swap3A_242 : vector<16xi32> to vector<16xi32>
      %swap3A_244 = vector.shape_cast %shift_right_logical3A_240 : vector<16xi32> to vector<16xi32>
      tpu.vector_store %arg8[%swap3A_241], %swap3A_244 {strides = array<i32>} : memref<64xi32, #tpu.memory_space<vmem>>, vector<16xi32>,
      %get3A_245 = arith.index_cast %add3A_211 : i32 to index
      %get3A_246 = arith.constant 48 : index
      %get3A_247 = tpu.vector_load %arg6[%get3A_245, %get3A_246] {strides = array<i32>} : memref<160x64xi32, #tpu.memory_space<vmem>>, vector<1x16xi32>,
      %get3A_248 = vector.shape_cast %get3A_247 : vector<1x16xi32> to vector<16xi32>
      %shift_right_logical3A_249 = arith.constant 16 : i32
      %shift_right_logical3A_250 = vector.broadcast %shift_right_logical3A_249 : i32 to vector<16xi32>
      %shift_right_logical3A_251 = arith.shrui %get3A_248, %shift_right_logical3A_250 : vector<16xi32>
      %swap3A_252 = arith.constant 48 : index
      %swap3A_253 = tpu.vector_load %arg8[%swap3A_252] {strides = array<i32>} : memref<64xi32, #tpu.memory_space<vmem>>, vector<16xi32>,
      %swap3A_254 = vector.shape_cast %swap3A_253 : vector<16xi32> to vector<16xi32>
      %swap3A_255 = vector.shape_cast %shift_right_logical3A_251 : vector<16xi32> to vector<16xi32>
      tpu.vector_store %arg8[%swap3A_252], %swap3A_255 {strides = array<i32>} : memref<64xi32, #tpu.memory_space<vmem>>, vector<16xi32>,
      %dma_start3A_256 = arith.constant 0 : i32
      %dma_start3A_257 = arith.constant 0 : i32
      %dma_start3A_258 = tpu.memref_slice %arg11[%dma_start3A_256, %dma_start3A_257] : memref<10240x128xf32, #tpu.memory_space<vmem_shared>> -> memref<10240x128xf32, #tpu.memory_space<vmem_shared>>
      tpu.enqueue_indirect_dma source(%arg9 : memref<64x128xf32, #tpu.memory_space<vmem>>) target(%dma_start3A_258 : memref<10240x128xf32, #tpu.memory_space<vmem_shared>>) offsets(%arg8 : memref<64xi32, #tpu.memory_space<vmem>>) semaphore(%arg13 : memref<!tpu.dma_semaphore, #tpu.memory_space<semaphore_mem>>) {add = true}
    }
    %scan3A_127 = arith.constant 79 : i32
    %dma_wait3A = arith.constant 0 : i32
    %dma_wait3A_128 = arith.constant 0 : i32
    %dma_wait3A_129 = tpu.memref_slice %arg11[%dma_wait3A, %dma_wait3A_128] : memref<10240x128xf32, #tpu.memory_space<vmem_shared>> -> memref<10240x128xf32, #tpu.memory_space<vmem_shared>>
    tpu.wait_indirect_dma semaphore(%arg12 : memref<!tpu.dma_semaphore, #tpu.memory_space<semaphore_mem>>) src(%arg9 : memref<64x128xf32, #tpu.memory_space<vmem>>) dst(%dma_wait3A_129 : memref<10240x128xf32, #tpu.memory_space<vmem_shared>>)
    %dma_wait3A_130 = arith.constant 0 : i32
    %dma_wait3A_131 = arith.constant 0 : i32
    %dma_wait3A_132 = tpu.memref_slice %arg11[%dma_wait3A_130, %dma_wait3A_131] : memref<10240x128xf32, #tpu.memory_space<vmem_shared>> -> memref<10240x128xf32, #tpu.memory_space<vmem_shared>>
    tpu.wait_indirect_dma semaphore(%arg13 : memref<!tpu.dma_semaphore, #tpu.memory_space<semaphore_mem>>) src(%arg9 : memref<64x128xf32, #tpu.memory_space<vmem>>) dst(%dma_wait3A_132 : memref<10240x128xf32, #tpu.memory_space<vmem_shared>>)
    %barrier3A_133 = arith.constant 0 : index
    tpu.barrier barrier_id(%barrier3A_133)
    %add3A_134 = arith.constant 0 : i32
    %add3A_135 = arith.addi %mul3A_4, %add3A_134 : i32
    "tpu.region"() ({
      %run_scoped3A = tpu.sem_alloc : memref<!tpu.dma_semaphore, #tpu.memory_space<semaphore_mem>>
      %dma_start3A_154 = arith.constant 0 : i32
      %dma_start3A_155 = tpu.memref_slice %arg11[%add3A_135, %dma_start3A_154] : memref<10240x128xf32, #tpu.memory_space<vmem_shared>> -> memref<64x128xf32, #tpu.memory_space<vmem_shared>>
      %dma_start3A_156 = arith.constant 0 : i32
      %dma_start3A_157 = tpu.memref_slice %arg11[%add3A_135, %dma_start3A_156] : memref<10240x128xf32, #tpu.memory_space<vmem_shared>> -> memref<64x128xf32, #tpu.memory_space<vmem_shared>>
      tpu.enqueue_dma source(%dma_start3A_157 : memref<64x128xf32, #tpu.memory_space<vmem_shared>>) target(%arg10 : memref<64x128xf32, #tpu.memory_space<vmem>>) target_semaphore(%run_scoped3A : memref<!tpu.dma_semaphore, #tpu.memory_space<semaphore_mem>>)
      %dma_wait3A_158 = arith.constant 0 : i32
      %dma_wait3A_159 = tpu.memref_slice %arg11[%add3A_135, %dma_wait3A_158] : memref<10240x128xf32, #tpu.memory_space<vmem_shared>> -> memref<64x128xf32, #tpu.memory_space<vmem_shared>>
      %dma_wait3A_160 = arith.constant 0 : i32
      %dma_wait3A_161 = tpu.memref_slice %arg11[%add3A_135, %dma_wait3A_160] : memref<10240x128xf32, #tpu.memory_space<vmem_shared>> -> memref<64x128xf32, #tpu.memory_space<vmem_shared>>
      tpu.wait_dma2 semaphore(%run_scoped3A : memref<!tpu.dma_semaphore, #tpu.memory_space<semaphore_mem>>) src(%dma_wait3A_161 : memref<64x128xf32, #tpu.memory_space<vmem_shared>>) dst(%arg10 : memref<64x128xf32, #tpu.memory_space<vmem>>)
      tpu.yield
    }) : () -> ()
    "tpu.region"() ({
      %run_scoped3A = tpu.sem_alloc : memref<!tpu.dma_semaphore, #tpu.memory_space<semaphore_mem>>
      %dma_start3A_154 = arith.constant 0 : i32
      %dma_start3A_155 = tpu.memref_slice %arg5[%arg0, %add3A_135, %dma_start3A_154] : memref<2x10240x128xf32, #tpu.memory_space<hbm>> -> memref<1x64x128xf32, #tpu.memory_space<hbm>>
      %dma_start3A_156 = tpu.memref_squeeze %dma_start3A_155 : memref<1x64x128xf32, #tpu.memory_space<hbm>> -> memref<64x128xf32, #tpu.memory_space<hbm>>
      %dma_start3A_157 = arith.constant 0 : i32
      %dma_start3A_158 = tpu.memref_slice %arg5[%arg0, %add3A_135, %dma_start3A_157] : memref<2x10240x128xf32, #tpu.memory_space<hbm>> -> memref<1x64x128xf32, #tpu.memory_space<hbm>>
      %dma_start3A_159 = tpu.memref_squeeze %dma_start3A_158 : memref<1x64x128xf32, #tpu.memory_space<hbm>> -> memref<64x128xf32, #tpu.memory_space<hbm>>
      tpu.enqueue_dma source(%arg10 : memref<64x128xf32, #tpu.memory_space<vmem>>) target(%dma_start3A_159 : memref<64x128xf32, #tpu.memory_space<hbm>>) target_semaphore(%run_scoped3A : memref<!tpu.dma_semaphore, #tpu.memory_space<semaphore_mem>>)
      %dma_wait3A_160 = arith.constant 0 : i32
      %dma_wait3A_161 = tpu.memref_slice %arg5[%arg0, %add3A_135, %dma_wait3A_160] : memref<2x10240x128xf32, #tpu.memory_space<hbm>> -> memref<1x64x128xf32, #tpu.memory_space<hbm>>
      %dma_wait3A_162 = tpu.memref_squeeze %dma_wait3A_161 : memref<1x64x128xf32, #tpu.memory_space<hbm>> -> memref<64x128xf32, #tpu.memory_space<hbm>>
      %dma_wait3A_163 = arith.constant 0 : i32
      %dma_wait3A_164 = tpu.memref_slice %arg5[%arg0, %add3A_135, %dma_wait3A_163] : memref<2x10240x128xf32, #tpu.memory_space<hbm>> -> memref<1x64x128xf32, #tpu.memory_space<hbm>>
      %dma_wait3A_165 = tpu.memref_squeeze %dma_wait3A_164 : memref<1x64x128xf32, #tpu.memory_space<hbm>> -> memref<64x128xf32, #tpu.memory_space<hbm>>
      tpu.wait_dma2 semaphore(%run_scoped3A : memref<!tpu.dma_semaphore, #tpu.memory_space<semaphore_mem>>) src(%arg10 : memref<64x128xf32, #tpu.memory_space<vmem>>) dst(%dma_wait3A_165 : memref<64x128xf32, #tpu.memory_space<hbm>>)
      tpu.yield
    }) : () -> ()
    %add3A_136 = arith.constant 64 : i32
    %add3A_137 = arith.addi %mul3A_4, %add3A_136 : i32
    "tpu.region"() ({
      %run_scoped3A = tpu.sem_alloc : memref<!tpu.dma_semaphore, #tpu.memory_space<semaphore_mem>>
      %dma_start3A_154 = arith.constant 0 : i32
      %dma_start3A_155 = tpu.memref_slice %arg11[%add3A_137, %dma_start3A_154] : memref<10240x128xf32, #tpu.memory_space<vmem_shared>> -> memref<64x128xf32, #tpu.memory_space<vmem_shared>>
      %dma_start3A_156 = arith.constant 0 : i32
      %dma_start3A_157 = tpu.memref_slice %arg11[%add3A_137, %dma_start3A_156] : memref<10240x128xf32, #tpu.memory_space<vmem_shared>> -> memref<64x128xf32, #tpu.memory_space<vmem_shared>>
      tpu.enqueue_dma source(%dma_start3A_157 : memref<64x128xf32, #tpu.memory_space<vmem_shared>>) target(%arg10 : memref<64x128xf32, #tpu.memory_space<vmem>>) target_semaphore(%run_scoped3A : memref<!tpu.dma_semaphore, #tpu.memory_space<semaphore_mem>>)
      %dma_wait3A_158 = arith.constant 0 : i32
      %dma_wait3A_159 = tpu.memref_slice %arg11[%add3A_137, %dma_wait3A_158] : memref<10240x128xf32, #tpu.memory_space<vmem_shared>> -> memref<64x128xf32, #tpu.memory_space<vmem_shared>>
      %dma_wait3A_160 = arith.constant 0 : i32
      %dma_wait3A_161 = tpu.memref_slice %arg11[%add3A_137, %dma_wait3A_160] : memref<10240x128xf32, #tpu.memory_space<vmem_shared>> -> memref<64x128xf32, #tpu.memory_space<vmem_shared>>
      tpu.wait_dma2 semaphore(%run_scoped3A : memref<!tpu.dma_semaphore, #tpu.memory_space<semaphore_mem>>) src(%dma_wait3A_161 : memref<64x128xf32, #tpu.memory_space<vmem_shared>>) dst(%arg10 : memref<64x128xf32, #tpu.memory_space<vmem>>)
      tpu.yield
    }) : () -> ()
    "tpu.region"() ({
      %run_scoped3A = tpu.sem_alloc : memref<!tpu.dma_semaphore, #tpu.memory_space<semaphore_mem>>
      %dma_start3A_154 = arith.constant 0 : i32
      %dma_start3A_155 = tpu.memref_slice %arg5[%arg0, %add3A_137, %dma_start3A_154] : memref<2x10240x128xf32, #tpu.memory_space<hbm>> -> memref<1x64x128xf32, #tpu.memory_space<hbm>>
      %dma_start3A_156 = tpu.memref_squeeze %dma_start3A_155 : memref<1x64x128xf32, #tpu.memory_space<hbm>> -> memref<64x128xf32, #tpu.memory_space<hbm>>
      %dma_start3A_157 = arith.constant 0 : i32
      %dma_start3A_158 = tpu.memref_slice %arg5[%arg0, %add3A_137, %dma_start3A_157] : memref<2x10240x128xf32, #tpu.memory_space<hbm>> -> memref<1x64x128xf32, #tpu.memory_space<hbm>>
      %dma_start3A_159 = tpu.memref_squeeze %dma_start3A_158 : memref<1x64x128xf32, #tpu.memory_space<hbm>> -> memref<64x128xf32, #tpu.memory_space<hbm>>
      tpu.enqueue_dma source(%arg10 : memref<64x128xf32, #tpu.memory_space<vmem>>) target(%dma_start3A_159 : memref<64x128xf32, #tpu.memory_space<hbm>>) target_semaphore(%run_scoped3A : memref<!tpu.dma_semaphore, #tpu.memory_space<semaphore_mem>>)
      %dma_wait3A_160 = arith.constant 0 : i32
      %dma_wait3A_161 = tpu.memref_slice %arg5[%arg0, %add3A_137, %dma_wait3A_160] : memref<2x10240x128xf32, #tpu.memory_space<hbm>> -> memref<1x64x128xf32, #tpu.memory_space<hbm>>
      %dma_wait3A_162 = tpu.memref_squeeze %dma_wait3A_161 : memref<1x64x128xf32, #tpu.memory_space<hbm>> -> memref<64x128xf32, #tpu.memory_space<hbm>>
      %dma_wait3A_163 = arith.constant 0 : i32
      %dma_wait3A_164 = tpu.memref_slice %arg5[%arg0, %add3A_137, %dma_wait3A_163] : memref<2x10240x128xf32, #tpu.memory_space<hbm>> -> memref<1x64x128xf32, #tpu.memory_space<hbm>>
      %dma_wait3A_165 = tpu.memref_squeeze %dma_wait3A_164 : memref<1x64x128xf32, #tpu.memory_space<hbm>> -> memref<64x128xf32, #tpu.memory_space<hbm>>
      tpu.wait_dma2 semaphore(%run_scoped3A : memref<!tpu.dma_semaphore, #tpu.memory_space<semaphore_mem>>) src(%arg10 : memref<64x128xf32, #tpu.memory_space<vmem>>) dst(%dma_wait3A_165 : memref<64x128xf32, #tpu.memory_space<hbm>>)
      tpu.yield
    }) : () -> ()
    %add3A_138 = arith.constant 128 : i32
    %add3A_139 = arith.addi %mul3A_4, %add3A_138 : i32
    "tpu.region"() ({
      %run_scoped3A = tpu.sem_alloc : memref<!tpu.dma_semaphore, #tpu.memory_space<semaphore_mem>>
      %dma_start3A_154 = arith.constant 0 : i32
      %dma_start3A_155 = tpu.memref_slice %arg11[%add3A_139, %dma_start3A_154] : memref<10240x128xf32, #tpu.memory_space<vmem_shared>> -> memref<64x128xf32, #tpu.memory_space<vmem_shared>>
      %dma_start3A_156 = arith.constant 0 : i32
      %dma_start3A_157 = tpu.memref_slice %arg11[%add3A_139, %dma_start3A_156] : memref<10240x128xf32, #tpu.memory_space<vmem_shared>> -> memref<64x128xf32, #tpu.memory_space<vmem_shared>>
      tpu.enqueue_dma source(%dma_start3A_157 : memref<64x128xf32, #tpu.memory_space<vmem_shared>>) target(%arg10 : memref<64x128xf32, #tpu.memory_space<vmem>>) target_semaphore(%run_scoped3A : memref<!tpu.dma_semaphore, #tpu.memory_space<semaphore_mem>>)
      %dma_wait3A_158 = arith.constant 0 : i32
      %dma_wait3A_159 = tpu.memref_slice %arg11[%add3A_139, %dma_wait3A_158] : memref<10240x128xf32, #tpu.memory_space<vmem_shared>> -> memref<64x128xf32, #tpu.memory_space<vmem_shared>>
      %dma_wait3A_160 = arith.constant 0 : i32
      %dma_wait3A_161 = tpu.memref_slice %arg11[%add3A_139, %dma_wait3A_160] : memref<10240x128xf32, #tpu.memory_space<vmem_shared>> -> memref<64x128xf32, #tpu.memory_space<vmem_shared>>
      tpu.wait_dma2 semaphore(%run_scoped3A : memref<!tpu.dma_semaphore, #tpu.memory_space<semaphore_mem>>) src(%dma_wait3A_161 : memref<64x128xf32, #tpu.memory_space<vmem_shared>>) dst(%arg10 : memref<64x128xf32, #tpu.memory_space<vmem>>)
      tpu.yield
    }) : () -> ()
    "tpu.region"() ({
      %run_scoped3A = tpu.sem_alloc : memref<!tpu.dma_semaphore, #tpu.memory_space<semaphore_mem>>
      %dma_start3A_154 = arith.constant 0 : i32
      %dma_start3A_155 = tpu.memref_slice %arg5[%arg0, %add3A_139, %dma_start3A_154] : memref<2x10240x128xf32, #tpu.memory_space<hbm>> -> memref<1x64x128xf32, #tpu.memory_space<hbm>>
      %dma_start3A_156 = tpu.memref_squeeze %dma_start3A_155 : memref<1x64x128xf32, #tpu.memory_space<hbm>> -> memref<64x128xf32, #tpu.memory_space<hbm>>
      %dma_start3A_157 = arith.constant 0 : i32
      %dma_start3A_158 = tpu.memref_slice %arg5[%arg0, %add3A_139, %dma_start3A_157] : memref<2x10240x128xf32, #tpu.memory_space<hbm>> -> memref<1x64x128xf32, #tpu.memory_space<hbm>>
      %dma_start3A_159 = tpu.memref_squeeze %dma_start3A_158 : memref<1x64x128xf32, #tpu.memory_space<hbm>> -> memref<64x128xf32, #tpu.memory_space<hbm>>
      tpu.enqueue_dma source(%arg10 : memref<64x128xf32, #tpu.memory_space<vmem>>) target(%dma_start3A_159 : memref<64x128xf32, #tpu.memory_space<hbm>>) target_semaphore(%run_scoped3A : memref<!tpu.dma_semaphore, #tpu.memory_space<semaphore_mem>>)
      %dma_wait3A_160 = arith.constant 0 : i32
      %dma_wait3A_161 = tpu.memref_slice %arg5[%arg0, %add3A_139, %dma_wait3A_160] : memref<2x10240x128xf32, #tpu.memory_space<hbm>> -> memref<1x64x128xf32, #tpu.memory_space<hbm>>
      %dma_wait3A_162 = tpu.memref_squeeze %dma_wait3A_161 : memref<1x64x128xf32, #tpu.memory_space<hbm>> -> memref<64x128xf32, #tpu.memory_space<hbm>>
      %dma_wait3A_163 = arith.constant 0 : i32
      %dma_wait3A_164 = tpu.memref_slice %arg5[%arg0, %add3A_139, %dma_wait3A_163] : memref<2x10240x128xf32, #tpu.memory_space<hbm>> -> memref<1x64x128xf32, #tpu.memory_space<hbm>>
      %dma_wait3A_165 = tpu.memref_squeeze %dma_wait3A_164 : memref<1x64x128xf32, #tpu.memory_space<hbm>> -> memref<64x128xf32, #tpu.memory_space<hbm>>
      tpu.wait_dma2 semaphore(%run_scoped3A : memref<!tpu.dma_semaphore, #tpu.memory_space<semaphore_mem>>) src(%arg10 : memref<64x128xf32, #tpu.memory_space<vmem>>) dst(%dma_wait3A_165 : memref<64x128xf32, #tpu.memory_space<hbm>>)
      tpu.yield
    }) : () -> ()
    %add3A_140 = arith.constant 192 : i32
    %add3A_141 = arith.addi %mul3A_4, %add3A_140 : i32
    "tpu.region"() ({
      %run_scoped3A = tpu.sem_alloc : memref<!tpu.dma_semaphore, #tpu.memory_space<semaphore_mem>>
      %dma_start3A_154 = arith.constant 0 : i32
      %dma_start3A_155 = tpu.memref_slice %arg11[%add3A_141, %dma_start3A_154] : memref<10240x128xf32, #tpu.memory_space<vmem_shared>> -> memref<64x128xf32, #tpu.memory_space<vmem_shared>>
      %dma_start3A_156 = arith.constant 0 : i32
      %dma_start3A_157 = tpu.memref_slice %arg11[%add3A_141, %dma_start3A_156] : memref<10240x128xf32, #tpu.memory_space<vmem_shared>> -> memref<64x128xf32, #tpu.memory_space<vmem_shared>>
      tpu.enqueue_dma source(%dma_start3A_157 : memref<64x128xf32, #tpu.memory_space<vmem_shared>>) target(%arg10 : memref<64x128xf32, #tpu.memory_space<vmem>>) target_semaphore(%run_scoped3A : memref<!tpu.dma_semaphore, #tpu.memory_space<semaphore_mem>>)
      %dma_wait3A_158 = arith.constant 0 : i32
      %dma_wait3A_159 = tpu.memref_slice %arg11[%add3A_141, %dma_wait3A_158] : memref<10240x128xf32, #tpu.memory_space<vmem_shared>> -> memref<64x128xf32, #tpu.memory_space<vmem_shared>>
      %dma_wait3A_160 = arith.constant 0 : i32
      %dma_wait3A_161 = tpu.memref_slice %arg11[%add3A_141, %dma_wait3A_160] : memref<10240x128xf32, #tpu.memory_space<vmem_shared>> -> memref<64x128xf32, #tpu.memory_space<vmem_shared>>
      tpu.wait_dma2 semaphore(%run_scoped3A : memref<!tpu.dma_semaphore, #tpu.memory_space<semaphore_mem>>) src(%dma_wait3A_161 : memref<64x128xf32, #tpu.memory_space<vmem_shared>>) dst(%arg10 : memref<64x128xf32, #tpu.memory_space<vmem>>)
      tpu.yield
    }) : () -> ()
    "tpu.region"() ({
      %run_scoped3A = tpu.sem_alloc : memref<!tpu.dma_semaphore, #tpu.memory_space<semaphore_mem>>
      %dma_start3A_154 = arith.constant 0 : i32
      %dma_start3A_155 = tpu.memref_slice %arg5[%arg0, %add3A_141, %dma_start3A_154] : memref<2x10240x128xf32, #tpu.memory_space<hbm>> -> memref<1x64x128xf32, #tpu.memory_space<hbm>>
      %dma_start3A_156 = tpu.memref_squeeze %dma_start3A_155 : memref<1x64x128xf32, #tpu.memory_space<hbm>> -> memref<64x128xf32, #tpu.memory_space<hbm>>
      %dma_start3A_157 = arith.constant 0 : i32
      %dma_start3A_158 = tpu.memref_slice %arg5[%arg0, %add3A_141, %dma_start3A_157] : memref<2x10240x128xf32, #tpu.memory_space<hbm>> -> memref<1x64x128xf32, #tpu.memory_space<hbm>>
      %dma_start3A_159 = tpu.memref_squeeze %dma_start3A_158 : memref<1x64x128xf32, #tpu.memory_space<hbm>> -> memref<64x128xf32, #tpu.memory_space<hbm>>
      tpu.enqueue_dma source(%arg10 : memref<64x128xf32, #tpu.memory_space<vmem>>) target(%dma_start3A_159 : memref<64x128xf32, #tpu.memory_space<hbm>>) target_semaphore(%run_scoped3A : memref<!tpu.dma_semaphore, #tpu.memory_space<semaphore_mem>>)
      %dma_wait3A_160 = arith.constant 0 : i32
      %dma_wait3A_161 = tpu.memref_slice %arg5[%arg0, %add3A_141, %dma_wait3A_160] : memref<2x10240x128xf32, #tpu.memory_space<hbm>> -> memref<1x64x128xf32, #tpu.memory_space<hbm>>
      %dma_wait3A_162 = tpu.memref_squeeze %dma_wait3A_161 : memref<1x64x128xf32, #tpu.memory_space<hbm>> -> memref<64x128xf32, #tpu.memory_space<hbm>>
      %dma_wait3A_163 = arith.constant 0 : i32
      %dma_wait3A_164 = tpu.memref_slice %arg5[%arg0, %add3A_141, %dma_wait3A_163] : memref<2x10240x128xf32, #tpu.memory_space<hbm>> -> memref<1x64x128xf32, #tpu.memory_space<hbm>>
      %dma_wait3A_165 = tpu.memref_squeeze %dma_wait3A_164 : memref<1x64x128xf32, #tpu.memory_space<hbm>> -> memref<64x128xf32, #tpu.memory_space<hbm>>
      tpu.wait_dma2 semaphore(%run_scoped3A : memref<!tpu.dma_semaphore, #tpu.memory_space<semaphore_mem>>) src(%arg10 : memref<64x128xf32, #tpu.memory_space<vmem>>) dst(%dma_wait3A_165 : memref<64x128xf32, #tpu.memory_space<hbm>>)
      tpu.yield
    }) : () -> ()
    %add3A_142 = arith.constant 256 : i32
    %add3A_143 = arith.addi %mul3A_4, %add3A_142 : i32
    "tpu.region"() ({
      %run_scoped3A = tpu.sem_alloc : memref<!tpu.dma_semaphore, #tpu.memory_space<semaphore_mem>>
      %dma_start3A_154 = arith.constant 0 : i32
      %dma_start3A_155 = tpu.memref_slice %arg11[%add3A_143, %dma_start3A_154] : memref<10240x128xf32, #tpu.memory_space<vmem_shared>> -> memref<64x128xf32, #tpu.memory_space<vmem_shared>>
      %dma_start3A_156 = arith.constant 0 : i32
      %dma_start3A_157 = tpu.memref_slice %arg11[%add3A_143, %dma_start3A_156] : memref<10240x128xf32, #tpu.memory_space<vmem_shared>> -> memref<64x128xf32, #tpu.memory_space<vmem_shared>>
      tpu.enqueue_dma source(%dma_start3A_157 : memref<64x128xf32, #tpu.memory_space<vmem_shared>>) target(%arg10 : memref<64x128xf32, #tpu.memory_space<vmem>>) target_semaphore(%run_scoped3A : memref<!tpu.dma_semaphore, #tpu.memory_space<semaphore_mem>>)
      %dma_wait3A_158 = arith.constant 0 : i32
      %dma_wait3A_159 = tpu.memref_slice %arg11[%add3A_143, %dma_wait3A_158] : memref<10240x128xf32, #tpu.memory_space<vmem_shared>> -> memref<64x128xf32, #tpu.memory_space<vmem_shared>>
      %dma_wait3A_160 = arith.constant 0 : i32
      %dma_wait3A_161 = tpu.memref_slice %arg11[%add3A_143, %dma_wait3A_160] : memref<10240x128xf32, #tpu.memory_space<vmem_shared>> -> memref<64x128xf32, #tpu.memory_space<vmem_shared>>
      tpu.wait_dma2 semaphore(%run_scoped3A : memref<!tpu.dma_semaphore, #tpu.memory_space<semaphore_mem>>) src(%dma_wait3A_161 : memref<64x128xf32, #tpu.memory_space<vmem_shared>>) dst(%arg10 : memref<64x128xf32, #tpu.memory_space<vmem>>)
      tpu.yield
    }) : () -> ()
    "tpu.region"() ({
      %run_scoped3A = tpu.sem_alloc : memref<!tpu.dma_semaphore, #tpu.memory_space<semaphore_mem>>
      %dma_start3A_154 = arith.constant 0 : i32
      %dma_start3A_155 = tpu.memref_slice %arg5[%arg0, %add3A_143, %dma_start3A_154] : memref<2x10240x128xf32, #tpu.memory_space<hbm>> -> memref<1x64x128xf32, #tpu.memory_space<hbm>>
      %dma_start3A_156 = tpu.memref_squeeze %dma_start3A_155 : memref<1x64x128xf32, #tpu.memory_space<hbm>> -> memref<64x128xf32, #tpu.memory_space<hbm>>
      %dma_start3A_157 = arith.constant 0 : i32
      %dma_start3A_158 = tpu.memref_slice %arg5[%arg0, %add3A_143, %dma_start3A_157] : memref<2x10240x128xf32, #tpu.memory_space<hbm>> -> memref<1x64x128xf32, #tpu.memory_space<hbm>>
      %dma_start3A_159 = tpu.memref_squeeze %dma_start3A_158 : memref<1x64x128xf32, #tpu.memory_space<hbm>> -> memref<64x128xf32, #tpu.memory_space<hbm>>
      tpu.enqueue_dma source(%arg10 : memref<64x128xf32, #tpu.memory_space<vmem>>) target(%dma_start3A_159 : memref<64x128xf32, #tpu.memory_space<hbm>>) target_semaphore(%run_scoped3A : memref<!tpu.dma_semaphore, #tpu.memory_space<semaphore_mem>>)
      %dma_wait3A_160 = arith.constant 0 : i32
      %dma_wait3A_161 = tpu.memref_slice %arg5[%arg0, %add3A_143, %dma_wait3A_160] : memref<2x10240x128xf32, #tpu.memory_space<hbm>> -> memref<1x64x128xf32, #tpu.memory_space<hbm>>
      %dma_wait3A_162 = tpu.memref_squeeze %dma_wait3A_161 : memref<1x64x128xf32, #tpu.memory_space<hbm>> -> memref<64x128xf32, #tpu.memory_space<hbm>>
      %dma_wait3A_163 = arith.constant 0 : i32
      %dma_wait3A_164 = tpu.memref_slice %arg5[%arg0, %add3A_143, %dma_wait3A_163] : memref<2x10240x128xf32, #tpu.memory_space<hbm>> -> memref<1x64x128xf32, #tpu.memory_space<hbm>>
      %dma_wait3A_165 = tpu.memref_squeeze %dma_wait3A_164 : memref<1x64x128xf32, #tpu.memory_space<hbm>> -> memref<64x128xf32, #tpu.memory_space<hbm>>
      tpu.wait_dma2 semaphore(%run_scoped3A : memref<!tpu.dma_semaphore, #tpu.memory_space<semaphore_mem>>) src(%arg10 : memref<64x128xf32, #tpu.memory_space<vmem>>) dst(%dma_wait3A_165 : memref<64x128xf32, #tpu.memory_space<hbm>>)
      tpu.yield
    }) : () -> ()
    %add3A_144 = arith.constant 320 : i32
    %add3A_145 = arith.addi %mul3A_4, %add3A_144 : i32
    "tpu.region"() ({
      %run_scoped3A = tpu.sem_alloc : memref<!tpu.dma_semaphore, #tpu.memory_space<semaphore_mem>>
      %dma_start3A_154 = arith.constant 0 : i32
      %dma_start3A_155 = tpu.memref_slice %arg11[%add3A_145, %dma_start3A_154] : memref<10240x128xf32, #tpu.memory_space<vmem_shared>> -> memref<64x128xf32, #tpu.memory_space<vmem_shared>>
      %dma_start3A_156 = arith.constant 0 : i32
      %dma_start3A_157 = tpu.memref_slice %arg11[%add3A_145, %dma_start3A_156] : memref<10240x128xf32, #tpu.memory_space<vmem_shared>> -> memref<64x128xf32, #tpu.memory_space<vmem_shared>>
      tpu.enqueue_dma source(%dma_start3A_157 : memref<64x128xf32, #tpu.memory_space<vmem_shared>>) target(%arg10 : memref<64x128xf32, #tpu.memory_space<vmem>>) target_semaphore(%run_scoped3A : memref<!tpu.dma_semaphore, #tpu.memory_space<semaphore_mem>>)
      %dma_wait3A_158 = arith.constant 0 : i32
      %dma_wait3A_159 = tpu.memref_slice %arg11[%add3A_145, %dma_wait3A_158] : memref<10240x128xf32, #tpu.memory_space<vmem_shared>> -> memref<64x128xf32, #tpu.memory_space<vmem_shared>>
      %dma_wait3A_160 = arith.constant 0 : i32
      %dma_wait3A_161 = tpu.memref_slice %arg11[%add3A_145, %dma_wait3A_160] : memref<10240x128xf32, #tpu.memory_space<vmem_shared>> -> memref<64x128xf32, #tpu.memory_space<vmem_shared>>
      tpu.wait_dma2 semaphore(%run_scoped3A : memref<!tpu.dma_semaphore, #tpu.memory_space<semaphore_mem>>) src(%dma_wait3A_161 : memref<64x128xf32, #tpu.memory_space<vmem_shared>>) dst(%arg10 : memref<64x128xf32, #tpu.memory_space<vmem>>)
      tpu.yield
    }) : () -> ()
    "tpu.region"() ({
      %run_scoped3A = tpu.sem_alloc : memref<!tpu.dma_semaphore, #tpu.memory_space<semaphore_mem>>
      %dma_start3A_154 = arith.constant 0 : i32
      %dma_start3A_155 = tpu.memref_slice %arg5[%arg0, %add3A_145, %dma_start3A_154] : memref<2x10240x128xf32, #tpu.memory_space<hbm>> -> memref<1x64x128xf32, #tpu.memory_space<hbm>>
      %dma_start3A_156 = tpu.memref_squeeze %dma_start3A_155 : memref<1x64x128xf32, #tpu.memory_space<hbm>> -> memref<64x128xf32, #tpu.memory_space<hbm>>
      %dma_start3A_157 = arith.constant 0 : i32
      %dma_start3A_158 = tpu.memref_slice %arg5[%arg0, %add3A_145, %dma_start3A_157] : memref<2x10240x128xf32, #tpu.memory_space<hbm>> -> memref<1x64x128xf32, #tpu.memory_space<hbm>>
      %dma_start3A_159 = tpu.memref_squeeze %dma_start3A_158 : memref<1x64x128xf32, #tpu.memory_space<hbm>> -> memref<64x128xf32, #tpu.memory_space<hbm>>
      tpu.enqueue_dma source(%arg10 : memref<64x128xf32, #tpu.memory_space<vmem>>) target(%dma_start3A_159 : memref<64x128xf32, #tpu.memory_space<hbm>>) target_semaphore(%run_scoped3A : memref<!tpu.dma_semaphore, #tpu.memory_space<semaphore_mem>>)
      %dma_wait3A_160 = arith.constant 0 : i32
      %dma_wait3A_161 = tpu.memref_slice %arg5[%arg0, %add3A_145, %dma_wait3A_160] : memref<2x10240x128xf32, #tpu.memory_space<hbm>> -> memref<1x64x128xf32, #tpu.memory_space<hbm>>
      %dma_wait3A_162 = tpu.memref_squeeze %dma_wait3A_161 : memref<1x64x128xf32, #tpu.memory_space<hbm>> -> memref<64x128xf32, #tpu.memory_space<hbm>>
      %dma_wait3A_163 = arith.constant 0 : i32
      %dma_wait3A_164 = tpu.memref_slice %arg5[%arg0, %add3A_145, %dma_wait3A_163] : memref<2x10240x128xf32, #tpu.memory_space<hbm>> -> memref<1x64x128xf32, #tpu.memory_space<hbm>>
      %dma_wait3A_165 = tpu.memref_squeeze %dma_wait3A_164 : memref<1x64x128xf32, #tpu.memory_space<hbm>> -> memref<64x128xf32, #tpu.memory_space<hbm>>
      tpu.wait_dma2 semaphore(%run_scoped3A : memref<!tpu.dma_semaphore, #tpu.memory_space<semaphore_mem>>) src(%arg10 : memref<64x128xf32, #tpu.memory_space<vmem>>) dst(%dma_wait3A_165 : memref<64x128xf32, #tpu.memory_space<hbm>>)
      tpu.yield
    }) : () -> ()
    %add3A_146 = arith.constant 384 : i32
    %add3A_147 = arith.addi %mul3A_4, %add3A_146 : i32
    "tpu.region"() ({
      %run_scoped3A = tpu.sem_alloc : memref<!tpu.dma_semaphore, #tpu.memory_space<semaphore_mem>>
      %dma_start3A_154 = arith.constant 0 : i32
      %dma_start3A_155 = tpu.memref_slice %arg11[%add3A_147, %dma_start3A_154] : memref<10240x128xf32, #tpu.memory_space<vmem_shared>> -> memref<64x128xf32, #tpu.memory_space<vmem_shared>>
      %dma_start3A_156 = arith.constant 0 : i32
      %dma_start3A_157 = tpu.memref_slice %arg11[%add3A_147, %dma_start3A_156] : memref<10240x128xf32, #tpu.memory_space<vmem_shared>> -> memref<64x128xf32, #tpu.memory_space<vmem_shared>>
      tpu.enqueue_dma source(%dma_start3A_157 : memref<64x128xf32, #tpu.memory_space<vmem_shared>>) target(%arg10 : memref<64x128xf32, #tpu.memory_space<vmem>>) target_semaphore(%run_scoped3A : memref<!tpu.dma_semaphore, #tpu.memory_space<semaphore_mem>>)
      %dma_wait3A_158 = arith.constant 0 : i32
      %dma_wait3A_159 = tpu.memref_slice %arg11[%add3A_147, %dma_wait3A_158] : memref<10240x128xf32, #tpu.memory_space<vmem_shared>> -> memref<64x128xf32, #tpu.memory_space<vmem_shared>>
      %dma_wait3A_160 = arith.constant 0 : i32
      %dma_wait3A_161 = tpu.memref_slice %arg11[%add3A_147, %dma_wait3A_160] : memref<10240x128xf32, #tpu.memory_space<vmem_shared>> -> memref<64x128xf32, #tpu.memory_space<vmem_shared>>
      tpu.wait_dma2 semaphore(%run_scoped3A : memref<!tpu.dma_semaphore, #tpu.memory_space<semaphore_mem>>) src(%dma_wait3A_161 : memref<64x128xf32, #tpu.memory_space<vmem_shared>>) dst(%arg10 : memref<64x128xf32, #tpu.memory_space<vmem>>)
      tpu.yield
    }) : () -> ()
    "tpu.region"() ({
      %run_scoped3A = tpu.sem_alloc : memref<!tpu.dma_semaphore, #tpu.memory_space<semaphore_mem>>
      %dma_start3A_154 = arith.constant 0 : i32
      %dma_start3A_155 = tpu.memref_slice %arg5[%arg0, %add3A_147, %dma_start3A_154] : memref<2x10240x128xf32, #tpu.memory_space<hbm>> -> memref<1x64x128xf32, #tpu.memory_space<hbm>>
      %dma_start3A_156 = tpu.memref_squeeze %dma_start3A_155 : memref<1x64x128xf32, #tpu.memory_space<hbm>> -> memref<64x128xf32, #tpu.memory_space<hbm>>
      %dma_start3A_157 = arith.constant 0 : i32
      %dma_start3A_158 = tpu.memref_slice %arg5[%arg0, %add3A_147, %dma_start3A_157] : memref<2x10240x128xf32, #tpu.memory_space<hbm>> -> memref<1x64x128xf32, #tpu.memory_space<hbm>>
      %dma_start3A_159 = tpu.memref_squeeze %dma_start3A_158 : memref<1x64x128xf32, #tpu.memory_space<hbm>> -> memref<64x128xf32, #tpu.memory_space<hbm>>
      tpu.enqueue_dma source(%arg10 : memref<64x128xf32, #tpu.memory_space<vmem>>) target(%dma_start3A_159 : memref<64x128xf32, #tpu.memory_space<hbm>>) target_semaphore(%run_scoped3A : memref<!tpu.dma_semaphore, #tpu.memory_space<semaphore_mem>>)
      %dma_wait3A_160 = arith.constant 0 : i32
      %dma_wait3A_161 = tpu.memref_slice %arg5[%arg0, %add3A_147, %dma_wait3A_160] : memref<2x10240x128xf32, #tpu.memory_space<hbm>> -> memref<1x64x128xf32, #tpu.memory_space<hbm>>
      %dma_wait3A_162 = tpu.memref_squeeze %dma_wait3A_161 : memref<1x64x128xf32, #tpu.memory_space<hbm>> -> memref<64x128xf32, #tpu.memory_space<hbm>>
      %dma_wait3A_163 = arith.constant 0 : i32
      %dma_wait3A_164 = tpu.memref_slice %arg5[%arg0, %add3A_147, %dma_wait3A_163] : memref<2x10240x128xf32, #tpu.memory_space<hbm>> -> memref<1x64x128xf32, #tpu.memory_space<hbm>>
      %dma_wait3A_165 = tpu.memref_squeeze %dma_wait3A_164 : memref<1x64x128xf32, #tpu.memory_space<hbm>> -> memref<64x128xf32, #tpu.memory_space<hbm>>
      tpu.wait_dma2 semaphore(%run_scoped3A : memref<!tpu.dma_semaphore, #tpu.memory_space<semaphore_mem>>) src(%arg10 : memref<64x128xf32, #tpu.memory_space<vmem>>) dst(%dma_wait3A_165 : memref<64x128xf32, #tpu.memory_space<hbm>>)
      tpu.yield
    }) : () -> ()
    %add3A_148 = arith.constant 448 : i32
    %add3A_149 = arith.addi %mul3A_4, %add3A_148 : i32
    "tpu.region"() ({
      %run_scoped3A = tpu.sem_alloc : memref<!tpu.dma_semaphore, #tpu.memory_space<semaphore_mem>>
      %dma_start3A_154 = arith.constant 0 : i32
      %dma_start3A_155 = tpu.memref_slice %arg11[%add3A_149, %dma_start3A_154] : memref<10240x128xf32, #tpu.memory_space<vmem_shared>> -> memref<64x128xf32, #tpu.memory_space<vmem_shared>>
      %dma_start3A_156 = arith.constant 0 : i32
      %dma_start3A_157 = tpu.memref_slice %arg11[%add3A_149, %dma_start3A_156] : memref<10240x128xf32, #tpu.memory_space<vmem_shared>> -> memref<64x128xf32, #tpu.memory_space<vmem_shared>>
      tpu.enqueue_dma source(%dma_start3A_157 : memref<64x128xf32, #tpu.memory_space<vmem_shared>>) target(%arg10 : memref<64x128xf32, #tpu.memory_space<vmem>>) target_semaphore(%run_scoped3A : memref<!tpu.dma_semaphore, #tpu.memory_space<semaphore_mem>>)
      %dma_wait3A_158 = arith.constant 0 : i32
      %dma_wait3A_159 = tpu.memref_slice %arg11[%add3A_149, %dma_wait3A_158] : memref<10240x128xf32, #tpu.memory_space<vmem_shared>> -> memref<64x128xf32, #tpu.memory_space<vmem_shared>>
      %dma_wait3A_160 = arith.constant 0 : i32
      %dma_wait3A_161 = tpu.memref_slice %arg11[%add3A_149, %dma_wait3A_160] : memref<10240x128xf32, #tpu.memory_space<vmem_shared>> -> memref<64x128xf32, #tpu.memory_space<vmem_shared>>
      tpu.wait_dma2 semaphore(%run_scoped3A : memref<!tpu.dma_semaphore, #tpu.memory_space<semaphore_mem>>) src(%dma_wait3A_161 : memref<64x128xf32, #tpu.memory_space<vmem_shared>>) dst(%arg10 : memref<64x128xf32, #tpu.memory_space<vmem>>)
      tpu.yield
    }) : () -> ()
    "tpu.region"() ({
      %run_scoped3A = tpu.sem_alloc : memref<!tpu.dma_semaphore, #tpu.memory_space<semaphore_mem>>
      %dma_start3A_154 = arith.constant 0 : i32
      %dma_start3A_155 = tpu.memref_slice %arg5[%arg0, %add3A_149, %dma_start3A_154] : memref<2x10240x128xf32, #tpu.memory_space<hbm>> -> memref<1x64x128xf32, #tpu.memory_space<hbm>>
      %dma_start3A_156 = tpu.memref_squeeze %dma_start3A_155 : memref<1x64x128xf32, #tpu.memory_space<hbm>> -> memref<64x128xf32, #tpu.memory_space<hbm>>
      %dma_start3A_157 = arith.constant 0 : i32
      %dma_start3A_158 = tpu.memref_slice %arg5[%arg0, %add3A_149, %dma_start3A_157] : memref<2x10240x128xf32, #tpu.memory_space<hbm>> -> memref<1x64x128xf32, #tpu.memory_space<hbm>>
      %dma_start3A_159 = tpu.memref_squeeze %dma_start3A_158 : memref<1x64x128xf32, #tpu.memory_space<hbm>> -> memref<64x128xf32, #tpu.memory_space<hbm>>
      tpu.enqueue_dma source(%arg10 : memref<64x128xf32, #tpu.memory_space<vmem>>) target(%dma_start3A_159 : memref<64x128xf32, #tpu.memory_space<hbm>>) target_semaphore(%run_scoped3A : memref<!tpu.dma_semaphore, #tpu.memory_space<semaphore_mem>>)
      %dma_wait3A_160 = arith.constant 0 : i32
      %dma_wait3A_161 = tpu.memref_slice %arg5[%arg0, %add3A_149, %dma_wait3A_160] : memref<2x10240x128xf32, #tpu.memory_space<hbm>> -> memref<1x64x128xf32, #tpu.memory_space<hbm>>
      %dma_wait3A_162 = tpu.memref_squeeze %dma_wait3A_161 : memref<1x64x128xf32, #tpu.memory_space<hbm>> -> memref<64x128xf32, #tpu.memory_space<hbm>>
      %dma_wait3A_163 = arith.constant 0 : i32
      %dma_wait3A_164 = tpu.memref_slice %arg5[%arg0, %add3A_149, %dma_wait3A_163] : memref<2x10240x128xf32, #tpu.memory_space<hbm>> -> memref<1x64x128xf32, #tpu.memory_space<hbm>>
      %dma_wait3A_165 = tpu.memref_squeeze %dma_wait3A_164 : memref<1x64x128xf32, #tpu.memory_space<hbm>> -> memref<64x128xf32, #tpu.memory_space<hbm>>
      tpu.wait_dma2 semaphore(%run_scoped3A : memref<!tpu.dma_semaphore, #tpu.memory_space<semaphore_mem>>) src(%arg10 : memref<64x128xf32, #tpu.memory_space<vmem>>) dst(%dma_wait3A_165 : memref<64x128xf32, #tpu.memory_space<hbm>>)
      tpu.yield
    }) : () -> ()
    %add3A_150 = arith.constant 512 : i32
    %add3A_151 = arith.addi %mul3A_4, %add3A_150 : i32
    "tpu.region"() ({
      %run_scoped3A = tpu.sem_alloc : memref<!tpu.dma_semaphore, #tpu.memory_space<semaphore_mem>>
      %dma_start3A_154 = arith.constant 0 : i32
      %dma_start3A_155 = tpu.memref_slice %arg11[%add3A_151, %dma_start3A_154] : memref<10240x128xf32, #tpu.memory_space<vmem_shared>> -> memref<64x128xf32, #tpu.memory_space<vmem_shared>>
      %dma_start3A_156 = arith.constant 0 : i32
      %dma_start3A_157 = tpu.memref_slice %arg11[%add3A_151, %dma_start3A_156] : memref<10240x128xf32, #tpu.memory_space<vmem_shared>> -> memref<64x128xf32, #tpu.memory_space<vmem_shared>>
      tpu.enqueue_dma source(%dma_start3A_157 : memref<64x128xf32, #tpu.memory_space<vmem_shared>>) target(%arg10 : memref<64x128xf32, #tpu.memory_space<vmem>>) target_semaphore(%run_scoped3A : memref<!tpu.dma_semaphore, #tpu.memory_space<semaphore_mem>>)
      %dma_wait3A_158 = arith.constant 0 : i32
      %dma_wait3A_159 = tpu.memref_slice %arg11[%add3A_151, %dma_wait3A_158] : memref<10240x128xf32, #tpu.memory_space<vmem_shared>> -> memref<64x128xf32, #tpu.memory_space<vmem_shared>>
      %dma_wait3A_160 = arith.constant 0 : i32
      %dma_wait3A_161 = tpu.memref_slice %arg11[%add3A_151, %dma_wait3A_160] : memref<10240x128xf32, #tpu.memory_space<vmem_shared>> -> memref<64x128xf32, #tpu.memory_space<vmem_shared>>
      tpu.wait_dma2 semaphore(%run_scoped3A : memref<!tpu.dma_semaphore, #tpu.memory_space<semaphore_mem>>) src(%dma_wait3A_161 : memref<64x128xf32, #tpu.memory_space<vmem_shared>>) dst(%arg10 : memref<64x128xf32, #tpu.memory_space<vmem>>)
      tpu.yield
    }) : () -> ()
    "tpu.region"() ({
      %run_scoped3A = tpu.sem_alloc : memref<!tpu.dma_semaphore, #tpu.memory_space<semaphore_mem>>
      %dma_start3A_154 = arith.constant 0 : i32
      %dma_start3A_155 = tpu.memref_slice %arg5[%arg0, %add3A_151, %dma_start3A_154] : memref<2x10240x128xf32, #tpu.memory_space<hbm>> -> memref<1x64x128xf32, #tpu.memory_space<hbm>>
      %dma_start3A_156 = tpu.memref_squeeze %dma_start3A_155 : memref<1x64x128xf32, #tpu.memory_space<hbm>> -> memref<64x128xf32, #tpu.memory_space<hbm>>
      %dma_start3A_157 = arith.constant 0 : i32
      %dma_start3A_158 = tpu.memref_slice %arg5[%arg0, %add3A_151, %dma_start3A_157] : memref<2x10240x128xf32, #tpu.memory_space<hbm>> -> memref<1x64x128xf32, #tpu.memory_space<hbm>>
      %dma_start3A_159 = tpu.memref_squeeze %dma_start3A_158 : memref<1x64x128xf32, #tpu.memory_space<hbm>> -> memref<64x128xf32, #tpu.memory_space<hbm>>
      tpu.enqueue_dma source(%arg10 : memref<64x128xf32, #tpu.memory_space<vmem>>) target(%dma_start3A_159 : memref<64x128xf32, #tpu.memory_space<hbm>>) target_semaphore(%run_scoped3A : memref<!tpu.dma_semaphore, #tpu.memory_space<semaphore_mem>>)
      %dma_wait3A_160 = arith.constant 0 : i32
      %dma_wait3A_161 = tpu.memref_slice %arg5[%arg0, %add3A_151, %dma_wait3A_160] : memref<2x10240x128xf32, #tpu.memory_space<hbm>> -> memref<1x64x128xf32, #tpu.memory_space<hbm>>
      %dma_wait3A_162 = tpu.memref_squeeze %dma_wait3A_161 : memref<1x64x128xf32, #tpu.memory_space<hbm>> -> memref<64x128xf32, #tpu.memory_space<hbm>>
      %dma_wait3A_163 = arith.constant 0 : i32
      %dma_wait3A_164 = tpu.memref_slice %arg5[%arg0, %add3A_151, %dma_wait3A_163] : memref<2x10240x128xf32, #tpu.memory_space<hbm>> -> memref<1x64x128xf32, #tpu.memory_space<hbm>>
      %dma_wait3A_165 = tpu.memref_squeeze %dma_wait3A_164 : memref<1x64x128xf32, #tpu.memory_space<hbm>> -> memref<64x128xf32, #tpu.memory_space<hbm>>
      tpu.wait_dma2 semaphore(%run_scoped3A : memref<!tpu.dma_semaphore, #tpu.memory_space<semaphore_mem>>) src(%arg10 : memref<64x128xf32, #tpu.memory_space<vmem>>) dst(%dma_wait3A_165 : memref<64x128xf32, #tpu.memory_space<hbm>>)
      tpu.yield
    }) : () -> ()
    %add3A_152 = arith.constant 576 : i32
    %add3A_153 = arith.addi %mul3A_4, %add3A_152 : i32
    "tpu.region"() ({
      %run_scoped3A = tpu.sem_alloc : memref<!tpu.dma_semaphore, #tpu.memory_space<semaphore_mem>>
      %dma_start3A_154 = arith.constant 0 : i32
      %dma_start3A_155 = tpu.memref_slice %arg11[%add3A_153, %dma_start3A_154] : memref<10240x128xf32, #tpu.memory_space<vmem_shared>> -> memref<64x128xf32, #tpu.memory_space<vmem_shared>>
      %dma_start3A_156 = arith.constant 0 : i32
      %dma_start3A_157 = tpu.memref_slice %arg11[%add3A_153, %dma_start3A_156] : memref<10240x128xf32, #tpu.memory_space<vmem_shared>> -> memref<64x128xf32, #tpu.memory_space<vmem_shared>>
      tpu.enqueue_dma source(%dma_start3A_157 : memref<64x128xf32, #tpu.memory_space<vmem_shared>>) target(%arg10 : memref<64x128xf32, #tpu.memory_space<vmem>>) target_semaphore(%run_scoped3A : memref<!tpu.dma_semaphore, #tpu.memory_space<semaphore_mem>>)
      %dma_wait3A_158 = arith.constant 0 : i32
      %dma_wait3A_159 = tpu.memref_slice %arg11[%add3A_153, %dma_wait3A_158] : memref<10240x128xf32, #tpu.memory_space<vmem_shared>> -> memref<64x128xf32, #tpu.memory_space<vmem_shared>>
      %dma_wait3A_160 = arith.constant 0 : i32
      %dma_wait3A_161 = tpu.memref_slice %arg11[%add3A_153, %dma_wait3A_160] : memref<10240x128xf32, #tpu.memory_space<vmem_shared>> -> memref<64x128xf32, #tpu.memory_space<vmem_shared>>
      tpu.wait_dma2 semaphore(%run_scoped3A : memref<!tpu.dma_semaphore, #tpu.memory_space<semaphore_mem>>) src(%dma_wait3A_161 : memref<64x128xf32, #tpu.memory_space<vmem_shared>>) dst(%arg10 : memref<64x128xf32, #tpu.memory_space<vmem>>)
      tpu.yield
    }) : () -> ()
    "tpu.region"() ({
      %run_scoped3A = tpu.sem_alloc : memref<!tpu.dma_semaphore, #tpu.memory_space<semaphore_mem>>
      %dma_start3A_154 = arith.constant 0 : i32
      %dma_start3A_155 = tpu.memref_slice %arg5[%arg0, %add3A_153, %dma_start3A_154] : memref<2x10240x128xf32, #tpu.memory_space<hbm>> -> memref<1x64x128xf32, #tpu.memory_space<hbm>>
      %dma_start3A_156 = tpu.memref_squeeze %dma_start3A_155 : memref<1x64x128xf32, #tpu.memory_space<hbm>> -> memref<64x128xf32, #tpu.memory_space<hbm>>
      %dma_start3A_157 = arith.constant 0 : i32
      %dma_start3A_158 = tpu.memref_slice %arg5[%arg0, %add3A_153, %dma_start3A_157] : memref<2x10240x128xf32, #tpu.memory_space<hbm>> -> memref<1x64x128xf32, #tpu.memory_space<hbm>>
      %dma_start3A_159 = tpu.memref_squeeze %dma_start3A_158 : memref<1x64x128xf32, #tpu.memory_space<hbm>> -> memref<64x128xf32, #tpu.memory_space<hbm>>
      tpu.enqueue_dma source(%arg10 : memref<64x128xf32, #tpu.memory_space<vmem>>) target(%dma_start3A_159 : memref<64x128xf32, #tpu.memory_space<hbm>>) target_semaphore(%run_scoped3A : memref<!tpu.dma_semaphore, #tpu.memory_space<semaphore_mem>>)
      %dma_wait3A_160 = arith.constant 0 : i32
      %dma_wait3A_161 = tpu.memref_slice %arg5[%arg0, %add3A_153, %dma_wait3A_160] : memref<2x10240x128xf32, #tpu.memory_space<hbm>> -> memref<1x64x128xf32, #tpu.memory_space<hbm>>
      %dma_wait3A_162 = tpu.memref_squeeze %dma_wait3A_161 : memref<1x64x128xf32, #tpu.memory_space<hbm>> -> memref<64x128xf32, #tpu.memory_space<hbm>>
      %dma_wait3A_163 = arith.constant 0 : i32
      %dma_wait3A_164 = tpu.memref_slice %arg5[%arg0, %add3A_153, %dma_wait3A_163] : memref<2x10240x128xf32, #tpu.memory_space<hbm>> -> memref<1x64x128xf32, #tpu.memory_space<hbm>>
      %dma_wait3A_165 = tpu.memref_squeeze %dma_wait3A_164 : memref<1x64x128xf32, #tpu.memory_space<hbm>> -> memref<64x128xf32, #tpu.memory_space<hbm>>
      tpu.wait_dma2 semaphore(%run_scoped3A : memref<!tpu.dma_semaphore, #tpu.memory_space<semaphore_mem>>) src(%arg10 : memref<64x128xf32, #tpu.memory_space<vmem>>) dst(%dma_wait3A_165 : memref<64x128xf32, #tpu.memory_space<hbm>>)
      tpu.yield
    }) : () -> ()
    return
  }
}

#map = affine_map<(d0, d1) -> (0, 0)>
#map1 = affine_map<(d0, d1) -> (0, 0, 0)>
module attributes {stable_mosaic.version = 14 : i64} {
  func.func @k(%arg0: i32, %arg1: i32, %arg2: memref<10240x128xf32, #tpu.memory_space<hbm>>, %arg3: memref<5120x64xi32, #tpu.memory_space<hbm>>, %arg4: memref<64x128xf32, #tpu.memory_space<hbm>>, %arg5: memref<2x10240x128xf32, #tpu.memory_space<hbm>>, %arg6: memref<160x64xi32, #tpu.memory_space<vmem>>, %arg7: memref<64xi32, #tpu.memory_space<vmem>>, %arg8: memref<64xi32, #tpu.memory_space<vmem>>, %arg9: memref<64xi32, #tpu.memory_space<vmem>>, %arg10: memref<64xi32, #tpu.memory_space<vmem>>, %arg11: memref<64x128xf32, #tpu.memory_space<vmem>>, %arg12: memref<64x128xf32, #tpu.memory_space<vmem>>, %arg13: memref<10240x128xf32, #tpu.memory_space<vmem_shared>>, %arg14: memref<!tpu.dma_semaphore, #tpu.memory_space<semaphore_mem>>, %arg15: memref<!tpu.dma_semaphore, #tpu.memory_space<semaphore_mem>>) attributes {dimension_semantics = [#tpu.dimension_semantics<core_parallel>, #tpu.dimension_semantics<subcore_parallel>], iteration_bounds = array<i64: 2, 16>, scalar_prefetch = 0 : i64, scratch_operands = 10 : i64, tpu.core_type = #tpu.core_type<sc_vector_subcore>, window_params = [{transform_indices = #map}, {transform_indices = #map}, {transform_indices = #map}, {transform_indices = #map1}]} {
    %eq3A = arith.constant 0 : i32
    %eq3A_0 = arith.cmpi eq, %arg0, %eq3A : i32
    %convert_element_type3A = arith.extui %eq3A_0 : i1 to i32
    %cond3A = arith.constant 0 : i32
    %cond3A_1 = arith.cmpi ne, %convert_element_type3A, %cond3A : i32
    scf.if %cond3A_1 {
      %mul3A_58 = arith.constant 160 : i32
      %mul3A_59 = arith.muli %arg1, %mul3A_58 : i32
      %multiple_of3A = tpu.assume_multiple %mul3A_59, 8 : i32
      "tpu.region"() ({
        %run_scoped3A = tpu.sem_alloc : memref<!tpu.dma_semaphore, #tpu.memory_space<semaphore_mem>>
        %dma_start3A = arith.constant 0 : i32
        %dma_start3A_60 = arith.constant 0 : i32
        %dma_start3A_61 = tpu.memref_slice %arg6[%dma_start3A, %dma_start3A_60] : memref<160x64xi32, #tpu.memory_space<vmem>> -> memref<160x64xi32, #tpu.memory_space<vmem>>
        %dma_start3A_62 = arith.constant 0 : i32
        %dma_start3A_63 = tpu.memref_slice %arg3[%multiple_of3A, %dma_start3A_62] : memref<5120x64xi32, #tpu.memory_space<hbm>> -> memref<160x64xi32, #tpu.memory_space<hbm>>
        %dma_start3A_64 = arith.constant 0 : i32
        %dma_start3A_65 = arith.constant 0 : i32
        %dma_start3A_66 = tpu.memref_slice %arg6[%dma_start3A_64, %dma_start3A_65] : memref<160x64xi32, #tpu.memory_space<vmem>> -> memref<160x64xi32, #tpu.memory_space<vmem>>
        %dma_start3A_67 = arith.constant 0 : i32
        %dma_start3A_68 = tpu.memref_slice %arg3[%multiple_of3A, %dma_start3A_67] : memref<5120x64xi32, #tpu.memory_space<hbm>> -> memref<160x64xi32, #tpu.memory_space<hbm>>
        tpu.enqueue_dma source(%dma_start3A_68 : memref<160x64xi32, #tpu.memory_space<hbm>>) target(%dma_start3A_66 : memref<160x64xi32, #tpu.memory_space<vmem>>) target_semaphore(%run_scoped3A : memref<!tpu.dma_semaphore, #tpu.memory_space<semaphore_mem>>)
        %dma_wait3A = arith.constant 0 : i32
        %dma_wait3A_69 = arith.constant 0 : i32
        %dma_wait3A_70 = tpu.memref_slice %arg6[%dma_wait3A, %dma_wait3A_69] : memref<160x64xi32, #tpu.memory_space<vmem>> -> memref<160x64xi32, #tpu.memory_space<vmem>>
        %dma_wait3A_71 = arith.constant 0 : i32
        %dma_wait3A_72 = tpu.memref_slice %arg3[%multiple_of3A, %dma_wait3A_71] : memref<5120x64xi32, #tpu.memory_space<hbm>> -> memref<160x64xi32, #tpu.memory_space<hbm>>
        %dma_wait3A_73 = arith.constant 0 : i32
        %dma_wait3A_74 = arith.constant 0 : i32
        %dma_wait3A_75 = tpu.memref_slice %arg6[%dma_wait3A_73, %dma_wait3A_74] : memref<160x64xi32, #tpu.memory_space<vmem>> -> memref<160x64xi32, #tpu.memory_space<vmem>>
        %dma_wait3A_76 = arith.constant 0 : i32
        %dma_wait3A_77 = tpu.memref_slice %arg3[%multiple_of3A, %dma_wait3A_76] : memref<5120x64xi32, #tpu.memory_space<hbm>> -> memref<160x64xi32, #tpu.memory_space<hbm>>
        tpu.wait_dma2 semaphore(%run_scoped3A : memref<!tpu.dma_semaphore, #tpu.memory_space<semaphore_mem>>) src(%dma_wait3A_77 : memref<160x64xi32, #tpu.memory_space<hbm>>) dst(%dma_wait3A_75 : memref<160x64xi32, #tpu.memory_space<vmem>>)
        tpu.yield
      }) : () -> ()
    } else {
    }
    %eq3A_2 = arith.constant 1 : i32
    %eq3A_3 = arith.cmpi eq, %arg0, %eq3A_2 : i32
    %convert_element_type3A_4 = arith.extui %eq3A_3 : i1 to i32
    %cond3A_5 = arith.constant 0 : i32
    %cond3A_6 = arith.cmpi ne, %convert_element_type3A_4, %cond3A_5 : i32
    scf.if %cond3A_6 {
      %mul3A_58 = arith.constant 160 : i32
      %mul3A_59 = arith.muli %arg1, %mul3A_58 : i32
      %add3A_60 = arith.constant 2560 : i32
      %add3A_61 = arith.addi %add3A_60, %mul3A_59 : i32
      %multiple_of3A = tpu.assume_multiple %add3A_61, 8 : i32
      "tpu.region"() ({
        %run_scoped3A = tpu.sem_alloc : memref<!tpu.dma_semaphore, #tpu.memory_space<semaphore_mem>>
        %dma_start3A = arith.constant 0 : i32
        %dma_start3A_62 = arith.constant 0 : i32
        %dma_start3A_63 = tpu.memref_slice %arg6[%dma_start3A, %dma_start3A_62] : memref<160x64xi32, #tpu.memory_space<vmem>> -> memref<160x64xi32, #tpu.memory_space<vmem>>
        %dma_start3A_64 = arith.constant 0 : i32
        %dma_start3A_65 = tpu.memref_slice %arg3[%multiple_of3A, %dma_start3A_64] : memref<5120x64xi32, #tpu.memory_space<hbm>> -> memref<160x64xi32, #tpu.memory_space<hbm>>
        %dma_start3A_66 = arith.constant 0 : i32
        %dma_start3A_67 = arith.constant 0 : i32
        %dma_start3A_68 = tpu.memref_slice %arg6[%dma_start3A_66, %dma_start3A_67] : memref<160x64xi32, #tpu.memory_space<vmem>> -> memref<160x64xi32, #tpu.memory_space<vmem>>
        %dma_start3A_69 = arith.constant 0 : i32
        %dma_start3A_70 = tpu.memref_slice %arg3[%multiple_of3A, %dma_start3A_69] : memref<5120x64xi32, #tpu.memory_space<hbm>> -> memref<160x64xi32, #tpu.memory_space<hbm>>
        tpu.enqueue_dma source(%dma_start3A_70 : memref<160x64xi32, #tpu.memory_space<hbm>>) target(%dma_start3A_68 : memref<160x64xi32, #tpu.memory_space<vmem>>) target_semaphore(%run_scoped3A : memref<!tpu.dma_semaphore, #tpu.memory_space<semaphore_mem>>)
        %dma_wait3A = arith.constant 0 : i32
        %dma_wait3A_71 = arith.constant 0 : i32
        %dma_wait3A_72 = tpu.memref_slice %arg6[%dma_wait3A, %dma_wait3A_71] : memref<160x64xi32, #tpu.memory_space<vmem>> -> memref<160x64xi32, #tpu.memory_space<vmem>>
        %dma_wait3A_73 = arith.constant 0 : i32
        %dma_wait3A_74 = tpu.memref_slice %arg3[%multiple_of3A, %dma_wait3A_73] : memref<5120x64xi32, #tpu.memory_space<hbm>> -> memref<160x64xi32, #tpu.memory_space<hbm>>
        %dma_wait3A_75 = arith.constant 0 : i32
        %dma_wait3A_76 = arith.constant 0 : i32
        %dma_wait3A_77 = tpu.memref_slice %arg6[%dma_wait3A_75, %dma_wait3A_76] : memref<160x64xi32, #tpu.memory_space<vmem>> -> memref<160x64xi32, #tpu.memory_space<vmem>>
        %dma_wait3A_78 = arith.constant 0 : i32
        %dma_wait3A_79 = tpu.memref_slice %arg3[%multiple_of3A, %dma_wait3A_78] : memref<5120x64xi32, #tpu.memory_space<hbm>> -> memref<160x64xi32, #tpu.memory_space<hbm>>
        tpu.wait_dma2 semaphore(%run_scoped3A : memref<!tpu.dma_semaphore, #tpu.memory_space<semaphore_mem>>) src(%dma_wait3A_79 : memref<160x64xi32, #tpu.memory_space<hbm>>) dst(%dma_wait3A_77 : memref<160x64xi32, #tpu.memory_space<vmem>>)
        tpu.yield
      }) : () -> ()
    } else {
    }
    "tpu.region"() ({
      %run_scoped3A = tpu.sem_alloc : memref<!tpu.dma_semaphore, #tpu.memory_space<semaphore_mem>>
      tpu.enqueue_dma source(%arg4 : memref<64x128xf32, #tpu.memory_space<hbm>>) target(%arg11 : memref<64x128xf32, #tpu.memory_space<vmem>>) target_semaphore(%run_scoped3A : memref<!tpu.dma_semaphore, #tpu.memory_space<semaphore_mem>>)
      tpu.wait_dma2 semaphore(%run_scoped3A : memref<!tpu.dma_semaphore, #tpu.memory_space<semaphore_mem>>) src(%arg4 : memref<64x128xf32, #tpu.memory_space<hbm>>) dst(%arg11 : memref<64x128xf32, #tpu.memory_space<vmem>>)
      tpu.yield
    }) : () -> ()
    %mul3A = arith.constant 640 : i32
    %mul3A_7 = arith.muli %arg1, %mul3A : i32
    %add3A = arith.constant 0 : i32
    %add3A_8 = arith.addi %mul3A_7, %add3A : i32
    "tpu.region"() ({
      %run_scoped3A = tpu.sem_alloc : memref<!tpu.dma_semaphore, #tpu.memory_space<semaphore_mem>>
      %dma_start3A = arith.constant 0 : i32
      %dma_start3A_58 = tpu.memref_slice %arg13[%add3A_8, %dma_start3A] : memref<10240x128xf32, #tpu.memory_space<vmem_shared>> -> memref<64x128xf32, #tpu.memory_space<vmem_shared>>
      %dma_start3A_59 = arith.constant 0 : i32
      %dma_start3A_60 = tpu.memref_slice %arg13[%add3A_8, %dma_start3A_59] : memref<10240x128xf32, #tpu.memory_space<vmem_shared>> -> memref<64x128xf32, #tpu.memory_space<vmem_shared>>
      tpu.enqueue_dma source(%arg11 : memref<64x128xf32, #tpu.memory_space<vmem>>) target(%dma_start3A_60 : memref<64x128xf32, #tpu.memory_space<vmem_shared>>) target_semaphore(%run_scoped3A : memref<!tpu.dma_semaphore, #tpu.memory_space<semaphore_mem>>)
      %dma_wait3A = arith.constant 0 : i32
      %dma_wait3A_61 = tpu.memref_slice %arg13[%add3A_8, %dma_wait3A] : memref<10240x128xf32, #tpu.memory_space<vmem_shared>> -> memref<64x128xf32, #tpu.memory_space<vmem_shared>>
      %dma_wait3A_62 = arith.constant 0 : i32
      %dma_wait3A_63 = tpu.memref_slice %arg13[%add3A_8, %dma_wait3A_62] : memref<10240x128xf32, #tpu.memory_space<vmem_shared>> -> memref<64x128xf32, #tpu.memory_space<vmem_shared>>
      tpu.wait_dma2 semaphore(%run_scoped3A : memref<!tpu.dma_semaphore, #tpu.memory_space<semaphore_mem>>) src(%arg11 : memref<64x128xf32, #tpu.memory_space<vmem>>) dst(%dma_wait3A_63 : memref<64x128xf32, #tpu.memory_space<vmem_shared>>)
      tpu.yield
    }) : () -> ()
    %add3A_9 = arith.constant 64 : i32
    %add3A_10 = arith.addi %mul3A_7, %add3A_9 : i32
    "tpu.region"() ({
      %run_scoped3A = tpu.sem_alloc : memref<!tpu.dma_semaphore, #tpu.memory_space<semaphore_mem>>
      %dma_start3A = arith.constant 0 : i32
      %dma_start3A_58 = tpu.memref_slice %arg13[%add3A_10, %dma_start3A] : memref<10240x128xf32, #tpu.memory_space<vmem_shared>> -> memref<64x128xf32, #tpu.memory_space<vmem_shared>>
      %dma_start3A_59 = arith.constant 0 : i32
      %dma_start3A_60 = tpu.memref_slice %arg13[%add3A_10, %dma_start3A_59] : memref<10240x128xf32, #tpu.memory_space<vmem_shared>> -> memref<64x128xf32, #tpu.memory_space<vmem_shared>>
      tpu.enqueue_dma source(%arg11 : memref<64x128xf32, #tpu.memory_space<vmem>>) target(%dma_start3A_60 : memref<64x128xf32, #tpu.memory_space<vmem_shared>>) target_semaphore(%run_scoped3A : memref<!tpu.dma_semaphore, #tpu.memory_space<semaphore_mem>>)
      %dma_wait3A = arith.constant 0 : i32
      %dma_wait3A_61 = tpu.memref_slice %arg13[%add3A_10, %dma_wait3A] : memref<10240x128xf32, #tpu.memory_space<vmem_shared>> -> memref<64x128xf32, #tpu.memory_space<vmem_shared>>
      %dma_wait3A_62 = arith.constant 0 : i32
      %dma_wait3A_63 = tpu.memref_slice %arg13[%add3A_10, %dma_wait3A_62] : memref<10240x128xf32, #tpu.memory_space<vmem_shared>> -> memref<64x128xf32, #tpu.memory_space<vmem_shared>>
      tpu.wait_dma2 semaphore(%run_scoped3A : memref<!tpu.dma_semaphore, #tpu.memory_space<semaphore_mem>>) src(%arg11 : memref<64x128xf32, #tpu.memory_space<vmem>>) dst(%dma_wait3A_63 : memref<64x128xf32, #tpu.memory_space<vmem_shared>>)
      tpu.yield
    }) : () -> ()
    %add3A_11 = arith.constant 128 : i32
    %add3A_12 = arith.addi %mul3A_7, %add3A_11 : i32
    "tpu.region"() ({
      %run_scoped3A = tpu.sem_alloc : memref<!tpu.dma_semaphore, #tpu.memory_space<semaphore_mem>>
      %dma_start3A = arith.constant 0 : i32
      %dma_start3A_58 = tpu.memref_slice %arg13[%add3A_12, %dma_start3A] : memref<10240x128xf32, #tpu.memory_space<vmem_shared>> -> memref<64x128xf32, #tpu.memory_space<vmem_shared>>
      %dma_start3A_59 = arith.constant 0 : i32
      %dma_start3A_60 = tpu.memref_slice %arg13[%add3A_12, %dma_start3A_59] : memref<10240x128xf32, #tpu.memory_space<vmem_shared>> -> memref<64x128xf32, #tpu.memory_space<vmem_shared>>
      tpu.enqueue_dma source(%arg11 : memref<64x128xf32, #tpu.memory_space<vmem>>) target(%dma_start3A_60 : memref<64x128xf32, #tpu.memory_space<vmem_shared>>) target_semaphore(%run_scoped3A : memref<!tpu.dma_semaphore, #tpu.memory_space<semaphore_mem>>)
      %dma_wait3A = arith.constant 0 : i32
      %dma_wait3A_61 = tpu.memref_slice %arg13[%add3A_12, %dma_wait3A] : memref<10240x128xf32, #tpu.memory_space<vmem_shared>> -> memref<64x128xf32, #tpu.memory_space<vmem_shared>>
      %dma_wait3A_62 = arith.constant 0 : i32
      %dma_wait3A_63 = tpu.memref_slice %arg13[%add3A_12, %dma_wait3A_62] : memref<10240x128xf32, #tpu.memory_space<vmem_shared>> -> memref<64x128xf32, #tpu.memory_space<vmem_shared>>
      tpu.wait_dma2 semaphore(%run_scoped3A : memref<!tpu.dma_semaphore, #tpu.memory_space<semaphore_mem>>) src(%arg11 : memref<64x128xf32, #tpu.memory_space<vmem>>) dst(%dma_wait3A_63 : memref<64x128xf32, #tpu.memory_space<vmem_shared>>)
      tpu.yield
    }) : () -> ()
    %add3A_13 = arith.constant 192 : i32
    %add3A_14 = arith.addi %mul3A_7, %add3A_13 : i32
    "tpu.region"() ({
      %run_scoped3A = tpu.sem_alloc : memref<!tpu.dma_semaphore, #tpu.memory_space<semaphore_mem>>
      %dma_start3A = arith.constant 0 : i32
      %dma_start3A_58 = tpu.memref_slice %arg13[%add3A_14, %dma_start3A] : memref<10240x128xf32, #tpu.memory_space<vmem_shared>> -> memref<64x128xf32, #tpu.memory_space<vmem_shared>>
      %dma_start3A_59 = arith.constant 0 : i32
      %dma_start3A_60 = tpu.memref_slice %arg13[%add3A_14, %dma_start3A_59] : memref<10240x128xf32, #tpu.memory_space<vmem_shared>> -> memref<64x128xf32, #tpu.memory_space<vmem_shared>>
      tpu.enqueue_dma source(%arg11 : memref<64x128xf32, #tpu.memory_space<vmem>>) target(%dma_start3A_60 : memref<64x128xf32, #tpu.memory_space<vmem_shared>>) target_semaphore(%run_scoped3A : memref<!tpu.dma_semaphore, #tpu.memory_space<semaphore_mem>>)
      %dma_wait3A = arith.constant 0 : i32
      %dma_wait3A_61 = tpu.memref_slice %arg13[%add3A_14, %dma_wait3A] : memref<10240x128xf32, #tpu.memory_space<vmem_shared>> -> memref<64x128xf32, #tpu.memory_space<vmem_shared>>
      %dma_wait3A_62 = arith.constant 0 : i32
      %dma_wait3A_63 = tpu.memref_slice %arg13[%add3A_14, %dma_wait3A_62] : memref<10240x128xf32, #tpu.memory_space<vmem_shared>> -> memref<64x128xf32, #tpu.memory_space<vmem_shared>>
      tpu.wait_dma2 semaphore(%run_scoped3A : memref<!tpu.dma_semaphore, #tpu.memory_space<semaphore_mem>>) src(%arg11 : memref<64x128xf32, #tpu.memory_space<vmem>>) dst(%dma_wait3A_63 : memref<64x128xf32, #tpu.memory_space<vmem_shared>>)
      tpu.yield
    }) : () -> ()
    %add3A_15 = arith.constant 256 : i32
    %add3A_16 = arith.addi %mul3A_7, %add3A_15 : i32
    "tpu.region"() ({
      %run_scoped3A = tpu.sem_alloc : memref<!tpu.dma_semaphore, #tpu.memory_space<semaphore_mem>>
      %dma_start3A = arith.constant 0 : i32
      %dma_start3A_58 = tpu.memref_slice %arg13[%add3A_16, %dma_start3A] : memref<10240x128xf32, #tpu.memory_space<vmem_shared>> -> memref<64x128xf32, #tpu.memory_space<vmem_shared>>
      %dma_start3A_59 = arith.constant 0 : i32
      %dma_start3A_60 = tpu.memref_slice %arg13[%add3A_16, %dma_start3A_59] : memref<10240x128xf32, #tpu.memory_space<vmem_shared>> -> memref<64x128xf32, #tpu.memory_space<vmem_shared>>
      tpu.enqueue_dma source(%arg11 : memref<64x128xf32, #tpu.memory_space<vmem>>) target(%dma_start3A_60 : memref<64x128xf32, #tpu.memory_space<vmem_shared>>) target_semaphore(%run_scoped3A : memref<!tpu.dma_semaphore, #tpu.memory_space<semaphore_mem>>)
      %dma_wait3A = arith.constant 0 : i32
      %dma_wait3A_61 = tpu.memref_slice %arg13[%add3A_16, %dma_wait3A] : memref<10240x128xf32, #tpu.memory_space<vmem_shared>> -> memref<64x128xf32, #tpu.memory_space<vmem_shared>>
      %dma_wait3A_62 = arith.constant 0 : i32
      %dma_wait3A_63 = tpu.memref_slice %arg13[%add3A_16, %dma_wait3A_62] : memref<10240x128xf32, #tpu.memory_space<vmem_shared>> -> memref<64x128xf32, #tpu.memory_space<vmem_shared>>
      tpu.wait_dma2 semaphore(%run_scoped3A : memref<!tpu.dma_semaphore, #tpu.memory_space<semaphore_mem>>) src(%arg11 : memref<64x128xf32, #tpu.memory_space<vmem>>) dst(%dma_wait3A_63 : memref<64x128xf32, #tpu.memory_space<vmem_shared>>)
      tpu.yield
    }) : () -> ()
    %add3A_17 = arith.constant 320 : i32
    %add3A_18 = arith.addi %mul3A_7, %add3A_17 : i32
    "tpu.region"() ({
      %run_scoped3A = tpu.sem_alloc : memref<!tpu.dma_semaphore, #tpu.memory_space<semaphore_mem>>
      %dma_start3A = arith.constant 0 : i32
      %dma_start3A_58 = tpu.memref_slice %arg13[%add3A_18, %dma_start3A] : memref<10240x128xf32, #tpu.memory_space<vmem_shared>> -> memref<64x128xf32, #tpu.memory_space<vmem_shared>>
      %dma_start3A_59 = arith.constant 0 : i32
      %dma_start3A_60 = tpu.memref_slice %arg13[%add3A_18, %dma_start3A_59] : memref<10240x128xf32, #tpu.memory_space<vmem_shared>> -> memref<64x128xf32, #tpu.memory_space<vmem_shared>>
      tpu.enqueue_dma source(%arg11 : memref<64x128xf32, #tpu.memory_space<vmem>>) target(%dma_start3A_60 : memref<64x128xf32, #tpu.memory_space<vmem_shared>>) target_semaphore(%run_scoped3A : memref<!tpu.dma_semaphore, #tpu.memory_space<semaphore_mem>>)
      %dma_wait3A = arith.constant 0 : i32
      %dma_wait3A_61 = tpu.memref_slice %arg13[%add3A_18, %dma_wait3A] : memref<10240x128xf32, #tpu.memory_space<vmem_shared>> -> memref<64x128xf32, #tpu.memory_space<vmem_shared>>
      %dma_wait3A_62 = arith.constant 0 : i32
      %dma_wait3A_63 = tpu.memref_slice %arg13[%add3A_18, %dma_wait3A_62] : memref<10240x128xf32, #tpu.memory_space<vmem_shared>> -> memref<64x128xf32, #tpu.memory_space<vmem_shared>>
      tpu.wait_dma2 semaphore(%run_scoped3A : memref<!tpu.dma_semaphore, #tpu.memory_space<semaphore_mem>>) src(%arg11 : memref<64x128xf32, #tpu.memory_space<vmem>>) dst(%dma_wait3A_63 : memref<64x128xf32, #tpu.memory_space<vmem_shared>>)
      tpu.yield
    }) : () -> ()
    %add3A_19 = arith.constant 384 : i32
    %add3A_20 = arith.addi %mul3A_7, %add3A_19 : i32
    "tpu.region"() ({
      %run_scoped3A = tpu.sem_alloc : memref<!tpu.dma_semaphore, #tpu.memory_space<semaphore_mem>>
      %dma_start3A = arith.constant 0 : i32
      %dma_start3A_58 = tpu.memref_slice %arg13[%add3A_20, %dma_start3A] : memref<10240x128xf32, #tpu.memory_space<vmem_shared>> -> memref<64x128xf32, #tpu.memory_space<vmem_shared>>
      %dma_start3A_59 = arith.constant 0 : i32
      %dma_start3A_60 = tpu.memref_slice %arg13[%add3A_20, %dma_start3A_59] : memref<10240x128xf32, #tpu.memory_space<vmem_shared>> -> memref<64x128xf32, #tpu.memory_space<vmem_shared>>
      tpu.enqueue_dma source(%arg11 : memref<64x128xf32, #tpu.memory_space<vmem>>) target(%dma_start3A_60 : memref<64x128xf32, #tpu.memory_space<vmem_shared>>) target_semaphore(%run_scoped3A : memref<!tpu.dma_semaphore, #tpu.memory_space<semaphore_mem>>)
      %dma_wait3A = arith.constant 0 : i32
      %dma_wait3A_61 = tpu.memref_slice %arg13[%add3A_20, %dma_wait3A] : memref<10240x128xf32, #tpu.memory_space<vmem_shared>> -> memref<64x128xf32, #tpu.memory_space<vmem_shared>>
      %dma_wait3A_62 = arith.constant 0 : i32
      %dma_wait3A_63 = tpu.memref_slice %arg13[%add3A_20, %dma_wait3A_62] : memref<10240x128xf32, #tpu.memory_space<vmem_shared>> -> memref<64x128xf32, #tpu.memory_space<vmem_shared>>
      tpu.wait_dma2 semaphore(%run_scoped3A : memref<!tpu.dma_semaphore, #tpu.memory_space<semaphore_mem>>) src(%arg11 : memref<64x128xf32, #tpu.memory_space<vmem>>) dst(%dma_wait3A_63 : memref<64x128xf32, #tpu.memory_space<vmem_shared>>)
      tpu.yield
    }) : () -> ()
    %add3A_21 = arith.constant 448 : i32
    %add3A_22 = arith.addi %mul3A_7, %add3A_21 : i32
    "tpu.region"() ({
      %run_scoped3A = tpu.sem_alloc : memref<!tpu.dma_semaphore, #tpu.memory_space<semaphore_mem>>
      %dma_start3A = arith.constant 0 : i32
      %dma_start3A_58 = tpu.memref_slice %arg13[%add3A_22, %dma_start3A] : memref<10240x128xf32, #tpu.memory_space<vmem_shared>> -> memref<64x128xf32, #tpu.memory_space<vmem_shared>>
      %dma_start3A_59 = arith.constant 0 : i32
      %dma_start3A_60 = tpu.memref_slice %arg13[%add3A_22, %dma_start3A_59] : memref<10240x128xf32, #tpu.memory_space<vmem_shared>> -> memref<64x128xf32, #tpu.memory_space<vmem_shared>>
      tpu.enqueue_dma source(%arg11 : memref<64x128xf32, #tpu.memory_space<vmem>>) target(%dma_start3A_60 : memref<64x128xf32, #tpu.memory_space<vmem_shared>>) target_semaphore(%run_scoped3A : memref<!tpu.dma_semaphore, #tpu.memory_space<semaphore_mem>>)
      %dma_wait3A = arith.constant 0 : i32
      %dma_wait3A_61 = tpu.memref_slice %arg13[%add3A_22, %dma_wait3A] : memref<10240x128xf32, #tpu.memory_space<vmem_shared>> -> memref<64x128xf32, #tpu.memory_space<vmem_shared>>
      %dma_wait3A_62 = arith.constant 0 : i32
      %dma_wait3A_63 = tpu.memref_slice %arg13[%add3A_22, %dma_wait3A_62] : memref<10240x128xf32, #tpu.memory_space<vmem_shared>> -> memref<64x128xf32, #tpu.memory_space<vmem_shared>>
      tpu.wait_dma2 semaphore(%run_scoped3A : memref<!tpu.dma_semaphore, #tpu.memory_space<semaphore_mem>>) src(%arg11 : memref<64x128xf32, #tpu.memory_space<vmem>>) dst(%dma_wait3A_63 : memref<64x128xf32, #tpu.memory_space<vmem_shared>>)
      tpu.yield
    }) : () -> ()
    %add3A_23 = arith.constant 512 : i32
    %add3A_24 = arith.addi %mul3A_7, %add3A_23 : i32
    "tpu.region"() ({
      %run_scoped3A = tpu.sem_alloc : memref<!tpu.dma_semaphore, #tpu.memory_space<semaphore_mem>>
      %dma_start3A = arith.constant 0 : i32
      %dma_start3A_58 = tpu.memref_slice %arg13[%add3A_24, %dma_start3A] : memref<10240x128xf32, #tpu.memory_space<vmem_shared>> -> memref<64x128xf32, #tpu.memory_space<vmem_shared>>
      %dma_start3A_59 = arith.constant 0 : i32
      %dma_start3A_60 = tpu.memref_slice %arg13[%add3A_24, %dma_start3A_59] : memref<10240x128xf32, #tpu.memory_space<vmem_shared>> -> memref<64x128xf32, #tpu.memory_space<vmem_shared>>
      tpu.enqueue_dma source(%arg11 : memref<64x128xf32, #tpu.memory_space<vmem>>) target(%dma_start3A_60 : memref<64x128xf32, #tpu.memory_space<vmem_shared>>) target_semaphore(%run_scoped3A : memref<!tpu.dma_semaphore, #tpu.memory_space<semaphore_mem>>)
      %dma_wait3A = arith.constant 0 : i32
      %dma_wait3A_61 = tpu.memref_slice %arg13[%add3A_24, %dma_wait3A] : memref<10240x128xf32, #tpu.memory_space<vmem_shared>> -> memref<64x128xf32, #tpu.memory_space<vmem_shared>>
      %dma_wait3A_62 = arith.constant 0 : i32
      %dma_wait3A_63 = tpu.memref_slice %arg13[%add3A_24, %dma_wait3A_62] : memref<10240x128xf32, #tpu.memory_space<vmem_shared>> -> memref<64x128xf32, #tpu.memory_space<vmem_shared>>
      tpu.wait_dma2 semaphore(%run_scoped3A : memref<!tpu.dma_semaphore, #tpu.memory_space<semaphore_mem>>) src(%arg11 : memref<64x128xf32, #tpu.memory_space<vmem>>) dst(%dma_wait3A_63 : memref<64x128xf32, #tpu.memory_space<vmem_shared>>)
      tpu.yield
    }) : () -> ()
    %add3A_25 = arith.constant 576 : i32
    %add3A_26 = arith.addi %mul3A_7, %add3A_25 : i32
    "tpu.region"() ({
      %run_scoped3A = tpu.sem_alloc : memref<!tpu.dma_semaphore, #tpu.memory_space<semaphore_mem>>
      %dma_start3A = arith.constant 0 : i32
      %dma_start3A_58 = tpu.memref_slice %arg13[%add3A_26, %dma_start3A] : memref<10240x128xf32, #tpu.memory_space<vmem_shared>> -> memref<64x128xf32, #tpu.memory_space<vmem_shared>>
      %dma_start3A_59 = arith.constant 0 : i32
      %dma_start3A_60 = tpu.memref_slice %arg13[%add3A_26, %dma_start3A_59] : memref<10240x128xf32, #tpu.memory_space<vmem_shared>> -> memref<64x128xf32, #tpu.memory_space<vmem_shared>>
      tpu.enqueue_dma source(%arg11 : memref<64x128xf32, #tpu.memory_space<vmem>>) target(%dma_start3A_60 : memref<64x128xf32, #tpu.memory_space<vmem_shared>>) target_semaphore(%run_scoped3A : memref<!tpu.dma_semaphore, #tpu.memory_space<semaphore_mem>>)
      %dma_wait3A = arith.constant 0 : i32
      %dma_wait3A_61 = tpu.memref_slice %arg13[%add3A_26, %dma_wait3A] : memref<10240x128xf32, #tpu.memory_space<vmem_shared>> -> memref<64x128xf32, #tpu.memory_space<vmem_shared>>
      %dma_wait3A_62 = arith.constant 0 : i32
      %dma_wait3A_63 = tpu.memref_slice %arg13[%add3A_26, %dma_wait3A_62] : memref<10240x128xf32, #tpu.memory_space<vmem_shared>> -> memref<64x128xf32, #tpu.memory_space<vmem_shared>>
      tpu.wait_dma2 semaphore(%run_scoped3A : memref<!tpu.dma_semaphore, #tpu.memory_space<semaphore_mem>>) src(%arg11 : memref<64x128xf32, #tpu.memory_space<vmem>>) dst(%dma_wait3A_63 : memref<64x128xf32, #tpu.memory_space<vmem_shared>>)
      tpu.yield
    }) : () -> ()
    %barrier3A = arith.constant 0 : index
    tpu.barrier barrier_id(%barrier3A)
    %eq3A_27 = arith.constant 0 : i32
    %eq3A_28 = arith.cmpi eq, %arg0, %eq3A_27 : i32
    %convert_element_type3A_29 = arith.extui %eq3A_28 : i1 to i32
    %cond3A_30 = arith.constant 0 : i32
    %cond3A_31 = arith.cmpi ne, %convert_element_type3A_29, %cond3A_30 : i32
    scf.if %cond3A_31 {
      %get3A = arith.constant 0 : i32
      %get3A_58 = arith.index_cast %get3A : i32 to index
      %get3A_59 = arith.constant 0 : index
      %get3A_60 = tpu.vector_load %arg6[%get3A_58, %get3A_59] {strides = array<i32>} : memref<160x64xi32, #tpu.memory_space<vmem>>, vector<1x16xi32>,
      %get3A_61 = vector.shape_cast %get3A_60 : vector<1x16xi32> to vector<16xi32>
      %and3A = arith.constant 65535 : i32
      %and3A_62 = vector.broadcast %and3A : i32 to vector<16xi32>
      %and3A_63 = arith.andi %get3A_61, %and3A_62 : vector<16xi32>
      %swap3A = arith.constant 0 : index
      %swap3A_64 = tpu.vector_load %arg7[%swap3A] {strides = array<i32>} : memref<64xi32, #tpu.memory_space<vmem>>, vector<16xi32>,
      %swap3A_65 = vector.shape_cast %swap3A_64 : vector<16xi32> to vector<16xi32>
      %swap3A_66 = vector.shape_cast %and3A_63 : vector<16xi32> to vector<16xi32>
      tpu.vector_store %arg7[%swap3A], %swap3A_66 {strides = array<i32>} : memref<64xi32, #tpu.memory_space<vmem>>, vector<16xi32>,
      %get3A_67 = arith.constant 0 : i32
      %get3A_68 = arith.index_cast %get3A_67 : i32 to index
      %get3A_69 = arith.constant 16 : index
      %get3A_70 = tpu.vector_load %arg6[%get3A_68, %get3A_69] {strides = array<i32>} : memref<160x64xi32, #tpu.memory_space<vmem>>, vector<1x16xi32>,
      %get3A_71 = vector.shape_cast %get3A_70 : vector<1x16xi32> to vector<16xi32>
      %and3A_72 = arith.constant 65535 : i32
      %and3A_73 = vector.broadcast %and3A_72 : i32 to vector<16xi32>
      %and3A_74 = arith.andi %get3A_71, %and3A_73 : vector<16xi32>
      %swap3A_75 = arith.constant 16 : index
      %swap3A_76 = tpu.vector_load %arg7[%swap3A_75] {strides = array<i32>} : memref<64xi32, #tpu.memory_space<vmem>>, vector<16xi32>,
      %swap3A_77 = vector.shape_cast %swap3A_76 : vector<16xi32> to vector<16xi32>
      %swap3A_78 = vector.shape_cast %and3A_74 : vector<16xi32> to vector<16xi32>
      tpu.vector_store %arg7[%swap3A_75], %swap3A_78 {strides = array<i32>} : memref<64xi32, #tpu.memory_space<vmem>>, vector<16xi32>,
      %get3A_79 = arith.constant 0 : i32
      %get3A_80 = arith.index_cast %get3A_79 : i32 to index
      %get3A_81 = arith.constant 32 : index
      %get3A_82 = tpu.vector_load %arg6[%get3A_80, %get3A_81] {strides = array<i32>} : memref<160x64xi32, #tpu.memory_space<vmem>>, vector<1x16xi32>,
      %get3A_83 = vector.shape_cast %get3A_82 : vector<1x16xi32> to vector<16xi32>
      %and3A_84 = arith.constant 65535 : i32
      %and3A_85 = vector.broadcast %and3A_84 : i32 to vector<16xi32>
      %and3A_86 = arith.andi %get3A_83, %and3A_85 : vector<16xi32>
      %swap3A_87 = arith.constant 32 : index
      %swap3A_88 = tpu.vector_load %arg7[%swap3A_87] {strides = array<i32>} : memref<64xi32, #tpu.memory_space<vmem>>, vector<16xi32>,
      %swap3A_89 = vector.shape_cast %swap3A_88 : vector<16xi32> to vector<16xi32>
      %swap3A_90 = vector.shape_cast %and3A_86 : vector<16xi32> to vector<16xi32>
      tpu.vector_store %arg7[%swap3A_87], %swap3A_90 {strides = array<i32>} : memref<64xi32, #tpu.memory_space<vmem>>, vector<16xi32>,
      %get3A_91 = arith.constant 0 : i32
      %get3A_92 = arith.index_cast %get3A_91 : i32 to index
      %get3A_93 = arith.constant 48 : index
      %get3A_94 = tpu.vector_load %arg6[%get3A_92, %get3A_93] {strides = array<i32>} : memref<160x64xi32, #tpu.memory_space<vmem>>, vector<1x16xi32>,
      %get3A_95 = vector.shape_cast %get3A_94 : vector<1x16xi32> to vector<16xi32>
      %and3A_96 = arith.constant 65535 : i32
      %and3A_97 = vector.broadcast %and3A_96 : i32 to vector<16xi32>
      %and3A_98 = arith.andi %get3A_95, %and3A_97 : vector<16xi32>
      %swap3A_99 = arith.constant 48 : index
      %swap3A_100 = tpu.vector_load %arg7[%swap3A_99] {strides = array<i32>} : memref<64xi32, #tpu.memory_space<vmem>>, vector<16xi32>,
      %swap3A_101 = vector.shape_cast %swap3A_100 : vector<16xi32> to vector<16xi32>
      %swap3A_102 = vector.shape_cast %and3A_98 : vector<16xi32> to vector<16xi32>
      tpu.vector_store %arg7[%swap3A_99], %swap3A_102 {strides = array<i32>} : memref<64xi32, #tpu.memory_space<vmem>>, vector<16xi32>,
      %get3A_103 = arith.constant 0 : i32
      %get3A_104 = arith.index_cast %get3A_103 : i32 to index
      %get3A_105 = arith.constant 0 : index
      %get3A_106 = tpu.vector_load %arg6[%get3A_104, %get3A_105] {strides = array<i32>} : memref<160x64xi32, #tpu.memory_space<vmem>>, vector<1x16xi32>,
      %get3A_107 = vector.shape_cast %get3A_106 : vector<1x16xi32> to vector<16xi32>
      %shift_right_logical3A = arith.constant 16 : i32
      %shift_right_logical3A_108 = vector.broadcast %shift_right_logical3A : i32 to vector<16xi32>
      %shift_right_logical3A_109 = arith.shrui %get3A_107, %shift_right_logical3A_108 : vector<16xi32>
      %swap3A_110 = arith.constant 0 : index
      %swap3A_111 = tpu.vector_load %arg9[%swap3A_110] {strides = array<i32>} : memref<64xi32, #tpu.memory_space<vmem>>, vector<16xi32>,
      %swap3A_112 = vector.shape_cast %swap3A_111 : vector<16xi32> to vector<16xi32>
      %swap3A_113 = vector.shape_cast %shift_right_logical3A_109 : vector<16xi32> to vector<16xi32>
      tpu.vector_store %arg9[%swap3A_110], %swap3A_113 {strides = array<i32>} : memref<64xi32, #tpu.memory_space<vmem>>, vector<16xi32>,
      %get3A_114 = arith.constant 0 : i32
      %get3A_115 = arith.index_cast %get3A_114 : i32 to index
      %get3A_116 = arith.constant 16 : index
      %get3A_117 = tpu.vector_load %arg6[%get3A_115, %get3A_116] {strides = array<i32>} : memref<160x64xi32, #tpu.memory_space<vmem>>, vector<1x16xi32>,
      %get3A_118 = vector.shape_cast %get3A_117 : vector<1x16xi32> to vector<16xi32>
      %shift_right_logical3A_119 = arith.constant 16 : i32
      %shift_right_logical3A_120 = vector.broadcast %shift_right_logical3A_119 : i32 to vector<16xi32>
      %shift_right_logical3A_121 = arith.shrui %get3A_118, %shift_right_logical3A_120 : vector<16xi32>
      %swap3A_122 = arith.constant 16 : index
      %swap3A_123 = tpu.vector_load %arg9[%swap3A_122] {strides = array<i32>} : memref<64xi32, #tpu.memory_space<vmem>>, vector<16xi32>,
      %swap3A_124 = vector.shape_cast %swap3A_123 : vector<16xi32> to vector<16xi32>
      %swap3A_125 = vector.shape_cast %shift_right_logical3A_121 : vector<16xi32> to vector<16xi32>
      tpu.vector_store %arg9[%swap3A_122], %swap3A_125 {strides = array<i32>} : memref<64xi32, #tpu.memory_space<vmem>>, vector<16xi32>,
      %get3A_126 = arith.constant 0 : i32
      %get3A_127 = arith.index_cast %get3A_126 : i32 to index
      %get3A_128 = arith.constant 32 : index
      %get3A_129 = tpu.vector_load %arg6[%get3A_127, %get3A_128] {strides = array<i32>} : memref<160x64xi32, #tpu.memory_space<vmem>>, vector<1x16xi32>,
      %get3A_130 = vector.shape_cast %get3A_129 : vector<1x16xi32> to vector<16xi32>
      %shift_right_logical3A_131 = arith.constant 16 : i32
      %shift_right_logical3A_132 = vector.broadcast %shift_right_logical3A_131 : i32 to vector<16xi32>
      %shift_right_logical3A_133 = arith.shrui %get3A_130, %shift_right_logical3A_132 : vector<16xi32>
      %swap3A_134 = arith.constant 32 : index
      %swap3A_135 = tpu.vector_load %arg9[%swap3A_134] {strides = array<i32>} : memref<64xi32, #tpu.memory_space<vmem>>, vector<16xi32>,
      %swap3A_136 = vector.shape_cast %swap3A_135 : vector<16xi32> to vector<16xi32>
      %swap3A_137 = vector.shape_cast %shift_right_logical3A_133 : vector<16xi32> to vector<16xi32>
      tpu.vector_store %arg9[%swap3A_134], %swap3A_137 {strides = array<i32>} : memref<64xi32, #tpu.memory_space<vmem>>, vector<16xi32>,
      %get3A_138 = arith.constant 0 : i32
      %get3A_139 = arith.index_cast %get3A_138 : i32 to index
      %get3A_140 = arith.constant 48 : index
      %get3A_141 = tpu.vector_load %arg6[%get3A_139, %get3A_140] {strides = array<i32>} : memref<160x64xi32, #tpu.memory_space<vmem>>, vector<1x16xi32>,
      %get3A_142 = vector.shape_cast %get3A_141 : vector<1x16xi32> to vector<16xi32>
      %shift_right_logical3A_143 = arith.constant 16 : i32
      %shift_right_logical3A_144 = vector.broadcast %shift_right_logical3A_143 : i32 to vector<16xi32>
      %shift_right_logical3A_145 = arith.shrui %get3A_142, %shift_right_logical3A_144 : vector<16xi32>
      %swap3A_146 = arith.constant 48 : index
      %swap3A_147 = tpu.vector_load %arg9[%swap3A_146] {strides = array<i32>} : memref<64xi32, #tpu.memory_space<vmem>>, vector<16xi32>,
      %swap3A_148 = vector.shape_cast %swap3A_147 : vector<16xi32> to vector<16xi32>
      %swap3A_149 = vector.shape_cast %shift_right_logical3A_145 : vector<16xi32> to vector<16xi32>
      tpu.vector_store %arg9[%swap3A_146], %swap3A_149 {strides = array<i32>} : memref<64xi32, #tpu.memory_space<vmem>>, vector<16xi32>,
      %dma_start3A = arith.constant 0 : i32
      %dma_start3A_150 = arith.constant 0 : i32
      %dma_start3A_151 = tpu.memref_slice %arg2[%dma_start3A, %dma_start3A_150] : memref<10240x128xf32, #tpu.memory_space<hbm>> -> memref<10240x128xf32, #tpu.memory_space<hbm>>
      tpu.enqueue_indirect_dma source(%dma_start3A_151 : memref<10240x128xf32, #tpu.memory_space<hbm>>) target(%arg11 : memref<64x128xf32, #tpu.memory_space<vmem>>) offsets(%arg7 : memref<64xi32, #tpu.memory_space<vmem>>) semaphore(%arg14 : memref<!tpu.dma_semaphore, #tpu.memory_space<semaphore_mem>>)
      %scan3A = arith.constant 0 : i32
      %scan3A_152 = arith.constant 0 : i32
      %scan3A_153 = arith.constant 80 : i32
      %scan3A_154 = arith.addi %scan3A_152, %scan3A_153 : i32
      %scan3A_155 = arith.constant 1 : i32
      scf.for %scan3A_157 = %scan3A_152 to %scan3A_154 step %scan3A_155  : i32 {
        %mul3A_158 = arith.constant 2 : i32
        %mul3A_159 = arith.muli %mul3A_158, %scan3A_157 : i32
        %add3A_160 = arith.constant 1 : i32
        %add3A_161 = arith.addi %mul3A_159, %add3A_160 : i32
        %get3A_162 = arith.index_cast %add3A_161 : i32 to index
        %get3A_163 = arith.constant 0 : index
        %get3A_164 = tpu.vector_load %arg6[%get3A_162, %get3A_163] {strides = array<i32>} : memref<160x64xi32, #tpu.memory_space<vmem>>, vector<1x16xi32>,
        %get3A_165 = vector.shape_cast %get3A_164 : vector<1x16xi32> to vector<16xi32>
        %and3A_166 = arith.constant 65535 : i32
        %and3A_167 = vector.broadcast %and3A_166 : i32 to vector<16xi32>
        %and3A_168 = arith.andi %get3A_165, %and3A_167 : vector<16xi32>
        %swap3A_169 = arith.constant 0 : index
        %swap3A_170 = tpu.vector_load %arg8[%swap3A_169] {strides = array<i32>} : memref<64xi32, #tpu.memory_space<vmem>>, vector<16xi32>,
        %swap3A_171 = vector.shape_cast %swap3A_170 : vector<16xi32> to vector<16xi32>
        %swap3A_172 = vector.shape_cast %and3A_168 : vector<16xi32> to vector<16xi32>
        tpu.vector_store %arg8[%swap3A_169], %swap3A_172 {strides = array<i32>} : memref<64xi32, #tpu.memory_space<vmem>>, vector<16xi32>,
        %get3A_173 = arith.index_cast %add3A_161 : i32 to index
        %get3A_174 = arith.constant 16 : index
        %get3A_175 = tpu.vector_load %arg6[%get3A_173, %get3A_174] {strides = array<i32>} : memref<160x64xi32, #tpu.memory_space<vmem>>, vector<1x16xi32>,
        %get3A_176 = vector.shape_cast %get3A_175 : vector<1x16xi32> to vector<16xi32>
        %and3A_177 = arith.constant 65535 : i32
        %and3A_178 = vector.broadcast %and3A_177 : i32 to vector<16xi32>
        %and3A_179 = arith.andi %get3A_176, %and3A_178 : vector<16xi32>
        %swap3A_180 = arith.constant 16 : index
        %swap3A_181 = tpu.vector_load %arg8[%swap3A_180] {strides = array<i32>} : memref<64xi32, #tpu.memory_space<vmem>>, vector<16xi32>,
        %swap3A_182 = vector.shape_cast %swap3A_181 : vector<16xi32> to vector<16xi32>
        %swap3A_183 = vector.shape_cast %and3A_179 : vector<16xi32> to vector<16xi32>
        tpu.vector_store %arg8[%swap3A_180], %swap3A_183 {strides = array<i32>} : memref<64xi32, #tpu.memory_space<vmem>>, vector<16xi32>,
        %get3A_184 = arith.index_cast %add3A_161 : i32 to index
        %get3A_185 = arith.constant 32 : index
        %get3A_186 = tpu.vector_load %arg6[%get3A_184, %get3A_185] {strides = array<i32>} : memref<160x64xi32, #tpu.memory_space<vmem>>, vector<1x16xi32>,
        %get3A_187 = vector.shape_cast %get3A_186 : vector<1x16xi32> to vector<16xi32>
        %and3A_188 = arith.constant 65535 : i32
        %and3A_189 = vector.broadcast %and3A_188 : i32 to vector<16xi32>
        %and3A_190 = arith.andi %get3A_187, %and3A_189 : vector<16xi32>
        %swap3A_191 = arith.constant 32 : index
        %swap3A_192 = tpu.vector_load %arg8[%swap3A_191] {strides = array<i32>} : memref<64xi32, #tpu.memory_space<vmem>>, vector<16xi32>,
        %swap3A_193 = vector.shape_cast %swap3A_192 : vector<16xi32> to vector<16xi32>
        %swap3A_194 = vector.shape_cast %and3A_190 : vector<16xi32> to vector<16xi32>
        tpu.vector_store %arg8[%swap3A_191], %swap3A_194 {strides = array<i32>} : memref<64xi32, #tpu.memory_space<vmem>>, vector<16xi32>,
        %get3A_195 = arith.index_cast %add3A_161 : i32 to index
        %get3A_196 = arith.constant 48 : index
        %get3A_197 = tpu.vector_load %arg6[%get3A_195, %get3A_196] {strides = array<i32>} : memref<160x64xi32, #tpu.memory_space<vmem>>, vector<1x16xi32>,
        %get3A_198 = vector.shape_cast %get3A_197 : vector<1x16xi32> to vector<16xi32>
        %and3A_199 = arith.constant 65535 : i32
        %and3A_200 = vector.broadcast %and3A_199 : i32 to vector<16xi32>
        %and3A_201 = arith.andi %get3A_198, %and3A_200 : vector<16xi32>
        %swap3A_202 = arith.constant 48 : index
        %swap3A_203 = tpu.vector_load %arg8[%swap3A_202] {strides = array<i32>} : memref<64xi32, #tpu.memory_space<vmem>>, vector<16xi32>,
        %swap3A_204 = vector.shape_cast %swap3A_203 : vector<16xi32> to vector<16xi32>
        %swap3A_205 = vector.shape_cast %and3A_201 : vector<16xi32> to vector<16xi32>
        tpu.vector_store %arg8[%swap3A_202], %swap3A_205 {strides = array<i32>} : memref<64xi32, #tpu.memory_space<vmem>>, vector<16xi32>,
        %get3A_206 = arith.index_cast %add3A_161 : i32 to index
        %get3A_207 = arith.constant 0 : index
        %get3A_208 = tpu.vector_load %arg6[%get3A_206, %get3A_207] {strides = array<i32>} : memref<160x64xi32, #tpu.memory_space<vmem>>, vector<1x16xi32>,
        %get3A_209 = vector.shape_cast %get3A_208 : vector<1x16xi32> to vector<16xi32>
        %shift_right_logical3A_210 = arith.constant 16 : i32
        %shift_right_logical3A_211 = vector.broadcast %shift_right_logical3A_210 : i32 to vector<16xi32>
        %shift_right_logical3A_212 = arith.shrui %get3A_209, %shift_right_logical3A_211 : vector<16xi32>
        %swap3A_213 = arith.constant 0 : index
        %swap3A_214 = tpu.vector_load %arg10[%swap3A_213] {strides = array<i32>} : memref<64xi32, #tpu.memory_space<vmem>>, vector<16xi32>,
        %swap3A_215 = vector.shape_cast %swap3A_214 : vector<16xi32> to vector<16xi32>
        %swap3A_216 = vector.shape_cast %shift_right_logical3A_212 : vector<16xi32> to vector<16xi32>
        tpu.vector_store %arg10[%swap3A_213], %swap3A_216 {strides = array<i32>} : memref<64xi32, #tpu.memory_space<vmem>>, vector<16xi32>,
        %get3A_217 = arith.index_cast %add3A_161 : i32 to index
        %get3A_218 = arith.constant 16 : index
        %get3A_219 = tpu.vector_load %arg6[%get3A_217, %get3A_218] {strides = array<i32>} : memref<160x64xi32, #tpu.memory_space<vmem>>, vector<1x16xi32>,
        %get3A_220 = vector.shape_cast %get3A_219 : vector<1x16xi32> to vector<16xi32>
        %shift_right_logical3A_221 = arith.constant 16 : i32
        %shift_right_logical3A_222 = vector.broadcast %shift_right_logical3A_221 : i32 to vector<16xi32>
        %shift_right_logical3A_223 = arith.shrui %get3A_220, %shift_right_logical3A_222 : vector<16xi32>
        %swap3A_224 = arith.constant 16 : index
        %swap3A_225 = tpu.vector_load %arg10[%swap3A_224] {strides = array<i32>} : memref<64xi32, #tpu.memory_space<vmem>>, vector<16xi32>,
        %swap3A_226 = vector.shape_cast %swap3A_225 : vector<16xi32> to vector<16xi32>
        %swap3A_227 = vector.shape_cast %shift_right_logical3A_223 : vector<16xi32> to vector<16xi32>
        tpu.vector_store %arg10[%swap3A_224], %swap3A_227 {strides = array<i32>} : memref<64xi32, #tpu.memory_space<vmem>>, vector<16xi32>,
        %get3A_228 = arith.index_cast %add3A_161 : i32 to index
        %get3A_229 = arith.constant 32 : index
        %get3A_230 = tpu.vector_load %arg6[%get3A_228, %get3A_229] {strides = array<i32>} : memref<160x64xi32, #tpu.memory_space<vmem>>, vector<1x16xi32>,
        %get3A_231 = vector.shape_cast %get3A_230 : vector<1x16xi32> to vector<16xi32>
        %shift_right_logical3A_232 = arith.constant 16 : i32
        %shift_right_logical3A_233 = vector.broadcast %shift_right_logical3A_232 : i32 to vector<16xi32>
        %shift_right_logical3A_234 = arith.shrui %get3A_231, %shift_right_logical3A_233 : vector<16xi32>
        %swap3A_235 = arith.constant 32 : index
        %swap3A_236 = tpu.vector_load %arg10[%swap3A_235] {strides = array<i32>} : memref<64xi32, #tpu.memory_space<vmem>>, vector<16xi32>,
        %swap3A_237 = vector.shape_cast %swap3A_236 : vector<16xi32> to vector<16xi32>
        %swap3A_238 = vector.shape_cast %shift_right_logical3A_234 : vector<16xi32> to vector<16xi32>
        tpu.vector_store %arg10[%swap3A_235], %swap3A_238 {strides = array<i32>} : memref<64xi32, #tpu.memory_space<vmem>>, vector<16xi32>,
        %get3A_239 = arith.index_cast %add3A_161 : i32 to index
        %get3A_240 = arith.constant 48 : index
        %get3A_241 = tpu.vector_load %arg6[%get3A_239, %get3A_240] {strides = array<i32>} : memref<160x64xi32, #tpu.memory_space<vmem>>, vector<1x16xi32>,
        %get3A_242 = vector.shape_cast %get3A_241 : vector<1x16xi32> to vector<16xi32>
        %shift_right_logical3A_243 = arith.constant 16 : i32
        %shift_right_logical3A_244 = vector.broadcast %shift_right_logical3A_243 : i32 to vector<16xi32>
        %shift_right_logical3A_245 = arith.shrui %get3A_242, %shift_right_logical3A_244 : vector<16xi32>
        %swap3A_246 = arith.constant 48 : index
        %swap3A_247 = tpu.vector_load %arg10[%swap3A_246] {strides = array<i32>} : memref<64xi32, #tpu.memory_space<vmem>>, vector<16xi32>,
        %swap3A_248 = vector.shape_cast %swap3A_247 : vector<16xi32> to vector<16xi32>
        %swap3A_249 = vector.shape_cast %shift_right_logical3A_245 : vector<16xi32> to vector<16xi32>
        tpu.vector_store %arg10[%swap3A_246], %swap3A_249 {strides = array<i32>} : memref<64xi32, #tpu.memory_space<vmem>>, vector<16xi32>,
        %dma_start3A_250 = arith.constant 0 : i32
        %dma_start3A_251 = arith.constant 0 : i32
        %dma_start3A_252 = tpu.memref_slice %arg2[%dma_start3A_250, %dma_start3A_251] : memref<10240x128xf32, #tpu.memory_space<hbm>> -> memref<10240x128xf32, #tpu.memory_space<hbm>>
        tpu.enqueue_indirect_dma source(%dma_start3A_252 : memref<10240x128xf32, #tpu.memory_space<hbm>>) target(%arg12 : memref<64x128xf32, #tpu.memory_space<vmem>>) offsets(%arg8 : memref<64xi32, #tpu.memory_space<vmem>>) semaphore(%arg15 : memref<!tpu.dma_semaphore, #tpu.memory_space<semaphore_mem>>)
        %dma_wait3A = arith.constant 0 : i32
        %dma_wait3A_253 = arith.constant 0 : i32
        %dma_wait3A_254 = tpu.memref_slice %arg2[%dma_wait3A, %dma_wait3A_253] : memref<10240x128xf32, #tpu.memory_space<hbm>> -> memref<10240x128xf32, #tpu.memory_space<hbm>>
        tpu.wait_indirect_dma semaphore(%arg14 : memref<!tpu.dma_semaphore, #tpu.memory_space<semaphore_mem>>) src(%dma_wait3A_254 : memref<10240x128xf32, #tpu.memory_space<hbm>>) dst(%arg11 : memref<64x128xf32, #tpu.memory_space<vmem>>)
        "tpu.region"() ({
          %run_scoped3A = tpu.sem_alloc : memref<!tpu.dma_semaphore, #tpu.memory_space<semaphore_mem>>
          %dma_start3A_262 = arith.constant 0 : i32
          %dma_start3A_263 = arith.constant 0 : i32
          %dma_start3A_264 = tpu.memref_slice %arg13[%dma_start3A_262, %dma_start3A_263] : memref<10240x128xf32, #tpu.memory_space<vmem_shared>> -> memref<10240x128xf32, #tpu.memory_space<vmem_shared>>
          tpu.enqueue_indirect_dma source(%arg11 : memref<64x128xf32, #tpu.memory_space<vmem>>) target(%dma_start3A_264 : memref<10240x128xf32, #tpu.memory_space<vmem_shared>>) offsets(%arg9 : memref<64xi32, #tpu.memory_space<vmem>>) semaphore(%run_scoped3A : memref<!tpu.dma_semaphore, #tpu.memory_space<semaphore_mem>>) {add = true}
          %dma_wait3A_265 = arith.constant 0 : i32
          %dma_wait3A_266 = arith.constant 0 : i32
          %dma_wait3A_267 = tpu.memref_slice %arg13[%dma_wait3A_265, %dma_wait3A_266] : memref<10240x128xf32, #tpu.memory_space<vmem_shared>> -> memref<10240x128xf32, #tpu.memory_space<vmem_shared>>
          tpu.wait_indirect_dma semaphore(%run_scoped3A : memref<!tpu.dma_semaphore, #tpu.memory_space<semaphore_mem>>) src(%arg11 : memref<64x128xf32, #tpu.memory_space<vmem>>) dst(%dma_wait3A_267 : memref<10240x128xf32, #tpu.memory_space<vmem_shared>>)
          tpu.yield
        }) : () -> ()
        %lt3A = arith.constant 79 : i32
        %lt3A_255 = arith.cmpi slt, %scan3A_157, %lt3A : i32
        %convert_element_type3A_256 = arith.extui %lt3A_255 : i1 to i32
        %cond3A_257 = arith.constant 0 : i32
        %cond3A_258 = arith.cmpi ne, %convert_element_type3A_256, %cond3A_257 : i32
        scf.if %cond3A_258 {
          %add3A_262 = arith.constant 2 : i32
          %add3A_263 = arith.addi %mul3A_159, %add3A_262 : i32
          %get3A_264 = arith.index_cast %add3A_263 : i32 to index
          %get3A_265 = arith.constant 0 : index
          %get3A_266 = tpu.vector_load %arg6[%get3A_264, %get3A_265] {strides = array<i32>} : memref<160x64xi32, #tpu.memory_space<vmem>>, vector<1x16xi32>,
          %get3A_267 = vector.shape_cast %get3A_266 : vector<1x16xi32> to vector<16xi32>
          %and3A_268 = arith.constant 65535 : i32
          %and3A_269 = vector.broadcast %and3A_268 : i32 to vector<16xi32>
          %and3A_270 = arith.andi %get3A_267, %and3A_269 : vector<16xi32>
          %swap3A_271 = arith.constant 0 : index
          %swap3A_272 = tpu.vector_load %arg7[%swap3A_271] {strides = array<i32>} : memref<64xi32, #tpu.memory_space<vmem>>, vector<16xi32>,
          %swap3A_273 = vector.shape_cast %swap3A_272 : vector<16xi32> to vector<16xi32>
          %swap3A_274 = vector.shape_cast %and3A_270 : vector<16xi32> to vector<16xi32>
          tpu.vector_store %arg7[%swap3A_271], %swap3A_274 {strides = array<i32>} : memref<64xi32, #tpu.memory_space<vmem>>, vector<16xi32>,
          %get3A_275 = arith.index_cast %add3A_263 : i32 to index
          %get3A_276 = arith.constant 16 : index
          %get3A_277 = tpu.vector_load %arg6[%get3A_275, %get3A_276] {strides = array<i32>} : memref<160x64xi32, #tpu.memory_space<vmem>>, vector<1x16xi32>,
          %get3A_278 = vector.shape_cast %get3A_277 : vector<1x16xi32> to vector<16xi32>
          %and3A_279 = arith.constant 65535 : i32
          %and3A_280 = vector.broadcast %and3A_279 : i32 to vector<16xi32>
          %and3A_281 = arith.andi %get3A_278, %and3A_280 : vector<16xi32>
          %swap3A_282 = arith.constant 16 : index
          %swap3A_283 = tpu.vector_load %arg7[%swap3A_282] {strides = array<i32>} : memref<64xi32, #tpu.memory_space<vmem>>, vector<16xi32>,
          %swap3A_284 = vector.shape_cast %swap3A_283 : vector<16xi32> to vector<16xi32>
          %swap3A_285 = vector.shape_cast %and3A_281 : vector<16xi32> to vector<16xi32>
          tpu.vector_store %arg7[%swap3A_282], %swap3A_285 {strides = array<i32>} : memref<64xi32, #tpu.memory_space<vmem>>, vector<16xi32>,
          %get3A_286 = arith.index_cast %add3A_263 : i32 to index
          %get3A_287 = arith.constant 32 : index
          %get3A_288 = tpu.vector_load %arg6[%get3A_286, %get3A_287] {strides = array<i32>} : memref<160x64xi32, #tpu.memory_space<vmem>>, vector<1x16xi32>,
          %get3A_289 = vector.shape_cast %get3A_288 : vector<1x16xi32> to vector<16xi32>
          %and3A_290 = arith.constant 65535 : i32
          %and3A_291 = vector.broadcast %and3A_290 : i32 to vector<16xi32>
          %and3A_292 = arith.andi %get3A_289, %and3A_291 : vector<16xi32>
          %swap3A_293 = arith.constant 32 : index
          %swap3A_294 = tpu.vector_load %arg7[%swap3A_293] {strides = array<i32>} : memref<64xi32, #tpu.memory_space<vmem>>, vector<16xi32>,
          %swap3A_295 = vector.shape_cast %swap3A_294 : vector<16xi32> to vector<16xi32>
          %swap3A_296 = vector.shape_cast %and3A_292 : vector<16xi32> to vector<16xi32>
          tpu.vector_store %arg7[%swap3A_293], %swap3A_296 {strides = array<i32>} : memref<64xi32, #tpu.memory_space<vmem>>, vector<16xi32>,
          %get3A_297 = arith.index_cast %add3A_263 : i32 to index
          %get3A_298 = arith.constant 48 : index
          %get3A_299 = tpu.vector_load %arg6[%get3A_297, %get3A_298] {strides = array<i32>} : memref<160x64xi32, #tpu.memory_space<vmem>>, vector<1x16xi32>,
          %get3A_300 = vector.shape_cast %get3A_299 : vector<1x16xi32> to vector<16xi32>
          %and3A_301 = arith.constant 65535 : i32
          %and3A_302 = vector.broadcast %and3A_301 : i32 to vector<16xi32>
          %and3A_303 = arith.andi %get3A_300, %and3A_302 : vector<16xi32>
          %swap3A_304 = arith.constant 48 : index
          %swap3A_305 = tpu.vector_load %arg7[%swap3A_304] {strides = array<i32>} : memref<64xi32, #tpu.memory_space<vmem>>, vector<16xi32>,
          %swap3A_306 = vector.shape_cast %swap3A_305 : vector<16xi32> to vector<16xi32>
          %swap3A_307 = vector.shape_cast %and3A_303 : vector<16xi32> to vector<16xi32>
          tpu.vector_store %arg7[%swap3A_304], %swap3A_307 {strides = array<i32>} : memref<64xi32, #tpu.memory_space<vmem>>, vector<16xi32>,
          %get3A_308 = arith.index_cast %add3A_263 : i32 to index
          %get3A_309 = arith.constant 0 : index
          %get3A_310 = tpu.vector_load %arg6[%get3A_308, %get3A_309] {strides = array<i32>} : memref<160x64xi32, #tpu.memory_space<vmem>>, vector<1x16xi32>,
          %get3A_311 = vector.shape_cast %get3A_310 : vector<1x16xi32> to vector<16xi32>
          %shift_right_logical3A_312 = arith.constant 16 : i32
          %shift_right_logical3A_313 = vector.broadcast %shift_right_logical3A_312 : i32 to vector<16xi32>
          %shift_right_logical3A_314 = arith.shrui %get3A_311, %shift_right_logical3A_313 : vector<16xi32>
          %swap3A_315 = arith.constant 0 : index
          %swap3A_316 = tpu.vector_load %arg9[%swap3A_315] {strides = array<i32>} : memref<64xi32, #tpu.memory_space<vmem>>, vector<16xi32>,
          %swap3A_317 = vector.shape_cast %swap3A_316 : vector<16xi32> to vector<16xi32>
          %swap3A_318 = vector.shape_cast %shift_right_logical3A_314 : vector<16xi32> to vector<16xi32>
          tpu.vector_store %arg9[%swap3A_315], %swap3A_318 {strides = array<i32>} : memref<64xi32, #tpu.memory_space<vmem>>, vector<16xi32>,
          %get3A_319 = arith.index_cast %add3A_263 : i32 to index
          %get3A_320 = arith.constant 16 : index
          %get3A_321 = tpu.vector_load %arg6[%get3A_319, %get3A_320] {strides = array<i32>} : memref<160x64xi32, #tpu.memory_space<vmem>>, vector<1x16xi32>,
          %get3A_322 = vector.shape_cast %get3A_321 : vector<1x16xi32> to vector<16xi32>
          %shift_right_logical3A_323 = arith.constant 16 : i32
          %shift_right_logical3A_324 = vector.broadcast %shift_right_logical3A_323 : i32 to vector<16xi32>
          %shift_right_logical3A_325 = arith.shrui %get3A_322, %shift_right_logical3A_324 : vector<16xi32>
          %swap3A_326 = arith.constant 16 : index
          %swap3A_327 = tpu.vector_load %arg9[%swap3A_326] {strides = array<i32>} : memref<64xi32, #tpu.memory_space<vmem>>, vector<16xi32>,
          %swap3A_328 = vector.shape_cast %swap3A_327 : vector<16xi32> to vector<16xi32>
          %swap3A_329 = vector.shape_cast %shift_right_logical3A_325 : vector<16xi32> to vector<16xi32>
          tpu.vector_store %arg9[%swap3A_326], %swap3A_329 {strides = array<i32>} : memref<64xi32, #tpu.memory_space<vmem>>, vector<16xi32>,
          %get3A_330 = arith.index_cast %add3A_263 : i32 to index
          %get3A_331 = arith.constant 32 : index
          %get3A_332 = tpu.vector_load %arg6[%get3A_330, %get3A_331] {strides = array<i32>} : memref<160x64xi32, #tpu.memory_space<vmem>>, vector<1x16xi32>,
          %get3A_333 = vector.shape_cast %get3A_332 : vector<1x16xi32> to vector<16xi32>
          %shift_right_logical3A_334 = arith.constant 16 : i32
          %shift_right_logical3A_335 = vector.broadcast %shift_right_logical3A_334 : i32 to vector<16xi32>
          %shift_right_logical3A_336 = arith.shrui %get3A_333, %shift_right_logical3A_335 : vector<16xi32>
          %swap3A_337 = arith.constant 32 : index
          %swap3A_338 = tpu.vector_load %arg9[%swap3A_337] {strides = array<i32>} : memref<64xi32, #tpu.memory_space<vmem>>, vector<16xi32>,
          %swap3A_339 = vector.shape_cast %swap3A_338 : vector<16xi32> to vector<16xi32>
          %swap3A_340 = vector.shape_cast %shift_right_logical3A_336 : vector<16xi32> to vector<16xi32>
          tpu.vector_store %arg9[%swap3A_337], %swap3A_340 {strides = array<i32>} : memref<64xi32, #tpu.memory_space<vmem>>, vector<16xi32>,
          %get3A_341 = arith.index_cast %add3A_263 : i32 to index
          %get3A_342 = arith.constant 48 : index
          %get3A_343 = tpu.vector_load %arg6[%get3A_341, %get3A_342] {strides = array<i32>} : memref<160x64xi32, #tpu.memory_space<vmem>>, vector<1x16xi32>,
          %get3A_344 = vector.shape_cast %get3A_343 : vector<1x16xi32> to vector<16xi32>
          %shift_right_logical3A_345 = arith.constant 16 : i32
          %shift_right_logical3A_346 = vector.broadcast %shift_right_logical3A_345 : i32 to vector<16xi32>
          %shift_right_logical3A_347 = arith.shrui %get3A_344, %shift_right_logical3A_346 : vector<16xi32>
          %swap3A_348 = arith.constant 48 : index
          %swap3A_349 = tpu.vector_load %arg9[%swap3A_348] {strides = array<i32>} : memref<64xi32, #tpu.memory_space<vmem>>, vector<16xi32>,
          %swap3A_350 = vector.shape_cast %swap3A_349 : vector<16xi32> to vector<16xi32>
          %swap3A_351 = vector.shape_cast %shift_right_logical3A_347 : vector<16xi32> to vector<16xi32>
          tpu.vector_store %arg9[%swap3A_348], %swap3A_351 {strides = array<i32>} : memref<64xi32, #tpu.memory_space<vmem>>, vector<16xi32>,
          %dma_start3A_352 = arith.constant 0 : i32
          %dma_start3A_353 = arith.constant 0 : i32
          %dma_start3A_354 = tpu.memref_slice %arg2[%dma_start3A_352, %dma_start3A_353] : memref<10240x128xf32, #tpu.memory_space<hbm>> -> memref<10240x128xf32, #tpu.memory_space<hbm>>
          tpu.enqueue_indirect_dma source(%dma_start3A_354 : memref<10240x128xf32, #tpu.memory_space<hbm>>) target(%arg11 : memref<64x128xf32, #tpu.memory_space<vmem>>) offsets(%arg7 : memref<64xi32, #tpu.memory_space<vmem>>) semaphore(%arg14 : memref<!tpu.dma_semaphore, #tpu.memory_space<semaphore_mem>>)
        } else {
        }
        %dma_wait3A_259 = arith.constant 0 : i32
        %dma_wait3A_260 = arith.constant 0 : i32
        %dma_wait3A_261 = tpu.memref_slice %arg2[%dma_wait3A_259, %dma_wait3A_260] : memref<10240x128xf32, #tpu.memory_space<hbm>> -> memref<10240x128xf32, #tpu.memory_space<hbm>>
        tpu.wait_indirect_dma semaphore(%arg15 : memref<!tpu.dma_semaphore, #tpu.memory_space<semaphore_mem>>) src(%dma_wait3A_261 : memref<10240x128xf32, #tpu.memory_space<hbm>>) dst(%arg12 : memref<64x128xf32, #tpu.memory_space<vmem>>)
        "tpu.region"() ({
          %run_scoped3A = tpu.sem_alloc : memref<!tpu.dma_semaphore, #tpu.memory_space<semaphore_mem>>
          %dma_start3A_262 = arith.constant 0 : i32
          %dma_start3A_263 = arith.constant 0 : i32
          %dma_start3A_264 = tpu.memref_slice %arg13[%dma_start3A_262, %dma_start3A_263] : memref<10240x128xf32, #tpu.memory_space<vmem_shared>> -> memref<10240x128xf32, #tpu.memory_space<vmem_shared>>
          tpu.enqueue_indirect_dma source(%arg12 : memref<64x128xf32, #tpu.memory_space<vmem>>) target(%dma_start3A_264 : memref<10240x128xf32, #tpu.memory_space<vmem_shared>>) offsets(%arg10 : memref<64xi32, #tpu.memory_space<vmem>>) semaphore(%run_scoped3A : memref<!tpu.dma_semaphore, #tpu.memory_space<semaphore_mem>>) {add = true}
          %dma_wait3A_265 = arith.constant 0 : i32
          %dma_wait3A_266 = arith.constant 0 : i32
          %dma_wait3A_267 = tpu.memref_slice %arg13[%dma_wait3A_265, %dma_wait3A_266] : memref<10240x128xf32, #tpu.memory_space<vmem_shared>> -> memref<10240x128xf32, #tpu.memory_space<vmem_shared>>
          tpu.wait_indirect_dma semaphore(%run_scoped3A : memref<!tpu.dma_semaphore, #tpu.memory_space<semaphore_mem>>) src(%arg12 : memref<64x128xf32, #tpu.memory_space<vmem>>) dst(%dma_wait3A_267 : memref<10240x128xf32, #tpu.memory_space<vmem_shared>>)
          tpu.yield
        }) : () -> ()
      }
      %scan3A_156 = arith.constant 80 : i32
    } else {
    }
    %eq3A_32 = arith.constant 1 : i32
    %eq3A_33 = arith.cmpi eq, %arg0, %eq3A_32 : i32
    %convert_element_type3A_34 = arith.extui %eq3A_33 : i1 to i32
    %cond3A_35 = arith.constant 0 : i32
    %cond3A_36 = arith.cmpi ne, %convert_element_type3A_34, %cond3A_35 : i32
    scf.if %cond3A_36 {
      %get3A = arith.constant 0 : i32
      %get3A_58 = arith.index_cast %get3A : i32 to index
      %get3A_59 = arith.constant 0 : index
      %get3A_60 = tpu.vector_load %arg6[%get3A_58, %get3A_59] {strides = array<i32>} : memref<160x64xi32, #tpu.memory_space<vmem>>, vector<1x16xi32>,
      %get3A_61 = vector.shape_cast %get3A_60 : vector<1x16xi32> to vector<16xi32>
      %and3A = arith.constant 65535 : i32
      %and3A_62 = vector.broadcast %and3A : i32 to vector<16xi32>
      %and3A_63 = arith.andi %get3A_61, %and3A_62 : vector<16xi32>
      %swap3A = arith.constant 0 : index
      %swap3A_64 = tpu.vector_load %arg7[%swap3A] {strides = array<i32>} : memref<64xi32, #tpu.memory_space<vmem>>, vector<16xi32>,
      %swap3A_65 = vector.shape_cast %swap3A_64 : vector<16xi32> to vector<16xi32>
      %swap3A_66 = vector.shape_cast %and3A_63 : vector<16xi32> to vector<16xi32>
      tpu.vector_store %arg7[%swap3A], %swap3A_66 {strides = array<i32>} : memref<64xi32, #tpu.memory_space<vmem>>, vector<16xi32>,
      %get3A_67 = arith.constant 0 : i32
      %get3A_68 = arith.index_cast %get3A_67 : i32 to index
      %get3A_69 = arith.constant 16 : index
      %get3A_70 = tpu.vector_load %arg6[%get3A_68, %get3A_69] {strides = array<i32>} : memref<160x64xi32, #tpu.memory_space<vmem>>, vector<1x16xi32>,
      %get3A_71 = vector.shape_cast %get3A_70 : vector<1x16xi32> to vector<16xi32>
      %and3A_72 = arith.constant 65535 : i32
      %and3A_73 = vector.broadcast %and3A_72 : i32 to vector<16xi32>
      %and3A_74 = arith.andi %get3A_71, %and3A_73 : vector<16xi32>
      %swap3A_75 = arith.constant 16 : index
      %swap3A_76 = tpu.vector_load %arg7[%swap3A_75] {strides = array<i32>} : memref<64xi32, #tpu.memory_space<vmem>>, vector<16xi32>,
      %swap3A_77 = vector.shape_cast %swap3A_76 : vector<16xi32> to vector<16xi32>
      %swap3A_78 = vector.shape_cast %and3A_74 : vector<16xi32> to vector<16xi32>
      tpu.vector_store %arg7[%swap3A_75], %swap3A_78 {strides = array<i32>} : memref<64xi32, #tpu.memory_space<vmem>>, vector<16xi32>,
      %get3A_79 = arith.constant 0 : i32
      %get3A_80 = arith.index_cast %get3A_79 : i32 to index
      %get3A_81 = arith.constant 32 : index
      %get3A_82 = tpu.vector_load %arg6[%get3A_80, %get3A_81] {strides = array<i32>} : memref<160x64xi32, #tpu.memory_space<vmem>>, vector<1x16xi32>,
      %get3A_83 = vector.shape_cast %get3A_82 : vector<1x16xi32> to vector<16xi32>
      %and3A_84 = arith.constant 65535 : i32
      %and3A_85 = vector.broadcast %and3A_84 : i32 to vector<16xi32>
      %and3A_86 = arith.andi %get3A_83, %and3A_85 : vector<16xi32>
      %swap3A_87 = arith.constant 32 : index
      %swap3A_88 = tpu.vector_load %arg7[%swap3A_87] {strides = array<i32>} : memref<64xi32, #tpu.memory_space<vmem>>, vector<16xi32>,
      %swap3A_89 = vector.shape_cast %swap3A_88 : vector<16xi32> to vector<16xi32>
      %swap3A_90 = vector.shape_cast %and3A_86 : vector<16xi32> to vector<16xi32>
      tpu.vector_store %arg7[%swap3A_87], %swap3A_90 {strides = array<i32>} : memref<64xi32, #tpu.memory_space<vmem>>, vector<16xi32>,
      %get3A_91 = arith.constant 0 : i32
      %get3A_92 = arith.index_cast %get3A_91 : i32 to index
      %get3A_93 = arith.constant 48 : index
      %get3A_94 = tpu.vector_load %arg6[%get3A_92, %get3A_93] {strides = array<i32>} : memref<160x64xi32, #tpu.memory_space<vmem>>, vector<1x16xi32>,
      %get3A_95 = vector.shape_cast %get3A_94 : vector<1x16xi32> to vector<16xi32>
      %and3A_96 = arith.constant 65535 : i32
      %and3A_97 = vector.broadcast %and3A_96 : i32 to vector<16xi32>
      %and3A_98 = arith.andi %get3A_95, %and3A_97 : vector<16xi32>
      %swap3A_99 = arith.constant 48 : index
      %swap3A_100 = tpu.vector_load %arg7[%swap3A_99] {strides = array<i32>} : memref<64xi32, #tpu.memory_space<vmem>>, vector<16xi32>,
      %swap3A_101 = vector.shape_cast %swap3A_100 : vector<16xi32> to vector<16xi32>
      %swap3A_102 = vector.shape_cast %and3A_98 : vector<16xi32> to vector<16xi32>
      tpu.vector_store %arg7[%swap3A_99], %swap3A_102 {strides = array<i32>} : memref<64xi32, #tpu.memory_space<vmem>>, vector<16xi32>,
      %get3A_103 = arith.constant 0 : i32
      %get3A_104 = arith.index_cast %get3A_103 : i32 to index
      %get3A_105 = arith.constant 0 : index
      %get3A_106 = tpu.vector_load %arg6[%get3A_104, %get3A_105] {strides = array<i32>} : memref<160x64xi32, #tpu.memory_space<vmem>>, vector<1x16xi32>,
      %get3A_107 = vector.shape_cast %get3A_106 : vector<1x16xi32> to vector<16xi32>
      %shift_right_logical3A = arith.constant 16 : i32
      %shift_right_logical3A_108 = vector.broadcast %shift_right_logical3A : i32 to vector<16xi32>
      %shift_right_logical3A_109 = arith.shrui %get3A_107, %shift_right_logical3A_108 : vector<16xi32>
      %swap3A_110 = arith.constant 0 : index
      %swap3A_111 = tpu.vector_load %arg9[%swap3A_110] {strides = array<i32>} : memref<64xi32, #tpu.memory_space<vmem>>, vector<16xi32>,
      %swap3A_112 = vector.shape_cast %swap3A_111 : vector<16xi32> to vector<16xi32>
      %swap3A_113 = vector.shape_cast %shift_right_logical3A_109 : vector<16xi32> to vector<16xi32>
      tpu.vector_store %arg9[%swap3A_110], %swap3A_113 {strides = array<i32>} : memref<64xi32, #tpu.memory_space<vmem>>, vector<16xi32>,
      %get3A_114 = arith.constant 0 : i32
      %get3A_115 = arith.index_cast %get3A_114 : i32 to index
      %get3A_116 = arith.constant 16 : index
      %get3A_117 = tpu.vector_load %arg6[%get3A_115, %get3A_116] {strides = array<i32>} : memref<160x64xi32, #tpu.memory_space<vmem>>, vector<1x16xi32>,
      %get3A_118 = vector.shape_cast %get3A_117 : vector<1x16xi32> to vector<16xi32>
      %shift_right_logical3A_119 = arith.constant 16 : i32
      %shift_right_logical3A_120 = vector.broadcast %shift_right_logical3A_119 : i32 to vector<16xi32>
      %shift_right_logical3A_121 = arith.shrui %get3A_118, %shift_right_logical3A_120 : vector<16xi32>
      %swap3A_122 = arith.constant 16 : index
      %swap3A_123 = tpu.vector_load %arg9[%swap3A_122] {strides = array<i32>} : memref<64xi32, #tpu.memory_space<vmem>>, vector<16xi32>,
      %swap3A_124 = vector.shape_cast %swap3A_123 : vector<16xi32> to vector<16xi32>
      %swap3A_125 = vector.shape_cast %shift_right_logical3A_121 : vector<16xi32> to vector<16xi32>
      tpu.vector_store %arg9[%swap3A_122], %swap3A_125 {strides = array<i32>} : memref<64xi32, #tpu.memory_space<vmem>>, vector<16xi32>,
      %get3A_126 = arith.constant 0 : i32
      %get3A_127 = arith.index_cast %get3A_126 : i32 to index
      %get3A_128 = arith.constant 32 : index
      %get3A_129 = tpu.vector_load %arg6[%get3A_127, %get3A_128] {strides = array<i32>} : memref<160x64xi32, #tpu.memory_space<vmem>>, vector<1x16xi32>,
      %get3A_130 = vector.shape_cast %get3A_129 : vector<1x16xi32> to vector<16xi32>
      %shift_right_logical3A_131 = arith.constant 16 : i32
      %shift_right_logical3A_132 = vector.broadcast %shift_right_logical3A_131 : i32 to vector<16xi32>
      %shift_right_logical3A_133 = arith.shrui %get3A_130, %shift_right_logical3A_132 : vector<16xi32>
      %swap3A_134 = arith.constant 32 : index
      %swap3A_135 = tpu.vector_load %arg9[%swap3A_134] {strides = array<i32>} : memref<64xi32, #tpu.memory_space<vmem>>, vector<16xi32>,
      %swap3A_136 = vector.shape_cast %swap3A_135 : vector<16xi32> to vector<16xi32>
      %swap3A_137 = vector.shape_cast %shift_right_logical3A_133 : vector<16xi32> to vector<16xi32>
      tpu.vector_store %arg9[%swap3A_134], %swap3A_137 {strides = array<i32>} : memref<64xi32, #tpu.memory_space<vmem>>, vector<16xi32>,
      %get3A_138 = arith.constant 0 : i32
      %get3A_139 = arith.index_cast %get3A_138 : i32 to index
      %get3A_140 = arith.constant 48 : index
      %get3A_141 = tpu.vector_load %arg6[%get3A_139, %get3A_140] {strides = array<i32>} : memref<160x64xi32, #tpu.memory_space<vmem>>, vector<1x16xi32>,
      %get3A_142 = vector.shape_cast %get3A_141 : vector<1x16xi32> to vector<16xi32>
      %shift_right_logical3A_143 = arith.constant 16 : i32
      %shift_right_logical3A_144 = vector.broadcast %shift_right_logical3A_143 : i32 to vector<16xi32>
      %shift_right_logical3A_145 = arith.shrui %get3A_142, %shift_right_logical3A_144 : vector<16xi32>
      %swap3A_146 = arith.constant 48 : index
      %swap3A_147 = tpu.vector_load %arg9[%swap3A_146] {strides = array<i32>} : memref<64xi32, #tpu.memory_space<vmem>>, vector<16xi32>,
      %swap3A_148 = vector.shape_cast %swap3A_147 : vector<16xi32> to vector<16xi32>
      %swap3A_149 = vector.shape_cast %shift_right_logical3A_145 : vector<16xi32> to vector<16xi32>
      tpu.vector_store %arg9[%swap3A_146], %swap3A_149 {strides = array<i32>} : memref<64xi32, #tpu.memory_space<vmem>>, vector<16xi32>,
      %dma_start3A = arith.constant 0 : i32
      %dma_start3A_150 = arith.constant 0 : i32
      %dma_start3A_151 = tpu.memref_slice %arg2[%dma_start3A, %dma_start3A_150] : memref<10240x128xf32, #tpu.memory_space<hbm>> -> memref<10240x128xf32, #tpu.memory_space<hbm>>
      tpu.enqueue_indirect_dma source(%dma_start3A_151 : memref<10240x128xf32, #tpu.memory_space<hbm>>) target(%arg11 : memref<64x128xf32, #tpu.memory_space<vmem>>) offsets(%arg7 : memref<64xi32, #tpu.memory_space<vmem>>) semaphore(%arg14 : memref<!tpu.dma_semaphore, #tpu.memory_space<semaphore_mem>>)
      %scan3A = arith.constant 0 : i32
      %scan3A_152 = arith.constant 0 : i32
      %scan3A_153 = arith.constant 80 : i32
      %scan3A_154 = arith.addi %scan3A_152, %scan3A_153 : i32
      %scan3A_155 = arith.constant 1 : i32
      scf.for %scan3A_157 = %scan3A_152 to %scan3A_154 step %scan3A_155  : i32 {
        %mul3A_158 = arith.constant 2 : i32
        %mul3A_159 = arith.muli %mul3A_158, %scan3A_157 : i32
        %add3A_160 = arith.constant 1 : i32
        %add3A_161 = arith.addi %mul3A_159, %add3A_160 : i32
        %get3A_162 = arith.index_cast %add3A_161 : i32 to index
        %get3A_163 = arith.constant 0 : index
        %get3A_164 = tpu.vector_load %arg6[%get3A_162, %get3A_163] {strides = array<i32>} : memref<160x64xi32, #tpu.memory_space<vmem>>, vector<1x16xi32>,
        %get3A_165 = vector.shape_cast %get3A_164 : vector<1x16xi32> to vector<16xi32>
        %and3A_166 = arith.constant 65535 : i32
        %and3A_167 = vector.broadcast %and3A_166 : i32 to vector<16xi32>
        %and3A_168 = arith.andi %get3A_165, %and3A_167 : vector<16xi32>
        %swap3A_169 = arith.constant 0 : index
        %swap3A_170 = tpu.vector_load %arg8[%swap3A_169] {strides = array<i32>} : memref<64xi32, #tpu.memory_space<vmem>>, vector<16xi32>,
        %swap3A_171 = vector.shape_cast %swap3A_170 : vector<16xi32> to vector<16xi32>
        %swap3A_172 = vector.shape_cast %and3A_168 : vector<16xi32> to vector<16xi32>
        tpu.vector_store %arg8[%swap3A_169], %swap3A_172 {strides = array<i32>} : memref<64xi32, #tpu.memory_space<vmem>>, vector<16xi32>,
        %get3A_173 = arith.index_cast %add3A_161 : i32 to index
        %get3A_174 = arith.constant 16 : index
        %get3A_175 = tpu.vector_load %arg6[%get3A_173, %get3A_174] {strides = array<i32>} : memref<160x64xi32, #tpu.memory_space<vmem>>, vector<1x16xi32>,
        %get3A_176 = vector.shape_cast %get3A_175 : vector<1x16xi32> to vector<16xi32>
        %and3A_177 = arith.constant 65535 : i32
        %and3A_178 = vector.broadcast %and3A_177 : i32 to vector<16xi32>
        %and3A_179 = arith.andi %get3A_176, %and3A_178 : vector<16xi32>
        %swap3A_180 = arith.constant 16 : index
        %swap3A_181 = tpu.vector_load %arg8[%swap3A_180] {strides = array<i32>} : memref<64xi32, #tpu.memory_space<vmem>>, vector<16xi32>,
        %swap3A_182 = vector.shape_cast %swap3A_181 : vector<16xi32> to vector<16xi32>
        %swap3A_183 = vector.shape_cast %and3A_179 : vector<16xi32> to vector<16xi32>
        tpu.vector_store %arg8[%swap3A_180], %swap3A_183 {strides = array<i32>} : memref<64xi32, #tpu.memory_space<vmem>>, vector<16xi32>,
        %get3A_184 = arith.index_cast %add3A_161 : i32 to index
        %get3A_185 = arith.constant 32 : index
        %get3A_186 = tpu.vector_load %arg6[%get3A_184, %get3A_185] {strides = array<i32>} : memref<160x64xi32, #tpu.memory_space<vmem>>, vector<1x16xi32>,
        %get3A_187 = vector.shape_cast %get3A_186 : vector<1x16xi32> to vector<16xi32>
        %and3A_188 = arith.constant 65535 : i32
        %and3A_189 = vector.broadcast %and3A_188 : i32 to vector<16xi32>
        %and3A_190 = arith.andi %get3A_187, %and3A_189 : vector<16xi32>
        %swap3A_191 = arith.constant 32 : index
        %swap3A_192 = tpu.vector_load %arg8[%swap3A_191] {strides = array<i32>} : memref<64xi32, #tpu.memory_space<vmem>>, vector<16xi32>,
        %swap3A_193 = vector.shape_cast %swap3A_192 : vector<16xi32> to vector<16xi32>
        %swap3A_194 = vector.shape_cast %and3A_190 : vector<16xi32> to vector<16xi32>
        tpu.vector_store %arg8[%swap3A_191], %swap3A_194 {strides = array<i32>} : memref<64xi32, #tpu.memory_space<vmem>>, vector<16xi32>,
        %get3A_195 = arith.index_cast %add3A_161 : i32 to index
        %get3A_196 = arith.constant 48 : index
        %get3A_197 = tpu.vector_load %arg6[%get3A_195, %get3A_196] {strides = array<i32>} : memref<160x64xi32, #tpu.memory_space<vmem>>, vector<1x16xi32>,
        %get3A_198 = vector.shape_cast %get3A_197 : vector<1x16xi32> to vector<16xi32>
        %and3A_199 = arith.constant 65535 : i32
        %and3A_200 = vector.broadcast %and3A_199 : i32 to vector<16xi32>
        %and3A_201 = arith.andi %get3A_198, %and3A_200 : vector<16xi32>
        %swap3A_202 = arith.constant 48 : index
        %swap3A_203 = tpu.vector_load %arg8[%swap3A_202] {strides = array<i32>} : memref<64xi32, #tpu.memory_space<vmem>>, vector<16xi32>,
        %swap3A_204 = vector.shape_cast %swap3A_203 : vector<16xi32> to vector<16xi32>
        %swap3A_205 = vector.shape_cast %and3A_201 : vector<16xi32> to vector<16xi32>
        tpu.vector_store %arg8[%swap3A_202], %swap3A_205 {strides = array<i32>} : memref<64xi32, #tpu.memory_space<vmem>>, vector<16xi32>,
        %get3A_206 = arith.index_cast %add3A_161 : i32 to index
        %get3A_207 = arith.constant 0 : index
        %get3A_208 = tpu.vector_load %arg6[%get3A_206, %get3A_207] {strides = array<i32>} : memref<160x64xi32, #tpu.memory_space<vmem>>, vector<1x16xi32>,
        %get3A_209 = vector.shape_cast %get3A_208 : vector<1x16xi32> to vector<16xi32>
        %shift_right_logical3A_210 = arith.constant 16 : i32
        %shift_right_logical3A_211 = vector.broadcast %shift_right_logical3A_210 : i32 to vector<16xi32>
        %shift_right_logical3A_212 = arith.shrui %get3A_209, %shift_right_logical3A_211 : vector<16xi32>
        %swap3A_213 = arith.constant 0 : index
        %swap3A_214 = tpu.vector_load %arg10[%swap3A_213] {strides = array<i32>} : memref<64xi32, #tpu.memory_space<vmem>>, vector<16xi32>,
        %swap3A_215 = vector.shape_cast %swap3A_214 : vector<16xi32> to vector<16xi32>
        %swap3A_216 = vector.shape_cast %shift_right_logical3A_212 : vector<16xi32> to vector<16xi32>
        tpu.vector_store %arg10[%swap3A_213], %swap3A_216 {strides = array<i32>} : memref<64xi32, #tpu.memory_space<vmem>>, vector<16xi32>,
        %get3A_217 = arith.index_cast %add3A_161 : i32 to index
        %get3A_218 = arith.constant 16 : index
        %get3A_219 = tpu.vector_load %arg6[%get3A_217, %get3A_218] {strides = array<i32>} : memref<160x64xi32, #tpu.memory_space<vmem>>, vector<1x16xi32>,
        %get3A_220 = vector.shape_cast %get3A_219 : vector<1x16xi32> to vector<16xi32>
        %shift_right_logical3A_221 = arith.constant 16 : i32
        %shift_right_logical3A_222 = vector.broadcast %shift_right_logical3A_221 : i32 to vector<16xi32>
        %shift_right_logical3A_223 = arith.shrui %get3A_220, %shift_right_logical3A_222 : vector<16xi32>
        %swap3A_224 = arith.constant 16 : index
        %swap3A_225 = tpu.vector_load %arg10[%swap3A_224] {strides = array<i32>} : memref<64xi32, #tpu.memory_space<vmem>>, vector<16xi32>,
        %swap3A_226 = vector.shape_cast %swap3A_225 : vector<16xi32> to vector<16xi32>
        %swap3A_227 = vector.shape_cast %shift_right_logical3A_223 : vector<16xi32> to vector<16xi32>
        tpu.vector_store %arg10[%swap3A_224], %swap3A_227 {strides = array<i32>} : memref<64xi32, #tpu.memory_space<vmem>>, vector<16xi32>,
        %get3A_228 = arith.index_cast %add3A_161 : i32 to index
        %get3A_229 = arith.constant 32 : index
        %get3A_230 = tpu.vector_load %arg6[%get3A_228, %get3A_229] {strides = array<i32>} : memref<160x64xi32, #tpu.memory_space<vmem>>, vector<1x16xi32>,
        %get3A_231 = vector.shape_cast %get3A_230 : vector<1x16xi32> to vector<16xi32>
        %shift_right_logical3A_232 = arith.constant 16 : i32
        %shift_right_logical3A_233 = vector.broadcast %shift_right_logical3A_232 : i32 to vector<16xi32>
        %shift_right_logical3A_234 = arith.shrui %get3A_231, %shift_right_logical3A_233 : vector<16xi32>
        %swap3A_235 = arith.constant 32 : index
        %swap3A_236 = tpu.vector_load %arg10[%swap3A_235] {strides = array<i32>} : memref<64xi32, #tpu.memory_space<vmem>>, vector<16xi32>,
        %swap3A_237 = vector.shape_cast %swap3A_236 : vector<16xi32> to vector<16xi32>
        %swap3A_238 = vector.shape_cast %shift_right_logical3A_234 : vector<16xi32> to vector<16xi32>
        tpu.vector_store %arg10[%swap3A_235], %swap3A_238 {strides = array<i32>} : memref<64xi32, #tpu.memory_space<vmem>>, vector<16xi32>,
        %get3A_239 = arith.index_cast %add3A_161 : i32 to index
        %get3A_240 = arith.constant 48 : index
        %get3A_241 = tpu.vector_load %arg6[%get3A_239, %get3A_240] {strides = array<i32>} : memref<160x64xi32, #tpu.memory_space<vmem>>, vector<1x16xi32>,
        %get3A_242 = vector.shape_cast %get3A_241 : vector<1x16xi32> to vector<16xi32>
        %shift_right_logical3A_243 = arith.constant 16 : i32
        %shift_right_logical3A_244 = vector.broadcast %shift_right_logical3A_243 : i32 to vector<16xi32>
        %shift_right_logical3A_245 = arith.shrui %get3A_242, %shift_right_logical3A_244 : vector<16xi32>
        %swap3A_246 = arith.constant 48 : index
        %swap3A_247 = tpu.vector_load %arg10[%swap3A_246] {strides = array<i32>} : memref<64xi32, #tpu.memory_space<vmem>>, vector<16xi32>,
        %swap3A_248 = vector.shape_cast %swap3A_247 : vector<16xi32> to vector<16xi32>
        %swap3A_249 = vector.shape_cast %shift_right_logical3A_245 : vector<16xi32> to vector<16xi32>
        tpu.vector_store %arg10[%swap3A_246], %swap3A_249 {strides = array<i32>} : memref<64xi32, #tpu.memory_space<vmem>>, vector<16xi32>,
        %dma_start3A_250 = arith.constant 0 : i32
        %dma_start3A_251 = arith.constant 0 : i32
        %dma_start3A_252 = tpu.memref_slice %arg2[%dma_start3A_250, %dma_start3A_251] : memref<10240x128xf32, #tpu.memory_space<hbm>> -> memref<10240x128xf32, #tpu.memory_space<hbm>>
        tpu.enqueue_indirect_dma source(%dma_start3A_252 : memref<10240x128xf32, #tpu.memory_space<hbm>>) target(%arg12 : memref<64x128xf32, #tpu.memory_space<vmem>>) offsets(%arg8 : memref<64xi32, #tpu.memory_space<vmem>>) semaphore(%arg15 : memref<!tpu.dma_semaphore, #tpu.memory_space<semaphore_mem>>)
        %dma_wait3A = arith.constant 0 : i32
        %dma_wait3A_253 = arith.constant 0 : i32
        %dma_wait3A_254 = tpu.memref_slice %arg2[%dma_wait3A, %dma_wait3A_253] : memref<10240x128xf32, #tpu.memory_space<hbm>> -> memref<10240x128xf32, #tpu.memory_space<hbm>>
        tpu.wait_indirect_dma semaphore(%arg14 : memref<!tpu.dma_semaphore, #tpu.memory_space<semaphore_mem>>) src(%dma_wait3A_254 : memref<10240x128xf32, #tpu.memory_space<hbm>>) dst(%arg11 : memref<64x128xf32, #tpu.memory_space<vmem>>)
        "tpu.region"() ({
          %run_scoped3A = tpu.sem_alloc : memref<!tpu.dma_semaphore, #tpu.memory_space<semaphore_mem>>
          %dma_start3A_262 = arith.constant 0 : i32
          %dma_start3A_263 = arith.constant 0 : i32
          %dma_start3A_264 = tpu.memref_slice %arg13[%dma_start3A_262, %dma_start3A_263] : memref<10240x128xf32, #tpu.memory_space<vmem_shared>> -> memref<10240x128xf32, #tpu.memory_space<vmem_shared>>
          tpu.enqueue_indirect_dma source(%arg11 : memref<64x128xf32, #tpu.memory_space<vmem>>) target(%dma_start3A_264 : memref<10240x128xf32, #tpu.memory_space<vmem_shared>>) offsets(%arg9 : memref<64xi32, #tpu.memory_space<vmem>>) semaphore(%run_scoped3A : memref<!tpu.dma_semaphore, #tpu.memory_space<semaphore_mem>>) {add = true}
          %dma_wait3A_265 = arith.constant 0 : i32
          %dma_wait3A_266 = arith.constant 0 : i32
          %dma_wait3A_267 = tpu.memref_slice %arg13[%dma_wait3A_265, %dma_wait3A_266] : memref<10240x128xf32, #tpu.memory_space<vmem_shared>> -> memref<10240x128xf32, #tpu.memory_space<vmem_shared>>
          tpu.wait_indirect_dma semaphore(%run_scoped3A : memref<!tpu.dma_semaphore, #tpu.memory_space<semaphore_mem>>) src(%arg11 : memref<64x128xf32, #tpu.memory_space<vmem>>) dst(%dma_wait3A_267 : memref<10240x128xf32, #tpu.memory_space<vmem_shared>>)
          tpu.yield
        }) : () -> ()
        %lt3A = arith.constant 79 : i32
        %lt3A_255 = arith.cmpi slt, %scan3A_157, %lt3A : i32
        %convert_element_type3A_256 = arith.extui %lt3A_255 : i1 to i32
        %cond3A_257 = arith.constant 0 : i32
        %cond3A_258 = arith.cmpi ne, %convert_element_type3A_256, %cond3A_257 : i32
        scf.if %cond3A_258 {
          %add3A_262 = arith.constant 2 : i32
          %add3A_263 = arith.addi %mul3A_159, %add3A_262 : i32
          %get3A_264 = arith.index_cast %add3A_263 : i32 to index
          %get3A_265 = arith.constant 0 : index
          %get3A_266 = tpu.vector_load %arg6[%get3A_264, %get3A_265] {strides = array<i32>} : memref<160x64xi32, #tpu.memory_space<vmem>>, vector<1x16xi32>,
          %get3A_267 = vector.shape_cast %get3A_266 : vector<1x16xi32> to vector<16xi32>
          %and3A_268 = arith.constant 65535 : i32
          %and3A_269 = vector.broadcast %and3A_268 : i32 to vector<16xi32>
          %and3A_270 = arith.andi %get3A_267, %and3A_269 : vector<16xi32>
          %swap3A_271 = arith.constant 0 : index
          %swap3A_272 = tpu.vector_load %arg7[%swap3A_271] {strides = array<i32>} : memref<64xi32, #tpu.memory_space<vmem>>, vector<16xi32>,
          %swap3A_273 = vector.shape_cast %swap3A_272 : vector<16xi32> to vector<16xi32>
          %swap3A_274 = vector.shape_cast %and3A_270 : vector<16xi32> to vector<16xi32>
          tpu.vector_store %arg7[%swap3A_271], %swap3A_274 {strides = array<i32>} : memref<64xi32, #tpu.memory_space<vmem>>, vector<16xi32>,
          %get3A_275 = arith.index_cast %add3A_263 : i32 to index
          %get3A_276 = arith.constant 16 : index
          %get3A_277 = tpu.vector_load %arg6[%get3A_275, %get3A_276] {strides = array<i32>} : memref<160x64xi32, #tpu.memory_space<vmem>>, vector<1x16xi32>,
          %get3A_278 = vector.shape_cast %get3A_277 : vector<1x16xi32> to vector<16xi32>
          %and3A_279 = arith.constant 65535 : i32
          %and3A_280 = vector.broadcast %and3A_279 : i32 to vector<16xi32>
          %and3A_281 = arith.andi %get3A_278, %and3A_280 : vector<16xi32>
          %swap3A_282 = arith.constant 16 : index
          %swap3A_283 = tpu.vector_load %arg7[%swap3A_282] {strides = array<i32>} : memref<64xi32, #tpu.memory_space<vmem>>, vector<16xi32>,
          %swap3A_284 = vector.shape_cast %swap3A_283 : vector<16xi32> to vector<16xi32>
          %swap3A_285 = vector.shape_cast %and3A_281 : vector<16xi32> to vector<16xi32>
          tpu.vector_store %arg7[%swap3A_282], %swap3A_285 {strides = array<i32>} : memref<64xi32, #tpu.memory_space<vmem>>, vector<16xi32>,
          %get3A_286 = arith.index_cast %add3A_263 : i32 to index
          %get3A_287 = arith.constant 32 : index
          %get3A_288 = tpu.vector_load %arg6[%get3A_286, %get3A_287] {strides = array<i32>} : memref<160x64xi32, #tpu.memory_space<vmem>>, vector<1x16xi32>,
          %get3A_289 = vector.shape_cast %get3A_288 : vector<1x16xi32> to vector<16xi32>
          %and3A_290 = arith.constant 65535 : i32
          %and3A_291 = vector.broadcast %and3A_290 : i32 to vector<16xi32>
          %and3A_292 = arith.andi %get3A_289, %and3A_291 : vector<16xi32>
          %swap3A_293 = arith.constant 32 : index
          %swap3A_294 = tpu.vector_load %arg7[%swap3A_293] {strides = array<i32>} : memref<64xi32, #tpu.memory_space<vmem>>, vector<16xi32>,
          %swap3A_295 = vector.shape_cast %swap3A_294 : vector<16xi32> to vector<16xi32>
          %swap3A_296 = vector.shape_cast %and3A_292 : vector<16xi32> to vector<16xi32>
          tpu.vector_store %arg7[%swap3A_293], %swap3A_296 {strides = array<i32>} : memref<64xi32, #tpu.memory_space<vmem>>, vector<16xi32>,
          %get3A_297 = arith.index_cast %add3A_263 : i32 to index
          %get3A_298 = arith.constant 48 : index
          %get3A_299 = tpu.vector_load %arg6[%get3A_297, %get3A_298] {strides = array<i32>} : memref<160x64xi32, #tpu.memory_space<vmem>>, vector<1x16xi32>,
          %get3A_300 = vector.shape_cast %get3A_299 : vector<1x16xi32> to vector<16xi32>
          %and3A_301 = arith.constant 65535 : i32
          %and3A_302 = vector.broadcast %and3A_301 : i32 to vector<16xi32>
          %and3A_303 = arith.andi %get3A_300, %and3A_302 : vector<16xi32>
          %swap3A_304 = arith.constant 48 : index
          %swap3A_305 = tpu.vector_load %arg7[%swap3A_304] {strides = array<i32>} : memref<64xi32, #tpu.memory_space<vmem>>, vector<16xi32>,
          %swap3A_306 = vector.shape_cast %swap3A_305 : vector<16xi32> to vector<16xi32>
          %swap3A_307 = vector.shape_cast %and3A_303 : vector<16xi32> to vector<16xi32>
          tpu.vector_store %arg7[%swap3A_304], %swap3A_307 {strides = array<i32>} : memref<64xi32, #tpu.memory_space<vmem>>, vector<16xi32>,
          %get3A_308 = arith.index_cast %add3A_263 : i32 to index
          %get3A_309 = arith.constant 0 : index
          %get3A_310 = tpu.vector_load %arg6[%get3A_308, %get3A_309] {strides = array<i32>} : memref<160x64xi32, #tpu.memory_space<vmem>>, vector<1x16xi32>,
          %get3A_311 = vector.shape_cast %get3A_310 : vector<1x16xi32> to vector<16xi32>
          %shift_right_logical3A_312 = arith.constant 16 : i32
          %shift_right_logical3A_313 = vector.broadcast %shift_right_logical3A_312 : i32 to vector<16xi32>
          %shift_right_logical3A_314 = arith.shrui %get3A_311, %shift_right_logical3A_313 : vector<16xi32>
          %swap3A_315 = arith.constant 0 : index
          %swap3A_316 = tpu.vector_load %arg9[%swap3A_315] {strides = array<i32>} : memref<64xi32, #tpu.memory_space<vmem>>, vector<16xi32>,
          %swap3A_317 = vector.shape_cast %swap3A_316 : vector<16xi32> to vector<16xi32>
          %swap3A_318 = vector.shape_cast %shift_right_logical3A_314 : vector<16xi32> to vector<16xi32>
          tpu.vector_store %arg9[%swap3A_315], %swap3A_318 {strides = array<i32>} : memref<64xi32, #tpu.memory_space<vmem>>, vector<16xi32>,
          %get3A_319 = arith.index_cast %add3A_263 : i32 to index
          %get3A_320 = arith.constant 16 : index
          %get3A_321 = tpu.vector_load %arg6[%get3A_319, %get3A_320] {strides = array<i32>} : memref<160x64xi32, #tpu.memory_space<vmem>>, vector<1x16xi32>,
          %get3A_322 = vector.shape_cast %get3A_321 : vector<1x16xi32> to vector<16xi32>
          %shift_right_logical3A_323 = arith.constant 16 : i32
          %shift_right_logical3A_324 = vector.broadcast %shift_right_logical3A_323 : i32 to vector<16xi32>
          %shift_right_logical3A_325 = arith.shrui %get3A_322, %shift_right_logical3A_324 : vector<16xi32>
          %swap3A_326 = arith.constant 16 : index
          %swap3A_327 = tpu.vector_load %arg9[%swap3A_326] {strides = array<i32>} : memref<64xi32, #tpu.memory_space<vmem>>, vector<16xi32>,
          %swap3A_328 = vector.shape_cast %swap3A_327 : vector<16xi32> to vector<16xi32>
          %swap3A_329 = vector.shape_cast %shift_right_logical3A_325 : vector<16xi32> to vector<16xi32>
          tpu.vector_store %arg9[%swap3A_326], %swap3A_329 {strides = array<i32>} : memref<64xi32, #tpu.memory_space<vmem>>, vector<16xi32>,
          %get3A_330 = arith.index_cast %add3A_263 : i32 to index
          %get3A_331 = arith.constant 32 : index
          %get3A_332 = tpu.vector_load %arg6[%get3A_330, %get3A_331] {strides = array<i32>} : memref<160x64xi32, #tpu.memory_space<vmem>>, vector<1x16xi32>,
          %get3A_333 = vector.shape_cast %get3A_332 : vector<1x16xi32> to vector<16xi32>
          %shift_right_logical3A_334 = arith.constant 16 : i32
          %shift_right_logical3A_335 = vector.broadcast %shift_right_logical3A_334 : i32 to vector<16xi32>
          %shift_right_logical3A_336 = arith.shrui %get3A_333, %shift_right_logical3A_335 : vector<16xi32>
          %swap3A_337 = arith.constant 32 : index
          %swap3A_338 = tpu.vector_load %arg9[%swap3A_337] {strides = array<i32>} : memref<64xi32, #tpu.memory_space<vmem>>, vector<16xi32>,
          %swap3A_339 = vector.shape_cast %swap3A_338 : vector<16xi32> to vector<16xi32>
          %swap3A_340 = vector.shape_cast %shift_right_logical3A_336 : vector<16xi32> to vector<16xi32>
          tpu.vector_store %arg9[%swap3A_337], %swap3A_340 {strides = array<i32>} : memref<64xi32, #tpu.memory_space<vmem>>, vector<16xi32>,
          %get3A_341 = arith.index_cast %add3A_263 : i32 to index
          %get3A_342 = arith.constant 48 : index
          %get3A_343 = tpu.vector_load %arg6[%get3A_341, %get3A_342] {strides = array<i32>} : memref<160x64xi32, #tpu.memory_space<vmem>>, vector<1x16xi32>,
          %get3A_344 = vector.shape_cast %get3A_343 : vector<1x16xi32> to vector<16xi32>
          %shift_right_logical3A_345 = arith.constant 16 : i32
          %shift_right_logical3A_346 = vector.broadcast %shift_right_logical3A_345 : i32 to vector<16xi32>
          %shift_right_logical3A_347 = arith.shrui %get3A_344, %shift_right_logical3A_346 : vector<16xi32>
          %swap3A_348 = arith.constant 48 : index
          %swap3A_349 = tpu.vector_load %arg9[%swap3A_348] {strides = array<i32>} : memref<64xi32, #tpu.memory_space<vmem>>, vector<16xi32>,
          %swap3A_350 = vector.shape_cast %swap3A_349 : vector<16xi32> to vector<16xi32>
          %swap3A_351 = vector.shape_cast %shift_right_logical3A_347 : vector<16xi32> to vector<16xi32>
          tpu.vector_store %arg9[%swap3A_348], %swap3A_351 {strides = array<i32>} : memref<64xi32, #tpu.memory_space<vmem>>, vector<16xi32>,
          %dma_start3A_352 = arith.constant 0 : i32
          %dma_start3A_353 = arith.constant 0 : i32
          %dma_start3A_354 = tpu.memref_slice %arg2[%dma_start3A_352, %dma_start3A_353] : memref<10240x128xf32, #tpu.memory_space<hbm>> -> memref<10240x128xf32, #tpu.memory_space<hbm>>
          tpu.enqueue_indirect_dma source(%dma_start3A_354 : memref<10240x128xf32, #tpu.memory_space<hbm>>) target(%arg11 : memref<64x128xf32, #tpu.memory_space<vmem>>) offsets(%arg7 : memref<64xi32, #tpu.memory_space<vmem>>) semaphore(%arg14 : memref<!tpu.dma_semaphore, #tpu.memory_space<semaphore_mem>>)
        } else {
        }
        %dma_wait3A_259 = arith.constant 0 : i32
        %dma_wait3A_260 = arith.constant 0 : i32
        %dma_wait3A_261 = tpu.memref_slice %arg2[%dma_wait3A_259, %dma_wait3A_260] : memref<10240x128xf32, #tpu.memory_space<hbm>> -> memref<10240x128xf32, #tpu.memory_space<hbm>>
        tpu.wait_indirect_dma semaphore(%arg15 : memref<!tpu.dma_semaphore, #tpu.memory_space<semaphore_mem>>) src(%dma_wait3A_261 : memref<10240x128xf32, #tpu.memory_space<hbm>>) dst(%arg12 : memref<64x128xf32, #tpu.memory_space<vmem>>)
        "tpu.region"() ({
          %run_scoped3A = tpu.sem_alloc : memref<!tpu.dma_semaphore, #tpu.memory_space<semaphore_mem>>
          %dma_start3A_262 = arith.constant 0 : i32
          %dma_start3A_263 = arith.constant 0 : i32
          %dma_start3A_264 = tpu.memref_slice %arg13[%dma_start3A_262, %dma_start3A_263] : memref<10240x128xf32, #tpu.memory_space<vmem_shared>> -> memref<10240x128xf32, #tpu.memory_space<vmem_shared>>
          tpu.enqueue_indirect_dma source(%arg12 : memref<64x128xf32, #tpu.memory_space<vmem>>) target(%dma_start3A_264 : memref<10240x128xf32, #tpu.memory_space<vmem_shared>>) offsets(%arg10 : memref<64xi32, #tpu.memory_space<vmem>>) semaphore(%run_scoped3A : memref<!tpu.dma_semaphore, #tpu.memory_space<semaphore_mem>>) {add = true}
          %dma_wait3A_265 = arith.constant 0 : i32
          %dma_wait3A_266 = arith.constant 0 : i32
          %dma_wait3A_267 = tpu.memref_slice %arg13[%dma_wait3A_265, %dma_wait3A_266] : memref<10240x128xf32, #tpu.memory_space<vmem_shared>> -> memref<10240x128xf32, #tpu.memory_space<vmem_shared>>
          tpu.wait_indirect_dma semaphore(%run_scoped3A : memref<!tpu.dma_semaphore, #tpu.memory_space<semaphore_mem>>) src(%arg12 : memref<64x128xf32, #tpu.memory_space<vmem>>) dst(%dma_wait3A_267 : memref<10240x128xf32, #tpu.memory_space<vmem_shared>>)
          tpu.yield
        }) : () -> ()
      }
      %scan3A_156 = arith.constant 80 : i32
    } else {
    }
    %barrier3A_37 = arith.constant 0 : index
    tpu.barrier barrier_id(%barrier3A_37)
    %add3A_38 = arith.constant 0 : i32
    %add3A_39 = arith.addi %mul3A_7, %add3A_38 : i32
    "tpu.region"() ({
      %run_scoped3A = tpu.sem_alloc : memref<!tpu.dma_semaphore, #tpu.memory_space<semaphore_mem>>
      %dma_start3A = arith.constant 0 : i32
      %dma_start3A_58 = tpu.memref_slice %arg13[%add3A_39, %dma_start3A] : memref<10240x128xf32, #tpu.memory_space<vmem_shared>> -> memref<64x128xf32, #tpu.memory_space<vmem_shared>>
      %dma_start3A_59 = arith.constant 0 : i32
      %dma_start3A_60 = tpu.memref_slice %arg13[%add3A_39, %dma_start3A_59] : memref<10240x128xf32, #tpu.memory_space<vmem_shared>> -> memref<64x128xf32, #tpu.memory_space<vmem_shared>>
      tpu.enqueue_dma source(%dma_start3A_60 : memref<64x128xf32, #tpu.memory_space<vmem_shared>>) target(%arg11 : memref<64x128xf32, #tpu.memory_space<vmem>>) target_semaphore(%run_scoped3A : memref<!tpu.dma_semaphore, #tpu.memory_space<semaphore_mem>>)
      %dma_wait3A = arith.constant 0 : i32
      %dma_wait3A_61 = tpu.memref_slice %arg13[%add3A_39, %dma_wait3A] : memref<10240x128xf32, #tpu.memory_space<vmem_shared>> -> memref<64x128xf32, #tpu.memory_space<vmem_shared>>
      %dma_wait3A_62 = arith.constant 0 : i32
      %dma_wait3A_63 = tpu.memref_slice %arg13[%add3A_39, %dma_wait3A_62] : memref<10240x128xf32, #tpu.memory_space<vmem_shared>> -> memref<64x128xf32, #tpu.memory_space<vmem_shared>>
      tpu.wait_dma2 semaphore(%run_scoped3A : memref<!tpu.dma_semaphore, #tpu.memory_space<semaphore_mem>>) src(%dma_wait3A_63 : memref<64x128xf32, #tpu.memory_space<vmem_shared>>) dst(%arg11 : memref<64x128xf32, #tpu.memory_space<vmem>>)
      tpu.yield
    }) : () -> ()
    "tpu.region"() ({
      %run_scoped3A = tpu.sem_alloc : memref<!tpu.dma_semaphore, #tpu.memory_space<semaphore_mem>>
      %dma_start3A = arith.constant 0 : i32
      %dma_start3A_58 = tpu.memref_slice %arg5[%arg0, %add3A_39, %dma_start3A] : memref<2x10240x128xf32, #tpu.memory_space<hbm>> -> memref<1x64x128xf32, #tpu.memory_space<hbm>>
      %dma_start3A_59 = tpu.memref_squeeze %dma_start3A_58 : memref<1x64x128xf32, #tpu.memory_space<hbm>> -> memref<64x128xf32, #tpu.memory_space<hbm>>
      %dma_start3A_60 = arith.constant 0 : i32
      %dma_start3A_61 = tpu.memref_slice %arg5[%arg0, %add3A_39, %dma_start3A_60] : memref<2x10240x128xf32, #tpu.memory_space<hbm>> -> memref<1x64x128xf32, #tpu.memory_space<hbm>>
      %dma_start3A_62 = tpu.memref_squeeze %dma_start3A_61 : memref<1x64x128xf32, #tpu.memory_space<hbm>> -> memref<64x128xf32, #tpu.memory_space<hbm>>
      tpu.enqueue_dma source(%arg11 : memref<64x128xf32, #tpu.memory_space<vmem>>) target(%dma_start3A_62 : memref<64x128xf32, #tpu.memory_space<hbm>>) target_semaphore(%run_scoped3A : memref<!tpu.dma_semaphore, #tpu.memory_space<semaphore_mem>>)
      %dma_wait3A = arith.constant 0 : i32
      %dma_wait3A_63 = tpu.memref_slice %arg5[%arg0, %add3A_39, %dma_wait3A] : memref<2x10240x128xf32, #tpu.memory_space<hbm>> -> memref<1x64x128xf32, #tpu.memory_space<hbm>>
      %dma_wait3A_64 = tpu.memref_squeeze %dma_wait3A_63 : memref<1x64x128xf32, #tpu.memory_space<hbm>> -> memref<64x128xf32, #tpu.memory_space<hbm>>
      %dma_wait3A_65 = arith.constant 0 : i32
      %dma_wait3A_66 = tpu.memref_slice %arg5[%arg0, %add3A_39, %dma_wait3A_65] : memref<2x10240x128xf32, #tpu.memory_space<hbm>> -> memref<1x64x128xf32, #tpu.memory_space<hbm>>
      %dma_wait3A_67 = tpu.memref_squeeze %dma_wait3A_66 : memref<1x64x128xf32, #tpu.memory_space<hbm>> -> memref<64x128xf32, #tpu.memory_space<hbm>>
      tpu.wait_dma2 semaphore(%run_scoped3A : memref<!tpu.dma_semaphore, #tpu.memory_space<semaphore_mem>>) src(%arg11 : memref<64x128xf32, #tpu.memory_space<vmem>>) dst(%dma_wait3A_67 : memref<64x128xf32, #tpu.memory_space<hbm>>)
      tpu.yield
    }) : () -> ()
    %add3A_40 = arith.constant 64 : i32
    %add3A_41 = arith.addi %mul3A_7, %add3A_40 : i32
    "tpu.region"() ({
      %run_scoped3A = tpu.sem_alloc : memref<!tpu.dma_semaphore, #tpu.memory_space<semaphore_mem>>
      %dma_start3A = arith.constant 0 : i32
      %dma_start3A_58 = tpu.memref_slice %arg13[%add3A_41, %dma_start3A] : memref<10240x128xf32, #tpu.memory_space<vmem_shared>> -> memref<64x128xf32, #tpu.memory_space<vmem_shared>>
      %dma_start3A_59 = arith.constant 0 : i32
      %dma_start3A_60 = tpu.memref_slice %arg13[%add3A_41, %dma_start3A_59] : memref<10240x128xf32, #tpu.memory_space<vmem_shared>> -> memref<64x128xf32, #tpu.memory_space<vmem_shared>>
      tpu.enqueue_dma source(%dma_start3A_60 : memref<64x128xf32, #tpu.memory_space<vmem_shared>>) target(%arg11 : memref<64x128xf32, #tpu.memory_space<vmem>>) target_semaphore(%run_scoped3A : memref<!tpu.dma_semaphore, #tpu.memory_space<semaphore_mem>>)
      %dma_wait3A = arith.constant 0 : i32
      %dma_wait3A_61 = tpu.memref_slice %arg13[%add3A_41, %dma_wait3A] : memref<10240x128xf32, #tpu.memory_space<vmem_shared>> -> memref<64x128xf32, #tpu.memory_space<vmem_shared>>
      %dma_wait3A_62 = arith.constant 0 : i32
      %dma_wait3A_63 = tpu.memref_slice %arg13[%add3A_41, %dma_wait3A_62] : memref<10240x128xf32, #tpu.memory_space<vmem_shared>> -> memref<64x128xf32, #tpu.memory_space<vmem_shared>>
      tpu.wait_dma2 semaphore(%run_scoped3A : memref<!tpu.dma_semaphore, #tpu.memory_space<semaphore_mem>>) src(%dma_wait3A_63 : memref<64x128xf32, #tpu.memory_space<vmem_shared>>) dst(%arg11 : memref<64x128xf32, #tpu.memory_space<vmem>>)
      tpu.yield
    }) : () -> ()
    "tpu.region"() ({
      %run_scoped3A = tpu.sem_alloc : memref<!tpu.dma_semaphore, #tpu.memory_space<semaphore_mem>>
      %dma_start3A = arith.constant 0 : i32
      %dma_start3A_58 = tpu.memref_slice %arg5[%arg0, %add3A_41, %dma_start3A] : memref<2x10240x128xf32, #tpu.memory_space<hbm>> -> memref<1x64x128xf32, #tpu.memory_space<hbm>>
      %dma_start3A_59 = tpu.memref_squeeze %dma_start3A_58 : memref<1x64x128xf32, #tpu.memory_space<hbm>> -> memref<64x128xf32, #tpu.memory_space<hbm>>
      %dma_start3A_60 = arith.constant 0 : i32
      %dma_start3A_61 = tpu.memref_slice %arg5[%arg0, %add3A_41, %dma_start3A_60] : memref<2x10240x128xf32, #tpu.memory_space<hbm>> -> memref<1x64x128xf32, #tpu.memory_space<hbm>>
      %dma_start3A_62 = tpu.memref_squeeze %dma_start3A_61 : memref<1x64x128xf32, #tpu.memory_space<hbm>> -> memref<64x128xf32, #tpu.memory_space<hbm>>
      tpu.enqueue_dma source(%arg11 : memref<64x128xf32, #tpu.memory_space<vmem>>) target(%dma_start3A_62 : memref<64x128xf32, #tpu.memory_space<hbm>>) target_semaphore(%run_scoped3A : memref<!tpu.dma_semaphore, #tpu.memory_space<semaphore_mem>>)
      %dma_wait3A = arith.constant 0 : i32
      %dma_wait3A_63 = tpu.memref_slice %arg5[%arg0, %add3A_41, %dma_wait3A] : memref<2x10240x128xf32, #tpu.memory_space<hbm>> -> memref<1x64x128xf32, #tpu.memory_space<hbm>>
      %dma_wait3A_64 = tpu.memref_squeeze %dma_wait3A_63 : memref<1x64x128xf32, #tpu.memory_space<hbm>> -> memref<64x128xf32, #tpu.memory_space<hbm>>
      %dma_wait3A_65 = arith.constant 0 : i32
      %dma_wait3A_66 = tpu.memref_slice %arg5[%arg0, %add3A_41, %dma_wait3A_65] : memref<2x10240x128xf32, #tpu.memory_space<hbm>> -> memref<1x64x128xf32, #tpu.memory_space<hbm>>
      %dma_wait3A_67 = tpu.memref_squeeze %dma_wait3A_66 : memref<1x64x128xf32, #tpu.memory_space<hbm>> -> memref<64x128xf32, #tpu.memory_space<hbm>>
      tpu.wait_dma2 semaphore(%run_scoped3A : memref<!tpu.dma_semaphore, #tpu.memory_space<semaphore_mem>>) src(%arg11 : memref<64x128xf32, #tpu.memory_space<vmem>>) dst(%dma_wait3A_67 : memref<64x128xf32, #tpu.memory_space<hbm>>)
      tpu.yield
    }) : () -> ()
    %add3A_42 = arith.constant 128 : i32
    %add3A_43 = arith.addi %mul3A_7, %add3A_42 : i32
    "tpu.region"() ({
      %run_scoped3A = tpu.sem_alloc : memref<!tpu.dma_semaphore, #tpu.memory_space<semaphore_mem>>
      %dma_start3A = arith.constant 0 : i32
      %dma_start3A_58 = tpu.memref_slice %arg13[%add3A_43, %dma_start3A] : memref<10240x128xf32, #tpu.memory_space<vmem_shared>> -> memref<64x128xf32, #tpu.memory_space<vmem_shared>>
      %dma_start3A_59 = arith.constant 0 : i32
      %dma_start3A_60 = tpu.memref_slice %arg13[%add3A_43, %dma_start3A_59] : memref<10240x128xf32, #tpu.memory_space<vmem_shared>> -> memref<64x128xf32, #tpu.memory_space<vmem_shared>>
      tpu.enqueue_dma source(%dma_start3A_60 : memref<64x128xf32, #tpu.memory_space<vmem_shared>>) target(%arg11 : memref<64x128xf32, #tpu.memory_space<vmem>>) target_semaphore(%run_scoped3A : memref<!tpu.dma_semaphore, #tpu.memory_space<semaphore_mem>>)
      %dma_wait3A = arith.constant 0 : i32
      %dma_wait3A_61 = tpu.memref_slice %arg13[%add3A_43, %dma_wait3A] : memref<10240x128xf32, #tpu.memory_space<vmem_shared>> -> memref<64x128xf32, #tpu.memory_space<vmem_shared>>
      %dma_wait3A_62 = arith.constant 0 : i32
      %dma_wait3A_63 = tpu.memref_slice %arg13[%add3A_43, %dma_wait3A_62] : memref<10240x128xf32, #tpu.memory_space<vmem_shared>> -> memref<64x128xf32, #tpu.memory_space<vmem_shared>>
      tpu.wait_dma2 semaphore(%run_scoped3A : memref<!tpu.dma_semaphore, #tpu.memory_space<semaphore_mem>>) src(%dma_wait3A_63 : memref<64x128xf32, #tpu.memory_space<vmem_shared>>) dst(%arg11 : memref<64x128xf32, #tpu.memory_space<vmem>>)
      tpu.yield
    }) : () -> ()
    "tpu.region"() ({
      %run_scoped3A = tpu.sem_alloc : memref<!tpu.dma_semaphore, #tpu.memory_space<semaphore_mem>>
      %dma_start3A = arith.constant 0 : i32
      %dma_start3A_58 = tpu.memref_slice %arg5[%arg0, %add3A_43, %dma_start3A] : memref<2x10240x128xf32, #tpu.memory_space<hbm>> -> memref<1x64x128xf32, #tpu.memory_space<hbm>>
      %dma_start3A_59 = tpu.memref_squeeze %dma_start3A_58 : memref<1x64x128xf32, #tpu.memory_space<hbm>> -> memref<64x128xf32, #tpu.memory_space<hbm>>
      %dma_start3A_60 = arith.constant 0 : i32
      %dma_start3A_61 = tpu.memref_slice %arg5[%arg0, %add3A_43, %dma_start3A_60] : memref<2x10240x128xf32, #tpu.memory_space<hbm>> -> memref<1x64x128xf32, #tpu.memory_space<hbm>>
      %dma_start3A_62 = tpu.memref_squeeze %dma_start3A_61 : memref<1x64x128xf32, #tpu.memory_space<hbm>> -> memref<64x128xf32, #tpu.memory_space<hbm>>
      tpu.enqueue_dma source(%arg11 : memref<64x128xf32, #tpu.memory_space<vmem>>) target(%dma_start3A_62 : memref<64x128xf32, #tpu.memory_space<hbm>>) target_semaphore(%run_scoped3A : memref<!tpu.dma_semaphore, #tpu.memory_space<semaphore_mem>>)
      %dma_wait3A = arith.constant 0 : i32
      %dma_wait3A_63 = tpu.memref_slice %arg5[%arg0, %add3A_43, %dma_wait3A] : memref<2x10240x128xf32, #tpu.memory_space<hbm>> -> memref<1x64x128xf32, #tpu.memory_space<hbm>>
      %dma_wait3A_64 = tpu.memref_squeeze %dma_wait3A_63 : memref<1x64x128xf32, #tpu.memory_space<hbm>> -> memref<64x128xf32, #tpu.memory_space<hbm>>
      %dma_wait3A_65 = arith.constant 0 : i32
      %dma_wait3A_66 = tpu.memref_slice %arg5[%arg0, %add3A_43, %dma_wait3A_65] : memref<2x10240x128xf32, #tpu.memory_space<hbm>> -> memref<1x64x128xf32, #tpu.memory_space<hbm>>
      %dma_wait3A_67 = tpu.memref_squeeze %dma_wait3A_66 : memref<1x64x128xf32, #tpu.memory_space<hbm>> -> memref<64x128xf32, #tpu.memory_space<hbm>>
      tpu.wait_dma2 semaphore(%run_scoped3A : memref<!tpu.dma_semaphore, #tpu.memory_space<semaphore_mem>>) src(%arg11 : memref<64x128xf32, #tpu.memory_space<vmem>>) dst(%dma_wait3A_67 : memref<64x128xf32, #tpu.memory_space<hbm>>)
      tpu.yield
    }) : () -> ()
    %add3A_44 = arith.constant 192 : i32
    %add3A_45 = arith.addi %mul3A_7, %add3A_44 : i32
    "tpu.region"() ({
      %run_scoped3A = tpu.sem_alloc : memref<!tpu.dma_semaphore, #tpu.memory_space<semaphore_mem>>
      %dma_start3A = arith.constant 0 : i32
      %dma_start3A_58 = tpu.memref_slice %arg13[%add3A_45, %dma_start3A] : memref<10240x128xf32, #tpu.memory_space<vmem_shared>> -> memref<64x128xf32, #tpu.memory_space<vmem_shared>>
      %dma_start3A_59 = arith.constant 0 : i32
      %dma_start3A_60 = tpu.memref_slice %arg13[%add3A_45, %dma_start3A_59] : memref<10240x128xf32, #tpu.memory_space<vmem_shared>> -> memref<64x128xf32, #tpu.memory_space<vmem_shared>>
      tpu.enqueue_dma source(%dma_start3A_60 : memref<64x128xf32, #tpu.memory_space<vmem_shared>>) target(%arg11 : memref<64x128xf32, #tpu.memory_space<vmem>>) target_semaphore(%run_scoped3A : memref<!tpu.dma_semaphore, #tpu.memory_space<semaphore_mem>>)
      %dma_wait3A = arith.constant 0 : i32
      %dma_wait3A_61 = tpu.memref_slice %arg13[%add3A_45, %dma_wait3A] : memref<10240x128xf32, #tpu.memory_space<vmem_shared>> -> memref<64x128xf32, #tpu.memory_space<vmem_shared>>
      %dma_wait3A_62 = arith.constant 0 : i32
      %dma_wait3A_63 = tpu.memref_slice %arg13[%add3A_45, %dma_wait3A_62] : memref<10240x128xf32, #tpu.memory_space<vmem_shared>> -> memref<64x128xf32, #tpu.memory_space<vmem_shared>>
      tpu.wait_dma2 semaphore(%run_scoped3A : memref<!tpu.dma_semaphore, #tpu.memory_space<semaphore_mem>>) src(%dma_wait3A_63 : memref<64x128xf32, #tpu.memory_space<vmem_shared>>) dst(%arg11 : memref<64x128xf32, #tpu.memory_space<vmem>>)
      tpu.yield
    }) : () -> ()
    "tpu.region"() ({
      %run_scoped3A = tpu.sem_alloc : memref<!tpu.dma_semaphore, #tpu.memory_space<semaphore_mem>>
      %dma_start3A = arith.constant 0 : i32
      %dma_start3A_58 = tpu.memref_slice %arg5[%arg0, %add3A_45, %dma_start3A] : memref<2x10240x128xf32, #tpu.memory_space<hbm>> -> memref<1x64x128xf32, #tpu.memory_space<hbm>>
      %dma_start3A_59 = tpu.memref_squeeze %dma_start3A_58 : memref<1x64x128xf32, #tpu.memory_space<hbm>> -> memref<64x128xf32, #tpu.memory_space<hbm>>
      %dma_start3A_60 = arith.constant 0 : i32
      %dma_start3A_61 = tpu.memref_slice %arg5[%arg0, %add3A_45, %dma_start3A_60] : memref<2x10240x128xf32, #tpu.memory_space<hbm>> -> memref<1x64x128xf32, #tpu.memory_space<hbm>>
      %dma_start3A_62 = tpu.memref_squeeze %dma_start3A_61 : memref<1x64x128xf32, #tpu.memory_space<hbm>> -> memref<64x128xf32, #tpu.memory_space<hbm>>
      tpu.enqueue_dma source(%arg11 : memref<64x128xf32, #tpu.memory_space<vmem>>) target(%dma_start3A_62 : memref<64x128xf32, #tpu.memory_space<hbm>>) target_semaphore(%run_scoped3A : memref<!tpu.dma_semaphore, #tpu.memory_space<semaphore_mem>>)
      %dma_wait3A = arith.constant 0 : i32
      %dma_wait3A_63 = tpu.memref_slice %arg5[%arg0, %add3A_45, %dma_wait3A] : memref<2x10240x128xf32, #tpu.memory_space<hbm>> -> memref<1x64x128xf32, #tpu.memory_space<hbm>>
      %dma_wait3A_64 = tpu.memref_squeeze %dma_wait3A_63 : memref<1x64x128xf32, #tpu.memory_space<hbm>> -> memref<64x128xf32, #tpu.memory_space<hbm>>
      %dma_wait3A_65 = arith.constant 0 : i32
      %dma_wait3A_66 = tpu.memref_slice %arg5[%arg0, %add3A_45, %dma_wait3A_65] : memref<2x10240x128xf32, #tpu.memory_space<hbm>> -> memref<1x64x128xf32, #tpu.memory_space<hbm>>
      %dma_wait3A_67 = tpu.memref_squeeze %dma_wait3A_66 : memref<1x64x128xf32, #tpu.memory_space<hbm>> -> memref<64x128xf32, #tpu.memory_space<hbm>>
      tpu.wait_dma2 semaphore(%run_scoped3A : memref<!tpu.dma_semaphore, #tpu.memory_space<semaphore_mem>>) src(%arg11 : memref<64x128xf32, #tpu.memory_space<vmem>>) dst(%dma_wait3A_67 : memref<64x128xf32, #tpu.memory_space<hbm>>)
      tpu.yield
    }) : () -> ()
    %add3A_46 = arith.constant 256 : i32
    %add3A_47 = arith.addi %mul3A_7, %add3A_46 : i32
    "tpu.region"() ({
      %run_scoped3A = tpu.sem_alloc : memref<!tpu.dma_semaphore, #tpu.memory_space<semaphore_mem>>
      %dma_start3A = arith.constant 0 : i32
      %dma_start3A_58 = tpu.memref_slice %arg13[%add3A_47, %dma_start3A] : memref<10240x128xf32, #tpu.memory_space<vmem_shared>> -> memref<64x128xf32, #tpu.memory_space<vmem_shared>>
      %dma_start3A_59 = arith.constant 0 : i32
      %dma_start3A_60 = tpu.memref_slice %arg13[%add3A_47, %dma_start3A_59] : memref<10240x128xf32, #tpu.memory_space<vmem_shared>> -> memref<64x128xf32, #tpu.memory_space<vmem_shared>>
      tpu.enqueue_dma source(%dma_start3A_60 : memref<64x128xf32, #tpu.memory_space<vmem_shared>>) target(%arg11 : memref<64x128xf32, #tpu.memory_space<vmem>>) target_semaphore(%run_scoped3A : memref<!tpu.dma_semaphore, #tpu.memory_space<semaphore_mem>>)
      %dma_wait3A = arith.constant 0 : i32
      %dma_wait3A_61 = tpu.memref_slice %arg13[%add3A_47, %dma_wait3A] : memref<10240x128xf32, #tpu.memory_space<vmem_shared>> -> memref<64x128xf32, #tpu.memory_space<vmem_shared>>
      %dma_wait3A_62 = arith.constant 0 : i32
      %dma_wait3A_63 = tpu.memref_slice %arg13[%add3A_47, %dma_wait3A_62] : memref<10240x128xf32, #tpu.memory_space<vmem_shared>> -> memref<64x128xf32, #tpu.memory_space<vmem_shared>>
      tpu.wait_dma2 semaphore(%run_scoped3A : memref<!tpu.dma_semaphore, #tpu.memory_space<semaphore_mem>>) src(%dma_wait3A_63 : memref<64x128xf32, #tpu.memory_space<vmem_shared>>) dst(%arg11 : memref<64x128xf32, #tpu.memory_space<vmem>>)
      tpu.yield
    }) : () -> ()
    "tpu.region"() ({
      %run_scoped3A = tpu.sem_alloc : memref<!tpu.dma_semaphore, #tpu.memory_space<semaphore_mem>>
      %dma_start3A = arith.constant 0 : i32
      %dma_start3A_58 = tpu.memref_slice %arg5[%arg0, %add3A_47, %dma_start3A] : memref<2x10240x128xf32, #tpu.memory_space<hbm>> -> memref<1x64x128xf32, #tpu.memory_space<hbm>>
      %dma_start3A_59 = tpu.memref_squeeze %dma_start3A_58 : memref<1x64x128xf32, #tpu.memory_space<hbm>> -> memref<64x128xf32, #tpu.memory_space<hbm>>
      %dma_start3A_60 = arith.constant 0 : i32
      %dma_start3A_61 = tpu.memref_slice %arg5[%arg0, %add3A_47, %dma_start3A_60] : memref<2x10240x128xf32, #tpu.memory_space<hbm>> -> memref<1x64x128xf32, #tpu.memory_space<hbm>>
      %dma_start3A_62 = tpu.memref_squeeze %dma_start3A_61 : memref<1x64x128xf32, #tpu.memory_space<hbm>> -> memref<64x128xf32, #tpu.memory_space<hbm>>
      tpu.enqueue_dma source(%arg11 : memref<64x128xf32, #tpu.memory_space<vmem>>) target(%dma_start3A_62 : memref<64x128xf32, #tpu.memory_space<hbm>>) target_semaphore(%run_scoped3A : memref<!tpu.dma_semaphore, #tpu.memory_space<semaphore_mem>>)
      %dma_wait3A = arith.constant 0 : i32
      %dma_wait3A_63 = tpu.memref_slice %arg5[%arg0, %add3A_47, %dma_wait3A] : memref<2x10240x128xf32, #tpu.memory_space<hbm>> -> memref<1x64x128xf32, #tpu.memory_space<hbm>>
      %dma_wait3A_64 = tpu.memref_squeeze %dma_wait3A_63 : memref<1x64x128xf32, #tpu.memory_space<hbm>> -> memref<64x128xf32, #tpu.memory_space<hbm>>
      %dma_wait3A_65 = arith.constant 0 : i32
      %dma_wait3A_66 = tpu.memref_slice %arg5[%arg0, %add3A_47, %dma_wait3A_65] : memref<2x10240x128xf32, #tpu.memory_space<hbm>> -> memref<1x64x128xf32, #tpu.memory_space<hbm>>
      %dma_wait3A_67 = tpu.memref_squeeze %dma_wait3A_66 : memref<1x64x128xf32, #tpu.memory_space<hbm>> -> memref<64x128xf32, #tpu.memory_space<hbm>>
      tpu.wait_dma2 semaphore(%run_scoped3A : memref<!tpu.dma_semaphore, #tpu.memory_space<semaphore_mem>>) src(%arg11 : memref<64x128xf32, #tpu.memory_space<vmem>>) dst(%dma_wait3A_67 : memref<64x128xf32, #tpu.memory_space<hbm>>)
      tpu.yield
    }) : () -> ()
    %add3A_48 = arith.constant 320 : i32
    %add3A_49 = arith.addi %mul3A_7, %add3A_48 : i32
    "tpu.region"() ({
      %run_scoped3A = tpu.sem_alloc : memref<!tpu.dma_semaphore, #tpu.memory_space<semaphore_mem>>
      %dma_start3A = arith.constant 0 : i32
      %dma_start3A_58 = tpu.memref_slice %arg13[%add3A_49, %dma_start3A] : memref<10240x128xf32, #tpu.memory_space<vmem_shared>> -> memref<64x128xf32, #tpu.memory_space<vmem_shared>>
      %dma_start3A_59 = arith.constant 0 : i32
      %dma_start3A_60 = tpu.memref_slice %arg13[%add3A_49, %dma_start3A_59] : memref<10240x128xf32, #tpu.memory_space<vmem_shared>> -> memref<64x128xf32, #tpu.memory_space<vmem_shared>>
      tpu.enqueue_dma source(%dma_start3A_60 : memref<64x128xf32, #tpu.memory_space<vmem_shared>>) target(%arg11 : memref<64x128xf32, #tpu.memory_space<vmem>>) target_semaphore(%run_scoped3A : memref<!tpu.dma_semaphore, #tpu.memory_space<semaphore_mem>>)
      %dma_wait3A = arith.constant 0 : i32
      %dma_wait3A_61 = tpu.memref_slice %arg13[%add3A_49, %dma_wait3A] : memref<10240x128xf32, #tpu.memory_space<vmem_shared>> -> memref<64x128xf32, #tpu.memory_space<vmem_shared>>
      %dma_wait3A_62 = arith.constant 0 : i32
      %dma_wait3A_63 = tpu.memref_slice %arg13[%add3A_49, %dma_wait3A_62] : memref<10240x128xf32, #tpu.memory_space<vmem_shared>> -> memref<64x128xf32, #tpu.memory_space<vmem_shared>>
      tpu.wait_dma2 semaphore(%run_scoped3A : memref<!tpu.dma_semaphore, #tpu.memory_space<semaphore_mem>>) src(%dma_wait3A_63 : memref<64x128xf32, #tpu.memory_space<vmem_shared>>) dst(%arg11 : memref<64x128xf32, #tpu.memory_space<vmem>>)
      tpu.yield
    }) : () -> ()
    "tpu.region"() ({
      %run_scoped3A = tpu.sem_alloc : memref<!tpu.dma_semaphore, #tpu.memory_space<semaphore_mem>>
      %dma_start3A = arith.constant 0 : i32
      %dma_start3A_58 = tpu.memref_slice %arg5[%arg0, %add3A_49, %dma_start3A] : memref<2x10240x128xf32, #tpu.memory_space<hbm>> -> memref<1x64x128xf32, #tpu.memory_space<hbm>>
      %dma_start3A_59 = tpu.memref_squeeze %dma_start3A_58 : memref<1x64x128xf32, #tpu.memory_space<hbm>> -> memref<64x128xf32, #tpu.memory_space<hbm>>
      %dma_start3A_60 = arith.constant 0 : i32
      %dma_start3A_61 = tpu.memref_slice %arg5[%arg0, %add3A_49, %dma_start3A_60] : memref<2x10240x128xf32, #tpu.memory_space<hbm>> -> memref<1x64x128xf32, #tpu.memory_space<hbm>>
      %dma_start3A_62 = tpu.memref_squeeze %dma_start3A_61 : memref<1x64x128xf32, #tpu.memory_space<hbm>> -> memref<64x128xf32, #tpu.memory_space<hbm>>
      tpu.enqueue_dma source(%arg11 : memref<64x128xf32, #tpu.memory_space<vmem>>) target(%dma_start3A_62 : memref<64x128xf32, #tpu.memory_space<hbm>>) target_semaphore(%run_scoped3A : memref<!tpu.dma_semaphore, #tpu.memory_space<semaphore_mem>>)
      %dma_wait3A = arith.constant 0 : i32
      %dma_wait3A_63 = tpu.memref_slice %arg5[%arg0, %add3A_49, %dma_wait3A] : memref<2x10240x128xf32, #tpu.memory_space<hbm>> -> memref<1x64x128xf32, #tpu.memory_space<hbm>>
      %dma_wait3A_64 = tpu.memref_squeeze %dma_wait3A_63 : memref<1x64x128xf32, #tpu.memory_space<hbm>> -> memref<64x128xf32, #tpu.memory_space<hbm>>
      %dma_wait3A_65 = arith.constant 0 : i32
      %dma_wait3A_66 = tpu.memref_slice %arg5[%arg0, %add3A_49, %dma_wait3A_65] : memref<2x10240x128xf32, #tpu.memory_space<hbm>> -> memref<1x64x128xf32, #tpu.memory_space<hbm>>
      %dma_wait3A_67 = tpu.memref_squeeze %dma_wait3A_66 : memref<1x64x128xf32, #tpu.memory_space<hbm>> -> memref<64x128xf32, #tpu.memory_space<hbm>>
      tpu.wait_dma2 semaphore(%run_scoped3A : memref<!tpu.dma_semaphore, #tpu.memory_space<semaphore_mem>>) src(%arg11 : memref<64x128xf32, #tpu.memory_space<vmem>>) dst(%dma_wait3A_67 : memref<64x128xf32, #tpu.memory_space<hbm>>)
      tpu.yield
    }) : () -> ()
    %add3A_50 = arith.constant 384 : i32
    %add3A_51 = arith.addi %mul3A_7, %add3A_50 : i32
    "tpu.region"() ({
      %run_scoped3A = tpu.sem_alloc : memref<!tpu.dma_semaphore, #tpu.memory_space<semaphore_mem>>
      %dma_start3A = arith.constant 0 : i32
      %dma_start3A_58 = tpu.memref_slice %arg13[%add3A_51, %dma_start3A] : memref<10240x128xf32, #tpu.memory_space<vmem_shared>> -> memref<64x128xf32, #tpu.memory_space<vmem_shared>>
      %dma_start3A_59 = arith.constant 0 : i32
      %dma_start3A_60 = tpu.memref_slice %arg13[%add3A_51, %dma_start3A_59] : memref<10240x128xf32, #tpu.memory_space<vmem_shared>> -> memref<64x128xf32, #tpu.memory_space<vmem_shared>>
      tpu.enqueue_dma source(%dma_start3A_60 : memref<64x128xf32, #tpu.memory_space<vmem_shared>>) target(%arg11 : memref<64x128xf32, #tpu.memory_space<vmem>>) target_semaphore(%run_scoped3A : memref<!tpu.dma_semaphore, #tpu.memory_space<semaphore_mem>>)
      %dma_wait3A = arith.constant 0 : i32
      %dma_wait3A_61 = tpu.memref_slice %arg13[%add3A_51, %dma_wait3A] : memref<10240x128xf32, #tpu.memory_space<vmem_shared>> -> memref<64x128xf32, #tpu.memory_space<vmem_shared>>
      %dma_wait3A_62 = arith.constant 0 : i32
      %dma_wait3A_63 = tpu.memref_slice %arg13[%add3A_51, %dma_wait3A_62] : memref<10240x128xf32, #tpu.memory_space<vmem_shared>> -> memref<64x128xf32, #tpu.memory_space<vmem_shared>>
      tpu.wait_dma2 semaphore(%run_scoped3A : memref<!tpu.dma_semaphore, #tpu.memory_space<semaphore_mem>>) src(%dma_wait3A_63 : memref<64x128xf32, #tpu.memory_space<vmem_shared>>) dst(%arg11 : memref<64x128xf32, #tpu.memory_space<vmem>>)
      tpu.yield
    }) : () -> ()
    "tpu.region"() ({
      %run_scoped3A = tpu.sem_alloc : memref<!tpu.dma_semaphore, #tpu.memory_space<semaphore_mem>>
      %dma_start3A = arith.constant 0 : i32
      %dma_start3A_58 = tpu.memref_slice %arg5[%arg0, %add3A_51, %dma_start3A] : memref<2x10240x128xf32, #tpu.memory_space<hbm>> -> memref<1x64x128xf32, #tpu.memory_space<hbm>>
      %dma_start3A_59 = tpu.memref_squeeze %dma_start3A_58 : memref<1x64x128xf32, #tpu.memory_space<hbm>> -> memref<64x128xf32, #tpu.memory_space<hbm>>
      %dma_start3A_60 = arith.constant 0 : i32
      %dma_start3A_61 = tpu.memref_slice %arg5[%arg0, %add3A_51, %dma_start3A_60] : memref<2x10240x128xf32, #tpu.memory_space<hbm>> -> memref<1x64x128xf32, #tpu.memory_space<hbm>>
      %dma_start3A_62 = tpu.memref_squeeze %dma_start3A_61 : memref<1x64x128xf32, #tpu.memory_space<hbm>> -> memref<64x128xf32, #tpu.memory_space<hbm>>
      tpu.enqueue_dma source(%arg11 : memref<64x128xf32, #tpu.memory_space<vmem>>) target(%dma_start3A_62 : memref<64x128xf32, #tpu.memory_space<hbm>>) target_semaphore(%run_scoped3A : memref<!tpu.dma_semaphore, #tpu.memory_space<semaphore_mem>>)
      %dma_wait3A = arith.constant 0 : i32
      %dma_wait3A_63 = tpu.memref_slice %arg5[%arg0, %add3A_51, %dma_wait3A] : memref<2x10240x128xf32, #tpu.memory_space<hbm>> -> memref<1x64x128xf32, #tpu.memory_space<hbm>>
      %dma_wait3A_64 = tpu.memref_squeeze %dma_wait3A_63 : memref<1x64x128xf32, #tpu.memory_space<hbm>> -> memref<64x128xf32, #tpu.memory_space<hbm>>
      %dma_wait3A_65 = arith.constant 0 : i32
      %dma_wait3A_66 = tpu.memref_slice %arg5[%arg0, %add3A_51, %dma_wait3A_65] : memref<2x10240x128xf32, #tpu.memory_space<hbm>> -> memref<1x64x128xf32, #tpu.memory_space<hbm>>
      %dma_wait3A_67 = tpu.memref_squeeze %dma_wait3A_66 : memref<1x64x128xf32, #tpu.memory_space<hbm>> -> memref<64x128xf32, #tpu.memory_space<hbm>>
      tpu.wait_dma2 semaphore(%run_scoped3A : memref<!tpu.dma_semaphore, #tpu.memory_space<semaphore_mem>>) src(%arg11 : memref<64x128xf32, #tpu.memory_space<vmem>>) dst(%dma_wait3A_67 : memref<64x128xf32, #tpu.memory_space<hbm>>)
      tpu.yield
    }) : () -> ()
    %add3A_52 = arith.constant 448 : i32
    %add3A_53 = arith.addi %mul3A_7, %add3A_52 : i32
    "tpu.region"() ({
      %run_scoped3A = tpu.sem_alloc : memref<!tpu.dma_semaphore, #tpu.memory_space<semaphore_mem>>
      %dma_start3A = arith.constant 0 : i32
      %dma_start3A_58 = tpu.memref_slice %arg13[%add3A_53, %dma_start3A] : memref<10240x128xf32, #tpu.memory_space<vmem_shared>> -> memref<64x128xf32, #tpu.memory_space<vmem_shared>>
      %dma_start3A_59 = arith.constant 0 : i32
      %dma_start3A_60 = tpu.memref_slice %arg13[%add3A_53, %dma_start3A_59] : memref<10240x128xf32, #tpu.memory_space<vmem_shared>> -> memref<64x128xf32, #tpu.memory_space<vmem_shared>>
      tpu.enqueue_dma source(%dma_start3A_60 : memref<64x128xf32, #tpu.memory_space<vmem_shared>>) target(%arg11 : memref<64x128xf32, #tpu.memory_space<vmem>>) target_semaphore(%run_scoped3A : memref<!tpu.dma_semaphore, #tpu.memory_space<semaphore_mem>>)
      %dma_wait3A = arith.constant 0 : i32
      %dma_wait3A_61 = tpu.memref_slice %arg13[%add3A_53, %dma_wait3A] : memref<10240x128xf32, #tpu.memory_space<vmem_shared>> -> memref<64x128xf32, #tpu.memory_space<vmem_shared>>
      %dma_wait3A_62 = arith.constant 0 : i32
      %dma_wait3A_63 = tpu.memref_slice %arg13[%add3A_53, %dma_wait3A_62] : memref<10240x128xf32, #tpu.memory_space<vmem_shared>> -> memref<64x128xf32, #tpu.memory_space<vmem_shared>>
      tpu.wait_dma2 semaphore(%run_scoped3A : memref<!tpu.dma_semaphore, #tpu.memory_space<semaphore_mem>>) src(%dma_wait3A_63 : memref<64x128xf32, #tpu.memory_space<vmem_shared>>) dst(%arg11 : memref<64x128xf32, #tpu.memory_space<vmem>>)
      tpu.yield
    }) : () -> ()
    "tpu.region"() ({
      %run_scoped3A = tpu.sem_alloc : memref<!tpu.dma_semaphore, #tpu.memory_space<semaphore_mem>>
      %dma_start3A = arith.constant 0 : i32
      %dma_start3A_58 = tpu.memref_slice %arg5[%arg0, %add3A_53, %dma_start3A] : memref<2x10240x128xf32, #tpu.memory_space<hbm>> -> memref<1x64x128xf32, #tpu.memory_space<hbm>>
      %dma_start3A_59 = tpu.memref_squeeze %dma_start3A_58 : memref<1x64x128xf32, #tpu.memory_space<hbm>> -> memref<64x128xf32, #tpu.memory_space<hbm>>
      %dma_start3A_60 = arith.constant 0 : i32
      %dma_start3A_61 = tpu.memref_slice %arg5[%arg0, %add3A_53, %dma_start3A_60] : memref<2x10240x128xf32, #tpu.memory_space<hbm>> -> memref<1x64x128xf32, #tpu.memory_space<hbm>>
      %dma_start3A_62 = tpu.memref_squeeze %dma_start3A_61 : memref<1x64x128xf32, #tpu.memory_space<hbm>> -> memref<64x128xf32, #tpu.memory_space<hbm>>
      tpu.enqueue_dma source(%arg11 : memref<64x128xf32, #tpu.memory_space<vmem>>) target(%dma_start3A_62 : memref<64x128xf32, #tpu.memory_space<hbm>>) target_semaphore(%run_scoped3A : memref<!tpu.dma_semaphore, #tpu.memory_space<semaphore_mem>>)
      %dma_wait3A = arith.constant 0 : i32
      %dma_wait3A_63 = tpu.memref_slice %arg5[%arg0, %add3A_53, %dma_wait3A] : memref<2x10240x128xf32, #tpu.memory_space<hbm>> -> memref<1x64x128xf32, #tpu.memory_space<hbm>>
      %dma_wait3A_64 = tpu.memref_squeeze %dma_wait3A_63 : memref<1x64x128xf32, #tpu.memory_space<hbm>> -> memref<64x128xf32, #tpu.memory_space<hbm>>
      %dma_wait3A_65 = arith.constant 0 : i32
      %dma_wait3A_66 = tpu.memref_slice %arg5[%arg0, %add3A_53, %dma_wait3A_65] : memref<2x10240x128xf32, #tpu.memory_space<hbm>> -> memref<1x64x128xf32, #tpu.memory_space<hbm>>
      %dma_wait3A_67 = tpu.memref_squeeze %dma_wait3A_66 : memref<1x64x128xf32, #tpu.memory_space<hbm>> -> memref<64x128xf32, #tpu.memory_space<hbm>>
      tpu.wait_dma2 semaphore(%run_scoped3A : memref<!tpu.dma_semaphore, #tpu.memory_space<semaphore_mem>>) src(%arg11 : memref<64x128xf32, #tpu.memory_space<vmem>>) dst(%dma_wait3A_67 : memref<64x128xf32, #tpu.memory_space<hbm>>)
      tpu.yield
    }) : () -> ()
    %add3A_54 = arith.constant 512 : i32
    %add3A_55 = arith.addi %mul3A_7, %add3A_54 : i32
    "tpu.region"() ({
      %run_scoped3A = tpu.sem_alloc : memref<!tpu.dma_semaphore, #tpu.memory_space<semaphore_mem>>
      %dma_start3A = arith.constant 0 : i32
      %dma_start3A_58 = tpu.memref_slice %arg13[%add3A_55, %dma_start3A] : memref<10240x128xf32, #tpu.memory_space<vmem_shared>> -> memref<64x128xf32, #tpu.memory_space<vmem_shared>>
      %dma_start3A_59 = arith.constant 0 : i32
      %dma_start3A_60 = tpu.memref_slice %arg13[%add3A_55, %dma_start3A_59] : memref<10240x128xf32, #tpu.memory_space<vmem_shared>> -> memref<64x128xf32, #tpu.memory_space<vmem_shared>>
      tpu.enqueue_dma source(%dma_start3A_60 : memref<64x128xf32, #tpu.memory_space<vmem_shared>>) target(%arg11 : memref<64x128xf32, #tpu.memory_space<vmem>>) target_semaphore(%run_scoped3A : memref<!tpu.dma_semaphore, #tpu.memory_space<semaphore_mem>>)
      %dma_wait3A = arith.constant 0 : i32
      %dma_wait3A_61 = tpu.memref_slice %arg13[%add3A_55, %dma_wait3A] : memref<10240x128xf32, #tpu.memory_space<vmem_shared>> -> memref<64x128xf32, #tpu.memory_space<vmem_shared>>
      %dma_wait3A_62 = arith.constant 0 : i32
      %dma_wait3A_63 = tpu.memref_slice %arg13[%add3A_55, %dma_wait3A_62] : memref<10240x128xf32, #tpu.memory_space<vmem_shared>> -> memref<64x128xf32, #tpu.memory_space<vmem_shared>>
      tpu.wait_dma2 semaphore(%run_scoped3A : memref<!tpu.dma_semaphore, #tpu.memory_space<semaphore_mem>>) src(%dma_wait3A_63 : memref<64x128xf32, #tpu.memory_space<vmem_shared>>) dst(%arg11 : memref<64x128xf32, #tpu.memory_space<vmem>>)
      tpu.yield
    }) : () -> ()
    "tpu.region"() ({
      %run_scoped3A = tpu.sem_alloc : memref<!tpu.dma_semaphore, #tpu.memory_space<semaphore_mem>>
      %dma_start3A = arith.constant 0 : i32
      %dma_start3A_58 = tpu.memref_slice %arg5[%arg0, %add3A_55, %dma_start3A] : memref<2x10240x128xf32, #tpu.memory_space<hbm>> -> memref<1x64x128xf32, #tpu.memory_space<hbm>>
      %dma_start3A_59 = tpu.memref_squeeze %dma_start3A_58 : memref<1x64x128xf32, #tpu.memory_space<hbm>> -> memref<64x128xf32, #tpu.memory_space<hbm>>
      %dma_start3A_60 = arith.constant 0 : i32
      %dma_start3A_61 = tpu.memref_slice %arg5[%arg0, %add3A_55, %dma_start3A_60] : memref<2x10240x128xf32, #tpu.memory_space<hbm>> -> memref<1x64x128xf32, #tpu.memory_space<hbm>>
      %dma_start3A_62 = tpu.memref_squeeze %dma_start3A_61 : memref<1x64x128xf32, #tpu.memory_space<hbm>> -> memref<64x128xf32, #tpu.memory_space<hbm>>
      tpu.enqueue_dma source(%arg11 : memref<64x128xf32, #tpu.memory_space<vmem>>) target(%dma_start3A_62 : memref<64x128xf32, #tpu.memory_space<hbm>>) target_semaphore(%run_scoped3A : memref<!tpu.dma_semaphore, #tpu.memory_space<semaphore_mem>>)
      %dma_wait3A = arith.constant 0 : i32
      %dma_wait3A_63 = tpu.memref_slice %arg5[%arg0, %add3A_55, %dma_wait3A] : memref<2x10240x128xf32, #tpu.memory_space<hbm>> -> memref<1x64x128xf32, #tpu.memory_space<hbm>>
      %dma_wait3A_64 = tpu.memref_squeeze %dma_wait3A_63 : memref<1x64x128xf32, #tpu.memory_space<hbm>> -> memref<64x128xf32, #tpu.memory_space<hbm>>
      %dma_wait3A_65 = arith.constant 0 : i32
      %dma_wait3A_66 = tpu.memref_slice %arg5[%arg0, %add3A_55, %dma_wait3A_65] : memref<2x10240x128xf32, #tpu.memory_space<hbm>> -> memref<1x64x128xf32, #tpu.memory_space<hbm>>
      %dma_wait3A_67 = tpu.memref_squeeze %dma_wait3A_66 : memref<1x64x128xf32, #tpu.memory_space<hbm>> -> memref<64x128xf32, #tpu.memory_space<hbm>>
      tpu.wait_dma2 semaphore(%run_scoped3A : memref<!tpu.dma_semaphore, #tpu.memory_space<semaphore_mem>>) src(%arg11 : memref<64x128xf32, #tpu.memory_space<vmem>>) dst(%dma_wait3A_67 : memref<64x128xf32, #tpu.memory_space<hbm>>)
      tpu.yield
    }) : () -> ()
    %add3A_56 = arith.constant 576 : i32
    %add3A_57 = arith.addi %mul3A_7, %add3A_56 : i32
    "tpu.region"() ({
      %run_scoped3A = tpu.sem_alloc : memref<!tpu.dma_semaphore, #tpu.memory_space<semaphore_mem>>
      %dma_start3A = arith.constant 0 : i32
      %dma_start3A_58 = tpu.memref_slice %arg13[%add3A_57, %dma_start3A] : memref<10240x128xf32, #tpu.memory_space<vmem_shared>> -> memref<64x128xf32, #tpu.memory_space<vmem_shared>>
      %dma_start3A_59 = arith.constant 0 : i32
      %dma_start3A_60 = tpu.memref_slice %arg13[%add3A_57, %dma_start3A_59] : memref<10240x128xf32, #tpu.memory_space<vmem_shared>> -> memref<64x128xf32, #tpu.memory_space<vmem_shared>>
      tpu.enqueue_dma source(%dma_start3A_60 : memref<64x128xf32, #tpu.memory_space<vmem_shared>>) target(%arg11 : memref<64x128xf32, #tpu.memory_space<vmem>>) target_semaphore(%run_scoped3A : memref<!tpu.dma_semaphore, #tpu.memory_space<semaphore_mem>>)
      %dma_wait3A = arith.constant 0 : i32
      %dma_wait3A_61 = tpu.memref_slice %arg13[%add3A_57, %dma_wait3A] : memref<10240x128xf32, #tpu.memory_space<vmem_shared>> -> memref<64x128xf32, #tpu.memory_space<vmem_shared>>
      %dma_wait3A_62 = arith.constant 0 : i32
      %dma_wait3A_63 = tpu.memref_slice %arg13[%add3A_57, %dma_wait3A_62] : memref<10240x128xf32, #tpu.memory_space<vmem_shared>> -> memref<64x128xf32, #tpu.memory_space<vmem_shared>>
      tpu.wait_dma2 semaphore(%run_scoped3A : memref<!tpu.dma_semaphore, #tpu.memory_space<semaphore_mem>>) src(%dma_wait3A_63 : memref<64x128xf32, #tpu.memory_space<vmem_shared>>) dst(%arg11 : memref<64x128xf32, #tpu.memory_space<vmem>>)
      tpu.yield
    }) : () -> ()
    "tpu.region"() ({
      %run_scoped3A = tpu.sem_alloc : memref<!tpu.dma_semaphore, #tpu.memory_space<semaphore_mem>>
      %dma_start3A = arith.constant 0 : i32
      %dma_start3A_58 = tpu.memref_slice %arg5[%arg0, %add3A_57, %dma_start3A] : memref<2x10240x128xf32, #tpu.memory_space<hbm>> -> memref<1x64x128xf32, #tpu.memory_space<hbm>>
      %dma_start3A_59 = tpu.memref_squeeze %dma_start3A_58 : memref<1x64x128xf32, #tpu.memory_space<hbm>> -> memref<64x128xf32, #tpu.memory_space<hbm>>
      %dma_start3A_60 = arith.constant 0 : i32
      %dma_start3A_61 = tpu.memref_slice %arg5[%arg0, %add3A_57, %dma_start3A_60] : memref<2x10240x128xf32, #tpu.memory_space<hbm>> -> memref<1x64x128xf32, #tpu.memory_space<hbm>>
      %dma_start3A_62 = tpu.memref_squeeze %dma_start3A_61 : memref<1x64x128xf32, #tpu.memory_space<hbm>> -> memref<64x128xf32, #tpu.memory_space<hbm>>
      tpu.enqueue_dma source(%arg11 : memref<64x128xf32, #tpu.memory_space<vmem>>) target(%dma_start3A_62 : memref<64x128xf32, #tpu.memory_space<hbm>>) target_semaphore(%run_scoped3A : memref<!tpu.dma_semaphore, #tpu.memory_space<semaphore_mem>>)
      %dma_wait3A = arith.constant 0 : i32
      %dma_wait3A_63 = tpu.memref_slice %arg5[%arg0, %add3A_57, %dma_wait3A] : memref<2x10240x128xf32, #tpu.memory_space<hbm>> -> memref<1x64x128xf32, #tpu.memory_space<hbm>>
      %dma_wait3A_64 = tpu.memref_squeeze %dma_wait3A_63 : memref<1x64x128xf32, #tpu.memory_space<hbm>> -> memref<64x128xf32, #tpu.memory_space<hbm>>
      %dma_wait3A_65 = arith.constant 0 : i32
      %dma_wait3A_66 = tpu.memref_slice %arg5[%arg0, %add3A_57, %dma_wait3A_65] : memref<2x10240x128xf32, #tpu.memory_space<hbm>> -> memref<1x64x128xf32, #tpu.memory_space<hbm>>
      %dma_wait3A_67 = tpu.memref_squeeze %dma_wait3A_66 : memref<1x64x128xf32, #tpu.memory_space<hbm>> -> memref<64x128xf32, #tpu.memory_space<hbm>>
      tpu.wait_dma2 semaphore(%run_scoped3A : memref<!tpu.dma_semaphore, #tpu.memory_space<semaphore_mem>>) src(%arg11 : memref<64x128xf32, #tpu.memory_space<vmem>>) dst(%dma_wait3A_67 : memref<64x128xf32, #tpu.memory_space<hbm>>)
      tpu.yield
    }) : () -> ()
    return
  }
}

#map = affine_map<(d0, d1) -> (0, 0)>
#map1 = affine_map<(d0, d1) -> (0, 0, 0)>
module attributes {stable_mosaic.version = 14 : i64} {
  func.func @k(%arg0: i32, %arg1: i32, %arg2: memref<10240x128xf32, #tpu.memory_space<hbm>>, %arg3: memref<5120x64xi32, #tpu.memory_space<hbm>>, %arg4: memref<64x128xf32, #tpu.memory_space<hbm>>, %arg5: memref<2x10240x128xf32, #tpu.memory_space<hbm>>, %arg6: memref<160x64xi32, #tpu.memory_space<vmem>>, %arg7: memref<64xi32, #tpu.memory_space<vmem>>, %arg8: memref<64xi32, #tpu.memory_space<vmem>>, %arg9: memref<64xi32, #tpu.memory_space<vmem>>, %arg10: memref<64xi32, #tpu.memory_space<vmem>>, %arg11: memref<64x128xf32, #tpu.memory_space<vmem>>, %arg12: memref<64x128xf32, #tpu.memory_space<vmem>>, %arg13: memref<10240x128xf32, #tpu.memory_space<vmem_shared>>, %arg14: memref<!tpu.dma_semaphore, #tpu.memory_space<semaphore_mem>>, %arg15: memref<!tpu.dma_semaphore, #tpu.memory_space<semaphore_mem>>) attributes {dimension_semantics = [#tpu.dimension_semantics<core_parallel>, #tpu.dimension_semantics<subcore_parallel>], iteration_bounds = array<i64: 2, 16>, scalar_prefetch = 0 : i64, scratch_operands = 10 : i64, tpu.core_type = #tpu.core_type<sc_vector_subcore>, window_params = [{transform_indices = #map}, {transform_indices = #map}, {transform_indices = #map}, {transform_indices = #map1}]} {
    %eq3A = arith.constant 0 : i32
    %eq3A_0 = arith.cmpi eq, %arg0, %eq3A : i32
    %convert_element_type3A = arith.extui %eq3A_0 : i1 to i32
    %cond3A = arith.constant 0 : i32
    %cond3A_1 = arith.cmpi ne, %convert_element_type3A, %cond3A : i32
    scf.if %cond3A_1 {
      %mul3A_58 = arith.constant 160 : i32
      %mul3A_59 = arith.muli %arg1, %mul3A_58 : i32
      %multiple_of3A = tpu.assume_multiple %mul3A_59, 8 : i32
      "tpu.region"() ({
        %run_scoped3A = tpu.sem_alloc : memref<!tpu.dma_semaphore, #tpu.memory_space<semaphore_mem>>
        %dma_start3A = arith.constant 0 : i32
        %dma_start3A_60 = arith.constant 0 : i32
        %dma_start3A_61 = tpu.memref_slice %arg6[%dma_start3A, %dma_start3A_60] : memref<160x64xi32, #tpu.memory_space<vmem>> -> memref<160x64xi32, #tpu.memory_space<vmem>>
        %dma_start3A_62 = arith.constant 0 : i32
        %dma_start3A_63 = tpu.memref_slice %arg3[%multiple_of3A, %dma_start3A_62] : memref<5120x64xi32, #tpu.memory_space<hbm>> -> memref<160x64xi32, #tpu.memory_space<hbm>>
        %dma_start3A_64 = arith.constant 0 : i32
        %dma_start3A_65 = arith.constant 0 : i32
        %dma_start3A_66 = tpu.memref_slice %arg6[%dma_start3A_64, %dma_start3A_65] : memref<160x64xi32, #tpu.memory_space<vmem>> -> memref<160x64xi32, #tpu.memory_space<vmem>>
        %dma_start3A_67 = arith.constant 0 : i32
        %dma_start3A_68 = tpu.memref_slice %arg3[%multiple_of3A, %dma_start3A_67] : memref<5120x64xi32, #tpu.memory_space<hbm>> -> memref<160x64xi32, #tpu.memory_space<hbm>>
        tpu.enqueue_dma source(%dma_start3A_68 : memref<160x64xi32, #tpu.memory_space<hbm>>) target(%dma_start3A_66 : memref<160x64xi32, #tpu.memory_space<vmem>>) target_semaphore(%run_scoped3A : memref<!tpu.dma_semaphore, #tpu.memory_space<semaphore_mem>>)
        %dma_wait3A = arith.constant 0 : i32
        %dma_wait3A_69 = arith.constant 0 : i32
        %dma_wait3A_70 = tpu.memref_slice %arg6[%dma_wait3A, %dma_wait3A_69] : memref<160x64xi32, #tpu.memory_space<vmem>> -> memref<160x64xi32, #tpu.memory_space<vmem>>
        %dma_wait3A_71 = arith.constant 0 : i32
        %dma_wait3A_72 = tpu.memref_slice %arg3[%multiple_of3A, %dma_wait3A_71] : memref<5120x64xi32, #tpu.memory_space<hbm>> -> memref<160x64xi32, #tpu.memory_space<hbm>>
        %dma_wait3A_73 = arith.constant 0 : i32
        %dma_wait3A_74 = arith.constant 0 : i32
        %dma_wait3A_75 = tpu.memref_slice %arg6[%dma_wait3A_73, %dma_wait3A_74] : memref<160x64xi32, #tpu.memory_space<vmem>> -> memref<160x64xi32, #tpu.memory_space<vmem>>
        %dma_wait3A_76 = arith.constant 0 : i32
        %dma_wait3A_77 = tpu.memref_slice %arg3[%multiple_of3A, %dma_wait3A_76] : memref<5120x64xi32, #tpu.memory_space<hbm>> -> memref<160x64xi32, #tpu.memory_space<hbm>>
        tpu.wait_dma2 semaphore(%run_scoped3A : memref<!tpu.dma_semaphore, #tpu.memory_space<semaphore_mem>>) src(%dma_wait3A_77 : memref<160x64xi32, #tpu.memory_space<hbm>>) dst(%dma_wait3A_75 : memref<160x64xi32, #tpu.memory_space<vmem>>)
        tpu.yield
      }) : () -> ()
    } else {
    }
    %eq3A_2 = arith.constant 1 : i32
    %eq3A_3 = arith.cmpi eq, %arg0, %eq3A_2 : i32
    %convert_element_type3A_4 = arith.extui %eq3A_3 : i1 to i32
    %cond3A_5 = arith.constant 0 : i32
    %cond3A_6 = arith.cmpi ne, %convert_element_type3A_4, %cond3A_5 : i32
    scf.if %cond3A_6 {
      %mul3A_58 = arith.constant 160 : i32
      %mul3A_59 = arith.muli %arg1, %mul3A_58 : i32
      %add3A_60 = arith.constant 2560 : i32
      %add3A_61 = arith.addi %add3A_60, %mul3A_59 : i32
      %multiple_of3A = tpu.assume_multiple %add3A_61, 8 : i32
      "tpu.region"() ({
        %run_scoped3A = tpu.sem_alloc : memref<!tpu.dma_semaphore, #tpu.memory_space<semaphore_mem>>
        %dma_start3A = arith.constant 0 : i32
        %dma_start3A_62 = arith.constant 0 : i32
        %dma_start3A_63 = tpu.memref_slice %arg6[%dma_start3A, %dma_start3A_62] : memref<160x64xi32, #tpu.memory_space<vmem>> -> memref<160x64xi32, #tpu.memory_space<vmem>>
        %dma_start3A_64 = arith.constant 0 : i32
        %dma_start3A_65 = tpu.memref_slice %arg3[%multiple_of3A, %dma_start3A_64] : memref<5120x64xi32, #tpu.memory_space<hbm>> -> memref<160x64xi32, #tpu.memory_space<hbm>>
        %dma_start3A_66 = arith.constant 0 : i32
        %dma_start3A_67 = arith.constant 0 : i32
        %dma_start3A_68 = tpu.memref_slice %arg6[%dma_start3A_66, %dma_start3A_67] : memref<160x64xi32, #tpu.memory_space<vmem>> -> memref<160x64xi32, #tpu.memory_space<vmem>>
        %dma_start3A_69 = arith.constant 0 : i32
        %dma_start3A_70 = tpu.memref_slice %arg3[%multiple_of3A, %dma_start3A_69] : memref<5120x64xi32, #tpu.memory_space<hbm>> -> memref<160x64xi32, #tpu.memory_space<hbm>>
        tpu.enqueue_dma source(%dma_start3A_70 : memref<160x64xi32, #tpu.memory_space<hbm>>) target(%dma_start3A_68 : memref<160x64xi32, #tpu.memory_space<vmem>>) target_semaphore(%run_scoped3A : memref<!tpu.dma_semaphore, #tpu.memory_space<semaphore_mem>>)
        %dma_wait3A = arith.constant 0 : i32
        %dma_wait3A_71 = arith.constant 0 : i32
        %dma_wait3A_72 = tpu.memref_slice %arg6[%dma_wait3A, %dma_wait3A_71] : memref<160x64xi32, #tpu.memory_space<vmem>> -> memref<160x64xi32, #tpu.memory_space<vmem>>
        %dma_wait3A_73 = arith.constant 0 : i32
        %dma_wait3A_74 = tpu.memref_slice %arg3[%multiple_of3A, %dma_wait3A_73] : memref<5120x64xi32, #tpu.memory_space<hbm>> -> memref<160x64xi32, #tpu.memory_space<hbm>>
        %dma_wait3A_75 = arith.constant 0 : i32
        %dma_wait3A_76 = arith.constant 0 : i32
        %dma_wait3A_77 = tpu.memref_slice %arg6[%dma_wait3A_75, %dma_wait3A_76] : memref<160x64xi32, #tpu.memory_space<vmem>> -> memref<160x64xi32, #tpu.memory_space<vmem>>
        %dma_wait3A_78 = arith.constant 0 : i32
        %dma_wait3A_79 = tpu.memref_slice %arg3[%multiple_of3A, %dma_wait3A_78] : memref<5120x64xi32, #tpu.memory_space<hbm>> -> memref<160x64xi32, #tpu.memory_space<hbm>>
        tpu.wait_dma2 semaphore(%run_scoped3A : memref<!tpu.dma_semaphore, #tpu.memory_space<semaphore_mem>>) src(%dma_wait3A_79 : memref<160x64xi32, #tpu.memory_space<hbm>>) dst(%dma_wait3A_77 : memref<160x64xi32, #tpu.memory_space<vmem>>)
        tpu.yield
      }) : () -> ()
    } else {
    }
    "tpu.region"() ({
      %run_scoped3A = tpu.sem_alloc : memref<!tpu.dma_semaphore, #tpu.memory_space<semaphore_mem>>
      tpu.enqueue_dma source(%arg4 : memref<64x128xf32, #tpu.memory_space<hbm>>) target(%arg11 : memref<64x128xf32, #tpu.memory_space<vmem>>) target_semaphore(%run_scoped3A : memref<!tpu.dma_semaphore, #tpu.memory_space<semaphore_mem>>)
      tpu.wait_dma2 semaphore(%run_scoped3A : memref<!tpu.dma_semaphore, #tpu.memory_space<semaphore_mem>>) src(%arg4 : memref<64x128xf32, #tpu.memory_space<hbm>>) dst(%arg11 : memref<64x128xf32, #tpu.memory_space<vmem>>)
      tpu.yield
    }) : () -> ()
    %mul3A = arith.constant 640 : i32
    %mul3A_7 = arith.muli %arg1, %mul3A : i32
    %add3A = arith.constant 0 : i32
    %add3A_8 = arith.addi %mul3A_7, %add3A : i32
    "tpu.region"() ({
      %run_scoped3A = tpu.sem_alloc : memref<!tpu.dma_semaphore, #tpu.memory_space<semaphore_mem>>
      %dma_start3A = arith.constant 0 : i32
      %dma_start3A_58 = tpu.memref_slice %arg13[%add3A_8, %dma_start3A] : memref<10240x128xf32, #tpu.memory_space<vmem_shared>> -> memref<64x128xf32, #tpu.memory_space<vmem_shared>>
      %dma_start3A_59 = arith.constant 0 : i32
      %dma_start3A_60 = tpu.memref_slice %arg13[%add3A_8, %dma_start3A_59] : memref<10240x128xf32, #tpu.memory_space<vmem_shared>> -> memref<64x128xf32, #tpu.memory_space<vmem_shared>>
      tpu.enqueue_dma source(%arg11 : memref<64x128xf32, #tpu.memory_space<vmem>>) target(%dma_start3A_60 : memref<64x128xf32, #tpu.memory_space<vmem_shared>>) target_semaphore(%run_scoped3A : memref<!tpu.dma_semaphore, #tpu.memory_space<semaphore_mem>>)
      %dma_wait3A = arith.constant 0 : i32
      %dma_wait3A_61 = tpu.memref_slice %arg13[%add3A_8, %dma_wait3A] : memref<10240x128xf32, #tpu.memory_space<vmem_shared>> -> memref<64x128xf32, #tpu.memory_space<vmem_shared>>
      %dma_wait3A_62 = arith.constant 0 : i32
      %dma_wait3A_63 = tpu.memref_slice %arg13[%add3A_8, %dma_wait3A_62] : memref<10240x128xf32, #tpu.memory_space<vmem_shared>> -> memref<64x128xf32, #tpu.memory_space<vmem_shared>>
      tpu.wait_dma2 semaphore(%run_scoped3A : memref<!tpu.dma_semaphore, #tpu.memory_space<semaphore_mem>>) src(%arg11 : memref<64x128xf32, #tpu.memory_space<vmem>>) dst(%dma_wait3A_63 : memref<64x128xf32, #tpu.memory_space<vmem_shared>>)
      tpu.yield
    }) : () -> ()
    %add3A_9 = arith.constant 64 : i32
    %add3A_10 = arith.addi %mul3A_7, %add3A_9 : i32
    "tpu.region"() ({
      %run_scoped3A = tpu.sem_alloc : memref<!tpu.dma_semaphore, #tpu.memory_space<semaphore_mem>>
      %dma_start3A = arith.constant 0 : i32
      %dma_start3A_58 = tpu.memref_slice %arg13[%add3A_10, %dma_start3A] : memref<10240x128xf32, #tpu.memory_space<vmem_shared>> -> memref<64x128xf32, #tpu.memory_space<vmem_shared>>
      %dma_start3A_59 = arith.constant 0 : i32
      %dma_start3A_60 = tpu.memref_slice %arg13[%add3A_10, %dma_start3A_59] : memref<10240x128xf32, #tpu.memory_space<vmem_shared>> -> memref<64x128xf32, #tpu.memory_space<vmem_shared>>
      tpu.enqueue_dma source(%arg11 : memref<64x128xf32, #tpu.memory_space<vmem>>) target(%dma_start3A_60 : memref<64x128xf32, #tpu.memory_space<vmem_shared>>) target_semaphore(%run_scoped3A : memref<!tpu.dma_semaphore, #tpu.memory_space<semaphore_mem>>)
      %dma_wait3A = arith.constant 0 : i32
      %dma_wait3A_61 = tpu.memref_slice %arg13[%add3A_10, %dma_wait3A] : memref<10240x128xf32, #tpu.memory_space<vmem_shared>> -> memref<64x128xf32, #tpu.memory_space<vmem_shared>>
      %dma_wait3A_62 = arith.constant 0 : i32
      %dma_wait3A_63 = tpu.memref_slice %arg13[%add3A_10, %dma_wait3A_62] : memref<10240x128xf32, #tpu.memory_space<vmem_shared>> -> memref<64x128xf32, #tpu.memory_space<vmem_shared>>
      tpu.wait_dma2 semaphore(%run_scoped3A : memref<!tpu.dma_semaphore, #tpu.memory_space<semaphore_mem>>) src(%arg11 : memref<64x128xf32, #tpu.memory_space<vmem>>) dst(%dma_wait3A_63 : memref<64x128xf32, #tpu.memory_space<vmem_shared>>)
      tpu.yield
    }) : () -> ()
    %add3A_11 = arith.constant 128 : i32
    %add3A_12 = arith.addi %mul3A_7, %add3A_11 : i32
    "tpu.region"() ({
      %run_scoped3A = tpu.sem_alloc : memref<!tpu.dma_semaphore, #tpu.memory_space<semaphore_mem>>
      %dma_start3A = arith.constant 0 : i32
      %dma_start3A_58 = tpu.memref_slice %arg13[%add3A_12, %dma_start3A] : memref<10240x128xf32, #tpu.memory_space<vmem_shared>> -> memref<64x128xf32, #tpu.memory_space<vmem_shared>>
      %dma_start3A_59 = arith.constant 0 : i32
      %dma_start3A_60 = tpu.memref_slice %arg13[%add3A_12, %dma_start3A_59] : memref<10240x128xf32, #tpu.memory_space<vmem_shared>> -> memref<64x128xf32, #tpu.memory_space<vmem_shared>>
      tpu.enqueue_dma source(%arg11 : memref<64x128xf32, #tpu.memory_space<vmem>>) target(%dma_start3A_60 : memref<64x128xf32, #tpu.memory_space<vmem_shared>>) target_semaphore(%run_scoped3A : memref<!tpu.dma_semaphore, #tpu.memory_space<semaphore_mem>>)
      %dma_wait3A = arith.constant 0 : i32
      %dma_wait3A_61 = tpu.memref_slice %arg13[%add3A_12, %dma_wait3A] : memref<10240x128xf32, #tpu.memory_space<vmem_shared>> -> memref<64x128xf32, #tpu.memory_space<vmem_shared>>
      %dma_wait3A_62 = arith.constant 0 : i32
      %dma_wait3A_63 = tpu.memref_slice %arg13[%add3A_12, %dma_wait3A_62] : memref<10240x128xf32, #tpu.memory_space<vmem_shared>> -> memref<64x128xf32, #tpu.memory_space<vmem_shared>>
      tpu.wait_dma2 semaphore(%run_scoped3A : memref<!tpu.dma_semaphore, #tpu.memory_space<semaphore_mem>>) src(%arg11 : memref<64x128xf32, #tpu.memory_space<vmem>>) dst(%dma_wait3A_63 : memref<64x128xf32, #tpu.memory_space<vmem_shared>>)
      tpu.yield
    }) : () -> ()
    %add3A_13 = arith.constant 192 : i32
    %add3A_14 = arith.addi %mul3A_7, %add3A_13 : i32
    "tpu.region"() ({
      %run_scoped3A = tpu.sem_alloc : memref<!tpu.dma_semaphore, #tpu.memory_space<semaphore_mem>>
      %dma_start3A = arith.constant 0 : i32
      %dma_start3A_58 = tpu.memref_slice %arg13[%add3A_14, %dma_start3A] : memref<10240x128xf32, #tpu.memory_space<vmem_shared>> -> memref<64x128xf32, #tpu.memory_space<vmem_shared>>
      %dma_start3A_59 = arith.constant 0 : i32
      %dma_start3A_60 = tpu.memref_slice %arg13[%add3A_14, %dma_start3A_59] : memref<10240x128xf32, #tpu.memory_space<vmem_shared>> -> memref<64x128xf32, #tpu.memory_space<vmem_shared>>
      tpu.enqueue_dma source(%arg11 : memref<64x128xf32, #tpu.memory_space<vmem>>) target(%dma_start3A_60 : memref<64x128xf32, #tpu.memory_space<vmem_shared>>) target_semaphore(%run_scoped3A : memref<!tpu.dma_semaphore, #tpu.memory_space<semaphore_mem>>)
      %dma_wait3A = arith.constant 0 : i32
      %dma_wait3A_61 = tpu.memref_slice %arg13[%add3A_14, %dma_wait3A] : memref<10240x128xf32, #tpu.memory_space<vmem_shared>> -> memref<64x128xf32, #tpu.memory_space<vmem_shared>>
      %dma_wait3A_62 = arith.constant 0 : i32
      %dma_wait3A_63 = tpu.memref_slice %arg13[%add3A_14, %dma_wait3A_62] : memref<10240x128xf32, #tpu.memory_space<vmem_shared>> -> memref<64x128xf32, #tpu.memory_space<vmem_shared>>
      tpu.wait_dma2 semaphore(%run_scoped3A : memref<!tpu.dma_semaphore, #tpu.memory_space<semaphore_mem>>) src(%arg11 : memref<64x128xf32, #tpu.memory_space<vmem>>) dst(%dma_wait3A_63 : memref<64x128xf32, #tpu.memory_space<vmem_shared>>)
      tpu.yield
    }) : () -> ()
    %add3A_15 = arith.constant 256 : i32
    %add3A_16 = arith.addi %mul3A_7, %add3A_15 : i32
    "tpu.region"() ({
      %run_scoped3A = tpu.sem_alloc : memref<!tpu.dma_semaphore, #tpu.memory_space<semaphore_mem>>
      %dma_start3A = arith.constant 0 : i32
      %dma_start3A_58 = tpu.memref_slice %arg13[%add3A_16, %dma_start3A] : memref<10240x128xf32, #tpu.memory_space<vmem_shared>> -> memref<64x128xf32, #tpu.memory_space<vmem_shared>>
      %dma_start3A_59 = arith.constant 0 : i32
      %dma_start3A_60 = tpu.memref_slice %arg13[%add3A_16, %dma_start3A_59] : memref<10240x128xf32, #tpu.memory_space<vmem_shared>> -> memref<64x128xf32, #tpu.memory_space<vmem_shared>>
      tpu.enqueue_dma source(%arg11 : memref<64x128xf32, #tpu.memory_space<vmem>>) target(%dma_start3A_60 : memref<64x128xf32, #tpu.memory_space<vmem_shared>>) target_semaphore(%run_scoped3A : memref<!tpu.dma_semaphore, #tpu.memory_space<semaphore_mem>>)
      %dma_wait3A = arith.constant 0 : i32
      %dma_wait3A_61 = tpu.memref_slice %arg13[%add3A_16, %dma_wait3A] : memref<10240x128xf32, #tpu.memory_space<vmem_shared>> -> memref<64x128xf32, #tpu.memory_space<vmem_shared>>
      %dma_wait3A_62 = arith.constant 0 : i32
      %dma_wait3A_63 = tpu.memref_slice %arg13[%add3A_16, %dma_wait3A_62] : memref<10240x128xf32, #tpu.memory_space<vmem_shared>> -> memref<64x128xf32, #tpu.memory_space<vmem_shared>>
      tpu.wait_dma2 semaphore(%run_scoped3A : memref<!tpu.dma_semaphore, #tpu.memory_space<semaphore_mem>>) src(%arg11 : memref<64x128xf32, #tpu.memory_space<vmem>>) dst(%dma_wait3A_63 : memref<64x128xf32, #tpu.memory_space<vmem_shared>>)
      tpu.yield
    }) : () -> ()
    %add3A_17 = arith.constant 320 : i32
    %add3A_18 = arith.addi %mul3A_7, %add3A_17 : i32
    "tpu.region"() ({
      %run_scoped3A = tpu.sem_alloc : memref<!tpu.dma_semaphore, #tpu.memory_space<semaphore_mem>>
      %dma_start3A = arith.constant 0 : i32
      %dma_start3A_58 = tpu.memref_slice %arg13[%add3A_18, %dma_start3A] : memref<10240x128xf32, #tpu.memory_space<vmem_shared>> -> memref<64x128xf32, #tpu.memory_space<vmem_shared>>
      %dma_start3A_59 = arith.constant 0 : i32
      %dma_start3A_60 = tpu.memref_slice %arg13[%add3A_18, %dma_start3A_59] : memref<10240x128xf32, #tpu.memory_space<vmem_shared>> -> memref<64x128xf32, #tpu.memory_space<vmem_shared>>
      tpu.enqueue_dma source(%arg11 : memref<64x128xf32, #tpu.memory_space<vmem>>) target(%dma_start3A_60 : memref<64x128xf32, #tpu.memory_space<vmem_shared>>) target_semaphore(%run_scoped3A : memref<!tpu.dma_semaphore, #tpu.memory_space<semaphore_mem>>)
      %dma_wait3A = arith.constant 0 : i32
      %dma_wait3A_61 = tpu.memref_slice %arg13[%add3A_18, %dma_wait3A] : memref<10240x128xf32, #tpu.memory_space<vmem_shared>> -> memref<64x128xf32, #tpu.memory_space<vmem_shared>>
      %dma_wait3A_62 = arith.constant 0 : i32
      %dma_wait3A_63 = tpu.memref_slice %arg13[%add3A_18, %dma_wait3A_62] : memref<10240x128xf32, #tpu.memory_space<vmem_shared>> -> memref<64x128xf32, #tpu.memory_space<vmem_shared>>
      tpu.wait_dma2 semaphore(%run_scoped3A : memref<!tpu.dma_semaphore, #tpu.memory_space<semaphore_mem>>) src(%arg11 : memref<64x128xf32, #tpu.memory_space<vmem>>) dst(%dma_wait3A_63 : memref<64x128xf32, #tpu.memory_space<vmem_shared>>)
      tpu.yield
    }) : () -> ()
    %add3A_19 = arith.constant 384 : i32
    %add3A_20 = arith.addi %mul3A_7, %add3A_19 : i32
    "tpu.region"() ({
      %run_scoped3A = tpu.sem_alloc : memref<!tpu.dma_semaphore, #tpu.memory_space<semaphore_mem>>
      %dma_start3A = arith.constant 0 : i32
      %dma_start3A_58 = tpu.memref_slice %arg13[%add3A_20, %dma_start3A] : memref<10240x128xf32, #tpu.memory_space<vmem_shared>> -> memref<64x128xf32, #tpu.memory_space<vmem_shared>>
      %dma_start3A_59 = arith.constant 0 : i32
      %dma_start3A_60 = tpu.memref_slice %arg13[%add3A_20, %dma_start3A_59] : memref<10240x128xf32, #tpu.memory_space<vmem_shared>> -> memref<64x128xf32, #tpu.memory_space<vmem_shared>>
      tpu.enqueue_dma source(%arg11 : memref<64x128xf32, #tpu.memory_space<vmem>>) target(%dma_start3A_60 : memref<64x128xf32, #tpu.memory_space<vmem_shared>>) target_semaphore(%run_scoped3A : memref<!tpu.dma_semaphore, #tpu.memory_space<semaphore_mem>>)
      %dma_wait3A = arith.constant 0 : i32
      %dma_wait3A_61 = tpu.memref_slice %arg13[%add3A_20, %dma_wait3A] : memref<10240x128xf32, #tpu.memory_space<vmem_shared>> -> memref<64x128xf32, #tpu.memory_space<vmem_shared>>
      %dma_wait3A_62 = arith.constant 0 : i32
      %dma_wait3A_63 = tpu.memref_slice %arg13[%add3A_20, %dma_wait3A_62] : memref<10240x128xf32, #tpu.memory_space<vmem_shared>> -> memref<64x128xf32, #tpu.memory_space<vmem_shared>>
      tpu.wait_dma2 semaphore(%run_scoped3A : memref<!tpu.dma_semaphore, #tpu.memory_space<semaphore_mem>>) src(%arg11 : memref<64x128xf32, #tpu.memory_space<vmem>>) dst(%dma_wait3A_63 : memref<64x128xf32, #tpu.memory_space<vmem_shared>>)
      tpu.yield
    }) : () -> ()
    %add3A_21 = arith.constant 448 : i32
    %add3A_22 = arith.addi %mul3A_7, %add3A_21 : i32
    "tpu.region"() ({
      %run_scoped3A = tpu.sem_alloc : memref<!tpu.dma_semaphore, #tpu.memory_space<semaphore_mem>>
      %dma_start3A = arith.constant 0 : i32
      %dma_start3A_58 = tpu.memref_slice %arg13[%add3A_22, %dma_start3A] : memref<10240x128xf32, #tpu.memory_space<vmem_shared>> -> memref<64x128xf32, #tpu.memory_space<vmem_shared>>
      %dma_start3A_59 = arith.constant 0 : i32
      %dma_start3A_60 = tpu.memref_slice %arg13[%add3A_22, %dma_start3A_59] : memref<10240x128xf32, #tpu.memory_space<vmem_shared>> -> memref<64x128xf32, #tpu.memory_space<vmem_shared>>
      tpu.enqueue_dma source(%arg11 : memref<64x128xf32, #tpu.memory_space<vmem>>) target(%dma_start3A_60 : memref<64x128xf32, #tpu.memory_space<vmem_shared>>) target_semaphore(%run_scoped3A : memref<!tpu.dma_semaphore, #tpu.memory_space<semaphore_mem>>)
      %dma_wait3A = arith.constant 0 : i32
      %dma_wait3A_61 = tpu.memref_slice %arg13[%add3A_22, %dma_wait3A] : memref<10240x128xf32, #tpu.memory_space<vmem_shared>> -> memref<64x128xf32, #tpu.memory_space<vmem_shared>>
      %dma_wait3A_62 = arith.constant 0 : i32
      %dma_wait3A_63 = tpu.memref_slice %arg13[%add3A_22, %dma_wait3A_62] : memref<10240x128xf32, #tpu.memory_space<vmem_shared>> -> memref<64x128xf32, #tpu.memory_space<vmem_shared>>
      tpu.wait_dma2 semaphore(%run_scoped3A : memref<!tpu.dma_semaphore, #tpu.memory_space<semaphore_mem>>) src(%arg11 : memref<64x128xf32, #tpu.memory_space<vmem>>) dst(%dma_wait3A_63 : memref<64x128xf32, #tpu.memory_space<vmem_shared>>)
      tpu.yield
    }) : () -> ()
    %add3A_23 = arith.constant 512 : i32
    %add3A_24 = arith.addi %mul3A_7, %add3A_23 : i32
    "tpu.region"() ({
      %run_scoped3A = tpu.sem_alloc : memref<!tpu.dma_semaphore, #tpu.memory_space<semaphore_mem>>
      %dma_start3A = arith.constant 0 : i32
      %dma_start3A_58 = tpu.memref_slice %arg13[%add3A_24, %dma_start3A] : memref<10240x128xf32, #tpu.memory_space<vmem_shared>> -> memref<64x128xf32, #tpu.memory_space<vmem_shared>>
      %dma_start3A_59 = arith.constant 0 : i32
      %dma_start3A_60 = tpu.memref_slice %arg13[%add3A_24, %dma_start3A_59] : memref<10240x128xf32, #tpu.memory_space<vmem_shared>> -> memref<64x128xf32, #tpu.memory_space<vmem_shared>>
      tpu.enqueue_dma source(%arg11 : memref<64x128xf32, #tpu.memory_space<vmem>>) target(%dma_start3A_60 : memref<64x128xf32, #tpu.memory_space<vmem_shared>>) target_semaphore(%run_scoped3A : memref<!tpu.dma_semaphore, #tpu.memory_space<semaphore_mem>>)
      %dma_wait3A = arith.constant 0 : i32
      %dma_wait3A_61 = tpu.memref_slice %arg13[%add3A_24, %dma_wait3A] : memref<10240x128xf32, #tpu.memory_space<vmem_shared>> -> memref<64x128xf32, #tpu.memory_space<vmem_shared>>
      %dma_wait3A_62 = arith.constant 0 : i32
      %dma_wait3A_63 = tpu.memref_slice %arg13[%add3A_24, %dma_wait3A_62] : memref<10240x128xf32, #tpu.memory_space<vmem_shared>> -> memref<64x128xf32, #tpu.memory_space<vmem_shared>>
      tpu.wait_dma2 semaphore(%run_scoped3A : memref<!tpu.dma_semaphore, #tpu.memory_space<semaphore_mem>>) src(%arg11 : memref<64x128xf32, #tpu.memory_space<vmem>>) dst(%dma_wait3A_63 : memref<64x128xf32, #tpu.memory_space<vmem_shared>>)
      tpu.yield
    }) : () -> ()
    %add3A_25 = arith.constant 576 : i32
    %add3A_26 = arith.addi %mul3A_7, %add3A_25 : i32
    "tpu.region"() ({
      %run_scoped3A = tpu.sem_alloc : memref<!tpu.dma_semaphore, #tpu.memory_space<semaphore_mem>>
      %dma_start3A = arith.constant 0 : i32
      %dma_start3A_58 = tpu.memref_slice %arg13[%add3A_26, %dma_start3A] : memref<10240x128xf32, #tpu.memory_space<vmem_shared>> -> memref<64x128xf32, #tpu.memory_space<vmem_shared>>
      %dma_start3A_59 = arith.constant 0 : i32
      %dma_start3A_60 = tpu.memref_slice %arg13[%add3A_26, %dma_start3A_59] : memref<10240x128xf32, #tpu.memory_space<vmem_shared>> -> memref<64x128xf32, #tpu.memory_space<vmem_shared>>
      tpu.enqueue_dma source(%arg11 : memref<64x128xf32, #tpu.memory_space<vmem>>) target(%dma_start3A_60 : memref<64x128xf32, #tpu.memory_space<vmem_shared>>) target_semaphore(%run_scoped3A : memref<!tpu.dma_semaphore, #tpu.memory_space<semaphore_mem>>)
      %dma_wait3A = arith.constant 0 : i32
      %dma_wait3A_61 = tpu.memref_slice %arg13[%add3A_26, %dma_wait3A] : memref<10240x128xf32, #tpu.memory_space<vmem_shared>> -> memref<64x128xf32, #tpu.memory_space<vmem_shared>>
      %dma_wait3A_62 = arith.constant 0 : i32
      %dma_wait3A_63 = tpu.memref_slice %arg13[%add3A_26, %dma_wait3A_62] : memref<10240x128xf32, #tpu.memory_space<vmem_shared>> -> memref<64x128xf32, #tpu.memory_space<vmem_shared>>
      tpu.wait_dma2 semaphore(%run_scoped3A : memref<!tpu.dma_semaphore, #tpu.memory_space<semaphore_mem>>) src(%arg11 : memref<64x128xf32, #tpu.memory_space<vmem>>) dst(%dma_wait3A_63 : memref<64x128xf32, #tpu.memory_space<vmem_shared>>)
      tpu.yield
    }) : () -> ()
    %barrier3A = arith.constant 0 : index
    tpu.barrier barrier_id(%barrier3A)
    %eq3A_27 = arith.constant 0 : i32
    %eq3A_28 = arith.cmpi eq, %arg0, %eq3A_27 : i32
    %convert_element_type3A_29 = arith.extui %eq3A_28 : i1 to i32
    %cond3A_30 = arith.constant 0 : i32
    %cond3A_31 = arith.cmpi ne, %convert_element_type3A_29, %cond3A_30 : i32
    scf.if %cond3A_31 {
      %get3A = arith.constant 0 : i32
      %get3A_58 = arith.index_cast %get3A : i32 to index
      %get3A_59 = arith.constant 0 : index
      %get3A_60 = tpu.vector_load %arg6[%get3A_58, %get3A_59] {strides = array<i32>} : memref<160x64xi32, #tpu.memory_space<vmem>>, vector<1x16xi32>,
      %get3A_61 = vector.shape_cast %get3A_60 : vector<1x16xi32> to vector<16xi32>
      %and3A = arith.constant 65535 : i32
      %and3A_62 = vector.broadcast %and3A : i32 to vector<16xi32>
      %and3A_63 = arith.andi %get3A_61, %and3A_62 : vector<16xi32>
      %swap3A = arith.constant 0 : index
      %swap3A_64 = tpu.vector_load %arg7[%swap3A] {strides = array<i32>} : memref<64xi32, #tpu.memory_space<vmem>>, vector<16xi32>,
      %swap3A_65 = vector.shape_cast %swap3A_64 : vector<16xi32> to vector<16xi32>
      %swap3A_66 = vector.shape_cast %and3A_63 : vector<16xi32> to vector<16xi32>
      tpu.vector_store %arg7[%swap3A], %swap3A_66 {strides = array<i32>} : memref<64xi32, #tpu.memory_space<vmem>>, vector<16xi32>,
      %get3A_67 = arith.constant 0 : i32
      %get3A_68 = arith.index_cast %get3A_67 : i32 to index
      %get3A_69 = arith.constant 16 : index
      %get3A_70 = tpu.vector_load %arg6[%get3A_68, %get3A_69] {strides = array<i32>} : memref<160x64xi32, #tpu.memory_space<vmem>>, vector<1x16xi32>,
      %get3A_71 = vector.shape_cast %get3A_70 : vector<1x16xi32> to vector<16xi32>
      %and3A_72 = arith.constant 65535 : i32
      %and3A_73 = vector.broadcast %and3A_72 : i32 to vector<16xi32>
      %and3A_74 = arith.andi %get3A_71, %and3A_73 : vector<16xi32>
      %swap3A_75 = arith.constant 16 : index
      %swap3A_76 = tpu.vector_load %arg7[%swap3A_75] {strides = array<i32>} : memref<64xi32, #tpu.memory_space<vmem>>, vector<16xi32>,
      %swap3A_77 = vector.shape_cast %swap3A_76 : vector<16xi32> to vector<16xi32>
      %swap3A_78 = vector.shape_cast %and3A_74 : vector<16xi32> to vector<16xi32>
      tpu.vector_store %arg7[%swap3A_75], %swap3A_78 {strides = array<i32>} : memref<64xi32, #tpu.memory_space<vmem>>, vector<16xi32>,
      %get3A_79 = arith.constant 0 : i32
      %get3A_80 = arith.index_cast %get3A_79 : i32 to index
      %get3A_81 = arith.constant 32 : index
      %get3A_82 = tpu.vector_load %arg6[%get3A_80, %get3A_81] {strides = array<i32>} : memref<160x64xi32, #tpu.memory_space<vmem>>, vector<1x16xi32>,
      %get3A_83 = vector.shape_cast %get3A_82 : vector<1x16xi32> to vector<16xi32>
      %and3A_84 = arith.constant 65535 : i32
      %and3A_85 = vector.broadcast %and3A_84 : i32 to vector<16xi32>
      %and3A_86 = arith.andi %get3A_83, %and3A_85 : vector<16xi32>
      %swap3A_87 = arith.constant 32 : index
      %swap3A_88 = tpu.vector_load %arg7[%swap3A_87] {strides = array<i32>} : memref<64xi32, #tpu.memory_space<vmem>>, vector<16xi32>,
      %swap3A_89 = vector.shape_cast %swap3A_88 : vector<16xi32> to vector<16xi32>
      %swap3A_90 = vector.shape_cast %and3A_86 : vector<16xi32> to vector<16xi32>
      tpu.vector_store %arg7[%swap3A_87], %swap3A_90 {strides = array<i32>} : memref<64xi32, #tpu.memory_space<vmem>>, vector<16xi32>,
      %get3A_91 = arith.constant 0 : i32
      %get3A_92 = arith.index_cast %get3A_91 : i32 to index
      %get3A_93 = arith.constant 48 : index
      %get3A_94 = tpu.vector_load %arg6[%get3A_92, %get3A_93] {strides = array<i32>} : memref<160x64xi32, #tpu.memory_space<vmem>>, vector<1x16xi32>,
      %get3A_95 = vector.shape_cast %get3A_94 : vector<1x16xi32> to vector<16xi32>
      %and3A_96 = arith.constant 65535 : i32
      %and3A_97 = vector.broadcast %and3A_96 : i32 to vector<16xi32>
      %and3A_98 = arith.andi %get3A_95, %and3A_97 : vector<16xi32>
      %swap3A_99 = arith.constant 48 : index
      %swap3A_100 = tpu.vector_load %arg7[%swap3A_99] {strides = array<i32>} : memref<64xi32, #tpu.memory_space<vmem>>, vector<16xi32>,
      %swap3A_101 = vector.shape_cast %swap3A_100 : vector<16xi32> to vector<16xi32>
      %swap3A_102 = vector.shape_cast %and3A_98 : vector<16xi32> to vector<16xi32>
      tpu.vector_store %arg7[%swap3A_99], %swap3A_102 {strides = array<i32>} : memref<64xi32, #tpu.memory_space<vmem>>, vector<16xi32>,
      %get3A_103 = arith.constant 0 : i32
      %get3A_104 = arith.index_cast %get3A_103 : i32 to index
      %get3A_105 = arith.constant 0 : index
      %get3A_106 = tpu.vector_load %arg6[%get3A_104, %get3A_105] {strides = array<i32>} : memref<160x64xi32, #tpu.memory_space<vmem>>, vector<1x16xi32>,
      %get3A_107 = vector.shape_cast %get3A_106 : vector<1x16xi32> to vector<16xi32>
      %shift_right_logical3A = arith.constant 16 : i32
      %shift_right_logical3A_108 = vector.broadcast %shift_right_logical3A : i32 to vector<16xi32>
      %shift_right_logical3A_109 = arith.shrui %get3A_107, %shift_right_logical3A_108 : vector<16xi32>
      %swap3A_110 = arith.constant 0 : index
      %swap3A_111 = tpu.vector_load %arg9[%swap3A_110] {strides = array<i32>} : memref<64xi32, #tpu.memory_space<vmem>>, vector<16xi32>,
      %swap3A_112 = vector.shape_cast %swap3A_111 : vector<16xi32> to vector<16xi32>
      %swap3A_113 = vector.shape_cast %shift_right_logical3A_109 : vector<16xi32> to vector<16xi32>
      tpu.vector_store %arg9[%swap3A_110], %swap3A_113 {strides = array<i32>} : memref<64xi32, #tpu.memory_space<vmem>>, vector<16xi32>,
      %get3A_114 = arith.constant 0 : i32
      %get3A_115 = arith.index_cast %get3A_114 : i32 to index
      %get3A_116 = arith.constant 16 : index
      %get3A_117 = tpu.vector_load %arg6[%get3A_115, %get3A_116] {strides = array<i32>} : memref<160x64xi32, #tpu.memory_space<vmem>>, vector<1x16xi32>,
      %get3A_118 = vector.shape_cast %get3A_117 : vector<1x16xi32> to vector<16xi32>
      %shift_right_logical3A_119 = arith.constant 16 : i32
      %shift_right_logical3A_120 = vector.broadcast %shift_right_logical3A_119 : i32 to vector<16xi32>
      %shift_right_logical3A_121 = arith.shrui %get3A_118, %shift_right_logical3A_120 : vector<16xi32>
      %swap3A_122 = arith.constant 16 : index
      %swap3A_123 = tpu.vector_load %arg9[%swap3A_122] {strides = array<i32>} : memref<64xi32, #tpu.memory_space<vmem>>, vector<16xi32>,
      %swap3A_124 = vector.shape_cast %swap3A_123 : vector<16xi32> to vector<16xi32>
      %swap3A_125 = vector.shape_cast %shift_right_logical3A_121 : vector<16xi32> to vector<16xi32>
      tpu.vector_store %arg9[%swap3A_122], %swap3A_125 {strides = array<i32>} : memref<64xi32, #tpu.memory_space<vmem>>, vector<16xi32>,
      %get3A_126 = arith.constant 0 : i32
      %get3A_127 = arith.index_cast %get3A_126 : i32 to index
      %get3A_128 = arith.constant 32 : index
      %get3A_129 = tpu.vector_load %arg6[%get3A_127, %get3A_128] {strides = array<i32>} : memref<160x64xi32, #tpu.memory_space<vmem>>, vector<1x16xi32>,
      %get3A_130 = vector.shape_cast %get3A_129 : vector<1x16xi32> to vector<16xi32>
      %shift_right_logical3A_131 = arith.constant 16 : i32
      %shift_right_logical3A_132 = vector.broadcast %shift_right_logical3A_131 : i32 to vector<16xi32>
      %shift_right_logical3A_133 = arith.shrui %get3A_130, %shift_right_logical3A_132 : vector<16xi32>
      %swap3A_134 = arith.constant 32 : index
      %swap3A_135 = tpu.vector_load %arg9[%swap3A_134] {strides = array<i32>} : memref<64xi32, #tpu.memory_space<vmem>>, vector<16xi32>,
      %swap3A_136 = vector.shape_cast %swap3A_135 : vector<16xi32> to vector<16xi32>
      %swap3A_137 = vector.shape_cast %shift_right_logical3A_133 : vector<16xi32> to vector<16xi32>
      tpu.vector_store %arg9[%swap3A_134], %swap3A_137 {strides = array<i32>} : memref<64xi32, #tpu.memory_space<vmem>>, vector<16xi32>,
      %get3A_138 = arith.constant 0 : i32
      %get3A_139 = arith.index_cast %get3A_138 : i32 to index
      %get3A_140 = arith.constant 48 : index
      %get3A_141 = tpu.vector_load %arg6[%get3A_139, %get3A_140] {strides = array<i32>} : memref<160x64xi32, #tpu.memory_space<vmem>>, vector<1x16xi32>,
      %get3A_142 = vector.shape_cast %get3A_141 : vector<1x16xi32> to vector<16xi32>
      %shift_right_logical3A_143 = arith.constant 16 : i32
      %shift_right_logical3A_144 = vector.broadcast %shift_right_logical3A_143 : i32 to vector<16xi32>
      %shift_right_logical3A_145 = arith.shrui %get3A_142, %shift_right_logical3A_144 : vector<16xi32>
      %swap3A_146 = arith.constant 48 : index
      %swap3A_147 = tpu.vector_load %arg9[%swap3A_146] {strides = array<i32>} : memref<64xi32, #tpu.memory_space<vmem>>, vector<16xi32>,
      %swap3A_148 = vector.shape_cast %swap3A_147 : vector<16xi32> to vector<16xi32>
      %swap3A_149 = vector.shape_cast %shift_right_logical3A_145 : vector<16xi32> to vector<16xi32>
      tpu.vector_store %arg9[%swap3A_146], %swap3A_149 {strides = array<i32>} : memref<64xi32, #tpu.memory_space<vmem>>, vector<16xi32>,
      %dma_start3A = arith.constant 0 : i32
      %dma_start3A_150 = arith.constant 0 : i32
      %dma_start3A_151 = tpu.memref_slice %arg2[%dma_start3A, %dma_start3A_150] : memref<10240x128xf32, #tpu.memory_space<hbm>> -> memref<10240x128xf32, #tpu.memory_space<hbm>>
      tpu.enqueue_indirect_dma source(%dma_start3A_151 : memref<10240x128xf32, #tpu.memory_space<hbm>>) target(%arg11 : memref<64x128xf32, #tpu.memory_space<vmem>>) offsets(%arg7 : memref<64xi32, #tpu.memory_space<vmem>>) semaphore(%arg14 : memref<!tpu.dma_semaphore, #tpu.memory_space<semaphore_mem>>)
      %scan3A = arith.constant 0 : i32
      %scan3A_152 = arith.constant 0 : i32
      %scan3A_153 = arith.constant 80 : i32
      %scan3A_154 = arith.addi %scan3A_152, %scan3A_153 : i32
      %scan3A_155 = arith.constant 1 : i32
      scf.for %scan3A_157 = %scan3A_152 to %scan3A_154 step %scan3A_155  : i32 {
        %mul3A_158 = arith.constant 2 : i32
        %mul3A_159 = arith.muli %mul3A_158, %scan3A_157 : i32
        %add3A_160 = arith.constant 1 : i32
        %add3A_161 = arith.addi %mul3A_159, %add3A_160 : i32
        %get3A_162 = arith.index_cast %add3A_161 : i32 to index
        %get3A_163 = arith.constant 0 : index
        %get3A_164 = tpu.vector_load %arg6[%get3A_162, %get3A_163] {strides = array<i32>} : memref<160x64xi32, #tpu.memory_space<vmem>>, vector<1x16xi32>,
        %get3A_165 = vector.shape_cast %get3A_164 : vector<1x16xi32> to vector<16xi32>
        %and3A_166 = arith.constant 65535 : i32
        %and3A_167 = vector.broadcast %and3A_166 : i32 to vector<16xi32>
        %and3A_168 = arith.andi %get3A_165, %and3A_167 : vector<16xi32>
        %swap3A_169 = arith.constant 0 : index
        %swap3A_170 = tpu.vector_load %arg8[%swap3A_169] {strides = array<i32>} : memref<64xi32, #tpu.memory_space<vmem>>, vector<16xi32>,
        %swap3A_171 = vector.shape_cast %swap3A_170 : vector<16xi32> to vector<16xi32>
        %swap3A_172 = vector.shape_cast %and3A_168 : vector<16xi32> to vector<16xi32>
        tpu.vector_store %arg8[%swap3A_169], %swap3A_172 {strides = array<i32>} : memref<64xi32, #tpu.memory_space<vmem>>, vector<16xi32>,
        %get3A_173 = arith.index_cast %add3A_161 : i32 to index
        %get3A_174 = arith.constant 16 : index
        %get3A_175 = tpu.vector_load %arg6[%get3A_173, %get3A_174] {strides = array<i32>} : memref<160x64xi32, #tpu.memory_space<vmem>>, vector<1x16xi32>,
        %get3A_176 = vector.shape_cast %get3A_175 : vector<1x16xi32> to vector<16xi32>
        %and3A_177 = arith.constant 65535 : i32
        %and3A_178 = vector.broadcast %and3A_177 : i32 to vector<16xi32>
        %and3A_179 = arith.andi %get3A_176, %and3A_178 : vector<16xi32>
        %swap3A_180 = arith.constant 16 : index
        %swap3A_181 = tpu.vector_load %arg8[%swap3A_180] {strides = array<i32>} : memref<64xi32, #tpu.memory_space<vmem>>, vector<16xi32>,
        %swap3A_182 = vector.shape_cast %swap3A_181 : vector<16xi32> to vector<16xi32>
        %swap3A_183 = vector.shape_cast %and3A_179 : vector<16xi32> to vector<16xi32>
        tpu.vector_store %arg8[%swap3A_180], %swap3A_183 {strides = array<i32>} : memref<64xi32, #tpu.memory_space<vmem>>, vector<16xi32>,
        %get3A_184 = arith.index_cast %add3A_161 : i32 to index
        %get3A_185 = arith.constant 32 : index
        %get3A_186 = tpu.vector_load %arg6[%get3A_184, %get3A_185] {strides = array<i32>} : memref<160x64xi32, #tpu.memory_space<vmem>>, vector<1x16xi32>,
        %get3A_187 = vector.shape_cast %get3A_186 : vector<1x16xi32> to vector<16xi32>
        %and3A_188 = arith.constant 65535 : i32
        %and3A_189 = vector.broadcast %and3A_188 : i32 to vector<16xi32>
        %and3A_190 = arith.andi %get3A_187, %and3A_189 : vector<16xi32>
        %swap3A_191 = arith.constant 32 : index
        %swap3A_192 = tpu.vector_load %arg8[%swap3A_191] {strides = array<i32>} : memref<64xi32, #tpu.memory_space<vmem>>, vector<16xi32>,
        %swap3A_193 = vector.shape_cast %swap3A_192 : vector<16xi32> to vector<16xi32>
        %swap3A_194 = vector.shape_cast %and3A_190 : vector<16xi32> to vector<16xi32>
        tpu.vector_store %arg8[%swap3A_191], %swap3A_194 {strides = array<i32>} : memref<64xi32, #tpu.memory_space<vmem>>, vector<16xi32>,
        %get3A_195 = arith.index_cast %add3A_161 : i32 to index
        %get3A_196 = arith.constant 48 : index
        %get3A_197 = tpu.vector_load %arg6[%get3A_195, %get3A_196] {strides = array<i32>} : memref<160x64xi32, #tpu.memory_space<vmem>>, vector<1x16xi32>,
        %get3A_198 = vector.shape_cast %get3A_197 : vector<1x16xi32> to vector<16xi32>
        %and3A_199 = arith.constant 65535 : i32
        %and3A_200 = vector.broadcast %and3A_199 : i32 to vector<16xi32>
        %and3A_201 = arith.andi %get3A_198, %and3A_200 : vector<16xi32>
        %swap3A_202 = arith.constant 48 : index
        %swap3A_203 = tpu.vector_load %arg8[%swap3A_202] {strides = array<i32>} : memref<64xi32, #tpu.memory_space<vmem>>, vector<16xi32>,
        %swap3A_204 = vector.shape_cast %swap3A_203 : vector<16xi32> to vector<16xi32>
        %swap3A_205 = vector.shape_cast %and3A_201 : vector<16xi32> to vector<16xi32>
        tpu.vector_store %arg8[%swap3A_202], %swap3A_205 {strides = array<i32>} : memref<64xi32, #tpu.memory_space<vmem>>, vector<16xi32>,
        %get3A_206 = arith.index_cast %add3A_161 : i32 to index
        %get3A_207 = arith.constant 0 : index
        %get3A_208 = tpu.vector_load %arg6[%get3A_206, %get3A_207] {strides = array<i32>} : memref<160x64xi32, #tpu.memory_space<vmem>>, vector<1x16xi32>,
        %get3A_209 = vector.shape_cast %get3A_208 : vector<1x16xi32> to vector<16xi32>
        %shift_right_logical3A_210 = arith.constant 16 : i32
        %shift_right_logical3A_211 = vector.broadcast %shift_right_logical3A_210 : i32 to vector<16xi32>
        %shift_right_logical3A_212 = arith.shrui %get3A_209, %shift_right_logical3A_211 : vector<16xi32>
        %swap3A_213 = arith.constant 0 : index
        %swap3A_214 = tpu.vector_load %arg10[%swap3A_213] {strides = array<i32>} : memref<64xi32, #tpu.memory_space<vmem>>, vector<16xi32>,
        %swap3A_215 = vector.shape_cast %swap3A_214 : vector<16xi32> to vector<16xi32>
        %swap3A_216 = vector.shape_cast %shift_right_logical3A_212 : vector<16xi32> to vector<16xi32>
        tpu.vector_store %arg10[%swap3A_213], %swap3A_216 {strides = array<i32>} : memref<64xi32, #tpu.memory_space<vmem>>, vector<16xi32>,
        %get3A_217 = arith.index_cast %add3A_161 : i32 to index
        %get3A_218 = arith.constant 16 : index
        %get3A_219 = tpu.vector_load %arg6[%get3A_217, %get3A_218] {strides = array<i32>} : memref<160x64xi32, #tpu.memory_space<vmem>>, vector<1x16xi32>,
        %get3A_220 = vector.shape_cast %get3A_219 : vector<1x16xi32> to vector<16xi32>
        %shift_right_logical3A_221 = arith.constant 16 : i32
        %shift_right_logical3A_222 = vector.broadcast %shift_right_logical3A_221 : i32 to vector<16xi32>
        %shift_right_logical3A_223 = arith.shrui %get3A_220, %shift_right_logical3A_222 : vector<16xi32>
        %swap3A_224 = arith.constant 16 : index
        %swap3A_225 = tpu.vector_load %arg10[%swap3A_224] {strides = array<i32>} : memref<64xi32, #tpu.memory_space<vmem>>, vector<16xi32>,
        %swap3A_226 = vector.shape_cast %swap3A_225 : vector<16xi32> to vector<16xi32>
        %swap3A_227 = vector.shape_cast %shift_right_logical3A_223 : vector<16xi32> to vector<16xi32>
        tpu.vector_store %arg10[%swap3A_224], %swap3A_227 {strides = array<i32>} : memref<64xi32, #tpu.memory_space<vmem>>, vector<16xi32>,
        %get3A_228 = arith.index_cast %add3A_161 : i32 to index
        %get3A_229 = arith.constant 32 : index
        %get3A_230 = tpu.vector_load %arg6[%get3A_228, %get3A_229] {strides = array<i32>} : memref<160x64xi32, #tpu.memory_space<vmem>>, vector<1x16xi32>,
        %get3A_231 = vector.shape_cast %get3A_230 : vector<1x16xi32> to vector<16xi32>
        %shift_right_logical3A_232 = arith.constant 16 : i32
        %shift_right_logical3A_233 = vector.broadcast %shift_right_logical3A_232 : i32 to vector<16xi32>
        %shift_right_logical3A_234 = arith.shrui %get3A_231, %shift_right_logical3A_233 : vector<16xi32>
        %swap3A_235 = arith.constant 32 : index
        %swap3A_236 = tpu.vector_load %arg10[%swap3A_235] {strides = array<i32>} : memref<64xi32, #tpu.memory_space<vmem>>, vector<16xi32>,
        %swap3A_237 = vector.shape_cast %swap3A_236 : vector<16xi32> to vector<16xi32>
        %swap3A_238 = vector.shape_cast %shift_right_logical3A_234 : vector<16xi32> to vector<16xi32>
        tpu.vector_store %arg10[%swap3A_235], %swap3A_238 {strides = array<i32>} : memref<64xi32, #tpu.memory_space<vmem>>, vector<16xi32>,
        %get3A_239 = arith.index_cast %add3A_161 : i32 to index
        %get3A_240 = arith.constant 48 : index
        %get3A_241 = tpu.vector_load %arg6[%get3A_239, %get3A_240] {strides = array<i32>} : memref<160x64xi32, #tpu.memory_space<vmem>>, vector<1x16xi32>,
        %get3A_242 = vector.shape_cast %get3A_241 : vector<1x16xi32> to vector<16xi32>
        %shift_right_logical3A_243 = arith.constant 16 : i32
        %shift_right_logical3A_244 = vector.broadcast %shift_right_logical3A_243 : i32 to vector<16xi32>
        %shift_right_logical3A_245 = arith.shrui %get3A_242, %shift_right_logical3A_244 : vector<16xi32>
        %swap3A_246 = arith.constant 48 : index
        %swap3A_247 = tpu.vector_load %arg10[%swap3A_246] {strides = array<i32>} : memref<64xi32, #tpu.memory_space<vmem>>, vector<16xi32>,
        %swap3A_248 = vector.shape_cast %swap3A_247 : vector<16xi32> to vector<16xi32>
        %swap3A_249 = vector.shape_cast %shift_right_logical3A_245 : vector<16xi32> to vector<16xi32>
        tpu.vector_store %arg10[%swap3A_246], %swap3A_249 {strides = array<i32>} : memref<64xi32, #tpu.memory_space<vmem>>, vector<16xi32>,
        %dma_start3A_250 = arith.constant 0 : i32
        %dma_start3A_251 = arith.constant 0 : i32
        %dma_start3A_252 = tpu.memref_slice %arg2[%dma_start3A_250, %dma_start3A_251] : memref<10240x128xf32, #tpu.memory_space<hbm>> -> memref<10240x128xf32, #tpu.memory_space<hbm>>
        tpu.enqueue_indirect_dma source(%dma_start3A_252 : memref<10240x128xf32, #tpu.memory_space<hbm>>) target(%arg12 : memref<64x128xf32, #tpu.memory_space<vmem>>) offsets(%arg8 : memref<64xi32, #tpu.memory_space<vmem>>) semaphore(%arg15 : memref<!tpu.dma_semaphore, #tpu.memory_space<semaphore_mem>>)
        %dma_wait3A = arith.constant 0 : i32
        %dma_wait3A_253 = arith.constant 0 : i32
        %dma_wait3A_254 = tpu.memref_slice %arg2[%dma_wait3A, %dma_wait3A_253] : memref<10240x128xf32, #tpu.memory_space<hbm>> -> memref<10240x128xf32, #tpu.memory_space<hbm>>
        tpu.wait_indirect_dma semaphore(%arg14 : memref<!tpu.dma_semaphore, #tpu.memory_space<semaphore_mem>>) src(%dma_wait3A_254 : memref<10240x128xf32, #tpu.memory_space<hbm>>) dst(%arg11 : memref<64x128xf32, #tpu.memory_space<vmem>>)
        "tpu.region"() ({
          %run_scoped3A = tpu.sem_alloc : memref<!tpu.dma_semaphore, #tpu.memory_space<semaphore_mem>>
          %dma_start3A_262 = arith.constant 0 : i32
          %dma_start3A_263 = arith.constant 0 : i32
          %dma_start3A_264 = tpu.memref_slice %arg13[%dma_start3A_262, %dma_start3A_263] : memref<10240x128xf32, #tpu.memory_space<vmem_shared>> -> memref<10240x128xf32, #tpu.memory_space<vmem_shared>>
          tpu.enqueue_indirect_dma source(%arg11 : memref<64x128xf32, #tpu.memory_space<vmem>>) target(%dma_start3A_264 : memref<10240x128xf32, #tpu.memory_space<vmem_shared>>) offsets(%arg9 : memref<64xi32, #tpu.memory_space<vmem>>) semaphore(%run_scoped3A : memref<!tpu.dma_semaphore, #tpu.memory_space<semaphore_mem>>) {add = true}
          %dma_wait3A_265 = arith.constant 0 : i32
          %dma_wait3A_266 = arith.constant 0 : i32
          %dma_wait3A_267 = tpu.memref_slice %arg13[%dma_wait3A_265, %dma_wait3A_266] : memref<10240x128xf32, #tpu.memory_space<vmem_shared>> -> memref<10240x128xf32, #tpu.memory_space<vmem_shared>>
          tpu.wait_indirect_dma semaphore(%run_scoped3A : memref<!tpu.dma_semaphore, #tpu.memory_space<semaphore_mem>>) src(%arg11 : memref<64x128xf32, #tpu.memory_space<vmem>>) dst(%dma_wait3A_267 : memref<10240x128xf32, #tpu.memory_space<vmem_shared>>)
          tpu.yield
        }) : () -> ()
        %lt3A = arith.constant 79 : i32
        %lt3A_255 = arith.cmpi slt, %scan3A_157, %lt3A : i32
        %convert_element_type3A_256 = arith.extui %lt3A_255 : i1 to i32
        %cond3A_257 = arith.constant 0 : i32
        %cond3A_258 = arith.cmpi ne, %convert_element_type3A_256, %cond3A_257 : i32
        scf.if %cond3A_258 {
          %add3A_262 = arith.constant 2 : i32
          %add3A_263 = arith.addi %mul3A_159, %add3A_262 : i32
          %get3A_264 = arith.index_cast %add3A_263 : i32 to index
          %get3A_265 = arith.constant 0 : index
          %get3A_266 = tpu.vector_load %arg6[%get3A_264, %get3A_265] {strides = array<i32>} : memref<160x64xi32, #tpu.memory_space<vmem>>, vector<1x16xi32>,
          %get3A_267 = vector.shape_cast %get3A_266 : vector<1x16xi32> to vector<16xi32>
          %and3A_268 = arith.constant 65535 : i32
          %and3A_269 = vector.broadcast %and3A_268 : i32 to vector<16xi32>
          %and3A_270 = arith.andi %get3A_267, %and3A_269 : vector<16xi32>
          %swap3A_271 = arith.constant 0 : index
          %swap3A_272 = tpu.vector_load %arg7[%swap3A_271] {strides = array<i32>} : memref<64xi32, #tpu.memory_space<vmem>>, vector<16xi32>,
          %swap3A_273 = vector.shape_cast %swap3A_272 : vector<16xi32> to vector<16xi32>
          %swap3A_274 = vector.shape_cast %and3A_270 : vector<16xi32> to vector<16xi32>
          tpu.vector_store %arg7[%swap3A_271], %swap3A_274 {strides = array<i32>} : memref<64xi32, #tpu.memory_space<vmem>>, vector<16xi32>,
          %get3A_275 = arith.index_cast %add3A_263 : i32 to index
          %get3A_276 = arith.constant 16 : index
          %get3A_277 = tpu.vector_load %arg6[%get3A_275, %get3A_276] {strides = array<i32>} : memref<160x64xi32, #tpu.memory_space<vmem>>, vector<1x16xi32>,
          %get3A_278 = vector.shape_cast %get3A_277 : vector<1x16xi32> to vector<16xi32>
          %and3A_279 = arith.constant 65535 : i32
          %and3A_280 = vector.broadcast %and3A_279 : i32 to vector<16xi32>
          %and3A_281 = arith.andi %get3A_278, %and3A_280 : vector<16xi32>
          %swap3A_282 = arith.constant 16 : index
          %swap3A_283 = tpu.vector_load %arg7[%swap3A_282] {strides = array<i32>} : memref<64xi32, #tpu.memory_space<vmem>>, vector<16xi32>,
          %swap3A_284 = vector.shape_cast %swap3A_283 : vector<16xi32> to vector<16xi32>
          %swap3A_285 = vector.shape_cast %and3A_281 : vector<16xi32> to vector<16xi32>
          tpu.vector_store %arg7[%swap3A_282], %swap3A_285 {strides = array<i32>} : memref<64xi32, #tpu.memory_space<vmem>>, vector<16xi32>,
          %get3A_286 = arith.index_cast %add3A_263 : i32 to index
          %get3A_287 = arith.constant 32 : index
          %get3A_288 = tpu.vector_load %arg6[%get3A_286, %get3A_287] {strides = array<i32>} : memref<160x64xi32, #tpu.memory_space<vmem>>, vector<1x16xi32>,
          %get3A_289 = vector.shape_cast %get3A_288 : vector<1x16xi32> to vector<16xi32>
          %and3A_290 = arith.constant 65535 : i32
          %and3A_291 = vector.broadcast %and3A_290 : i32 to vector<16xi32>
          %and3A_292 = arith.andi %get3A_289, %and3A_291 : vector<16xi32>
          %swap3A_293 = arith.constant 32 : index
          %swap3A_294 = tpu.vector_load %arg7[%swap3A_293] {strides = array<i32>} : memref<64xi32, #tpu.memory_space<vmem>>, vector<16xi32>,
          %swap3A_295 = vector.shape_cast %swap3A_294 : vector<16xi32> to vector<16xi32>
          %swap3A_296 = vector.shape_cast %and3A_292 : vector<16xi32> to vector<16xi32>
          tpu.vector_store %arg7[%swap3A_293], %swap3A_296 {strides = array<i32>} : memref<64xi32, #tpu.memory_space<vmem>>, vector<16xi32>,
          %get3A_297 = arith.index_cast %add3A_263 : i32 to index
          %get3A_298 = arith.constant 48 : index
          %get3A_299 = tpu.vector_load %arg6[%get3A_297, %get3A_298] {strides = array<i32>} : memref<160x64xi32, #tpu.memory_space<vmem>>, vector<1x16xi32>,
          %get3A_300 = vector.shape_cast %get3A_299 : vector<1x16xi32> to vector<16xi32>
          %and3A_301 = arith.constant 65535 : i32
          %and3A_302 = vector.broadcast %and3A_301 : i32 to vector<16xi32>
          %and3A_303 = arith.andi %get3A_300, %and3A_302 : vector<16xi32>
          %swap3A_304 = arith.constant 48 : index
          %swap3A_305 = tpu.vector_load %arg7[%swap3A_304] {strides = array<i32>} : memref<64xi32, #tpu.memory_space<vmem>>, vector<16xi32>,
          %swap3A_306 = vector.shape_cast %swap3A_305 : vector<16xi32> to vector<16xi32>
          %swap3A_307 = vector.shape_cast %and3A_303 : vector<16xi32> to vector<16xi32>
          tpu.vector_store %arg7[%swap3A_304], %swap3A_307 {strides = array<i32>} : memref<64xi32, #tpu.memory_space<vmem>>, vector<16xi32>,
          %get3A_308 = arith.index_cast %add3A_263 : i32 to index
          %get3A_309 = arith.constant 0 : index
          %get3A_310 = tpu.vector_load %arg6[%get3A_308, %get3A_309] {strides = array<i32>} : memref<160x64xi32, #tpu.memory_space<vmem>>, vector<1x16xi32>,
          %get3A_311 = vector.shape_cast %get3A_310 : vector<1x16xi32> to vector<16xi32>
          %shift_right_logical3A_312 = arith.constant 16 : i32
          %shift_right_logical3A_313 = vector.broadcast %shift_right_logical3A_312 : i32 to vector<16xi32>
          %shift_right_logical3A_314 = arith.shrui %get3A_311, %shift_right_logical3A_313 : vector<16xi32>
          %swap3A_315 = arith.constant 0 : index
          %swap3A_316 = tpu.vector_load %arg9[%swap3A_315] {strides = array<i32>} : memref<64xi32, #tpu.memory_space<vmem>>, vector<16xi32>,
          %swap3A_317 = vector.shape_cast %swap3A_316 : vector<16xi32> to vector<16xi32>
          %swap3A_318 = vector.shape_cast %shift_right_logical3A_314 : vector<16xi32> to vector<16xi32>
          tpu.vector_store %arg9[%swap3A_315], %swap3A_318 {strides = array<i32>} : memref<64xi32, #tpu.memory_space<vmem>>, vector<16xi32>,
          %get3A_319 = arith.index_cast %add3A_263 : i32 to index
          %get3A_320 = arith.constant 16 : index
          %get3A_321 = tpu.vector_load %arg6[%get3A_319, %get3A_320] {strides = array<i32>} : memref<160x64xi32, #tpu.memory_space<vmem>>, vector<1x16xi32>,
          %get3A_322 = vector.shape_cast %get3A_321 : vector<1x16xi32> to vector<16xi32>
          %shift_right_logical3A_323 = arith.constant 16 : i32
          %shift_right_logical3A_324 = vector.broadcast %shift_right_logical3A_323 : i32 to vector<16xi32>
          %shift_right_logical3A_325 = arith.shrui %get3A_322, %shift_right_logical3A_324 : vector<16xi32>
          %swap3A_326 = arith.constant 16 : index
          %swap3A_327 = tpu.vector_load %arg9[%swap3A_326] {strides = array<i32>} : memref<64xi32, #tpu.memory_space<vmem>>, vector<16xi32>,
          %swap3A_328 = vector.shape_cast %swap3A_327 : vector<16xi32> to vector<16xi32>
          %swap3A_329 = vector.shape_cast %shift_right_logical3A_325 : vector<16xi32> to vector<16xi32>
          tpu.vector_store %arg9[%swap3A_326], %swap3A_329 {strides = array<i32>} : memref<64xi32, #tpu.memory_space<vmem>>, vector<16xi32>,
          %get3A_330 = arith.index_cast %add3A_263 : i32 to index
          %get3A_331 = arith.constant 32 : index
          %get3A_332 = tpu.vector_load %arg6[%get3A_330, %get3A_331] {strides = array<i32>} : memref<160x64xi32, #tpu.memory_space<vmem>>, vector<1x16xi32>,
          %get3A_333 = vector.shape_cast %get3A_332 : vector<1x16xi32> to vector<16xi32>
          %shift_right_logical3A_334 = arith.constant 16 : i32
          %shift_right_logical3A_335 = vector.broadcast %shift_right_logical3A_334 : i32 to vector<16xi32>
          %shift_right_logical3A_336 = arith.shrui %get3A_333, %shift_right_logical3A_335 : vector<16xi32>
          %swap3A_337 = arith.constant 32 : index
          %swap3A_338 = tpu.vector_load %arg9[%swap3A_337] {strides = array<i32>} : memref<64xi32, #tpu.memory_space<vmem>>, vector<16xi32>,
          %swap3A_339 = vector.shape_cast %swap3A_338 : vector<16xi32> to vector<16xi32>
          %swap3A_340 = vector.shape_cast %shift_right_logical3A_336 : vector<16xi32> to vector<16xi32>
          tpu.vector_store %arg9[%swap3A_337], %swap3A_340 {strides = array<i32>} : memref<64xi32, #tpu.memory_space<vmem>>, vector<16xi32>,
          %get3A_341 = arith.index_cast %add3A_263 : i32 to index
          %get3A_342 = arith.constant 48 : index
          %get3A_343 = tpu.vector_load %arg6[%get3A_341, %get3A_342] {strides = array<i32>} : memref<160x64xi32, #tpu.memory_space<vmem>>, vector<1x16xi32>,
          %get3A_344 = vector.shape_cast %get3A_343 : vector<1x16xi32> to vector<16xi32>
          %shift_right_logical3A_345 = arith.constant 16 : i32
          %shift_right_logical3A_346 = vector.broadcast %shift_right_logical3A_345 : i32 to vector<16xi32>
          %shift_right_logical3A_347 = arith.shrui %get3A_344, %shift_right_logical3A_346 : vector<16xi32>
          %swap3A_348 = arith.constant 48 : index
          %swap3A_349 = tpu.vector_load %arg9[%swap3A_348] {strides = array<i32>} : memref<64xi32, #tpu.memory_space<vmem>>, vector<16xi32>,
          %swap3A_350 = vector.shape_cast %swap3A_349 : vector<16xi32> to vector<16xi32>
          %swap3A_351 = vector.shape_cast %shift_right_logical3A_347 : vector<16xi32> to vector<16xi32>
          tpu.vector_store %arg9[%swap3A_348], %swap3A_351 {strides = array<i32>} : memref<64xi32, #tpu.memory_space<vmem>>, vector<16xi32>,
          %dma_start3A_352 = arith.constant 0 : i32
          %dma_start3A_353 = arith.constant 0 : i32
          %dma_start3A_354 = tpu.memref_slice %arg2[%dma_start3A_352, %dma_start3A_353] : memref<10240x128xf32, #tpu.memory_space<hbm>> -> memref<10240x128xf32, #tpu.memory_space<hbm>>
          tpu.enqueue_indirect_dma source(%dma_start3A_354 : memref<10240x128xf32, #tpu.memory_space<hbm>>) target(%arg11 : memref<64x128xf32, #tpu.memory_space<vmem>>) offsets(%arg7 : memref<64xi32, #tpu.memory_space<vmem>>) semaphore(%arg14 : memref<!tpu.dma_semaphore, #tpu.memory_space<semaphore_mem>>)
        } else {
        }
        %dma_wait3A_259 = arith.constant 0 : i32
        %dma_wait3A_260 = arith.constant 0 : i32
        %dma_wait3A_261 = tpu.memref_slice %arg2[%dma_wait3A_259, %dma_wait3A_260] : memref<10240x128xf32, #tpu.memory_space<hbm>> -> memref<10240x128xf32, #tpu.memory_space<hbm>>
        tpu.wait_indirect_dma semaphore(%arg15 : memref<!tpu.dma_semaphore, #tpu.memory_space<semaphore_mem>>) src(%dma_wait3A_261 : memref<10240x128xf32, #tpu.memory_space<hbm>>) dst(%arg12 : memref<64x128xf32, #tpu.memory_space<vmem>>)
        "tpu.region"() ({
          %run_scoped3A = tpu.sem_alloc : memref<!tpu.dma_semaphore, #tpu.memory_space<semaphore_mem>>
          %dma_start3A_262 = arith.constant 0 : i32
          %dma_start3A_263 = arith.constant 0 : i32
          %dma_start3A_264 = tpu.memref_slice %arg13[%dma_start3A_262, %dma_start3A_263] : memref<10240x128xf32, #tpu.memory_space<vmem_shared>> -> memref<10240x128xf32, #tpu.memory_space<vmem_shared>>
          tpu.enqueue_indirect_dma source(%arg12 : memref<64x128xf32, #tpu.memory_space<vmem>>) target(%dma_start3A_264 : memref<10240x128xf32, #tpu.memory_space<vmem_shared>>) offsets(%arg10 : memref<64xi32, #tpu.memory_space<vmem>>) semaphore(%run_scoped3A : memref<!tpu.dma_semaphore, #tpu.memory_space<semaphore_mem>>) {add = true}
          %dma_wait3A_265 = arith.constant 0 : i32
          %dma_wait3A_266 = arith.constant 0 : i32
          %dma_wait3A_267 = tpu.memref_slice %arg13[%dma_wait3A_265, %dma_wait3A_266] : memref<10240x128xf32, #tpu.memory_space<vmem_shared>> -> memref<10240x128xf32, #tpu.memory_space<vmem_shared>>
          tpu.wait_indirect_dma semaphore(%run_scoped3A : memref<!tpu.dma_semaphore, #tpu.memory_space<semaphore_mem>>) src(%arg12 : memref<64x128xf32, #tpu.memory_space<vmem>>) dst(%dma_wait3A_267 : memref<10240x128xf32, #tpu.memory_space<vmem_shared>>)
          tpu.yield
        }) : () -> ()
      }
      %scan3A_156 = arith.constant 80 : i32
    } else {
    }
    %eq3A_32 = arith.constant 1 : i32
    %eq3A_33 = arith.cmpi eq, %arg0, %eq3A_32 : i32
    %convert_element_type3A_34 = arith.extui %eq3A_33 : i1 to i32
    %cond3A_35 = arith.constant 0 : i32
    %cond3A_36 = arith.cmpi ne, %convert_element_type3A_34, %cond3A_35 : i32
    scf.if %cond3A_36 {
      %get3A = arith.constant 0 : i32
      %get3A_58 = arith.index_cast %get3A : i32 to index
      %get3A_59 = arith.constant 0 : index
      %get3A_60 = tpu.vector_load %arg6[%get3A_58, %get3A_59] {strides = array<i32>} : memref<160x64xi32, #tpu.memory_space<vmem>>, vector<1x16xi32>,
      %get3A_61 = vector.shape_cast %get3A_60 : vector<1x16xi32> to vector<16xi32>
      %and3A = arith.constant 65535 : i32
      %and3A_62 = vector.broadcast %and3A : i32 to vector<16xi32>
      %and3A_63 = arith.andi %get3A_61, %and3A_62 : vector<16xi32>
      %swap3A = arith.constant 0 : index
      %swap3A_64 = tpu.vector_load %arg7[%swap3A] {strides = array<i32>} : memref<64xi32, #tpu.memory_space<vmem>>, vector<16xi32>,
      %swap3A_65 = vector.shape_cast %swap3A_64 : vector<16xi32> to vector<16xi32>
      %swap3A_66 = vector.shape_cast %and3A_63 : vector<16xi32> to vector<16xi32>
      tpu.vector_store %arg7[%swap3A], %swap3A_66 {strides = array<i32>} : memref<64xi32, #tpu.memory_space<vmem>>, vector<16xi32>,
      %get3A_67 = arith.constant 0 : i32
      %get3A_68 = arith.index_cast %get3A_67 : i32 to index
      %get3A_69 = arith.constant 16 : index
      %get3A_70 = tpu.vector_load %arg6[%get3A_68, %get3A_69] {strides = array<i32>} : memref<160x64xi32, #tpu.memory_space<vmem>>, vector<1x16xi32>,
      %get3A_71 = vector.shape_cast %get3A_70 : vector<1x16xi32> to vector<16xi32>
      %and3A_72 = arith.constant 65535 : i32
      %and3A_73 = vector.broadcast %and3A_72 : i32 to vector<16xi32>
      %and3A_74 = arith.andi %get3A_71, %and3A_73 : vector<16xi32>
      %swap3A_75 = arith.constant 16 : index
      %swap3A_76 = tpu.vector_load %arg7[%swap3A_75] {strides = array<i32>} : memref<64xi32, #tpu.memory_space<vmem>>, vector<16xi32>,
      %swap3A_77 = vector.shape_cast %swap3A_76 : vector<16xi32> to vector<16xi32>
      %swap3A_78 = vector.shape_cast %and3A_74 : vector<16xi32> to vector<16xi32>
      tpu.vector_store %arg7[%swap3A_75], %swap3A_78 {strides = array<i32>} : memref<64xi32, #tpu.memory_space<vmem>>, vector<16xi32>,
      %get3A_79 = arith.constant 0 : i32
      %get3A_80 = arith.index_cast %get3A_79 : i32 to index
      %get3A_81 = arith.constant 32 : index
      %get3A_82 = tpu.vector_load %arg6[%get3A_80, %get3A_81] {strides = array<i32>} : memref<160x64xi32, #tpu.memory_space<vmem>>, vector<1x16xi32>,
      %get3A_83 = vector.shape_cast %get3A_82 : vector<1x16xi32> to vector<16xi32>
      %and3A_84 = arith.constant 65535 : i32
      %and3A_85 = vector.broadcast %and3A_84 : i32 to vector<16xi32>
      %and3A_86 = arith.andi %get3A_83, %and3A_85 : vector<16xi32>
      %swap3A_87 = arith.constant 32 : index
      %swap3A_88 = tpu.vector_load %arg7[%swap3A_87] {strides = array<i32>} : memref<64xi32, #tpu.memory_space<vmem>>, vector<16xi32>,
      %swap3A_89 = vector.shape_cast %swap3A_88 : vector<16xi32> to vector<16xi32>
      %swap3A_90 = vector.shape_cast %and3A_86 : vector<16xi32> to vector<16xi32>
      tpu.vector_store %arg7[%swap3A_87], %swap3A_90 {strides = array<i32>} : memref<64xi32, #tpu.memory_space<vmem>>, vector<16xi32>,
      %get3A_91 = arith.constant 0 : i32
      %get3A_92 = arith.index_cast %get3A_91 : i32 to index
      %get3A_93 = arith.constant 48 : index
      %get3A_94 = tpu.vector_load %arg6[%get3A_92, %get3A_93] {strides = array<i32>} : memref<160x64xi32, #tpu.memory_space<vmem>>, vector<1x16xi32>,
      %get3A_95 = vector.shape_cast %get3A_94 : vector<1x16xi32> to vector<16xi32>
      %and3A_96 = arith.constant 65535 : i32
      %and3A_97 = vector.broadcast %and3A_96 : i32 to vector<16xi32>
      %and3A_98 = arith.andi %get3A_95, %and3A_97 : vector<16xi32>
      %swap3A_99 = arith.constant 48 : index
      %swap3A_100 = tpu.vector_load %arg7[%swap3A_99] {strides = array<i32>} : memref<64xi32, #tpu.memory_space<vmem>>, vector<16xi32>,
      %swap3A_101 = vector.shape_cast %swap3A_100 : vector<16xi32> to vector<16xi32>
      %swap3A_102 = vector.shape_cast %and3A_98 : vector<16xi32> to vector<16xi32>
      tpu.vector_store %arg7[%swap3A_99], %swap3A_102 {strides = array<i32>} : memref<64xi32, #tpu.memory_space<vmem>>, vector<16xi32>,
      %get3A_103 = arith.constant 0 : i32
      %get3A_104 = arith.index_cast %get3A_103 : i32 to index
      %get3A_105 = arith.constant 0 : index
      %get3A_106 = tpu.vector_load %arg6[%get3A_104, %get3A_105] {strides = array<i32>} : memref<160x64xi32, #tpu.memory_space<vmem>>, vector<1x16xi32>,
      %get3A_107 = vector.shape_cast %get3A_106 : vector<1x16xi32> to vector<16xi32>
      %shift_right_logical3A = arith.constant 16 : i32
      %shift_right_logical3A_108 = vector.broadcast %shift_right_logical3A : i32 to vector<16xi32>
      %shift_right_logical3A_109 = arith.shrui %get3A_107, %shift_right_logical3A_108 : vector<16xi32>
      %swap3A_110 = arith.constant 0 : index
      %swap3A_111 = tpu.vector_load %arg9[%swap3A_110] {strides = array<i32>} : memref<64xi32, #tpu.memory_space<vmem>>, vector<16xi32>,
      %swap3A_112 = vector.shape_cast %swap3A_111 : vector<16xi32> to vector<16xi32>
      %swap3A_113 = vector.shape_cast %shift_right_logical3A_109 : vector<16xi32> to vector<16xi32>
      tpu.vector_store %arg9[%swap3A_110], %swap3A_113 {strides = array<i32>} : memref<64xi32, #tpu.memory_space<vmem>>, vector<16xi32>,
      %get3A_114 = arith.constant 0 : i32
      %get3A_115 = arith.index_cast %get3A_114 : i32 to index
      %get3A_116 = arith.constant 16 : index
      %get3A_117 = tpu.vector_load %arg6[%get3A_115, %get3A_116] {strides = array<i32>} : memref<160x64xi32, #tpu.memory_space<vmem>>, vector<1x16xi32>,
      %get3A_118 = vector.shape_cast %get3A_117 : vector<1x16xi32> to vector<16xi32>
      %shift_right_logical3A_119 = arith.constant 16 : i32
      %shift_right_logical3A_120 = vector.broadcast %shift_right_logical3A_119 : i32 to vector<16xi32>
      %shift_right_logical3A_121 = arith.shrui %get3A_118, %shift_right_logical3A_120 : vector<16xi32>
      %swap3A_122 = arith.constant 16 : index
      %swap3A_123 = tpu.vector_load %arg9[%swap3A_122] {strides = array<i32>} : memref<64xi32, #tpu.memory_space<vmem>>, vector<16xi32>,
      %swap3A_124 = vector.shape_cast %swap3A_123 : vector<16xi32> to vector<16xi32>
      %swap3A_125 = vector.shape_cast %shift_right_logical3A_121 : vector<16xi32> to vector<16xi32>
      tpu.vector_store %arg9[%swap3A_122], %swap3A_125 {strides = array<i32>} : memref<64xi32, #tpu.memory_space<vmem>>, vector<16xi32>,
      %get3A_126 = arith.constant 0 : i32
      %get3A_127 = arith.index_cast %get3A_126 : i32 to index
      %get3A_128 = arith.constant 32 : index
      %get3A_129 = tpu.vector_load %arg6[%get3A_127, %get3A_128] {strides = array<i32>} : memref<160x64xi32, #tpu.memory_space<vmem>>, vector<1x16xi32>,
      %get3A_130 = vector.shape_cast %get3A_129 : vector<1x16xi32> to vector<16xi32>
      %shift_right_logical3A_131 = arith.constant 16 : i32
      %shift_right_logical3A_132 = vector.broadcast %shift_right_logical3A_131 : i32 to vector<16xi32>
      %shift_right_logical3A_133 = arith.shrui %get3A_130, %shift_right_logical3A_132 : vector<16xi32>
      %swap3A_134 = arith.constant 32 : index
      %swap3A_135 = tpu.vector_load %arg9[%swap3A_134] {strides = array<i32>} : memref<64xi32, #tpu.memory_space<vmem>>, vector<16xi32>,
      %swap3A_136 = vector.shape_cast %swap3A_135 : vector<16xi32> to vector<16xi32>
      %swap3A_137 = vector.shape_cast %shift_right_logical3A_133 : vector<16xi32> to vector<16xi32>
      tpu.vector_store %arg9[%swap3A_134], %swap3A_137 {strides = array<i32>} : memref<64xi32, #tpu.memory_space<vmem>>, vector<16xi32>,
      %get3A_138 = arith.constant 0 : i32
      %get3A_139 = arith.index_cast %get3A_138 : i32 to index
      %get3A_140 = arith.constant 48 : index
      %get3A_141 = tpu.vector_load %arg6[%get3A_139, %get3A_140] {strides = array<i32>} : memref<160x64xi32, #tpu.memory_space<vmem>>, vector<1x16xi32>,
      %get3A_142 = vector.shape_cast %get3A_141 : vector<1x16xi32> to vector<16xi32>
      %shift_right_logical3A_143 = arith.constant 16 : i32
      %shift_right_logical3A_144 = vector.broadcast %shift_right_logical3A_143 : i32 to vector<16xi32>
      %shift_right_logical3A_145 = arith.shrui %get3A_142, %shift_right_logical3A_144 : vector<16xi32>
      %swap3A_146 = arith.constant 48 : index
      %swap3A_147 = tpu.vector_load %arg9[%swap3A_146] {strides = array<i32>} : memref<64xi32, #tpu.memory_space<vmem>>, vector<16xi32>,
      %swap3A_148 = vector.shape_cast %swap3A_147 : vector<16xi32> to vector<16xi32>
      %swap3A_149 = vector.shape_cast %shift_right_logical3A_145 : vector<16xi32> to vector<16xi32>
      tpu.vector_store %arg9[%swap3A_146], %swap3A_149 {strides = array<i32>} : memref<64xi32, #tpu.memory_space<vmem>>, vector<16xi32>,
      %dma_start3A = arith.constant 0 : i32
      %dma_start3A_150 = arith.constant 0 : i32
      %dma_start3A_151 = tpu.memref_slice %arg2[%dma_start3A, %dma_start3A_150] : memref<10240x128xf32, #tpu.memory_space<hbm>> -> memref<10240x128xf32, #tpu.memory_space<hbm>>
      tpu.enqueue_indirect_dma source(%dma_start3A_151 : memref<10240x128xf32, #tpu.memory_space<hbm>>) target(%arg11 : memref<64x128xf32, #tpu.memory_space<vmem>>) offsets(%arg7 : memref<64xi32, #tpu.memory_space<vmem>>) semaphore(%arg14 : memref<!tpu.dma_semaphore, #tpu.memory_space<semaphore_mem>>)
      %scan3A = arith.constant 0 : i32
      %scan3A_152 = arith.constant 0 : i32
      %scan3A_153 = arith.constant 80 : i32
      %scan3A_154 = arith.addi %scan3A_152, %scan3A_153 : i32
      %scan3A_155 = arith.constant 1 : i32
      scf.for %scan3A_157 = %scan3A_152 to %scan3A_154 step %scan3A_155  : i32 {
        %mul3A_158 = arith.constant 2 : i32
        %mul3A_159 = arith.muli %mul3A_158, %scan3A_157 : i32
        %add3A_160 = arith.constant 1 : i32
        %add3A_161 = arith.addi %mul3A_159, %add3A_160 : i32
        %get3A_162 = arith.index_cast %add3A_161 : i32 to index
        %get3A_163 = arith.constant 0 : index
        %get3A_164 = tpu.vector_load %arg6[%get3A_162, %get3A_163] {strides = array<i32>} : memref<160x64xi32, #tpu.memory_space<vmem>>, vector<1x16xi32>,
        %get3A_165 = vector.shape_cast %get3A_164 : vector<1x16xi32> to vector<16xi32>
        %and3A_166 = arith.constant 65535 : i32
        %and3A_167 = vector.broadcast %and3A_166 : i32 to vector<16xi32>
        %and3A_168 = arith.andi %get3A_165, %and3A_167 : vector<16xi32>
        %swap3A_169 = arith.constant 0 : index
        %swap3A_170 = tpu.vector_load %arg8[%swap3A_169] {strides = array<i32>} : memref<64xi32, #tpu.memory_space<vmem>>, vector<16xi32>,
        %swap3A_171 = vector.shape_cast %swap3A_170 : vector<16xi32> to vector<16xi32>
        %swap3A_172 = vector.shape_cast %and3A_168 : vector<16xi32> to vector<16xi32>
        tpu.vector_store %arg8[%swap3A_169], %swap3A_172 {strides = array<i32>} : memref<64xi32, #tpu.memory_space<vmem>>, vector<16xi32>,
        %get3A_173 = arith.index_cast %add3A_161 : i32 to index
        %get3A_174 = arith.constant 16 : index
        %get3A_175 = tpu.vector_load %arg6[%get3A_173, %get3A_174] {strides = array<i32>} : memref<160x64xi32, #tpu.memory_space<vmem>>, vector<1x16xi32>,
        %get3A_176 = vector.shape_cast %get3A_175 : vector<1x16xi32> to vector<16xi32>
        %and3A_177 = arith.constant 65535 : i32
        %and3A_178 = vector.broadcast %and3A_177 : i32 to vector<16xi32>
        %and3A_179 = arith.andi %get3A_176, %and3A_178 : vector<16xi32>
        %swap3A_180 = arith.constant 16 : index
        %swap3A_181 = tpu.vector_load %arg8[%swap3A_180] {strides = array<i32>} : memref<64xi32, #tpu.memory_space<vmem>>, vector<16xi32>,
        %swap3A_182 = vector.shape_cast %swap3A_181 : vector<16xi32> to vector<16xi32>
        %swap3A_183 = vector.shape_cast %and3A_179 : vector<16xi32> to vector<16xi32>
        tpu.vector_store %arg8[%swap3A_180], %swap3A_183 {strides = array<i32>} : memref<64xi32, #tpu.memory_space<vmem>>, vector<16xi32>,
        %get3A_184 = arith.index_cast %add3A_161 : i32 to index
        %get3A_185 = arith.constant 32 : index
        %get3A_186 = tpu.vector_load %arg6[%get3A_184, %get3A_185] {strides = array<i32>} : memref<160x64xi32, #tpu.memory_space<vmem>>, vector<1x16xi32>,
        %get3A_187 = vector.shape_cast %get3A_186 : vector<1x16xi32> to vector<16xi32>
        %and3A_188 = arith.constant 65535 : i32
        %and3A_189 = vector.broadcast %and3A_188 : i32 to vector<16xi32>
        %and3A_190 = arith.andi %get3A_187, %and3A_189 : vector<16xi32>
        %swap3A_191 = arith.constant 32 : index
        %swap3A_192 = tpu.vector_load %arg8[%swap3A_191] {strides = array<i32>} : memref<64xi32, #tpu.memory_space<vmem>>, vector<16xi32>,
        %swap3A_193 = vector.shape_cast %swap3A_192 : vector<16xi32> to vector<16xi32>
        %swap3A_194 = vector.shape_cast %and3A_190 : vector<16xi32> to vector<16xi32>
        tpu.vector_store %arg8[%swap3A_191], %swap3A_194 {strides = array<i32>} : memref<64xi32, #tpu.memory_space<vmem>>, vector<16xi32>,
        %get3A_195 = arith.index_cast %add3A_161 : i32 to index
        %get3A_196 = arith.constant 48 : index
        %get3A_197 = tpu.vector_load %arg6[%get3A_195, %get3A_196] {strides = array<i32>} : memref<160x64xi32, #tpu.memory_space<vmem>>, vector<1x16xi32>,
        %get3A_198 = vector.shape_cast %get3A_197 : vector<1x16xi32> to vector<16xi32>
        %and3A_199 = arith.constant 65535 : i32
        %and3A_200 = vector.broadcast %and3A_199 : i32 to vector<16xi32>
        %and3A_201 = arith.andi %get3A_198, %and3A_200 : vector<16xi32>
        %swap3A_202 = arith.constant 48 : index
        %swap3A_203 = tpu.vector_load %arg8[%swap3A_202] {strides = array<i32>} : memref<64xi32, #tpu.memory_space<vmem>>, vector<16xi32>,
        %swap3A_204 = vector.shape_cast %swap3A_203 : vector<16xi32> to vector<16xi32>
        %swap3A_205 = vector.shape_cast %and3A_201 : vector<16xi32> to vector<16xi32>
        tpu.vector_store %arg8[%swap3A_202], %swap3A_205 {strides = array<i32>} : memref<64xi32, #tpu.memory_space<vmem>>, vector<16xi32>,
        %get3A_206 = arith.index_cast %add3A_161 : i32 to index
        %get3A_207 = arith.constant 0 : index
        %get3A_208 = tpu.vector_load %arg6[%get3A_206, %get3A_207] {strides = array<i32>} : memref<160x64xi32, #tpu.memory_space<vmem>>, vector<1x16xi32>,
        %get3A_209 = vector.shape_cast %get3A_208 : vector<1x16xi32> to vector<16xi32>
        %shift_right_logical3A_210 = arith.constant 16 : i32
        %shift_right_logical3A_211 = vector.broadcast %shift_right_logical3A_210 : i32 to vector<16xi32>
        %shift_right_logical3A_212 = arith.shrui %get3A_209, %shift_right_logical3A_211 : vector<16xi32>
        %swap3A_213 = arith.constant 0 : index
        %swap3A_214 = tpu.vector_load %arg10[%swap3A_213] {strides = array<i32>} : memref<64xi32, #tpu.memory_space<vmem>>, vector<16xi32>,
        %swap3A_215 = vector.shape_cast %swap3A_214 : vector<16xi32> to vector<16xi32>
        %swap3A_216 = vector.shape_cast %shift_right_logical3A_212 : vector<16xi32> to vector<16xi32>
        tpu.vector_store %arg10[%swap3A_213], %swap3A_216 {strides = array<i32>} : memref<64xi32, #tpu.memory_space<vmem>>, vector<16xi32>,
        %get3A_217 = arith.index_cast %add3A_161 : i32 to index
        %get3A_218 = arith.constant 16 : index
        %get3A_219 = tpu.vector_load %arg6[%get3A_217, %get3A_218] {strides = array<i32>} : memref<160x64xi32, #tpu.memory_space<vmem>>, vector<1x16xi32>,
        %get3A_220 = vector.shape_cast %get3A_219 : vector<1x16xi32> to vector<16xi32>
        %shift_right_logical3A_221 = arith.constant 16 : i32
        %shift_right_logical3A_222 = vector.broadcast %shift_right_logical3A_221 : i32 to vector<16xi32>
        %shift_right_logical3A_223 = arith.shrui %get3A_220, %shift_right_logical3A_222 : vector<16xi32>
        %swap3A_224 = arith.constant 16 : index
        %swap3A_225 = tpu.vector_load %arg10[%swap3A_224] {strides = array<i32>} : memref<64xi32, #tpu.memory_space<vmem>>, vector<16xi32>,
        %swap3A_226 = vector.shape_cast %swap3A_225 : vector<16xi32> to vector<16xi32>
        %swap3A_227 = vector.shape_cast %shift_right_logical3A_223 : vector<16xi32> to vector<16xi32>
        tpu.vector_store %arg10[%swap3A_224], %swap3A_227 {strides = array<i32>} : memref<64xi32, #tpu.memory_space<vmem>>, vector<16xi32>,
        %get3A_228 = arith.index_cast %add3A_161 : i32 to index
        %get3A_229 = arith.constant 32 : index
        %get3A_230 = tpu.vector_load %arg6[%get3A_228, %get3A_229] {strides = array<i32>} : memref<160x64xi32, #tpu.memory_space<vmem>>, vector<1x16xi32>,
        %get3A_231 = vector.shape_cast %get3A_230 : vector<1x16xi32> to vector<16xi32>
        %shift_right_logical3A_232 = arith.constant 16 : i32
        %shift_right_logical3A_233 = vector.broadcast %shift_right_logical3A_232 : i32 to vector<16xi32>
        %shift_right_logical3A_234 = arith.shrui %get3A_231, %shift_right_logical3A_233 : vector<16xi32>
        %swap3A_235 = arith.constant 32 : index
        %swap3A_236 = tpu.vector_load %arg10[%swap3A_235] {strides = array<i32>} : memref<64xi32, #tpu.memory_space<vmem>>, vector<16xi32>,
        %swap3A_237 = vector.shape_cast %swap3A_236 : vector<16xi32> to vector<16xi32>
        %swap3A_238 = vector.shape_cast %shift_right_logical3A_234 : vector<16xi32> to vector<16xi32>
        tpu.vector_store %arg10[%swap3A_235], %swap3A_238 {strides = array<i32>} : memref<64xi32, #tpu.memory_space<vmem>>, vector<16xi32>,
        %get3A_239 = arith.index_cast %add3A_161 : i32 to index
        %get3A_240 = arith.constant 48 : index
        %get3A_241 = tpu.vector_load %arg6[%get3A_239, %get3A_240] {strides = array<i32>} : memref<160x64xi32, #tpu.memory_space<vmem>>, vector<1x16xi32>,
        %get3A_242 = vector.shape_cast %get3A_241 : vector<1x16xi32> to vector<16xi32>
        %shift_right_logical3A_243 = arith.constant 16 : i32
        %shift_right_logical3A_244 = vector.broadcast %shift_right_logical3A_243 : i32 to vector<16xi32>
        %shift_right_logical3A_245 = arith.shrui %get3A_242, %shift_right_logical3A_244 : vector<16xi32>
        %swap3A_246 = arith.constant 48 : index
        %swap3A_247 = tpu.vector_load %arg10[%swap3A_246] {strides = array<i32>} : memref<64xi32, #tpu.memory_space<vmem>>, vector<16xi32>,
        %swap3A_248 = vector.shape_cast %swap3A_247 : vector<16xi32> to vector<16xi32>
        %swap3A_249 = vector.shape_cast %shift_right_logical3A_245 : vector<16xi32> to vector<16xi32>
        tpu.vector_store %arg10[%swap3A_246], %swap3A_249 {strides = array<i32>} : memref<64xi32, #tpu.memory_space<vmem>>, vector<16xi32>,
        %dma_start3A_250 = arith.constant 0 : i32
        %dma_start3A_251 = arith.constant 0 : i32
        %dma_start3A_252 = tpu.memref_slice %arg2[%dma_start3A_250, %dma_start3A_251] : memref<10240x128xf32, #tpu.memory_space<hbm>> -> memref<10240x128xf32, #tpu.memory_space<hbm>>
        tpu.enqueue_indirect_dma source(%dma_start3A_252 : memref<10240x128xf32, #tpu.memory_space<hbm>>) target(%arg12 : memref<64x128xf32, #tpu.memory_space<vmem>>) offsets(%arg8 : memref<64xi32, #tpu.memory_space<vmem>>) semaphore(%arg15 : memref<!tpu.dma_semaphore, #tpu.memory_space<semaphore_mem>>)
        %dma_wait3A = arith.constant 0 : i32
        %dma_wait3A_253 = arith.constant 0 : i32
        %dma_wait3A_254 = tpu.memref_slice %arg2[%dma_wait3A, %dma_wait3A_253] : memref<10240x128xf32, #tpu.memory_space<hbm>> -> memref<10240x128xf32, #tpu.memory_space<hbm>>
        tpu.wait_indirect_dma semaphore(%arg14 : memref<!tpu.dma_semaphore, #tpu.memory_space<semaphore_mem>>) src(%dma_wait3A_254 : memref<10240x128xf32, #tpu.memory_space<hbm>>) dst(%arg11 : memref<64x128xf32, #tpu.memory_space<vmem>>)
        "tpu.region"() ({
          %run_scoped3A = tpu.sem_alloc : memref<!tpu.dma_semaphore, #tpu.memory_space<semaphore_mem>>
          %dma_start3A_262 = arith.constant 0 : i32
          %dma_start3A_263 = arith.constant 0 : i32
          %dma_start3A_264 = tpu.memref_slice %arg13[%dma_start3A_262, %dma_start3A_263] : memref<10240x128xf32, #tpu.memory_space<vmem_shared>> -> memref<10240x128xf32, #tpu.memory_space<vmem_shared>>
          tpu.enqueue_indirect_dma source(%arg11 : memref<64x128xf32, #tpu.memory_space<vmem>>) target(%dma_start3A_264 : memref<10240x128xf32, #tpu.memory_space<vmem_shared>>) offsets(%arg9 : memref<64xi32, #tpu.memory_space<vmem>>) semaphore(%run_scoped3A : memref<!tpu.dma_semaphore, #tpu.memory_space<semaphore_mem>>) {add = true}
          %dma_wait3A_265 = arith.constant 0 : i32
          %dma_wait3A_266 = arith.constant 0 : i32
          %dma_wait3A_267 = tpu.memref_slice %arg13[%dma_wait3A_265, %dma_wait3A_266] : memref<10240x128xf32, #tpu.memory_space<vmem_shared>> -> memref<10240x128xf32, #tpu.memory_space<vmem_shared>>
          tpu.wait_indirect_dma semaphore(%run_scoped3A : memref<!tpu.dma_semaphore, #tpu.memory_space<semaphore_mem>>) src(%arg11 : memref<64x128xf32, #tpu.memory_space<vmem>>) dst(%dma_wait3A_267 : memref<10240x128xf32, #tpu.memory_space<vmem_shared>>)
          tpu.yield
        }) : () -> ()
        %lt3A = arith.constant 79 : i32
        %lt3A_255 = arith.cmpi slt, %scan3A_157, %lt3A : i32
        %convert_element_type3A_256 = arith.extui %lt3A_255 : i1 to i32
        %cond3A_257 = arith.constant 0 : i32
        %cond3A_258 = arith.cmpi ne, %convert_element_type3A_256, %cond3A_257 : i32
        scf.if %cond3A_258 {
          %add3A_262 = arith.constant 2 : i32
          %add3A_263 = arith.addi %mul3A_159, %add3A_262 : i32
          %get3A_264 = arith.index_cast %add3A_263 : i32 to index
          %get3A_265 = arith.constant 0 : index
          %get3A_266 = tpu.vector_load %arg6[%get3A_264, %get3A_265] {strides = array<i32>} : memref<160x64xi32, #tpu.memory_space<vmem>>, vector<1x16xi32>,
          %get3A_267 = vector.shape_cast %get3A_266 : vector<1x16xi32> to vector<16xi32>
          %and3A_268 = arith.constant 65535 : i32
          %and3A_269 = vector.broadcast %and3A_268 : i32 to vector<16xi32>
          %and3A_270 = arith.andi %get3A_267, %and3A_269 : vector<16xi32>
          %swap3A_271 = arith.constant 0 : index
          %swap3A_272 = tpu.vector_load %arg7[%swap3A_271] {strides = array<i32>} : memref<64xi32, #tpu.memory_space<vmem>>, vector<16xi32>,
          %swap3A_273 = vector.shape_cast %swap3A_272 : vector<16xi32> to vector<16xi32>
          %swap3A_274 = vector.shape_cast %and3A_270 : vector<16xi32> to vector<16xi32>
          tpu.vector_store %arg7[%swap3A_271], %swap3A_274 {strides = array<i32>} : memref<64xi32, #tpu.memory_space<vmem>>, vector<16xi32>,
          %get3A_275 = arith.index_cast %add3A_263 : i32 to index
          %get3A_276 = arith.constant 16 : index
          %get3A_277 = tpu.vector_load %arg6[%get3A_275, %get3A_276] {strides = array<i32>} : memref<160x64xi32, #tpu.memory_space<vmem>>, vector<1x16xi32>,
          %get3A_278 = vector.shape_cast %get3A_277 : vector<1x16xi32> to vector<16xi32>
          %and3A_279 = arith.constant 65535 : i32
          %and3A_280 = vector.broadcast %and3A_279 : i32 to vector<16xi32>
          %and3A_281 = arith.andi %get3A_278, %and3A_280 : vector<16xi32>
          %swap3A_282 = arith.constant 16 : index
          %swap3A_283 = tpu.vector_load %arg7[%swap3A_282] {strides = array<i32>} : memref<64xi32, #tpu.memory_space<vmem>>, vector<16xi32>,
          %swap3A_284 = vector.shape_cast %swap3A_283 : vector<16xi32> to vector<16xi32>
          %swap3A_285 = vector.shape_cast %and3A_281 : vector<16xi32> to vector<16xi32>
          tpu.vector_store %arg7[%swap3A_282], %swap3A_285 {strides = array<i32>} : memref<64xi32, #tpu.memory_space<vmem>>, vector<16xi32>,
          %get3A_286 = arith.index_cast %add3A_263 : i32 to index
          %get3A_287 = arith.constant 32 : index
          %get3A_288 = tpu.vector_load %arg6[%get3A_286, %get3A_287] {strides = array<i32>} : memref<160x64xi32, #tpu.memory_space<vmem>>, vector<1x16xi32>,
          %get3A_289 = vector.shape_cast %get3A_288 : vector<1x16xi32> to vector<16xi32>
          %and3A_290 = arith.constant 65535 : i32
          %and3A_291 = vector.broadcast %and3A_290 : i32 to vector<16xi32>
          %and3A_292 = arith.andi %get3A_289, %and3A_291 : vector<16xi32>
          %swap3A_293 = arith.constant 32 : index
          %swap3A_294 = tpu.vector_load %arg7[%swap3A_293] {strides = array<i32>} : memref<64xi32, #tpu.memory_space<vmem>>, vector<16xi32>,
          %swap3A_295 = vector.shape_cast %swap3A_294 : vector<16xi32> to vector<16xi32>
          %swap3A_296 = vector.shape_cast %and3A_292 : vector<16xi32> to vector<16xi32>
          tpu.vector_store %arg7[%swap3A_293], %swap3A_296 {strides = array<i32>} : memref<64xi32, #tpu.memory_space<vmem>>, vector<16xi32>,
          %get3A_297 = arith.index_cast %add3A_263 : i32 to index
          %get3A_298 = arith.constant 48 : index
          %get3A_299 = tpu.vector_load %arg6[%get3A_297, %get3A_298] {strides = array<i32>} : memref<160x64xi32, #tpu.memory_space<vmem>>, vector<1x16xi32>,
          %get3A_300 = vector.shape_cast %get3A_299 : vector<1x16xi32> to vector<16xi32>
          %and3A_301 = arith.constant 65535 : i32
          %and3A_302 = vector.broadcast %and3A_301 : i32 to vector<16xi32>
          %and3A_303 = arith.andi %get3A_300, %and3A_302 : vector<16xi32>
          %swap3A_304 = arith.constant 48 : index
          %swap3A_305 = tpu.vector_load %arg7[%swap3A_304] {strides = array<i32>} : memref<64xi32, #tpu.memory_space<vmem>>, vector<16xi32>,
          %swap3A_306 = vector.shape_cast %swap3A_305 : vector<16xi32> to vector<16xi32>
          %swap3A_307 = vector.shape_cast %and3A_303 : vector<16xi32> to vector<16xi32>
          tpu.vector_store %arg7[%swap3A_304], %swap3A_307 {strides = array<i32>} : memref<64xi32, #tpu.memory_space<vmem>>, vector<16xi32>,
          %get3A_308 = arith.index_cast %add3A_263 : i32 to index
          %get3A_309 = arith.constant 0 : index
          %get3A_310 = tpu.vector_load %arg6[%get3A_308, %get3A_309] {strides = array<i32>} : memref<160x64xi32, #tpu.memory_space<vmem>>, vector<1x16xi32>,
          %get3A_311 = vector.shape_cast %get3A_310 : vector<1x16xi32> to vector<16xi32>
          %shift_right_logical3A_312 = arith.constant 16 : i32
          %shift_right_logical3A_313 = vector.broadcast %shift_right_logical3A_312 : i32 to vector<16xi32>
          %shift_right_logical3A_314 = arith.shrui %get3A_311, %shift_right_logical3A_313 : vector<16xi32>
          %swap3A_315 = arith.constant 0 : index
          %swap3A_316 = tpu.vector_load %arg9[%swap3A_315] {strides = array<i32>} : memref<64xi32, #tpu.memory_space<vmem>>, vector<16xi32>,
          %swap3A_317 = vector.shape_cast %swap3A_316 : vector<16xi32> to vector<16xi32>
          %swap3A_318 = vector.shape_cast %shift_right_logical3A_314 : vector<16xi32> to vector<16xi32>
          tpu.vector_store %arg9[%swap3A_315], %swap3A_318 {strides = array<i32>} : memref<64xi32, #tpu.memory_space<vmem>>, vector<16xi32>,
          %get3A_319 = arith.index_cast %add3A_263 : i32 to index
          %get3A_320 = arith.constant 16 : index
          %get3A_321 = tpu.vector_load %arg6[%get3A_319, %get3A_320] {strides = array<i32>} : memref<160x64xi32, #tpu.memory_space<vmem>>, vector<1x16xi32>,
          %get3A_322 = vector.shape_cast %get3A_321 : vector<1x16xi32> to vector<16xi32>
          %shift_right_logical3A_323 = arith.constant 16 : i32
          %shift_right_logical3A_324 = vector.broadcast %shift_right_logical3A_323 : i32 to vector<16xi32>
          %shift_right_logical3A_325 = arith.shrui %get3A_322, %shift_right_logical3A_324 : vector<16xi32>
          %swap3A_326 = arith.constant 16 : index
          %swap3A_327 = tpu.vector_load %arg9[%swap3A_326] {strides = array<i32>} : memref<64xi32, #tpu.memory_space<vmem>>, vector<16xi32>,
          %swap3A_328 = vector.shape_cast %swap3A_327 : vector<16xi32> to vector<16xi32>
          %swap3A_329 = vector.shape_cast %shift_right_logical3A_325 : vector<16xi32> to vector<16xi32>
          tpu.vector_store %arg9[%swap3A_326], %swap3A_329 {strides = array<i32>} : memref<64xi32, #tpu.memory_space<vmem>>, vector<16xi32>,
          %get3A_330 = arith.index_cast %add3A_263 : i32 to index
          %get3A_331 = arith.constant 32 : index
          %get3A_332 = tpu.vector_load %arg6[%get3A_330, %get3A_331] {strides = array<i32>} : memref<160x64xi32, #tpu.memory_space<vmem>>, vector<1x16xi32>,
          %get3A_333 = vector.shape_cast %get3A_332 : vector<1x16xi32> to vector<16xi32>
          %shift_right_logical3A_334 = arith.constant 16 : i32
          %shift_right_logical3A_335 = vector.broadcast %shift_right_logical3A_334 : i32 to vector<16xi32>
          %shift_right_logical3A_336 = arith.shrui %get3A_333, %shift_right_logical3A_335 : vector<16xi32>
          %swap3A_337 = arith.constant 32 : index
          %swap3A_338 = tpu.vector_load %arg9[%swap3A_337] {strides = array<i32>} : memref<64xi32, #tpu.memory_space<vmem>>, vector<16xi32>,
          %swap3A_339 = vector.shape_cast %swap3A_338 : vector<16xi32> to vector<16xi32>
          %swap3A_340 = vector.shape_cast %shift_right_logical3A_336 : vector<16xi32> to vector<16xi32>
          tpu.vector_store %arg9[%swap3A_337], %swap3A_340 {strides = array<i32>} : memref<64xi32, #tpu.memory_space<vmem>>, vector<16xi32>,
          %get3A_341 = arith.index_cast %add3A_263 : i32 to index
          %get3A_342 = arith.constant 48 : index
          %get3A_343 = tpu.vector_load %arg6[%get3A_341, %get3A_342] {strides = array<i32>} : memref<160x64xi32, #tpu.memory_space<vmem>>, vector<1x16xi32>,
          %get3A_344 = vector.shape_cast %get3A_343 : vector<1x16xi32> to vector<16xi32>
          %shift_right_logical3A_345 = arith.constant 16 : i32
          %shift_right_logical3A_346 = vector.broadcast %shift_right_logical3A_345 : i32 to vector<16xi32>
          %shift_right_logical3A_347 = arith.shrui %get3A_344, %shift_right_logical3A_346 : vector<16xi32>
          %swap3A_348 = arith.constant 48 : index
          %swap3A_349 = tpu.vector_load %arg9[%swap3A_348] {strides = array<i32>} : memref<64xi32, #tpu.memory_space<vmem>>, vector<16xi32>,
          %swap3A_350 = vector.shape_cast %swap3A_349 : vector<16xi32> to vector<16xi32>
          %swap3A_351 = vector.shape_cast %shift_right_logical3A_347 : vector<16xi32> to vector<16xi32>
          tpu.vector_store %arg9[%swap3A_348], %swap3A_351 {strides = array<i32>} : memref<64xi32, #tpu.memory_space<vmem>>, vector<16xi32>,
          %dma_start3A_352 = arith.constant 0 : i32
          %dma_start3A_353 = arith.constant 0 : i32
          %dma_start3A_354 = tpu.memref_slice %arg2[%dma_start3A_352, %dma_start3A_353] : memref<10240x128xf32, #tpu.memory_space<hbm>> -> memref<10240x128xf32, #tpu.memory_space<hbm>>
          tpu.enqueue_indirect_dma source(%dma_start3A_354 : memref<10240x128xf32, #tpu.memory_space<hbm>>) target(%arg11 : memref<64x128xf32, #tpu.memory_space<vmem>>) offsets(%arg7 : memref<64xi32, #tpu.memory_space<vmem>>) semaphore(%arg14 : memref<!tpu.dma_semaphore, #tpu.memory_space<semaphore_mem>>)
        } else {
        }
        %dma_wait3A_259 = arith.constant 0 : i32
        %dma_wait3A_260 = arith.constant 0 : i32
        %dma_wait3A_261 = tpu.memref_slice %arg2[%dma_wait3A_259, %dma_wait3A_260] : memref<10240x128xf32, #tpu.memory_space<hbm>> -> memref<10240x128xf32, #tpu.memory_space<hbm>>
        tpu.wait_indirect_dma semaphore(%arg15 : memref<!tpu.dma_semaphore, #tpu.memory_space<semaphore_mem>>) src(%dma_wait3A_261 : memref<10240x128xf32, #tpu.memory_space<hbm>>) dst(%arg12 : memref<64x128xf32, #tpu.memory_space<vmem>>)
        "tpu.region"() ({
          %run_scoped3A = tpu.sem_alloc : memref<!tpu.dma_semaphore, #tpu.memory_space<semaphore_mem>>
          %dma_start3A_262 = arith.constant 0 : i32
          %dma_start3A_263 = arith.constant 0 : i32
          %dma_start3A_264 = tpu.memref_slice %arg13[%dma_start3A_262, %dma_start3A_263] : memref<10240x128xf32, #tpu.memory_space<vmem_shared>> -> memref<10240x128xf32, #tpu.memory_space<vmem_shared>>
          tpu.enqueue_indirect_dma source(%arg12 : memref<64x128xf32, #tpu.memory_space<vmem>>) target(%dma_start3A_264 : memref<10240x128xf32, #tpu.memory_space<vmem_shared>>) offsets(%arg10 : memref<64xi32, #tpu.memory_space<vmem>>) semaphore(%run_scoped3A : memref<!tpu.dma_semaphore, #tpu.memory_space<semaphore_mem>>) {add = true}
          %dma_wait3A_265 = arith.constant 0 : i32
          %dma_wait3A_266 = arith.constant 0 : i32
          %dma_wait3A_267 = tpu.memref_slice %arg13[%dma_wait3A_265, %dma_wait3A_266] : memref<10240x128xf32, #tpu.memory_space<vmem_shared>> -> memref<10240x128xf32, #tpu.memory_space<vmem_shared>>
          tpu.wait_indirect_dma semaphore(%run_scoped3A : memref<!tpu.dma_semaphore, #tpu.memory_space<semaphore_mem>>) src(%arg12 : memref<64x128xf32, #tpu.memory_space<vmem>>) dst(%dma_wait3A_267 : memref<10240x128xf32, #tpu.memory_space<vmem_shared>>)
          tpu.yield
        }) : () -> ()
      }
      %scan3A_156 = arith.constant 80 : i32
    } else {
    }
    %barrier3A_37 = arith.constant 0 : index
    tpu.barrier barrier_id(%barrier3A_37)
    %add3A_38 = arith.constant 0 : i32
    %add3A_39 = arith.addi %mul3A_7, %add3A_38 : i32
    "tpu.region"() ({
      %run_scoped3A = tpu.sem_alloc : memref<!tpu.dma_semaphore, #tpu.memory_space<semaphore_mem>>
      %dma_start3A = arith.constant 0 : i32
      %dma_start3A_58 = tpu.memref_slice %arg13[%add3A_39, %dma_start3A] : memref<10240x128xf32, #tpu.memory_space<vmem_shared>> -> memref<64x128xf32, #tpu.memory_space<vmem_shared>>
      %dma_start3A_59 = arith.constant 0 : i32
      %dma_start3A_60 = tpu.memref_slice %arg13[%add3A_39, %dma_start3A_59] : memref<10240x128xf32, #tpu.memory_space<vmem_shared>> -> memref<64x128xf32, #tpu.memory_space<vmem_shared>>
      tpu.enqueue_dma source(%dma_start3A_60 : memref<64x128xf32, #tpu.memory_space<vmem_shared>>) target(%arg11 : memref<64x128xf32, #tpu.memory_space<vmem>>) target_semaphore(%run_scoped3A : memref<!tpu.dma_semaphore, #tpu.memory_space<semaphore_mem>>)
      %dma_wait3A = arith.constant 0 : i32
      %dma_wait3A_61 = tpu.memref_slice %arg13[%add3A_39, %dma_wait3A] : memref<10240x128xf32, #tpu.memory_space<vmem_shared>> -> memref<64x128xf32, #tpu.memory_space<vmem_shared>>
      %dma_wait3A_62 = arith.constant 0 : i32
      %dma_wait3A_63 = tpu.memref_slice %arg13[%add3A_39, %dma_wait3A_62] : memref<10240x128xf32, #tpu.memory_space<vmem_shared>> -> memref<64x128xf32, #tpu.memory_space<vmem_shared>>
      tpu.wait_dma2 semaphore(%run_scoped3A : memref<!tpu.dma_semaphore, #tpu.memory_space<semaphore_mem>>) src(%dma_wait3A_63 : memref<64x128xf32, #tpu.memory_space<vmem_shared>>) dst(%arg11 : memref<64x128xf32, #tpu.memory_space<vmem>>)
      tpu.yield
    }) : () -> ()
    "tpu.region"() ({
      %run_scoped3A = tpu.sem_alloc : memref<!tpu.dma_semaphore, #tpu.memory_space<semaphore_mem>>
      %dma_start3A = arith.constant 0 : i32
      %dma_start3A_58 = tpu.memref_slice %arg5[%arg0, %add3A_39, %dma_start3A] : memref<2x10240x128xf32, #tpu.memory_space<hbm>> -> memref<1x64x128xf32, #tpu.memory_space<hbm>>
      %dma_start3A_59 = tpu.memref_squeeze %dma_start3A_58 : memref<1x64x128xf32, #tpu.memory_space<hbm>> -> memref<64x128xf32, #tpu.memory_space<hbm>>
      %dma_start3A_60 = arith.constant 0 : i32
      %dma_start3A_61 = tpu.memref_slice %arg5[%arg0, %add3A_39, %dma_start3A_60] : memref<2x10240x128xf32, #tpu.memory_space<hbm>> -> memref<1x64x128xf32, #tpu.memory_space<hbm>>
      %dma_start3A_62 = tpu.memref_squeeze %dma_start3A_61 : memref<1x64x128xf32, #tpu.memory_space<hbm>> -> memref<64x128xf32, #tpu.memory_space<hbm>>
      tpu.enqueue_dma source(%arg11 : memref<64x128xf32, #tpu.memory_space<vmem>>) target(%dma_start3A_62 : memref<64x128xf32, #tpu.memory_space<hbm>>) target_semaphore(%run_scoped3A : memref<!tpu.dma_semaphore, #tpu.memory_space<semaphore_mem>>)
      %dma_wait3A = arith.constant 0 : i32
      %dma_wait3A_63 = tpu.memref_slice %arg5[%arg0, %add3A_39, %dma_wait3A] : memref<2x10240x128xf32, #tpu.memory_space<hbm>> -> memref<1x64x128xf32, #tpu.memory_space<hbm>>
      %dma_wait3A_64 = tpu.memref_squeeze %dma_wait3A_63 : memref<1x64x128xf32, #tpu.memory_space<hbm>> -> memref<64x128xf32, #tpu.memory_space<hbm>>
      %dma_wait3A_65 = arith.constant 0 : i32
      %dma_wait3A_66 = tpu.memref_slice %arg5[%arg0, %add3A_39, %dma_wait3A_65] : memref<2x10240x128xf32, #tpu.memory_space<hbm>> -> memref<1x64x128xf32, #tpu.memory_space<hbm>>
      %dma_wait3A_67 = tpu.memref_squeeze %dma_wait3A_66 : memref<1x64x128xf32, #tpu.memory_space<hbm>> -> memref<64x128xf32, #tpu.memory_space<hbm>>
      tpu.wait_dma2 semaphore(%run_scoped3A : memref<!tpu.dma_semaphore, #tpu.memory_space<semaphore_mem>>) src(%arg11 : memref<64x128xf32, #tpu.memory_space<vmem>>) dst(%dma_wait3A_67 : memref<64x128xf32, #tpu.memory_space<hbm>>)
      tpu.yield
    }) : () -> ()
    %add3A_40 = arith.constant 64 : i32
    %add3A_41 = arith.addi %mul3A_7, %add3A_40 : i32
    "tpu.region"() ({
      %run_scoped3A = tpu.sem_alloc : memref<!tpu.dma_semaphore, #tpu.memory_space<semaphore_mem>>
      %dma_start3A = arith.constant 0 : i32
      %dma_start3A_58 = tpu.memref_slice %arg13[%add3A_41, %dma_start3A] : memref<10240x128xf32, #tpu.memory_space<vmem_shared>> -> memref<64x128xf32, #tpu.memory_space<vmem_shared>>
      %dma_start3A_59 = arith.constant 0 : i32
      %dma_start3A_60 = tpu.memref_slice %arg13[%add3A_41, %dma_start3A_59] : memref<10240x128xf32, #tpu.memory_space<vmem_shared>> -> memref<64x128xf32, #tpu.memory_space<vmem_shared>>
      tpu.enqueue_dma source(%dma_start3A_60 : memref<64x128xf32, #tpu.memory_space<vmem_shared>>) target(%arg11 : memref<64x128xf32, #tpu.memory_space<vmem>>) target_semaphore(%run_scoped3A : memref<!tpu.dma_semaphore, #tpu.memory_space<semaphore_mem>>)
      %dma_wait3A = arith.constant 0 : i32
      %dma_wait3A_61 = tpu.memref_slice %arg13[%add3A_41, %dma_wait3A] : memref<10240x128xf32, #tpu.memory_space<vmem_shared>> -> memref<64x128xf32, #tpu.memory_space<vmem_shared>>
      %dma_wait3A_62 = arith.constant 0 : i32
      %dma_wait3A_63 = tpu.memref_slice %arg13[%add3A_41, %dma_wait3A_62] : memref<10240x128xf32, #tpu.memory_space<vmem_shared>> -> memref<64x128xf32, #tpu.memory_space<vmem_shared>>
      tpu.wait_dma2 semaphore(%run_scoped3A : memref<!tpu.dma_semaphore, #tpu.memory_space<semaphore_mem>>) src(%dma_wait3A_63 : memref<64x128xf32, #tpu.memory_space<vmem_shared>>) dst(%arg11 : memref<64x128xf32, #tpu.memory_space<vmem>>)
      tpu.yield
    }) : () -> ()
    "tpu.region"() ({
      %run_scoped3A = tpu.sem_alloc : memref<!tpu.dma_semaphore, #tpu.memory_space<semaphore_mem>>
      %dma_start3A = arith.constant 0 : i32
      %dma_start3A_58 = tpu.memref_slice %arg5[%arg0, %add3A_41, %dma_start3A] : memref<2x10240x128xf32, #tpu.memory_space<hbm>> -> memref<1x64x128xf32, #tpu.memory_space<hbm>>
      %dma_start3A_59 = tpu.memref_squeeze %dma_start3A_58 : memref<1x64x128xf32, #tpu.memory_space<hbm>> -> memref<64x128xf32, #tpu.memory_space<hbm>>
      %dma_start3A_60 = arith.constant 0 : i32
      %dma_start3A_61 = tpu.memref_slice %arg5[%arg0, %add3A_41, %dma_start3A_60] : memref<2x10240x128xf32, #tpu.memory_space<hbm>> -> memref<1x64x128xf32, #tpu.memory_space<hbm>>
      %dma_start3A_62 = tpu.memref_squeeze %dma_start3A_61 : memref<1x64x128xf32, #tpu.memory_space<hbm>> -> memref<64x128xf32, #tpu.memory_space<hbm>>
      tpu.enqueue_dma source(%arg11 : memref<64x128xf32, #tpu.memory_space<vmem>>) target(%dma_start3A_62 : memref<64x128xf32, #tpu.memory_space<hbm>>) target_semaphore(%run_scoped3A : memref<!tpu.dma_semaphore, #tpu.memory_space<semaphore_mem>>)
      %dma_wait3A = arith.constant 0 : i32
      %dma_wait3A_63 = tpu.memref_slice %arg5[%arg0, %add3A_41, %dma_wait3A] : memref<2x10240x128xf32, #tpu.memory_space<hbm>> -> memref<1x64x128xf32, #tpu.memory_space<hbm>>
      %dma_wait3A_64 = tpu.memref_squeeze %dma_wait3A_63 : memref<1x64x128xf32, #tpu.memory_space<hbm>> -> memref<64x128xf32, #tpu.memory_space<hbm>>
      %dma_wait3A_65 = arith.constant 0 : i32
      %dma_wait3A_66 = tpu.memref_slice %arg5[%arg0, %add3A_41, %dma_wait3A_65] : memref<2x10240x128xf32, #tpu.memory_space<hbm>> -> memref<1x64x128xf32, #tpu.memory_space<hbm>>
      %dma_wait3A_67 = tpu.memref_squeeze %dma_wait3A_66 : memref<1x64x128xf32, #tpu.memory_space<hbm>> -> memref<64x128xf32, #tpu.memory_space<hbm>>
      tpu.wait_dma2 semaphore(%run_scoped3A : memref<!tpu.dma_semaphore, #tpu.memory_space<semaphore_mem>>) src(%arg11 : memref<64x128xf32, #tpu.memory_space<vmem>>) dst(%dma_wait3A_67 : memref<64x128xf32, #tpu.memory_space<hbm>>)
      tpu.yield
    }) : () -> ()
    %add3A_42 = arith.constant 128 : i32
    %add3A_43 = arith.addi %mul3A_7, %add3A_42 : i32
    "tpu.region"() ({
      %run_scoped3A = tpu.sem_alloc : memref<!tpu.dma_semaphore, #tpu.memory_space<semaphore_mem>>
      %dma_start3A = arith.constant 0 : i32
      %dma_start3A_58 = tpu.memref_slice %arg13[%add3A_43, %dma_start3A] : memref<10240x128xf32, #tpu.memory_space<vmem_shared>> -> memref<64x128xf32, #tpu.memory_space<vmem_shared>>
      %dma_start3A_59 = arith.constant 0 : i32
      %dma_start3A_60 = tpu.memref_slice %arg13[%add3A_43, %dma_start3A_59] : memref<10240x128xf32, #tpu.memory_space<vmem_shared>> -> memref<64x128xf32, #tpu.memory_space<vmem_shared>>
      tpu.enqueue_dma source(%dma_start3A_60 : memref<64x128xf32, #tpu.memory_space<vmem_shared>>) target(%arg11 : memref<64x128xf32, #tpu.memory_space<vmem>>) target_semaphore(%run_scoped3A : memref<!tpu.dma_semaphore, #tpu.memory_space<semaphore_mem>>)
      %dma_wait3A = arith.constant 0 : i32
      %dma_wait3A_61 = tpu.memref_slice %arg13[%add3A_43, %dma_wait3A] : memref<10240x128xf32, #tpu.memory_space<vmem_shared>> -> memref<64x128xf32, #tpu.memory_space<vmem_shared>>
      %dma_wait3A_62 = arith.constant 0 : i32
      %dma_wait3A_63 = tpu.memref_slice %arg13[%add3A_43, %dma_wait3A_62] : memref<10240x128xf32, #tpu.memory_space<vmem_shared>> -> memref<64x128xf32, #tpu.memory_space<vmem_shared>>
      tpu.wait_dma2 semaphore(%run_scoped3A : memref<!tpu.dma_semaphore, #tpu.memory_space<semaphore_mem>>) src(%dma_wait3A_63 : memref<64x128xf32, #tpu.memory_space<vmem_shared>>) dst(%arg11 : memref<64x128xf32, #tpu.memory_space<vmem>>)
      tpu.yield
    }) : () -> ()
    "tpu.region"() ({
      %run_scoped3A = tpu.sem_alloc : memref<!tpu.dma_semaphore, #tpu.memory_space<semaphore_mem>>
      %dma_start3A = arith.constant 0 : i32
      %dma_start3A_58 = tpu.memref_slice %arg5[%arg0, %add3A_43, %dma_start3A] : memref<2x10240x128xf32, #tpu.memory_space<hbm>> -> memref<1x64x128xf32, #tpu.memory_space<hbm>>
      %dma_start3A_59 = tpu.memref_squeeze %dma_start3A_58 : memref<1x64x128xf32, #tpu.memory_space<hbm>> -> memref<64x128xf32, #tpu.memory_space<hbm>>
      %dma_start3A_60 = arith.constant 0 : i32
      %dma_start3A_61 = tpu.memref_slice %arg5[%arg0, %add3A_43, %dma_start3A_60] : memref<2x10240x128xf32, #tpu.memory_space<hbm>> -> memref<1x64x128xf32, #tpu.memory_space<hbm>>
      %dma_start3A_62 = tpu.memref_squeeze %dma_start3A_61 : memref<1x64x128xf32, #tpu.memory_space<hbm>> -> memref<64x128xf32, #tpu.memory_space<hbm>>
      tpu.enqueue_dma source(%arg11 : memref<64x128xf32, #tpu.memory_space<vmem>>) target(%dma_start3A_62 : memref<64x128xf32, #tpu.memory_space<hbm>>) target_semaphore(%run_scoped3A : memref<!tpu.dma_semaphore, #tpu.memory_space<semaphore_mem>>)
      %dma_wait3A = arith.constant 0 : i32
      %dma_wait3A_63 = tpu.memref_slice %arg5[%arg0, %add3A_43, %dma_wait3A] : memref<2x10240x128xf32, #tpu.memory_space<hbm>> -> memref<1x64x128xf32, #tpu.memory_space<hbm>>
      %dma_wait3A_64 = tpu.memref_squeeze %dma_wait3A_63 : memref<1x64x128xf32, #tpu.memory_space<hbm>> -> memref<64x128xf32, #tpu.memory_space<hbm>>
      %dma_wait3A_65 = arith.constant 0 : i32
      %dma_wait3A_66 = tpu.memref_slice %arg5[%arg0, %add3A_43, %dma_wait3A_65] : memref<2x10240x128xf32, #tpu.memory_space<hbm>> -> memref<1x64x128xf32, #tpu.memory_space<hbm>>
      %dma_wait3A_67 = tpu.memref_squeeze %dma_wait3A_66 : memref<1x64x128xf32, #tpu.memory_space<hbm>> -> memref<64x128xf32, #tpu.memory_space<hbm>>
      tpu.wait_dma2 semaphore(%run_scoped3A : memref<!tpu.dma_semaphore, #tpu.memory_space<semaphore_mem>>) src(%arg11 : memref<64x128xf32, #tpu.memory_space<vmem>>) dst(%dma_wait3A_67 : memref<64x128xf32, #tpu.memory_space<hbm>>)
      tpu.yield
    }) : () -> ()
    %add3A_44 = arith.constant 192 : i32
    %add3A_45 = arith.addi %mul3A_7, %add3A_44 : i32
    "tpu.region"() ({
      %run_scoped3A = tpu.sem_alloc : memref<!tpu.dma_semaphore, #tpu.memory_space<semaphore_mem>>
      %dma_start3A = arith.constant 0 : i32
      %dma_start3A_58 = tpu.memref_slice %arg13[%add3A_45, %dma_start3A] : memref<10240x128xf32, #tpu.memory_space<vmem_shared>> -> memref<64x128xf32, #tpu.memory_space<vmem_shared>>
      %dma_start3A_59 = arith.constant 0 : i32
      %dma_start3A_60 = tpu.memref_slice %arg13[%add3A_45, %dma_start3A_59] : memref<10240x128xf32, #tpu.memory_space<vmem_shared>> -> memref<64x128xf32, #tpu.memory_space<vmem_shared>>
      tpu.enqueue_dma source(%dma_start3A_60 : memref<64x128xf32, #tpu.memory_space<vmem_shared>>) target(%arg11 : memref<64x128xf32, #tpu.memory_space<vmem>>) target_semaphore(%run_scoped3A : memref<!tpu.dma_semaphore, #tpu.memory_space<semaphore_mem>>)
      %dma_wait3A = arith.constant 0 : i32
      %dma_wait3A_61 = tpu.memref_slice %arg13[%add3A_45, %dma_wait3A] : memref<10240x128xf32, #tpu.memory_space<vmem_shared>> -> memref<64x128xf32, #tpu.memory_space<vmem_shared>>
      %dma_wait3A_62 = arith.constant 0 : i32
      %dma_wait3A_63 = tpu.memref_slice %arg13[%add3A_45, %dma_wait3A_62] : memref<10240x128xf32, #tpu.memory_space<vmem_shared>> -> memref<64x128xf32, #tpu.memory_space<vmem_shared>>
      tpu.wait_dma2 semaphore(%run_scoped3A : memref<!tpu.dma_semaphore, #tpu.memory_space<semaphore_mem>>) src(%dma_wait3A_63 : memref<64x128xf32, #tpu.memory_space<vmem_shared>>) dst(%arg11 : memref<64x128xf32, #tpu.memory_space<vmem>>)
      tpu.yield
    }) : () -> ()
    "tpu.region"() ({
      %run_scoped3A = tpu.sem_alloc : memref<!tpu.dma_semaphore, #tpu.memory_space<semaphore_mem>>
      %dma_start3A = arith.constant 0 : i32
      %dma_start3A_58 = tpu.memref_slice %arg5[%arg0, %add3A_45, %dma_start3A] : memref<2x10240x128xf32, #tpu.memory_space<hbm>> -> memref<1x64x128xf32, #tpu.memory_space<hbm>>
      %dma_start3A_59 = tpu.memref_squeeze %dma_start3A_58 : memref<1x64x128xf32, #tpu.memory_space<hbm>> -> memref<64x128xf32, #tpu.memory_space<hbm>>
      %dma_start3A_60 = arith.constant 0 : i32
      %dma_start3A_61 = tpu.memref_slice %arg5[%arg0, %add3A_45, %dma_start3A_60] : memref<2x10240x128xf32, #tpu.memory_space<hbm>> -> memref<1x64x128xf32, #tpu.memory_space<hbm>>
      %dma_start3A_62 = tpu.memref_squeeze %dma_start3A_61 : memref<1x64x128xf32, #tpu.memory_space<hbm>> -> memref<64x128xf32, #tpu.memory_space<hbm>>
      tpu.enqueue_dma source(%arg11 : memref<64x128xf32, #tpu.memory_space<vmem>>) target(%dma_start3A_62 : memref<64x128xf32, #tpu.memory_space<hbm>>) target_semaphore(%run_scoped3A : memref<!tpu.dma_semaphore, #tpu.memory_space<semaphore_mem>>)
      %dma_wait3A = arith.constant 0 : i32
      %dma_wait3A_63 = tpu.memref_slice %arg5[%arg0, %add3A_45, %dma_wait3A] : memref<2x10240x128xf32, #tpu.memory_space<hbm>> -> memref<1x64x128xf32, #tpu.memory_space<hbm>>
      %dma_wait3A_64 = tpu.memref_squeeze %dma_wait3A_63 : memref<1x64x128xf32, #tpu.memory_space<hbm>> -> memref<64x128xf32, #tpu.memory_space<hbm>>
      %dma_wait3A_65 = arith.constant 0 : i32
      %dma_wait3A_66 = tpu.memref_slice %arg5[%arg0, %add3A_45, %dma_wait3A_65] : memref<2x10240x128xf32, #tpu.memory_space<hbm>> -> memref<1x64x128xf32, #tpu.memory_space<hbm>>
      %dma_wait3A_67 = tpu.memref_squeeze %dma_wait3A_66 : memref<1x64x128xf32, #tpu.memory_space<hbm>> -> memref<64x128xf32, #tpu.memory_space<hbm>>
      tpu.wait_dma2 semaphore(%run_scoped3A : memref<!tpu.dma_semaphore, #tpu.memory_space<semaphore_mem>>) src(%arg11 : memref<64x128xf32, #tpu.memory_space<vmem>>) dst(%dma_wait3A_67 : memref<64x128xf32, #tpu.memory_space<hbm>>)
      tpu.yield
    }) : () -> ()
    %add3A_46 = arith.constant 256 : i32
    %add3A_47 = arith.addi %mul3A_7, %add3A_46 : i32
    "tpu.region"() ({
      %run_scoped3A = tpu.sem_alloc : memref<!tpu.dma_semaphore, #tpu.memory_space<semaphore_mem>>
      %dma_start3A = arith.constant 0 : i32
      %dma_start3A_58 = tpu.memref_slice %arg13[%add3A_47, %dma_start3A] : memref<10240x128xf32, #tpu.memory_space<vmem_shared>> -> memref<64x128xf32, #tpu.memory_space<vmem_shared>>
      %dma_start3A_59 = arith.constant 0 : i32
      %dma_start3A_60 = tpu.memref_slice %arg13[%add3A_47, %dma_start3A_59] : memref<10240x128xf32, #tpu.memory_space<vmem_shared>> -> memref<64x128xf32, #tpu.memory_space<vmem_shared>>
      tpu.enqueue_dma source(%dma_start3A_60 : memref<64x128xf32, #tpu.memory_space<vmem_shared>>) target(%arg11 : memref<64x128xf32, #tpu.memory_space<vmem>>) target_semaphore(%run_scoped3A : memref<!tpu.dma_semaphore, #tpu.memory_space<semaphore_mem>>)
      %dma_wait3A = arith.constant 0 : i32
      %dma_wait3A_61 = tpu.memref_slice %arg13[%add3A_47, %dma_wait3A] : memref<10240x128xf32, #tpu.memory_space<vmem_shared>> -> memref<64x128xf32, #tpu.memory_space<vmem_shared>>
      %dma_wait3A_62 = arith.constant 0 : i32
      %dma_wait3A_63 = tpu.memref_slice %arg13[%add3A_47, %dma_wait3A_62] : memref<10240x128xf32, #tpu.memory_space<vmem_shared>> -> memref<64x128xf32, #tpu.memory_space<vmem_shared>>
      tpu.wait_dma2 semaphore(%run_scoped3A : memref<!tpu.dma_semaphore, #tpu.memory_space<semaphore_mem>>) src(%dma_wait3A_63 : memref<64x128xf32, #tpu.memory_space<vmem_shared>>) dst(%arg11 : memref<64x128xf32, #tpu.memory_space<vmem>>)
      tpu.yield
    }) : () -> ()
    "tpu.region"() ({
      %run_scoped3A = tpu.sem_alloc : memref<!tpu.dma_semaphore, #tpu.memory_space<semaphore_mem>>
      %dma_start3A = arith.constant 0 : i32
      %dma_start3A_58 = tpu.memref_slice %arg5[%arg0, %add3A_47, %dma_start3A] : memref<2x10240x128xf32, #tpu.memory_space<hbm>> -> memref<1x64x128xf32, #tpu.memory_space<hbm>>
      %dma_start3A_59 = tpu.memref_squeeze %dma_start3A_58 : memref<1x64x128xf32, #tpu.memory_space<hbm>> -> memref<64x128xf32, #tpu.memory_space<hbm>>
      %dma_start3A_60 = arith.constant 0 : i32
      %dma_start3A_61 = tpu.memref_slice %arg5[%arg0, %add3A_47, %dma_start3A_60] : memref<2x10240x128xf32, #tpu.memory_space<hbm>> -> memref<1x64x128xf32, #tpu.memory_space<hbm>>
      %dma_start3A_62 = tpu.memref_squeeze %dma_start3A_61 : memref<1x64x128xf32, #tpu.memory_space<hbm>> -> memref<64x128xf32, #tpu.memory_space<hbm>>
      tpu.enqueue_dma source(%arg11 : memref<64x128xf32, #tpu.memory_space<vmem>>) target(%dma_start3A_62 : memref<64x128xf32, #tpu.memory_space<hbm>>) target_semaphore(%run_scoped3A : memref<!tpu.dma_semaphore, #tpu.memory_space<semaphore_mem>>)
      %dma_wait3A = arith.constant 0 : i32
      %dma_wait3A_63 = tpu.memref_slice %arg5[%arg0, %add3A_47, %dma_wait3A] : memref<2x10240x128xf32, #tpu.memory_space<hbm>> -> memref<1x64x128xf32, #tpu.memory_space<hbm>>
      %dma_wait3A_64 = tpu.memref_squeeze %dma_wait3A_63 : memref<1x64x128xf32, #tpu.memory_space<hbm>> -> memref<64x128xf32, #tpu.memory_space<hbm>>
      %dma_wait3A_65 = arith.constant 0 : i32
      %dma_wait3A_66 = tpu.memref_slice %arg5[%arg0, %add3A_47, %dma_wait3A_65] : memref<2x10240x128xf32, #tpu.memory_space<hbm>> -> memref<1x64x128xf32, #tpu.memory_space<hbm>>
      %dma_wait3A_67 = tpu.memref_squeeze %dma_wait3A_66 : memref<1x64x128xf32, #tpu.memory_space<hbm>> -> memref<64x128xf32, #tpu.memory_space<hbm>>
      tpu.wait_dma2 semaphore(%run_scoped3A : memref<!tpu.dma_semaphore, #tpu.memory_space<semaphore_mem>>) src(%arg11 : memref<64x128xf32, #tpu.memory_space<vmem>>) dst(%dma_wait3A_67 : memref<64x128xf32, #tpu.memory_space<hbm>>)
      tpu.yield
    }) : () -> ()
    %add3A_48 = arith.constant 320 : i32
    %add3A_49 = arith.addi %mul3A_7, %add3A_48 : i32
    "tpu.region"() ({
      %run_scoped3A = tpu.sem_alloc : memref<!tpu.dma_semaphore, #tpu.memory_space<semaphore_mem>>
      %dma_start3A = arith.constant 0 : i32
      %dma_start3A_58 = tpu.memref_slice %arg13[%add3A_49, %dma_start3A] : memref<10240x128xf32, #tpu.memory_space<vmem_shared>> -> memref<64x128xf32, #tpu.memory_space<vmem_shared>>
      %dma_start3A_59 = arith.constant 0 : i32
      %dma_start3A_60 = tpu.memref_slice %arg13[%add3A_49, %dma_start3A_59] : memref<10240x128xf32, #tpu.memory_space<vmem_shared>> -> memref<64x128xf32, #tpu.memory_space<vmem_shared>>
      tpu.enqueue_dma source(%dma_start3A_60 : memref<64x128xf32, #tpu.memory_space<vmem_shared>>) target(%arg11 : memref<64x128xf32, #tpu.memory_space<vmem>>) target_semaphore(%run_scoped3A : memref<!tpu.dma_semaphore, #tpu.memory_space<semaphore_mem>>)
      %dma_wait3A = arith.constant 0 : i32
      %dma_wait3A_61 = tpu.memref_slice %arg13[%add3A_49, %dma_wait3A] : memref<10240x128xf32, #tpu.memory_space<vmem_shared>> -> memref<64x128xf32, #tpu.memory_space<vmem_shared>>
      %dma_wait3A_62 = arith.constant 0 : i32
      %dma_wait3A_63 = tpu.memref_slice %arg13[%add3A_49, %dma_wait3A_62] : memref<10240x128xf32, #tpu.memory_space<vmem_shared>> -> memref<64x128xf32, #tpu.memory_space<vmem_shared>>
      tpu.wait_dma2 semaphore(%run_scoped3A : memref<!tpu.dma_semaphore, #tpu.memory_space<semaphore_mem>>) src(%dma_wait3A_63 : memref<64x128xf32, #tpu.memory_space<vmem_shared>>) dst(%arg11 : memref<64x128xf32, #tpu.memory_space<vmem>>)
      tpu.yield
    }) : () -> ()
    "tpu.region"() ({
      %run_scoped3A = tpu.sem_alloc : memref<!tpu.dma_semaphore, #tpu.memory_space<semaphore_mem>>
      %dma_start3A = arith.constant 0 : i32
      %dma_start3A_58 = tpu.memref_slice %arg5[%arg0, %add3A_49, %dma_start3A] : memref<2x10240x128xf32, #tpu.memory_space<hbm>> -> memref<1x64x128xf32, #tpu.memory_space<hbm>>
      %dma_start3A_59 = tpu.memref_squeeze %dma_start3A_58 : memref<1x64x128xf32, #tpu.memory_space<hbm>> -> memref<64x128xf32, #tpu.memory_space<hbm>>
      %dma_start3A_60 = arith.constant 0 : i32
      %dma_start3A_61 = tpu.memref_slice %arg5[%arg0, %add3A_49, %dma_start3A_60] : memref<2x10240x128xf32, #tpu.memory_space<hbm>> -> memref<1x64x128xf32, #tpu.memory_space<hbm>>
      %dma_start3A_62 = tpu.memref_squeeze %dma_start3A_61 : memref<1x64x128xf32, #tpu.memory_space<hbm>> -> memref<64x128xf32, #tpu.memory_space<hbm>>
      tpu.enqueue_dma source(%arg11 : memref<64x128xf32, #tpu.memory_space<vmem>>) target(%dma_start3A_62 : memref<64x128xf32, #tpu.memory_space<hbm>>) target_semaphore(%run_scoped3A : memref<!tpu.dma_semaphore, #tpu.memory_space<semaphore_mem>>)
      %dma_wait3A = arith.constant 0 : i32
      %dma_wait3A_63 = tpu.memref_slice %arg5[%arg0, %add3A_49, %dma_wait3A] : memref<2x10240x128xf32, #tpu.memory_space<hbm>> -> memref<1x64x128xf32, #tpu.memory_space<hbm>>
      %dma_wait3A_64 = tpu.memref_squeeze %dma_wait3A_63 : memref<1x64x128xf32, #tpu.memory_space<hbm>> -> memref<64x128xf32, #tpu.memory_space<hbm>>
      %dma_wait3A_65 = arith.constant 0 : i32
      %dma_wait3A_66 = tpu.memref_slice %arg5[%arg0, %add3A_49, %dma_wait3A_65] : memref<2x10240x128xf32, #tpu.memory_space<hbm>> -> memref<1x64x128xf32, #tpu.memory_space<hbm>>
      %dma_wait3A_67 = tpu.memref_squeeze %dma_wait3A_66 : memref<1x64x128xf32, #tpu.memory_space<hbm>> -> memref<64x128xf32, #tpu.memory_space<hbm>>
      tpu.wait_dma2 semaphore(%run_scoped3A : memref<!tpu.dma_semaphore, #tpu.memory_space<semaphore_mem>>) src(%arg11 : memref<64x128xf32, #tpu.memory_space<vmem>>) dst(%dma_wait3A_67 : memref<64x128xf32, #tpu.memory_space<hbm>>)
      tpu.yield
    }) : () -> ()
    %add3A_50 = arith.constant 384 : i32
    %add3A_51 = arith.addi %mul3A_7, %add3A_50 : i32
    "tpu.region"() ({
      %run_scoped3A = tpu.sem_alloc : memref<!tpu.dma_semaphore, #tpu.memory_space<semaphore_mem>>
      %dma_start3A = arith.constant 0 : i32
      %dma_start3A_58 = tpu.memref_slice %arg13[%add3A_51, %dma_start3A] : memref<10240x128xf32, #tpu.memory_space<vmem_shared>> -> memref<64x128xf32, #tpu.memory_space<vmem_shared>>
      %dma_start3A_59 = arith.constant 0 : i32
      %dma_start3A_60 = tpu.memref_slice %arg13[%add3A_51, %dma_start3A_59] : memref<10240x128xf32, #tpu.memory_space<vmem_shared>> -> memref<64x128xf32, #tpu.memory_space<vmem_shared>>
      tpu.enqueue_dma source(%dma_start3A_60 : memref<64x128xf32, #tpu.memory_space<vmem_shared>>) target(%arg11 : memref<64x128xf32, #tpu.memory_space<vmem>>) target_semaphore(%run_scoped3A : memref<!tpu.dma_semaphore, #tpu.memory_space<semaphore_mem>>)
      %dma_wait3A = arith.constant 0 : i32
      %dma_wait3A_61 = tpu.memref_slice %arg13[%add3A_51, %dma_wait3A] : memref<10240x128xf32, #tpu.memory_space<vmem_shared>> -> memref<64x128xf32, #tpu.memory_space<vmem_shared>>
      %dma_wait3A_62 = arith.constant 0 : i32
      %dma_wait3A_63 = tpu.memref_slice %arg13[%add3A_51, %dma_wait3A_62] : memref<10240x128xf32, #tpu.memory_space<vmem_shared>> -> memref<64x128xf32, #tpu.memory_space<vmem_shared>>
      tpu.wait_dma2 semaphore(%run_scoped3A : memref<!tpu.dma_semaphore, #tpu.memory_space<semaphore_mem>>) src(%dma_wait3A_63 : memref<64x128xf32, #tpu.memory_space<vmem_shared>>) dst(%arg11 : memref<64x128xf32, #tpu.memory_space<vmem>>)
      tpu.yield
    }) : () -> ()
    "tpu.region"() ({
      %run_scoped3A = tpu.sem_alloc : memref<!tpu.dma_semaphore, #tpu.memory_space<semaphore_mem>>
      %dma_start3A = arith.constant 0 : i32
      %dma_start3A_58 = tpu.memref_slice %arg5[%arg0, %add3A_51, %dma_start3A] : memref<2x10240x128xf32, #tpu.memory_space<hbm>> -> memref<1x64x128xf32, #tpu.memory_space<hbm>>
      %dma_start3A_59 = tpu.memref_squeeze %dma_start3A_58 : memref<1x64x128xf32, #tpu.memory_space<hbm>> -> memref<64x128xf32, #tpu.memory_space<hbm>>
      %dma_start3A_60 = arith.constant 0 : i32
      %dma_start3A_61 = tpu.memref_slice %arg5[%arg0, %add3A_51, %dma_start3A_60] : memref<2x10240x128xf32, #tpu.memory_space<hbm>> -> memref<1x64x128xf32, #tpu.memory_space<hbm>>
      %dma_start3A_62 = tpu.memref_squeeze %dma_start3A_61 : memref<1x64x128xf32, #tpu.memory_space<hbm>> -> memref<64x128xf32, #tpu.memory_space<hbm>>
      tpu.enqueue_dma source(%arg11 : memref<64x128xf32, #tpu.memory_space<vmem>>) target(%dma_start3A_62 : memref<64x128xf32, #tpu.memory_space<hbm>>) target_semaphore(%run_scoped3A : memref<!tpu.dma_semaphore, #tpu.memory_space<semaphore_mem>>)
      %dma_wait3A = arith.constant 0 : i32
      %dma_wait3A_63 = tpu.memref_slice %arg5[%arg0, %add3A_51, %dma_wait3A] : memref<2x10240x128xf32, #tpu.memory_space<hbm>> -> memref<1x64x128xf32, #tpu.memory_space<hbm>>
      %dma_wait3A_64 = tpu.memref_squeeze %dma_wait3A_63 : memref<1x64x128xf32, #tpu.memory_space<hbm>> -> memref<64x128xf32, #tpu.memory_space<hbm>>
      %dma_wait3A_65 = arith.constant 0 : i32
      %dma_wait3A_66 = tpu.memref_slice %arg5[%arg0, %add3A_51, %dma_wait3A_65] : memref<2x10240x128xf32, #tpu.memory_space<hbm>> -> memref<1x64x128xf32, #tpu.memory_space<hbm>>
      %dma_wait3A_67 = tpu.memref_squeeze %dma_wait3A_66 : memref<1x64x128xf32, #tpu.memory_space<hbm>> -> memref<64x128xf32, #tpu.memory_space<hbm>>
      tpu.wait_dma2 semaphore(%run_scoped3A : memref<!tpu.dma_semaphore, #tpu.memory_space<semaphore_mem>>) src(%arg11 : memref<64x128xf32, #tpu.memory_space<vmem>>) dst(%dma_wait3A_67 : memref<64x128xf32, #tpu.memory_space<hbm>>)
      tpu.yield
    }) : () -> ()
    %add3A_52 = arith.constant 448 : i32
    %add3A_53 = arith.addi %mul3A_7, %add3A_52 : i32
    "tpu.region"() ({
      %run_scoped3A = tpu.sem_alloc : memref<!tpu.dma_semaphore, #tpu.memory_space<semaphore_mem>>
      %dma_start3A = arith.constant 0 : i32
      %dma_start3A_58 = tpu.memref_slice %arg13[%add3A_53, %dma_start3A] : memref<10240x128xf32, #tpu.memory_space<vmem_shared>> -> memref<64x128xf32, #tpu.memory_space<vmem_shared>>
      %dma_start3A_59 = arith.constant 0 : i32
      %dma_start3A_60 = tpu.memref_slice %arg13[%add3A_53, %dma_start3A_59] : memref<10240x128xf32, #tpu.memory_space<vmem_shared>> -> memref<64x128xf32, #tpu.memory_space<vmem_shared>>
      tpu.enqueue_dma source(%dma_start3A_60 : memref<64x128xf32, #tpu.memory_space<vmem_shared>>) target(%arg11 : memref<64x128xf32, #tpu.memory_space<vmem>>) target_semaphore(%run_scoped3A : memref<!tpu.dma_semaphore, #tpu.memory_space<semaphore_mem>>)
      %dma_wait3A = arith.constant 0 : i32
      %dma_wait3A_61 = tpu.memref_slice %arg13[%add3A_53, %dma_wait3A] : memref<10240x128xf32, #tpu.memory_space<vmem_shared>> -> memref<64x128xf32, #tpu.memory_space<vmem_shared>>
      %dma_wait3A_62 = arith.constant 0 : i32
      %dma_wait3A_63 = tpu.memref_slice %arg13[%add3A_53, %dma_wait3A_62] : memref<10240x128xf32, #tpu.memory_space<vmem_shared>> -> memref<64x128xf32, #tpu.memory_space<vmem_shared>>
      tpu.wait_dma2 semaphore(%run_scoped3A : memref<!tpu.dma_semaphore, #tpu.memory_space<semaphore_mem>>) src(%dma_wait3A_63 : memref<64x128xf32, #tpu.memory_space<vmem_shared>>) dst(%arg11 : memref<64x128xf32, #tpu.memory_space<vmem>>)
      tpu.yield
    }) : () -> ()
    "tpu.region"() ({
      %run_scoped3A = tpu.sem_alloc : memref<!tpu.dma_semaphore, #tpu.memory_space<semaphore_mem>>
      %dma_start3A = arith.constant 0 : i32
      %dma_start3A_58 = tpu.memref_slice %arg5[%arg0, %add3A_53, %dma_start3A] : memref<2x10240x128xf32, #tpu.memory_space<hbm>> -> memref<1x64x128xf32, #tpu.memory_space<hbm>>
      %dma_start3A_59 = tpu.memref_squeeze %dma_start3A_58 : memref<1x64x128xf32, #tpu.memory_space<hbm>> -> memref<64x128xf32, #tpu.memory_space<hbm>>
      %dma_start3A_60 = arith.constant 0 : i32
      %dma_start3A_61 = tpu.memref_slice %arg5[%arg0, %add3A_53, %dma_start3A_60] : memref<2x10240x128xf32, #tpu.memory_space<hbm>> -> memref<1x64x128xf32, #tpu.memory_space<hbm>>
      %dma_start3A_62 = tpu.memref_squeeze %dma_start3A_61 : memref<1x64x128xf32, #tpu.memory_space<hbm>> -> memref<64x128xf32, #tpu.memory_space<hbm>>
      tpu.enqueue_dma source(%arg11 : memref<64x128xf32, #tpu.memory_space<vmem>>) target(%dma_start3A_62 : memref<64x128xf32, #tpu.memory_space<hbm>>) target_semaphore(%run_scoped3A : memref<!tpu.dma_semaphore, #tpu.memory_space<semaphore_mem>>)
      %dma_wait3A = arith.constant 0 : i32
      %dma_wait3A_63 = tpu.memref_slice %arg5[%arg0, %add3A_53, %dma_wait3A] : memref<2x10240x128xf32, #tpu.memory_space<hbm>> -> memref<1x64x128xf32, #tpu.memory_space<hbm>>
      %dma_wait3A_64 = tpu.memref_squeeze %dma_wait3A_63 : memref<1x64x128xf32, #tpu.memory_space<hbm>> -> memref<64x128xf32, #tpu.memory_space<hbm>>
      %dma_wait3A_65 = arith.constant 0 : i32
      %dma_wait3A_66 = tpu.memref_slice %arg5[%arg0, %add3A_53, %dma_wait3A_65] : memref<2x10240x128xf32, #tpu.memory_space<hbm>> -> memref<1x64x128xf32, #tpu.memory_space<hbm>>
      %dma_wait3A_67 = tpu.memref_squeeze %dma_wait3A_66 : memref<1x64x128xf32, #tpu.memory_space<hbm>> -> memref<64x128xf32, #tpu.memory_space<hbm>>
      tpu.wait_dma2 semaphore(%run_scoped3A : memref<!tpu.dma_semaphore, #tpu.memory_space<semaphore_mem>>) src(%arg11 : memref<64x128xf32, #tpu.memory_space<vmem>>) dst(%dma_wait3A_67 : memref<64x128xf32, #tpu.memory_space<hbm>>)
      tpu.yield
    }) : () -> ()
    %add3A_54 = arith.constant 512 : i32
    %add3A_55 = arith.addi %mul3A_7, %add3A_54 : i32
    "tpu.region"() ({
      %run_scoped3A = tpu.sem_alloc : memref<!tpu.dma_semaphore, #tpu.memory_space<semaphore_mem>>
      %dma_start3A = arith.constant 0 : i32
      %dma_start3A_58 = tpu.memref_slice %arg13[%add3A_55, %dma_start3A] : memref<10240x128xf32, #tpu.memory_space<vmem_shared>> -> memref<64x128xf32, #tpu.memory_space<vmem_shared>>
      %dma_start3A_59 = arith.constant 0 : i32
      %dma_start3A_60 = tpu.memref_slice %arg13[%add3A_55, %dma_start3A_59] : memref<10240x128xf32, #tpu.memory_space<vmem_shared>> -> memref<64x128xf32, #tpu.memory_space<vmem_shared>>
      tpu.enqueue_dma source(%dma_start3A_60 : memref<64x128xf32, #tpu.memory_space<vmem_shared>>) target(%arg11 : memref<64x128xf32, #tpu.memory_space<vmem>>) target_semaphore(%run_scoped3A : memref<!tpu.dma_semaphore, #tpu.memory_space<semaphore_mem>>)
      %dma_wait3A = arith.constant 0 : i32
      %dma_wait3A_61 = tpu.memref_slice %arg13[%add3A_55, %dma_wait3A] : memref<10240x128xf32, #tpu.memory_space<vmem_shared>> -> memref<64x128xf32, #tpu.memory_space<vmem_shared>>
      %dma_wait3A_62 = arith.constant 0 : i32
      %dma_wait3A_63 = tpu.memref_slice %arg13[%add3A_55, %dma_wait3A_62] : memref<10240x128xf32, #tpu.memory_space<vmem_shared>> -> memref<64x128xf32, #tpu.memory_space<vmem_shared>>
      tpu.wait_dma2 semaphore(%run_scoped3A : memref<!tpu.dma_semaphore, #tpu.memory_space<semaphore_mem>>) src(%dma_wait3A_63 : memref<64x128xf32, #tpu.memory_space<vmem_shared>>) dst(%arg11 : memref<64x128xf32, #tpu.memory_space<vmem>>)
      tpu.yield
    }) : () -> ()
    "tpu.region"() ({
      %run_scoped3A = tpu.sem_alloc : memref<!tpu.dma_semaphore, #tpu.memory_space<semaphore_mem>>
      %dma_start3A = arith.constant 0 : i32
      %dma_start3A_58 = tpu.memref_slice %arg5[%arg0, %add3A_55, %dma_start3A] : memref<2x10240x128xf32, #tpu.memory_space<hbm>> -> memref<1x64x128xf32, #tpu.memory_space<hbm>>
      %dma_start3A_59 = tpu.memref_squeeze %dma_start3A_58 : memref<1x64x128xf32, #tpu.memory_space<hbm>> -> memref<64x128xf32, #tpu.memory_space<hbm>>
      %dma_start3A_60 = arith.constant 0 : i32
      %dma_start3A_61 = tpu.memref_slice %arg5[%arg0, %add3A_55, %dma_start3A_60] : memref<2x10240x128xf32, #tpu.memory_space<hbm>> -> memref<1x64x128xf32, #tpu.memory_space<hbm>>
      %dma_start3A_62 = tpu.memref_squeeze %dma_start3A_61 : memref<1x64x128xf32, #tpu.memory_space<hbm>> -> memref<64x128xf32, #tpu.memory_space<hbm>>
      tpu.enqueue_dma source(%arg11 : memref<64x128xf32, #tpu.memory_space<vmem>>) target(%dma_start3A_62 : memref<64x128xf32, #tpu.memory_space<hbm>>) target_semaphore(%run_scoped3A : memref<!tpu.dma_semaphore, #tpu.memory_space<semaphore_mem>>)
      %dma_wait3A = arith.constant 0 : i32
      %dma_wait3A_63 = tpu.memref_slice %arg5[%arg0, %add3A_55, %dma_wait3A] : memref<2x10240x128xf32, #tpu.memory_space<hbm>> -> memref<1x64x128xf32, #tpu.memory_space<hbm>>
      %dma_wait3A_64 = tpu.memref_squeeze %dma_wait3A_63 : memref<1x64x128xf32, #tpu.memory_space<hbm>> -> memref<64x128xf32, #tpu.memory_space<hbm>>
      %dma_wait3A_65 = arith.constant 0 : i32
      %dma_wait3A_66 = tpu.memref_slice %arg5[%arg0, %add3A_55, %dma_wait3A_65] : memref<2x10240x128xf32, #tpu.memory_space<hbm>> -> memref<1x64x128xf32, #tpu.memory_space<hbm>>
      %dma_wait3A_67 = tpu.memref_squeeze %dma_wait3A_66 : memref<1x64x128xf32, #tpu.memory_space<hbm>> -> memref<64x128xf32, #tpu.memory_space<hbm>>
      tpu.wait_dma2 semaphore(%run_scoped3A : memref<!tpu.dma_semaphore, #tpu.memory_space<semaphore_mem>>) src(%arg11 : memref<64x128xf32, #tpu.memory_space<vmem>>) dst(%dma_wait3A_67 : memref<64x128xf32, #tpu.memory_space<hbm>>)
      tpu.yield
    }) : () -> ()
    %add3A_56 = arith.constant 576 : i32
    %add3A_57 = arith.addi %mul3A_7, %add3A_56 : i32
    "tpu.region"() ({
      %run_scoped3A = tpu.sem_alloc : memref<!tpu.dma_semaphore, #tpu.memory_space<semaphore_mem>>
      %dma_start3A = arith.constant 0 : i32
      %dma_start3A_58 = tpu.memref_slice %arg13[%add3A_57, %dma_start3A] : memref<10240x128xf32, #tpu.memory_space<vmem_shared>> -> memref<64x128xf32, #tpu.memory_space<vmem_shared>>
      %dma_start3A_59 = arith.constant 0 : i32
      %dma_start3A_60 = tpu.memref_slice %arg13[%add3A_57, %dma_start3A_59] : memref<10240x128xf32, #tpu.memory_space<vmem_shared>> -> memref<64x128xf32, #tpu.memory_space<vmem_shared>>
      tpu.enqueue_dma source(%dma_start3A_60 : memref<64x128xf32, #tpu.memory_space<vmem_shared>>) target(%arg11 : memref<64x128xf32, #tpu.memory_space<vmem>>) target_semaphore(%run_scoped3A : memref<!tpu.dma_semaphore, #tpu.memory_space<semaphore_mem>>)
      %dma_wait3A = arith.constant 0 : i32
      %dma_wait3A_61 = tpu.memref_slice %arg13[%add3A_57, %dma_wait3A] : memref<10240x128xf32, #tpu.memory_space<vmem_shared>> -> memref<64x128xf32, #tpu.memory_space<vmem_shared>>
      %dma_wait3A_62 = arith.constant 0 : i32
      %dma_wait3A_63 = tpu.memref_slice %arg13[%add3A_57, %dma_wait3A_62] : memref<10240x128xf32, #tpu.memory_space<vmem_shared>> -> memref<64x128xf32, #tpu.memory_space<vmem_shared>>
      tpu.wait_dma2 semaphore(%run_scoped3A : memref<!tpu.dma_semaphore, #tpu.memory_space<semaphore_mem>>) src(%dma_wait3A_63 : memref<64x128xf32, #tpu.memory_space<vmem_shared>>) dst(%arg11 : memref<64x128xf32, #tpu.memory_space<vmem>>)
      tpu.yield
    }) : () -> ()
    "tpu.region"() ({
      %run_scoped3A = tpu.sem_alloc : memref<!tpu.dma_semaphore, #tpu.memory_space<semaphore_mem>>
      %dma_start3A = arith.constant 0 : i32
      %dma_start3A_58 = tpu.memref_slice %arg5[%arg0, %add3A_57, %dma_start3A] : memref<2x10240x128xf32, #tpu.memory_space<hbm>> -> memref<1x64x128xf32, #tpu.memory_space<hbm>>
      %dma_start3A_59 = tpu.memref_squeeze %dma_start3A_58 : memref<1x64x128xf32, #tpu.memory_space<hbm>> -> memref<64x128xf32, #tpu.memory_space<hbm>>
      %dma_start3A_60 = arith.constant 0 : i32
      %dma_start3A_61 = tpu.memref_slice %arg5[%arg0, %add3A_57, %dma_start3A_60] : memref<2x10240x128xf32, #tpu.memory_space<hbm>> -> memref<1x64x128xf32, #tpu.memory_space<hbm>>
      %dma_start3A_62 = tpu.memref_squeeze %dma_start3A_61 : memref<1x64x128xf32, #tpu.memory_space<hbm>> -> memref<64x128xf32, #tpu.memory_space<hbm>>
      tpu.enqueue_dma source(%arg11 : memref<64x128xf32, #tpu.memory_space<vmem>>) target(%dma_start3A_62 : memref<64x128xf32, #tpu.memory_space<hbm>>) target_semaphore(%run_scoped3A : memref<!tpu.dma_semaphore, #tpu.memory_space<semaphore_mem>>)
      %dma_wait3A = arith.constant 0 : i32
      %dma_wait3A_63 = tpu.memref_slice %arg5[%arg0, %add3A_57, %dma_wait3A] : memref<2x10240x128xf32, #tpu.memory_space<hbm>> -> memref<1x64x128xf32, #tpu.memory_space<hbm>>
      %dma_wait3A_64 = tpu.memref_squeeze %dma_wait3A_63 : memref<1x64x128xf32, #tpu.memory_space<hbm>> -> memref<64x128xf32, #tpu.memory_space<hbm>>
      %dma_wait3A_65 = arith.constant 0 : i32
      %dma_wait3A_66 = tpu.memref_slice %arg5[%arg0, %add3A_57, %dma_wait3A_65] : memref<2x10240x128xf32, #tpu.memory_space<hbm>> -> memref<1x64x128xf32, #tpu.memory_space<hbm>>
      %dma_wait3A_67 = tpu.memref_squeeze %dma_wait3A_66 : memref<1x64x128xf32, #tpu.memory_space<hbm>> -> memref<64x128xf32, #tpu.memory_space<hbm>>
      tpu.wait_dma2 semaphore(%run_scoped3A : memref<!tpu.dma_semaphore, #tpu.memory_space<semaphore_mem>>) src(%arg11 : memref<64x128xf32, #tpu.memory_space<vmem>>) dst(%dma_wait3A_67 : memref<64x128xf32, #tpu.memory_space<hbm>>)
      tpu.yield
    }) : () -> ()
    return
  }
}

module attributes {stable_mosaic.version = 14 : i64} {
  func.func @_tc_a_body(%arg0: memref<10000x128xf32, #tpu.memory_space<vmem>>, %arg1: memref<128x128xf32, #tpu.memory_space<vmem>>, %arg2: memref<10240x2xf32, #tpu.memory_space<vmem>>, %arg3: memref<10240x128xf32, #tpu.memory_space<vmem>>, %arg4: memref<10240x1xf32, #tpu.memory_space<vmem>>) attributes {dimension_semantics = [], scalar_prefetch = 0 : i64, scratch_operands = 0 : i64, tpu.core_type = #tpu.core_type<tc>} {
    %get3A = arith.constant 0 : index
    %get3A_0 = arith.constant 0 : index
    %get3A_1 = vector.load %arg2[%get3A, %get3A_0] : memref<10240x2xf32, #tpu.memory_space<vmem>>, vector<10240x1xf32>
    %get3A_2 = arith.constant 0 : index
    %get3A_3 = arith.constant 1 : index
    %get3A_4 = vector.load %arg2[%get3A_2, %get3A_3] : memref<10240x2xf32, #tpu.memory_space<vmem>>, vector<10240x1xf32>
    %add3A = arith.addf %get3A_1, %get3A_4 : vector<10240x1xf32>
    %add3A_5 = arith.constant 1.000000e+00 : f32
    %add3A_6 = vector.broadcast %add3A_5 : f32 to vector<10240x1xf32>
    %add3A_7 = arith.addf %add3A, %add3A_6 : vector<10240x1xf32>
    %iota3A = tpu.iota {dimensions = array<i32: 0>} : vector<10240x1xi32>
    %lt3A = arith.constant 10000 : i32
    %lt3A_8 = vector.broadcast %lt3A : i32 to vector<10240x1xi32>
    %lt3A_9 = arith.cmpi slt, %iota3A, %lt3A_8 : vector<10240x1xi32>
    %rsqrt3A = math.rsqrt %add3A_7 : vector<10240x1xf32>
    %jit3A = arith.constant 0.000000e+00 : f32
    %broadcast_in_dim3A = vector.broadcast %jit3A : f32 to vector<10240x1xf32>
    %select_n3A = arith.select %lt3A_9, %rsqrt3A, %broadcast_in_dim3A : vector<10240x1xi1>, vector<10240x1xf32>
    %swap3A = arith.constant 0 : index
    %swap3A_10 = arith.constant 0 : index
    %swap3A_11 = vector.load %arg4[%swap3A, %swap3A_10] : memref<10240x1xf32, #tpu.memory_space<vmem>>, vector<10240x1xf32>
    tpu.vector_store %arg4[%swap3A, %swap3A_10], %select_n3A {strides = array<i32>} : memref<10240x1xf32, #tpu.memory_space<vmem>>, vector<10240x1xf32>,
    %get3A_12 = arith.constant 0 : index
    %get3A_13 = arith.constant 0 : index
    %get3A_14 = vector.load %arg0[%get3A_12, %get3A_13] : memref<10000x128xf32, #tpu.memory_space<vmem>>, vector<10000x128xf32>
    %get3A_15 = arith.constant 0 : index
    %get3A_16 = arith.constant 0 : index
    %get3A_17 = vector.load %arg1[%get3A_15, %get3A_16] : memref<128x128xf32, #tpu.memory_space<vmem>>, vector<128x128xf32>
    %dot_general3A = arith.constant dense<0.000000e+00> : vector<10000x128xf32>
    %dot_general3A_18 = tpu.matmul %get3A_14, %get3A_17, %dot_general3A {dimension_numbers = #tpu.dot_dimension_numbers<[1], [0], [0], [1], [0, 0, 1, 1], [], []>, transpose_lhs_hint = false} : vector<10000x128xf32>, vector<128x128xf32>, vector<10000x128xf32> -> vector<10000x128xf32>
    %slice3A = vector.extract_strided_slice %select_n3A {offsets = [0, 0], sizes = [10000, 1], strides = [1, 1]} : vector<10240x1xf32> to vector<10000x1xf32>
    %mul3A = vector.broadcast %slice3A : vector<10000x1xf32> to vector<10000x128xf32>
    %mul3A_19 = arith.mulf %dot_general3A_18, %mul3A : vector<10000x128xf32>
    %swap3A_20 = arith.constant 0 : index
    %swap3A_21 = arith.constant 0 : index
    %swap3A_22 = vector.load %arg3[%swap3A_20, %swap3A_21] : memref<10240x128xf32, #tpu.memory_space<vmem>>, vector<10000x128xf32>
    tpu.vector_store %arg3[%swap3A_20, %swap3A_21], %mul3A_19 {strides = array<i32>} : memref<10240x128xf32, #tpu.memory_space<vmem>>, vector<10000x128xf32>,
    %broadcast_in_dim3A_23 = arith.constant 0.000000e+00 : f32
    %broadcast_in_dim3A_24 = vector.broadcast %broadcast_in_dim3A_23 : f32 to vector<240x128xf32>
    %swap3A_25 = arith.constant 10000 : index
    %swap3A_26 = arith.constant 0 : index
    %swap3A_27 = vector.load %arg3[%swap3A_25, %swap3A_26] : memref<10240x128xf32, #tpu.memory_space<vmem>>, vector<240x128xf32>
    tpu.vector_store %arg3[%swap3A_25, %swap3A_26], %broadcast_in_dim3A_24 {strides = array<i32>} : memref<10240x128xf32, #tpu.memory_space<vmem>>, vector<240x128xf32>,
    return
  }
}

module attributes {stable_mosaic.version = 14 : i64} {
  func.func @_tc_b_body(%arg0: memref<2x10240x128xf32, #tpu.memory_space<vmem>>, %arg1: memref<10240x128xf32, #tpu.memory_space<vmem>>, %arg2: memref<10240x1xf32, #tpu.memory_space<vmem>>, %arg3: memref<1x128xf32, #tpu.memory_space<vmem>>, %arg4: memref<1x128xf32, #tpu.memory_space<vmem>>, %arg5: memref<1x128xf32, #tpu.memory_space<vmem>>, %arg6: memref<3x128xf32, #tpu.memory_space<vmem>>, %arg7: memref<1x128xf32, #tpu.memory_space<vmem>>, %arg8: memref<128x128xf32, #tpu.memory_space<vmem>>, %arg9: memref<10240x128xf32, #tpu.memory_space<vmem>>) attributes {dimension_semantics = [], scalar_prefetch = 0 : i64, scratch_operands = 0 : i64, tpu.core_type = #tpu.core_type<tc>} {
    %get3A = arith.constant 0 : index
    %get3A_0 = arith.constant 0 : index
    %get3A_1 = vector.load %arg2[%get3A, %get3A_0] : memref<10240x1xf32, #tpu.memory_space<vmem>>, vector<10240x1xf32>
    %get3A_2 = arith.constant 0 : index
    %get3A_3 = arith.constant 0 : index
    %get3A_4 = arith.constant 0 : index
    %get3A_5 = vector.load %arg0[%get3A_2, %get3A_3, %get3A_4] : memref<2x10240x128xf32, #tpu.memory_space<vmem>>, vector<1x10240x128xf32>
    %get3A_6 = vector.shape_cast %get3A_5 : vector<1x10240x128xf32> to vector<10240x128xf32>
    %get3A_7 = arith.constant 1 : index
    %get3A_8 = arith.constant 0 : index
    %get3A_9 = arith.constant 0 : index
    %get3A_10 = vector.load %arg0[%get3A_7, %get3A_8, %get3A_9] : memref<2x10240x128xf32, #tpu.memory_space<vmem>>, vector<1x10240x128xf32>
    %get3A_11 = vector.shape_cast %get3A_10 : vector<1x10240x128xf32> to vector<10240x128xf32>
    %get3A_12 = arith.constant 0 : index
    %get3A_13 = arith.constant 0 : index
    %get3A_14 = vector.load %arg1[%get3A_12, %get3A_13] : memref<10240x128xf32, #tpu.memory_space<vmem>>, vector<10240x128xf32>
    %get3A_15 = arith.constant 0 : index
    %get3A_16 = arith.constant 0 : index
    %get3A_17 = vector.load %arg3[%get3A_15, %get3A_16] : memref<1x128xf32, #tpu.memory_space<vmem>>, vector<1x128xf32>
    %get3A_18 = arith.constant 0 : index
    %get3A_19 = arith.constant 0 : index
    %get3A_20 = vector.load %arg4[%get3A_18, %get3A_19] : memref<1x128xf32, #tpu.memory_space<vmem>>, vector<1x128xf32>
    %get3A_21 = arith.constant 0 : index
    %get3A_22 = arith.constant 0 : index
    %get3A_23 = vector.load %arg5[%get3A_21, %get3A_22] : memref<1x128xf32, #tpu.memory_space<vmem>>, vector<1x128xf32>
    %get3A_24 = arith.constant 0 : index
    %get3A_25 = arith.constant 0 : index
    %get3A_26 = vector.load %arg6[%get3A_24, %get3A_25] : memref<3x128xf32, #tpu.memory_space<vmem>>, vector<3x128xf32>
    %get3A_27 = arith.constant 0 : index
    %get3A_28 = arith.constant 0 : index
    %get3A_29 = vector.load %arg7[%get3A_27, %get3A_28] : memref<1x128xf32, #tpu.memory_space<vmem>>, vector<1x128xf32>
    %add3A = arith.addf %get3A_6, %get3A_11 : vector<10240x128xf32>
    %add3A_30 = arith.addf %add3A, %get3A_14 : vector<10240x128xf32>
    %mul3A = vector.broadcast %get3A_1 : vector<10240x1xf32> to vector<10240x128xf32>
    %mul3A_31 = arith.mulf %add3A_30, %mul3A : vector<10240x128xf32>
    %add3A_32 = vector.broadcast %get3A_17 : vector<1x128xf32> to vector<10240x128xf32>
    %add3A_33 = arith.addf %mul3A_31, %add3A_32 : vector<10240x128xf32>
    %iota3A = tpu.iota {dimensions = array<i32: 0>} : vector<10240x1xi32>
    %lt3A = arith.constant 10000 : i32
    %lt3A_34 = vector.broadcast %lt3A : i32 to vector<10240x1xi32>
    %lt3A_35 = arith.cmpi slt, %iota3A, %lt3A_34 : vector<10240x1xi32>
    %jit3A = arith.constant 0.000000e+00 : f32
    %broadcast_in_dim3A = vector.shape_cast %lt3A_35 : vector<10240x1xi1> to vector<10240x1xi1>
    %broadcast_in_dim3A_36 = vector.broadcast %broadcast_in_dim3A : vector<10240x1xi1> to vector<10240x128xi1>
    %broadcast_in_dim3A_37 = vector.broadcast %jit3A : f32 to vector<10240x128xf32>
    %select_n3A = arith.select %broadcast_in_dim3A_36, %add3A_33, %broadcast_in_dim3A_37 : vector<10240x128xi1>, vector<10240x128xf32>
    %reduce_sum3A = arith.constant dense<0.000000e+00> : vector<128xf32>
    %reduce_sum3A_38 = vector.multi_reduction <add>, %select_n3A, %reduce_sum3A [0] : vector<10240x128xf32> to vector<128xf32>
    %broadcast_in_dim3A_39 = vector.shape_cast %reduce_sum3A_38 : vector<128xf32> to vector<1x128xf32>
    %mul3A_40 = arith.constant 9.99999974E-5 : f32
    %mul3A_41 = vector.broadcast %mul3A_40 : f32 to vector<1x128xf32>
    %mul3A_42 = arith.mulf %broadcast_in_dim3A_39, %mul3A_41 : vector<1x128xf32>
    %sub3A = vector.broadcast %mul3A_42 : vector<1x128xf32> to vector<10240x128xf32>
    %sub3A_43 = arith.subf %add3A_33, %sub3A : vector<10240x128xf32>
    %mul3A_44 = arith.mulf %sub3A_43, %sub3A_43 : vector<10240x128xf32>
    %jit3A_45 = arith.constant 0.000000e+00 : f32
    %broadcast_in_dim3A_46 = vector.shape_cast %lt3A_35 : vector<10240x1xi1> to vector<10240x1xi1>
    %broadcast_in_dim3A_47 = vector.broadcast %broadcast_in_dim3A_46 : vector<10240x1xi1> to vector<10240x128xi1>
    %broadcast_in_dim3A_48 = vector.broadcast %jit3A_45 : f32 to vector<10240x128xf32>
    %select_n3A_49 = arith.select %broadcast_in_dim3A_47, %mul3A_44, %broadcast_in_dim3A_48 : vector<10240x128xi1>, vector<10240x128xf32>
    %reduce_sum3A_50 = arith.constant dense<0.000000e+00> : vector<128xf32>
    %reduce_sum3A_51 = vector.multi_reduction <add>, %select_n3A_49, %reduce_sum3A_50 [0] : vector<10240x128xf32> to vector<128xf32>
    %broadcast_in_dim3A_52 = vector.shape_cast %reduce_sum3A_51 : vector<128xf32> to vector<1x128xf32>
    %mul3A_53 = arith.constant 9.99999974E-5 : f32
    %mul3A_54 = vector.broadcast %mul3A_53 : f32 to vector<1x128xf32>
    %mul3A_55 = arith.mulf %broadcast_in_dim3A_52, %mul3A_54 : vector<1x128xf32>
    %add3A_56 = arith.constant 9.99999974E-6 : f32
    %add3A_57 = vector.broadcast %add3A_56 : f32 to vector<1x128xf32>
    %add3A_58 = arith.addf %mul3A_55, %add3A_57 : vector<1x128xf32>
    %rsqrt3A = math.rsqrt %add3A_58 : vector<1x128xf32>
    %mul3A_59 = vector.broadcast %rsqrt3A : vector<1x128xf32> to vector<10240x128xf32>
    %mul3A_60 = arith.mulf %sub3A_43, %mul3A_59 : vector<10240x128xf32>
    %mul3A_61 = vector.broadcast %get3A_20 : vector<1x128xf32> to vector<10240x128xf32>
    %mul3A_62 = arith.mulf %mul3A_60, %mul3A_61 : vector<10240x128xf32>
    %add3A_63 = vector.broadcast %get3A_23 : vector<1x128xf32> to vector<10240x128xf32>
    %add3A_64 = arith.addf %mul3A_62, %add3A_63 : vector<10240x128xf32>
    %reduce_sum3A_65 = arith.constant dense<0.000000e+00> : vector<128xf32>
    %reduce_sum3A_66 = vector.multi_reduction <add>, %get3A_26, %reduce_sum3A_65 [0] : vector<3x128xf32> to vector<128xf32>
    %broadcast_in_dim3A_67 = vector.shape_cast %reduce_sum3A_66 : vector<128xf32> to vector<1x128xf32>
    %add3A_68 = arith.addf %broadcast_in_dim3A_67, %get3A_29 : vector<1x128xf32>
    %max3A = arith.constant 0.000000e+00 : f32
    %max3A_69 = vector.broadcast %max3A : f32 to vector<10240x128xf32>
    %max3A_70 = arith.maximumf %add3A_64, %max3A_69 : vector<10240x128xf32>
    %add3A_71 = vector.broadcast %add3A_68 : vector<1x128xf32> to vector<10240x128xf32>
    %add3A_72 = arith.addf %max3A_70, %add3A_71 : vector<10240x128xf32>
    %get3A_73 = arith.constant 0 : index
    %get3A_74 = arith.constant 0 : index
    %get3A_75 = vector.load %arg8[%get3A_73, %get3A_74] : memref<128x128xf32, #tpu.memory_space<vmem>>, vector<128x128xf32>
    %dot_general3A = arith.constant dense<0.000000e+00> : vector<10240x128xf32>
    %dot_general3A_76 = tpu.matmul %add3A_72, %get3A_75, %dot_general3A {dimension_numbers = #tpu.dot_dimension_numbers<[1], [0], [0], [1], [0, 0, 1, 1], [], []>, transpose_lhs_hint = false} : vector<10240x128xf32>, vector<128x128xf32>, vector<10240x128xf32> -> vector<10240x128xf32>
    %mul3A_77 = vector.broadcast %get3A_1 : vector<10240x1xf32> to vector<10240x128xf32>
    %mul3A_78 = arith.mulf %dot_general3A_76, %mul3A_77 : vector<10240x128xf32>
    %swap3A = arith.constant 0 : index
    %swap3A_79 = arith.constant 0 : index
    %swap3A_80 = vector.load %arg9[%swap3A, %swap3A_79] : memref<10240x128xf32, #tpu.memory_space<vmem>>, vector<10240x128xf32>
    tpu.vector_store %arg9[%swap3A, %swap3A_79], %mul3A_78 {strides = array<i32>} : memref<10240x128xf32, #tpu.memory_space<vmem>>, vector<10240x128xf32>,
    return
  }
}

module attributes {stable_mosaic.version = 14 : i64} {
  func.func @_tc_c_body(%arg0: memref<2x10240x128xf32, #tpu.memory_space<vmem>>, %arg1: memref<10240x128xf32, #tpu.memory_space<vmem>>, %arg2: memref<10240x1xf32, #tpu.memory_space<vmem>>, %arg3: memref<1x128xf32, #tpu.memory_space<vmem>>, %arg4: memref<1x128xf32, #tpu.memory_space<vmem>>, %arg5: memref<1x128xf32, #tpu.memory_space<vmem>>, %arg6: memref<3x128xf32, #tpu.memory_space<vmem>>, %arg7: memref<1x128xf32, #tpu.memory_space<vmem>>, %arg8: memref<128x64xf32, #tpu.memory_space<vmem>>, %arg9: memref<3x64xf32, #tpu.memory_space<vmem>>, %arg10: memref<1x64xf32, #tpu.memory_space<vmem>>, %arg11: memref<128x64xf32, #tpu.memory_space<vmem>>, %arg12: memref<3x64xf32, #tpu.memory_space<vmem>>, %arg13: memref<1x64xf32, #tpu.memory_space<vmem>>, %arg14: memref<10000x64xf32, #tpu.memory_space<vmem>>, %arg15: memref<10000x64xf32, #tpu.memory_space<vmem>>) attributes {dimension_semantics = [], scalar_prefetch = 0 : i64, scratch_operands = 0 : i64, tpu.core_type = #tpu.core_type<tc>} {
    %get3A = arith.constant 0 : index
    %get3A_0 = arith.constant 0 : index
    %get3A_1 = arith.constant 0 : index
    %get3A_2 = vector.load %arg0[%get3A, %get3A_0, %get3A_1] : memref<2x10240x128xf32, #tpu.memory_space<vmem>>, vector<1x10240x128xf32>
    %get3A_3 = vector.shape_cast %get3A_2 : vector<1x10240x128xf32> to vector<10240x128xf32>
    %get3A_4 = arith.constant 1 : index
    %get3A_5 = arith.constant 0 : index
    %get3A_6 = arith.constant 0 : index
    %get3A_7 = vector.load %arg0[%get3A_4, %get3A_5, %get3A_6] : memref<2x10240x128xf32, #tpu.memory_space<vmem>>, vector<1x10240x128xf32>
    %get3A_8 = vector.shape_cast %get3A_7 : vector<1x10240x128xf32> to vector<10240x128xf32>
    %get3A_9 = arith.constant 0 : index
    %get3A_10 = arith.constant 0 : index
    %get3A_11 = vector.load %arg1[%get3A_9, %get3A_10] : memref<10240x128xf32, #tpu.memory_space<vmem>>, vector<10240x128xf32>
    %get3A_12 = arith.constant 0 : index
    %get3A_13 = arith.constant 0 : index
    %get3A_14 = vector.load %arg2[%get3A_12, %get3A_13] : memref<10240x1xf32, #tpu.memory_space<vmem>>, vector<10240x1xf32>
    %get3A_15 = arith.constant 0 : index
    %get3A_16 = arith.constant 0 : index
    %get3A_17 = vector.load %arg3[%get3A_15, %get3A_16] : memref<1x128xf32, #tpu.memory_space<vmem>>, vector<1x128xf32>
    %get3A_18 = arith.constant 0 : index
    %get3A_19 = arith.constant 0 : index
    %get3A_20 = vector.load %arg4[%get3A_18, %get3A_19] : memref<1x128xf32, #tpu.memory_space<vmem>>, vector<1x128xf32>
    %get3A_21 = arith.constant 0 : index
    %get3A_22 = arith.constant 0 : index
    %get3A_23 = vector.load %arg5[%get3A_21, %get3A_22] : memref<1x128xf32, #tpu.memory_space<vmem>>, vector<1x128xf32>
    %get3A_24 = arith.constant 0 : index
    %get3A_25 = arith.constant 0 : index
    %get3A_26 = vector.load %arg6[%get3A_24, %get3A_25] : memref<3x128xf32, #tpu.memory_space<vmem>>, vector<3x128xf32>
    %get3A_27 = arith.constant 0 : index
    %get3A_28 = arith.constant 0 : index
    %get3A_29 = vector.load %arg7[%get3A_27, %get3A_28] : memref<1x128xf32, #tpu.memory_space<vmem>>, vector<1x128xf32>
    %add3A = arith.addf %get3A_3, %get3A_8 : vector<10240x128xf32>
    %add3A_30 = arith.addf %add3A, %get3A_11 : vector<10240x128xf32>
    %mul3A = vector.broadcast %get3A_14 : vector<10240x1xf32> to vector<10240x128xf32>
    %mul3A_31 = arith.mulf %add3A_30, %mul3A : vector<10240x128xf32>
    %add3A_32 = vector.broadcast %get3A_17 : vector<1x128xf32> to vector<10240x128xf32>
    %add3A_33 = arith.addf %mul3A_31, %add3A_32 : vector<10240x128xf32>
    %iota3A = tpu.iota {dimensions = array<i32: 0>} : vector<10240x1xi32>
    %lt3A = arith.constant 10000 : i32
    %lt3A_34 = vector.broadcast %lt3A : i32 to vector<10240x1xi32>
    %lt3A_35 = arith.cmpi slt, %iota3A, %lt3A_34 : vector<10240x1xi32>
    %jit3A = arith.constant 0.000000e+00 : f32
    %broadcast_in_dim3A = vector.shape_cast %lt3A_35 : vector<10240x1xi1> to vector<10240x1xi1>
    %broadcast_in_dim3A_36 = vector.broadcast %broadcast_in_dim3A : vector<10240x1xi1> to vector<10240x128xi1>
    %broadcast_in_dim3A_37 = vector.broadcast %jit3A : f32 to vector<10240x128xf32>
    %select_n3A = arith.select %broadcast_in_dim3A_36, %add3A_33, %broadcast_in_dim3A_37 : vector<10240x128xi1>, vector<10240x128xf32>
    %reduce_sum3A = arith.constant dense<0.000000e+00> : vector<128xf32>
    %reduce_sum3A_38 = vector.multi_reduction <add>, %select_n3A, %reduce_sum3A [0] : vector<10240x128xf32> to vector<128xf32>
    %broadcast_in_dim3A_39 = vector.shape_cast %reduce_sum3A_38 : vector<128xf32> to vector<1x128xf32>
    %mul3A_40 = arith.constant 9.99999974E-5 : f32
    %mul3A_41 = vector.broadcast %mul3A_40 : f32 to vector<1x128xf32>
    %mul3A_42 = arith.mulf %broadcast_in_dim3A_39, %mul3A_41 : vector<1x128xf32>
    %sub3A = vector.broadcast %mul3A_42 : vector<1x128xf32> to vector<10240x128xf32>
    %sub3A_43 = arith.subf %add3A_33, %sub3A : vector<10240x128xf32>
    %mul3A_44 = arith.mulf %sub3A_43, %sub3A_43 : vector<10240x128xf32>
    %jit3A_45 = arith.constant 0.000000e+00 : f32
    %broadcast_in_dim3A_46 = vector.shape_cast %lt3A_35 : vector<10240x1xi1> to vector<10240x1xi1>
    %broadcast_in_dim3A_47 = vector.broadcast %broadcast_in_dim3A_46 : vector<10240x1xi1> to vector<10240x128xi1>
    %broadcast_in_dim3A_48 = vector.broadcast %jit3A_45 : f32 to vector<10240x128xf32>
    %select_n3A_49 = arith.select %broadcast_in_dim3A_47, %mul3A_44, %broadcast_in_dim3A_48 : vector<10240x128xi1>, vector<10240x128xf32>
    %reduce_sum3A_50 = arith.constant dense<0.000000e+00> : vector<128xf32>
    %reduce_sum3A_51 = vector.multi_reduction <add>, %select_n3A_49, %reduce_sum3A_50 [0] : vector<10240x128xf32> to vector<128xf32>
    %broadcast_in_dim3A_52 = vector.shape_cast %reduce_sum3A_51 : vector<128xf32> to vector<1x128xf32>
    %mul3A_53 = arith.constant 9.99999974E-5 : f32
    %mul3A_54 = vector.broadcast %mul3A_53 : f32 to vector<1x128xf32>
    %mul3A_55 = arith.mulf %broadcast_in_dim3A_52, %mul3A_54 : vector<1x128xf32>
    %add3A_56 = arith.constant 9.99999974E-6 : f32
    %add3A_57 = vector.broadcast %add3A_56 : f32 to vector<1x128xf32>
    %add3A_58 = arith.addf %mul3A_55, %add3A_57 : vector<1x128xf32>
    %rsqrt3A = math.rsqrt %add3A_58 : vector<1x128xf32>
    %mul3A_59 = vector.broadcast %rsqrt3A : vector<1x128xf32> to vector<10240x128xf32>
    %mul3A_60 = arith.mulf %sub3A_43, %mul3A_59 : vector<10240x128xf32>
    %mul3A_61 = vector.broadcast %get3A_20 : vector<1x128xf32> to vector<10240x128xf32>
    %mul3A_62 = arith.mulf %mul3A_60, %mul3A_61 : vector<10240x128xf32>
    %add3A_63 = vector.broadcast %get3A_23 : vector<1x128xf32> to vector<10240x128xf32>
    %add3A_64 = arith.addf %mul3A_62, %add3A_63 : vector<10240x128xf32>
    %reduce_sum3A_65 = arith.constant dense<0.000000e+00> : vector<128xf32>
    %reduce_sum3A_66 = vector.multi_reduction <add>, %get3A_26, %reduce_sum3A_65 [0] : vector<3x128xf32> to vector<128xf32>
    %broadcast_in_dim3A_67 = vector.shape_cast %reduce_sum3A_66 : vector<128xf32> to vector<1x128xf32>
    %add3A_68 = arith.addf %broadcast_in_dim3A_67, %get3A_29 : vector<1x128xf32>
    %max3A = arith.constant 0.000000e+00 : f32
    %max3A_69 = vector.broadcast %max3A : f32 to vector<10240x128xf32>
    %max3A_70 = arith.maximumf %add3A_64, %max3A_69 : vector<10240x128xf32>
    %add3A_71 = vector.broadcast %add3A_68 : vector<1x128xf32> to vector<10240x128xf32>
    %add3A_72 = arith.addf %max3A_70, %add3A_71 : vector<10240x128xf32>
    %get3A_73 = arith.constant 0 : index
    %get3A_74 = arith.constant 0 : index
    %get3A_75 = vector.load %arg9[%get3A_73, %get3A_74] : memref<3x64xf32, #tpu.memory_space<vmem>>, vector<3x64xf32>
    %reduce_sum3A_76 = arith.constant dense<0.000000e+00> : vector<64xf32>
    %reduce_sum3A_77 = vector.multi_reduction <add>, %get3A_75, %reduce_sum3A_76 [0] : vector<3x64xf32> to vector<64xf32>
    %broadcast_in_dim3A_78 = vector.shape_cast %reduce_sum3A_77 : vector<64xf32> to vector<1x64xf32>
    %get3A_79 = arith.constant 0 : index
    %get3A_80 = arith.constant 0 : index
    %get3A_81 = vector.load %arg10[%get3A_79, %get3A_80] : memref<1x64xf32, #tpu.memory_space<vmem>>, vector<1x64xf32>
    %add3A_82 = arith.addf %broadcast_in_dim3A_78, %get3A_81 : vector<1x64xf32>
    %get3A_83 = arith.constant 0 : index
    %get3A_84 = arith.constant 0 : index
    %get3A_85 = vector.load %arg12[%get3A_83, %get3A_84] : memref<3x64xf32, #tpu.memory_space<vmem>>, vector<3x64xf32>
    %reduce_sum3A_86 = arith.constant dense<0.000000e+00> : vector<64xf32>
    %reduce_sum3A_87 = vector.multi_reduction <add>, %get3A_85, %reduce_sum3A_86 [0] : vector<3x64xf32> to vector<64xf32>
    %broadcast_in_dim3A_88 = vector.shape_cast %reduce_sum3A_87 : vector<64xf32> to vector<1x64xf32>
    %get3A_89 = arith.constant 0 : index
    %get3A_90 = arith.constant 0 : index
    %get3A_91 = vector.load %arg13[%get3A_89, %get3A_90] : memref<1x64xf32, #tpu.memory_space<vmem>>, vector<1x64xf32>
    %add3A_92 = arith.addf %broadcast_in_dim3A_88, %get3A_91 : vector<1x64xf32>
    %slice3A = vector.extract_strided_slice %add3A_72 {offsets = [0, 0], sizes = [10000, 128], strides = [1, 1]} : vector<10240x128xf32> to vector<10000x128xf32>
    %get3A_93 = arith.constant 0 : index
    %get3A_94 = arith.constant 0 : index
    %get3A_95 = vector.load %arg8[%get3A_93, %get3A_94] : memref<128x64xf32, #tpu.memory_space<vmem>>, vector<128x64xf32>
    %dot_general3A = arith.constant dense<0.000000e+00> : vector<10000x64xf32>
    %dot_general3A_96 = tpu.matmul %slice3A, %get3A_95, %dot_general3A {dimension_numbers = #tpu.dot_dimension_numbers<[1], [0], [0], [1], [0, 0, 1, 1], [], []>, transpose_lhs_hint = false} : vector<10000x128xf32>, vector<128x64xf32>, vector<10000x64xf32> -> vector<10000x64xf32>
    %add3A_97 = vector.broadcast %add3A_82 : vector<1x64xf32> to vector<10000x64xf32>
    %add3A_98 = arith.addf %dot_general3A_96, %add3A_97 : vector<10000x64xf32>
    %swap3A = arith.constant 0 : index
    %swap3A_99 = arith.constant 0 : index
    %swap3A_100 = vector.load %arg14[%swap3A, %swap3A_99] : memref<10000x64xf32, #tpu.memory_space<vmem>>, vector<10000x64xf32>
    tpu.vector_store %arg14[%swap3A, %swap3A_99], %add3A_98 {strides = array<i32>} : memref<10000x64xf32, #tpu.memory_space<vmem>>, vector<10000x64xf32>,
    %get3A_101 = arith.constant 0 : index
    %get3A_102 = arith.constant 0 : index
    %get3A_103 = vector.load %arg11[%get3A_101, %get3A_102] : memref<128x64xf32, #tpu.memory_space<vmem>>, vector<128x64xf32>
    %dot_general3A_104 = arith.constant dense<0.000000e+00> : vector<10000x64xf32>
    %dot_general3A_105 = tpu.matmul %slice3A, %get3A_103, %dot_general3A_104 {dimension_numbers = #tpu.dot_dimension_numbers<[1], [0], [0], [1], [0, 0, 1, 1], [], []>, transpose_lhs_hint = false} : vector<10000x128xf32>, vector<128x64xf32>, vector<10000x64xf32> -> vector<10000x64xf32>
    %add3A_106 = vector.broadcast %add3A_92 : vector<1x64xf32> to vector<10000x64xf32>
    %add3A_107 = arith.addf %dot_general3A_105, %add3A_106 : vector<10000x64xf32>
    %swap3A_108 = arith.constant 0 : index
    %swap3A_109 = arith.constant 0 : index
    %swap3A_110 = vector.load %arg15[%swap3A_108, %swap3A_109] : memref<10000x64xf32, #tpu.memory_space<vmem>>, vector<10000x64xf32>
    tpu.vector_store %arg15[%swap3A_108, %swap3A_109], %add3A_107 {strides = array<i32>} : memref<10000x64xf32, #tpu.memory_space<vmem>>, vector<10000x64xf32>,
    return
  }
}

</mosaic_0001>

<sc_bundles>
// kernel: kernel.11.cloned.1.call-start
scs
__scs_entry_jumppad:
0x0: {  	(pc) =	sbr.rel $0x88, $3  }
0x1: {  	(tag) =	ssettag $0x0;
	lr =	simm.s32 $0x1  }
0x2: {  	[smem:$0x3F8E] =	sst lr;
	_ =	strace $0xD0000000  }
0x3: {  	_ = 	snop  }
0x4: {  	_ = 	snop  }
0x5: {  	_ = 	snop  }
0x6: {  	_ = 	snop  }
0x7: {  	_ = 	snop  }
__scs_overlays_trampoline_lowered:
0x8: {  	[smem:$0x3F9D] =	sst s0  }
0x9: {  	[smem:$0x3F9E] =	sst s1  }
0xa: {  	[smem:$0x3F9F] =	sst s2  }
0xb: {  	[smem:$0x3FA0] =	sst s3  }
0xc: {  	[smem:$0x3FA1] =	sst s4  }
0xd: {  	[smem:$0x3FA2] =	sst s5  }
0xe: {  	[smem:$0x3FA3] =	sst s6  }
0xf: {  	[smem:$0x3FA4] =	sst s7  }
0x10: {  	[smem:$0x3FA5] =	sst s8  }
0x11: {  	[smem:$0x3FA6] =	sst s9;
	s0 =	simm.s32 @!p0 $0x0  }
0x12: {  	s1 =	sld [smem:$0x3F8C];
	s0 =	simm.s32 @p0 $0x1  }
0x13: {  	[smem:$0x3FA7] =	sst s0;
	s0 =	simm.s32 @!p1 $0x0  }
0x14: {  	s2 =	sld [smem:$0x3F8B];
	s0 =	simm.s32 @p1 $0x1  }
0x15: {  	[smem:$0x3FA8] =	sst s0;
	s0 =	simm.s32 @!p2 $0x0  }
0x16: {  	s3 =	sld [smem:$0x3FDB];
	s0 =	simm.s32 @p2 $0x1  }
0x17: {  	s4 =	simm.s32 $0x1BF5;
	[smem:$0x3FAA] =	sst s0  }
0x18: {  	s0 =	sld [smem:$0x3F8D];
	_ =	swait.ge [sflag:s4], $0x0  }
0x19: {  	s7 =	sld [smem:$0x3F8E]  }
0x1a: {  	s8 =	sadd.s32 $0xFFFFE003, lr  }
0x1b: {  	s9 =	sadd.s32 $0xFFFFFEF7, lr;
	s5 =	simm.s32 $0xFFFFFFFF;
	p2 =	slt.u32 s8, $0xFFFFF086  }
0x1c: {  	p1 =	slt.u32 s9, $0xF7A;
	s5 =	simm.s32 @!p2 $0x0  }
0x1d: {  	s5 =	simm.s32 @p1 $0x1;
	p0 =	seq.s32 s7, s2  }
0x1e: {  	s7 =	smul.u32 @!p0 $0xF7A, s2;
	p2 =	seq.s32 @!p0 s5, $0x0  }
0x1f: {  	s9 =	smul.u32 $0xF7A, s1;
	s8 =	simm.s32 @!p0 $0x1BF5;
	p2 =	por !p2, p0  }
0x20: {  	[sflag:s8] =	ssyncset.s32 @!p0 $0xFFFFF086;
	s6 =	sadd.s32 @!p0 s3, s7;
	s7 =	simm.s32 @!p0 $0x108  }
0x21: {  	s3 =	sadd.s32 s3, s9;
	s6 =	sadd.s32 @!p0 $0x88, s6;
	s7 =	simm.s32 @p2 $0x1082  }
0x22: {  	[simem:s7], [sflag:s8] =	dma.local @!p0 [hbm:s6], $0xF7A  }
0x23: {  	s9 =	sor.u32 $0xD0000000, s2;
	s6 =	simm.s32 $0x108;
	_ =	swait.ge @!p0 [sflag:s8], $0x0  }
0x24: {  	s3 =	sadd.s32 $0x88, s3;
	s6 =	simm.s32 @!p1 $0x1082;
	[sflag:s4] =	ssyncset.s32 $0xFFFFF086  }
0x25: {  	[simem:s6], [sflag:s4] =	dma.local [hbm:s3], $0xF7A  }
0x26: {  	[smem:$0x3F8E] =	sst s1;
	(tag) =	ssettag s2;
	_ =	strace s9  }
0x27: {  	s1 =	sld [smem:$0x3F9E]  }
0x28: {  	s2 =	sld [smem:$0x3F9F]  }
0x29: {  	s4 =	sld [smem:$0x3FA1]  }
0x2a: {  	p0 =	seq.s32 s5, $0x0;
	s5 =	sld [smem:$0x3FA2]  }
0x2b: {  	s6 =	sld [smem:$0x3FA3]  }
0x2c: {  	s7 =	sld [smem:$0x3FA4]  }
0x2d: {  	s3 =	simm.s32 $0x108;
	s8 =	sld [smem:$0x3FA5]  }
0x2e: {  	s3 =	simm.s32 @!p0 $0x1082;
	s9 =	sld [smem:$0x3FA6]  }
0x2f: {  	lr =	sadd.s32 s0, s3;
	s0 =	sld [smem:$0x3F9D]  }
0x30: {  	s3 =	sld [smem:$0x3FA0]  }
0x31: {  	[smem:$0x3FA9] =	sst s10  }
0x32: {  	s10 =	sld [smem:$0x3FA7];
	_ =	sdelay $0x3  }
0x33: {  	p0 =	seq.s32 s10, $0x1;
	s10 =	sld [smem:$0x3FA9];
	_ =	sdelay $0x3  }
0x34: {  	[smem:$0x3FA9] =	sst s10  }
0x35: {  	s10 =	sld [smem:$0x3FA8];
	_ =	sdelay $0x3  }
0x36: {  	p1 =	seq.s32 s10, $0x1;
	s10 =	sld [smem:$0x3FA9];
	_ =	sdelay $0x3  }
0x37: {  	[smem:$0x3FA9] =	sst s10  }
0x38: {  	s10 =	sld [smem:$0x3FAA]  }
0x39: {  	_ = 	snop;
	(pc) =	sbr.ind lr, $3  }
0x3a: {  	_ = 	snop  }
0x3b: {  	_ = 	snop  }
0x3c: {  	p2 =	seq.s32 s10, $0x1;
	s10 =	sld [smem:$0x3FA9]  }
0x3d: {  	_ =	shalt  }
0x3e: {  	_ =	shalt  }
0x3f: {  	_ =	shalt  }
0x40: {  	_ =	shalt  }
0x41: {  	_ =	shalt  }
0x42: {  	_ =	shalt  }
0x43: {  	_ =	shalt  }
0x44: {  	_ =	shalt  }
0x45: {  	_ =	shalt  }
0x46: {  	_ =	shalt  }
0x47: {  	_ =	shalt  }
0x48: {  	_ =	shalt  }
0x49: {  	_ =	shalt  }
0x4a: {  	_ =	shalt  }
0x4b: {  	_ =	shalt  }
0x4c: {  	_ =	shalt  }
0x4d: {  	_ =	shalt  }
0x4e: {  	_ =	shalt  }
0x4f: {  	_ =	shalt  }
0x50: {  	_ =	shalt  }
0x51: {  	_ =	shalt  }
0x52: {  	_ =	shalt  }
0x53: {  	_ =	shalt  }
0x54: {  	_ =	shalt  }
0x55: {  	_ =	shalt  }
0x56: {  	_ =	shalt  }
0x57: {  	_ =	shalt  }
0x58: {  	_ =	shalt  }
0x59: {  	_ =	shalt  }
0x5a: {  	_ =	shalt  }
0x5b: {  	_ =	shalt  }
0x5c: {  	_ =	shalt  }
0x5d: {  	_ =	shalt  }
0x5e: {  	_ =	shalt  }
0x5f: {  	_ =	shalt  }
0x60: {  	_ =	shalt  }
0x61: {  	_ =	shalt  }
0x62: {  	_ =	shalt  }
0x63: {  	_ =	shalt  }
0x64: {  	_ =	shalt  }
0x65: {  	_ =	shalt  }
0x66: {  	_ =	shalt  }
0x67: {  	_ =	shalt  }
0x68: {  	_ =	shalt  }
0x69: {  	_ =	shalt  }
0x6a: {  	_ =	shalt  }
0x6b: {  	_ =	shalt  }
0x6c: {  	_ =	shalt  }
0x6d: {  	_ =	shalt  }
0x6e: {  	_ =	shalt  }
0x6f: {  	_ =	shalt  }
0x70: {  	_ =	shalt  }
0x71: {  	_ =	shalt  }
0x72: {  	_ =	shalt  }
0x73: {  	_ =	shalt  }
0x74: {  	_ =	shalt  }
0x75: {  	_ =	shalt  }
0x76: {  	_ =	shalt  }
0x77: {  	_ =	shalt  }
0x78: {  	_ =	shalt  }
0x79: {  	_ =	shalt  }
0x7a: {  	_ =	shalt  }
0x7b: {  	_ =	shalt  }
0x7c: {  	_ =	shalt  }
0x7d: {  	_ =	shalt  }
0x7e: {  	_ =	shalt  }
0x7f: {  	_ =	shalt  }
0x80: {  	_ =	shalt  }
0x81: {  	_ =	shalt  }
0x82: {  	_ =	shalt  }
0x83: {  	_ =	shalt  }
0x84: {  	_ =	shalt  }
0x85: {  	_ =	shalt  }
0x86: {  	_ =	shalt  }
0x87: {  	_ =	shalt  }
.Lfunc_end0:
.L_simem_size_0:
called_computation.1_lowered:
.L_overlay_start_0:
0x88: {  	s2 =	sld [smem:$0x3FD9]  }
0x89: {  	s3 =	sld [smem:$0x3FFE];
	_ =	sdelay $0x1  }
0x8a: {  	s1 =	srdreg.scid  }
0x8b: {  	s0 =	sand.u32 $0x1, s1  }
0x8c: {  	s14 =	sshll.u32 s0, $0xA;
	s2 =	sadd.s32 s3, s2  }
0x8d: {  	s2 =	sadd.s32 s2, s14  }
0x8e: {  	[smem:$0x3FB5] =	sst s2  }
0x8f: {  	_ = 	snop  }
0x90: {  	s2 =	sld [smem:$0x3FD0];
	_ =	sdelay $0x2  }
0x91: {  	s15 =	simm.s32 $0xA;
	s4 =	simm.s32 $0x10  }
0x92: {  	[smem:s4], [sflag:s15] =	dma.local [hbm:s2], $0x1  }
0x93: {  	_ =	swait.eq [sflag:s15], $0x1  }
0x94: {  	[sflag:s15] =	ssyncset.done $0x0  }
0x95: {  	[sflag:s15] =	ssyncadd.s32 $0xFFFFFFFF  }
0x96: {  	s16 =	sld [smem:$0x10];
	(tm) =	ssettm $0x1  }
0x97: {  	s17 =	sld [smem:$0x3FFB];
	_ =	sdelay $0x3  }
0x98: {  	_ =	strace s17  }
0x99: {  	s3 =	sld [smem:$0x3FFC];
	_ =	sdelay $0x3  }
0x9a: {  	_ =	strace s3  }
0x9b: {  	s3 =	sld [smem:$0x3FFD];
	_ =	sdelay $0x3  }
0x9c: {  	_ =	strace s3  }
0x9d: {  	_ =	strace $0x8FFFFFFF  }
0x9e: {  	s18 =	sld [smem:$0x3FDB];
	_ =	sdelay $0x1  }
0x9f: {  	s19 =	simm.s32 $_scs_section_size  }
0xa0: {  	s5 =	simm.s32 $_size__tile_overlayer_lowered;
	s6 =	simm.s32 $_tile_overlayer_lowered  }
0xa1: {  	s22 =	simm.s32 $0x1BFF;
	s21 =	sshll.u32 s6, $0x1;
	s3 =	sadd.s32 s19, s18  }
0xa2: {  	s7 =	simm.s32 $0x0;
	s20 =	sshll.u32 s5, $0x1;
	s5 =	sadd.s32 s21, s3  }
0xa3: {  	[timem:s7], [sflag:s22] =	dma.local [hbm:s5], s20  }
0xa4: {  	_ =	swait.ge [sflag:s22], s20  }
0xa5: {  	s4 =	ssub.s32 $0x0, s20;
	[sflag:s22] =	ssyncset.done $0x0  }
0xa6: {  	[sflag:s22] =	ssyncadd.s32 s4;
	_ =	sdelay $0x1  }
0xa7: {  	s23 =	simm.s32 $0x1B8B  }
0xa8: {  	_ =	swait.ge [sflag:s23], $0x1  }
0xa9: {  	[sflag:s23] =	ssyncset.done $0x0  }
0xaa: {  	s25 =	simm.s32 $0x1B8E;
	s24 =	sld [smem:$0x3FFE];
	[sflag:s23] =	ssyncadd.s32 $0xFFFFFFFF  }
0xab: {  	s26 =	simm.s32 $execute0_lowered;
	[smem:$0x3FD2] =	sst s25  }
0xac: {  	s5 =	sshll.u32 s26, $0x1;
	_ =	strace $0x80000049;
	[dreg:$0x1] =	wrdreg $0xFFFFFFFF  }
0xad: {  	s28 =	simm.s32 $_size_execute0_lowered;
	s3 =	sadd.s32 s3, s5;
	[dreg:$0x0] =	wrdreg $0x0  }
0xae: {  	s5 =	sshll.u32 s28, $0x1;
	[dreg:$0x2] =	wrdreg s3  }
0xaf: {  	[dreg:$0x3] =	wrdreg s5  }
0xb0: {  	[dreg:$0x4] =	wrdreg $0xC0  }
0xb1: {  	_ =	task [dreg:s7], $0x5FFFF  }
0xb2: {  	[dreg:$0x1] =	wrdreg $0xFFFFFFFF  }
0xb3: {  	[dreg:$0x0] =	wrdreg $0x60  }
0xb4: {  	[dreg:$0x2] =	wrdreg s24  }
0xb5: {  	[dreg:$0x3] =	wrdreg s16  }
0xb6: {  	[dreg:$0x4] =	wrdreg $0x92000  }
0xb7: {  	[dreg:$0x5] =	wrdreg $0x9  }
0xb8: {  	_ =	task.clear_ibuf [dreg:s7], $0x6FFFF;
	_ =	strace $0x90000049  }
0xb9: {  	s29 =	simm.s32 $0x9;
	_ =	strace $0x8000004B  }
0xba: {  	_ =	swait.ge [sflag:s29], $0x1  }
0xbb: {  	[sflag:s29] =	ssyncadd.s32 $0xFFFFFFFF  }
0xbc: {  	_ =	strace $0x9000004B  }
0xbd: {  	_ =	sfence  }
0xbe: {  	s30 =	sld [smem:$0x0];
	_ =	sdelay $0x2  }
0xbf: {  	s31 =	sshll.u32 s1, $0xD;
	s1 =	sshrl.u32 s1, $0x2  }
0xc0: {  	s3 =	sand.u32 $0x4000, s31;
	s1 =	sadd.s32 s1, s30  }
0xc1: {  	s0 =	sor.u32 s3, s0;
	s1 =	sshll.u32 s1, $0x11  }
0xc2: {  	s0 =	sor.u32 s1, s0  }
0xc3: {  	s0 =	sadd.s32 $0x8F2B, s0  }
0xc4: {  	[sflag:s0] =	ssyncadd.remote.s32 $0x1  }
0xc5: {  	_ =	sfence.sel $0xFFFF  }
0xc6: {  	[dreg:$0x0] =	wrdreg $0xFFFFFFFF;
	(pc) =	sbr.abs _section_cstart, $3  }
0xc7: {  	[dreg:$0x1] =	wrdreg $0xFFFFFFFF  }
0xc8: {  	_ =	task.clear_ibuf [dreg:s7], $0x2FFFF;
	_ =	strace $0x9FFFFFFF  }
0xc9: {  	(tm) =	ssettm $0x7FFFFFFF  }
tec
execute0_lowered:
.L_overlay_start_1:
0x0: {  	(tag) =	ssettag $0x1  }
0x1: {  	s0 =	rddreg [dreg:$0x0]  }
0x2: {  	s2 =	srdreg.scid;
	s15 =	stileid.u32;
	s1 =	simm.s32 $0x0  }
0x3: {  	s29 =	simm.s32 $0x3;
	s30 =	simm.s32 $0x5200;
	s3 =	smul.u32 $0x5000, s15  }
0x4: {  	s31 =	simm.s32 $0x40;
	s2 =	sand.u32 $0x1, s2;
	s4 =	smul.u32 $0xA00, s15  }
0x5: {  	[smem:$0x7FF] =	sst s1;
	s7 =	smul.u32 $0x14000, s15;
	p0 =	seq.s32 s2, $0x0  }
0x6: {  	s5 =	ssub.s32 $0x2, s2;
	s12 =	smul.u32 $0x140000, s2;
	s3 =	sshrl.u32 s3, $0x3  }
0x7: {  	s6 =	sshrl.u32 s5, $0x1;
	s8 =	sadd.s32 $0x4000, s7;
	s9 =	sadd.s32 $0x6000, s7  }
0x8: {  	s10 =	sadd.s32 $0x8000, s7;
	s11 =	sadd.s32 $0xA000, s7;
	s22 =	sadd.s32 $0xC000, s7  }
0x9: {  	s23 =	sadd.s32 $0xE000, s7;
	s24 =	sadd.s32 $0x10000, s7;
	s25 =	sadd.s32 $0x12000, s7  }
0xa: {  	s3 =	sadd.s32 $0xA000, s3;
	s5 =	ssub.s32 s5, s6;
	s6 =	sor.u32 $0x2000, s7  }
0xb: {  	s7 =	sadd.s32 s7, s12;
	s14 =	sadd.s32 s12, s8;
	s20 =	sadd.s32 s12, s9  }
0xc: {  	s21 =	sadd.s32 s12, s10;
	s26 =	sadd.s32 s12, s11;
	s16 =	sadd.s32 s12, s22  }
0xd: {  	s17 =	sadd.s32 s12, s23;
	s3 =	smov.u32 @p0 s4;
	s4 =	sadd.s32 $0x41400, s0  }
0xe: {  	s13 =	sadd.s32 s12, s6;
	s7 =	sshrl.u32 s7, $0x3;
	s19 =	sshrl.u32 s14, $0x3  }
0xf: {  	s14 =	sshrl.u32 s26, $0x3;
	s26 =	smul.u32 $0x50000, s15;
	p0 =	sne.s32 s2, $0x0  }
0x10: {  	s15 =	sadd.s32 $0x19400, s0;
	s13 =	sshrl.u32 s13, $0x3;
	s7 =	sadd.s32 s4, s7  }
0x11: {  	s2 =	simm.s32 $0x1;
	[dreg:$0x4] =	wrdreg s7;
	s18 =	sadd.s32 s4, s13  }
0x12: {  	s7 =	sadd.s32 s4, s19;
	s13 =	sshrl.u32 s21, $0x3;
	[dreg:$0x5] =	wrdreg s18  }
0x13: {  	[dreg:$0x6] =	wrdreg s7;
	s7 =	sshrl.u32 s20, $0x3;
	s13 =	sadd.s32 s4, s13  }
0x14: {  	s21 =	sadd.s32 s12, s25;
	s7 =	sadd.s32 s4, s7;
	[dreg:$0x8] =	wrdreg s13  }
0x15: {  	s26 =	sshrl.u32 s26, $0x2;
	s13 =	sshrl.u32 s17, $0x3;
	[dreg:$0x7] =	wrdreg s7  }
0x16: {  	s7 =	sadd.s32 s4, s14;
	s19 =	sadd.s32 s4, s13;
	s13 =	rddreg [dreg:$0x2]  }
0x17: {  	s18 =	sadd.s32 s12, s24;
	s12 =	simm.s32 $0x7200;
	[dreg:$0x9] =	wrdreg s7  }
0x18: {  	s20 =	sshrl.u32 s18, $0x3;
	s7 =	sshrl.u32 s16, $0x3;
	[dreg:$0xb] =	wrdreg s19  }
0x19: {  	s16 =	sadd.s32 s26, s13;
	s17 =	sadd.s32 s6, s13;
	s18 =	sadd.s32 s8, s13  }
0x1a: {  	s19 =	sadd.s32 s9, s13;
	s22 =	sadd.s32 s22, s13;
	s23 =	sadd.s32 s23, s13  }
0x1b: {  	s24 =	sadd.s32 s24, s13;
	s25 =	sadd.s32 s25, s13;
	s26 =	smax.u32 s5, $0x1  }
0x1c: {  	s5 =	simm.s32 $0x5180;
	s6 =	simm.s32 $0x0;
	s7 =	sadd.s32 s4, s7  }
.Ltmp0:
0x1d: {  	[dreg:$0xa] =	wrdreg s7;
	s7 =	sadd.s32 s4, s20;
	(pc) =	sbr.rel .LBB2_1-.Ltmp0, $4  }
0x1e: {  	s20 =	sadd.s32 s10, s13;
	[dreg:$0xc] =	wrdreg s7;
	s7 =	sshrl.u32 s21, $0x3  }
0x1f: {  	s21 =	sadd.s32 s11, s13;
	s11 =	simm.s32 $0x5000;
	s14 =	sadd.s32 s4, s7  }
0x20: {  	_ =	strace $0x8000004A;
	s7 =	sadd.s32 s3, s0;
	s0 =	simm.s32 $0x5080  }
0x21: {  	s3 =	simm.s32 $0x5100;
	s4 =	simm.s32 $0x2;
	s28 =	sadd.s32 $0x5400, s7  }
.LBB2_7:
0x22: {  	s7 =	sshra.s32 s7, $0x2;
	[sflag:s29] =	ssyncadd.s32 $0xFFFFE000  }
0x23: {  	v0 =	vld [tilespmem:s7+$0x80];
	_ =	sdelay $0x4  }
0x24: {  	v0 =	vand.u32 $0xFFFF, v0  }
0x25: {  	[tilespmem:$0x5080] =	vst v0  }
0x26: {  	v0 =	vld [tilespmem:s7+$0x90];
	_ =	sdelay $0x4  }
0x27: {  	v0 =	vand.u32 $0xFFFF, v0  }
0x28: {  	[tilespmem:$0x5090] =	vst v0  }
0x29: {  	v0 =	vld [tilespmem:s7+$0xA0];
	_ =	sdelay $0x4  }
0x2a: {  	v0 =	vand.u32 $0xFFFF, v0  }
0x2b: {  	[tilespmem:$0x50A0] =	vst v0  }
0x2c: {  	v0 =	vld [tilespmem:s7+$0xB0];
	_ =	sdelay $0x4  }
0x2d: {  	v0 =	vand.u32 $0xFFFF, v0  }
0x2e: {  	[tilespmem:$0x50B0] =	vst v0  }
0x2f: {  	v0 =	vld [tilespmem:s7+$0x80];
	_ =	sdelay $0x4  }
0x30: {  	v0 =	vshrl.u32 v0, $0x10  }
0x31: {  	[tilespmem:$0x5180] =	vst v0  }
0x32: {  	v0 =	vld [tilespmem:s7+$0x90];
	_ =	sdelay $0x4  }
0x33: {  	v0 =	vshrl.u32 v0, $0x10  }
0x34: {  	[tilespmem:$0x5190] =	vst v0  }
0x35: {  	v0 =	vld [tilespmem:s7+$0xA0];
	_ =	sdelay $0x4  }
0x36: {  	v0 =	vshrl.u32 v0, $0x10  }
0x37: {  	[tilespmem:$0x51A0] =	vst v0  }
0x38: {  	v0 =	vld [tilespmem:s7+$0xB0];
	_ =	sdelay $0x4  }
0x39: {  	v0 =	vshrl.u32 v0, $0x10  }
0x3a: {  	[tilespmem:$0x51B0] =	vst v0  }
0x3b: {  	[tilespmem:s12], [sflag:$0x2] =	stream.indirect.gather [hbm4b:s15+s31], $0x80, s0, s31, $0xb8;
	[tilespmem:$0x1D200] =	vst v63  }
0x3c: {  	_ =	swait.ge [sflag:s2], $0x2000  }
0x3d: {  	[sflag:s2] =	ssyncset.done $0x0  }
0x3e: {  	[sflag:s2] =	ssyncadd.s32 $0xFFFFE000  }
0x3f: {  	[spmem:s13] =	stream.indirect.scatter.add.f32 [tilespmem:s30], [sflag:$0x3], $0x80, s3, s31, $0xb8;
	[tilespmem:$0x1D200] =	vst v63  }
0x40: {  	_ =	swait.ge [sflag:s29], $0x2000  }
0x41: {  	[sflag:s29] =	ssyncset.done $0x0  }
0x42: {  	[sflag:s29] =	ssyncadd.s32 $0xFFFFE000  }
0x43: {  	v63 =	vld [tilespmem:s7+$0x100];
	_ =	sdelay $0x4  }
0x44: {  	v0 =	vand.u32 $0xFFFF, v63  }
0x45: {  	[tilespmem:$0x5000] =	vst v0  }
0x46: {  	v0 =	vld [tilespmem:s7+$0x110];
	_ =	sdelay $0x4  }
0x47: {  	v0 =	vand.u32 $0xFFFF, v0  }
0x48: {  	[tilespmem:$0x5010] =	vst v0  }
0x49: {  	v0 =	vld [tilespmem:s7+$0x120];
	_ =	sdelay $0x4  }
0x4a: {  	v0 =	vand.u32 $0xFFFF, v0  }
0x4b: {  	[tilespmem:$0x5020] =	vst v0  }
0x4c: {  	v0 =	vld [tilespmem:s7+$0x130];
	_ =	sdelay $0x4  }
0x4d: {  	v0 =	vand.u32 $0xFFFF, v0  }
0x4e: {  	[tilespmem:$0x5030] =	vst v0  }
0x4f: {  	v0 =	vld [tilespmem:s7+$0x100];
	_ =	sdelay $0x4  }
0x50: {  	v0 =	vshrl.u32 v0, $0x10  }
0x51: {  	[tilespmem:$0x5100] =	vst v0  }
0x52: {  	v0 =	vld [tilespmem:s7+$0x110];
	_ =	sdelay $0x4  }
0x53: {  	v0 =	vshrl.u32 v0, $0x10  }
0x54: {  	[tilespmem:$0x5110] =	vst v0  }
0x55: {  	v0 =	vld [tilespmem:s7+$0x120];
	_ =	sdelay $0x4  }
0x56: {  	v0 =	vshrl.u32 v0, $0x10  }
0x57: {  	[tilespmem:$0x5120] =	vst v0  }
0x58: {  	v0 =	vld [tilespmem:s7+$0x130];
	_ =	sdelay $0x4  }
0x59: {  	v0 =	vshrl.u32 v0, $0x10  }
0x5a: {  	[tilespmem:$0x5130] =	vst v0  }
0x5b: {  	[tilespmem:s30], [sflag:$0x1] =	stream.indirect.gather [hbm4b:s15+s31], $0x80, s11, s31, $0xb8;
	[tilespmem:$0x1D200] =	vst v63  }
0x5c: {  	_ =	swait.ge [sflag:s4], $0x2000  }
0x5d: {  	[sflag:s4] =	ssyncset.done $0x0  }
0x5e: {  	[sflag:s4] =	ssyncadd.s32 $0xFFFFE000  }
0x5f: {  	[spmem:s13] =	stream.indirect.scatter.add.f32 [tilespmem:s12], [sflag:$0x3], $0x80, s5, s31, $0xb8;
	[tilespmem:$0x1D200] =	vst v63  }
0x60: {  	_ =	swait.ge [sflag:s29], $0x2000  }
0x61: {  	[sflag:s29] =	ssyncset.done $0x0  }
0x62: {  	[sflag:s29] =	ssyncadd.s32 $0xFFFFE000  }
.LBB2_8:
0x63: {  	v0 =	vld [tilespmem:$0x4F80]  }
0x64: {  	v1 =	vld [tilespmem:$0x4F90]  }
0x65: {  	v2 =	vld [tilespmem:$0x4FA0]  }
0x66: {  	v3 =	vld [tilespmem:$0x4FB0]  }
0x67: {  	v4 =	vld [tilespmem:$0x4F80]  }
0x68: {  	v5 =	vld [tilespmem:$0x4F90];
	v0 =	vand.u32 $0xFFFF, v0  }
0x69: {  	v56 =	vld [tilespmem:$0x4FA0];
	v55 =	vand.u32 $0xFFFF, v1;
	[tilespmem:$0x5080] =	vst v0  }
0x6a: {  	v58 =	vld [tilespmem:$0x4FB0];
	v57 =	vand.u32 $0xFFFF, v2;
	[tilespmem:$0x5090] =	vst v55  }
0x6b: {  	v59 =	vand.u32 $0xFFFF, v3;
	[tilespmem:$0x50A0] =	vst v57  }
0x6c: {  	v60 =	vshrl.u32 v4, $0x10;
	[tilespmem:$0x50B0] =	vst v59  }
0x6d: {  	v61 =	vshrl.u32 v5, $0x10;
	[tilespmem:$0x5180] =	vst v60  }
0x6e: {  	v62 =	vshrl.u32 v56, $0x10;
	[tilespmem:$0x5190] =	vst v61  }
0x6f: {  	v63 =	vshrl.u32 v58, $0x10;
	[tilespmem:$0x51A0] =	vst v62  }
0x70: {  	[tilespmem:$0x51B0] =	vst v63  }
0x71: {  	[tilespmem:s12], [sflag:$0x2] =	stream.indirect.gather [hbm4b:s15+s31], $0x80, s0, s31, $0xb8;
	[tilespmem:$0x1D200] =	vst v63  }
0x72: {  	_ =	swait.ge [sflag:s2], $0x2000  }
0x73: {  	[sflag:s2] =	ssyncset.done $0x0  }
0x74: {  	[sflag:s2] =	ssyncadd.s32 $0xFFFFE000  }
0x75: {  	[spmem:s13] =	stream.indirect.scatter.add.f32 [tilespmem:s30], [sflag:$0x3], $0x80, s3, s31, $0xb8;
	[tilespmem:$0x1D200] =	vst v63  }
0x76: {  	_ =	swait.ge [sflag:s29], $0x2000  }
0x77: {  	[sflag:s29] =	ssyncset.done $0x0  }
0x78: {  	[sflag:s29] =	ssyncadd.s32 $0xFFFFE000  }
0x79: {  	_ =	swait.ge [sflag:s4], $0x2000  }
0x7a: {  	[sflag:s4] =	ssyncset.done $0x0  }
0x7b: {  	[sflag:s4] =	ssyncadd.s32 $0xFFFFE000  }
0x7c: {  	[spmem:s13] =	stream.indirect.scatter.add.f32 [tilespmem:s12], [sflag:$0x3], $0x80, s5, s31, $0xb8;
	[tilespmem:$0x1D200] =	vst v63  }
0x7d: {  	_ =	swait.ge [sflag:s29], $0x2000  }
0x7e: {  	[sflag:s29] =	ssyncset.done $0x0  }
0x7f: {  	[sflag:s29] =	ssyncadd.s32 $0xFFFFE000  }
0x80: {  	[bflag:$0x0] =	sbarrier.arrive $0xFFFF  }
0x81: {  	[tilespmem:s30], [sflag:$0x3] =	stream.linear.gather [spmem:s16], $0x2000, $0x38;
	[tilespmem:$0x1D200] =	vst v63  }
0x82: {  	_ =	swait.ge [sflag:s29], $0x2000  }
0x83: {  	[sflag:s29] =	ssyncset.done $0x0  }
0x84: {  	s7 =	rddreg [dreg:$0x4];
	[sflag:s29] =	ssyncadd.s32 $0xFFFFE000  }
0x85: {  	[hbm4b:s7+s1] =	stream.linear.scatter [tilespmem:s30], [sflag:$0x3], $0x2000, $0x38;
	[tilespmem:$0x1D200] =	vst v63  }
0x86: {  	_ =	swait.ge [sflag:s29], $0x2000  }
0x87: {  	[sflag:s29] =	ssyncset.done $0x0  }
0x88: {  	[sflag:s29] =	ssyncadd.s32 $0xFFFFE000  }
0x89: {  	[tilespmem:s30], [sflag:$0x3] =	stream.linear.gather [spmem:s17], $0x2000, $0x38;
	[tilespmem:$0x1D200] =	vst v63  }
0x8a: {  	_ =	swait.ge [sflag:s29], $0x2000  }
0x8b: {  	[sflag:s29] =	ssyncset.done $0x0  }
0x8c: {  	s9 =	rddreg [dreg:$0x5];
	[sflag:s29] =	ssyncadd.s32 $0xFFFFE000  }
0x8d: {  	[hbm4b:s9+s1] =	stream.linear.scatter [tilespmem:s30], [sflag:$0x3], $0x2000, $0x38;
	[tilespmem:$0x1D200] =	vst v63  }
0x8e: {  	_ =	swait.ge [sflag:s29], $0x2000  }
0x8f: {  	[sflag:s29] =	ssyncset.done $0x0  }
0x90: {  	[sflag:s29] =	ssyncadd.s32 $0xFFFFE000  }
0x91: {  	[tilespmem:s30], [sflag:$0x3] =	stream.linear.gather [spmem:s18], $0x2000, $0x38;
	[tilespmem:$0x1D200] =	vst v63  }
0x92: {  	_ =	swait.ge [sflag:s29], $0x2000  }
0x93: {  	[sflag:s29] =	ssyncset.done $0x0  }
0x94: {  	s10 =	rddreg [dreg:$0x6];
	[sflag:s29] =	ssyncadd.s32 $0xFFFFE000  }
0x95: {  	[hbm4b:s10+s1] =	stream.linear.scatter [tilespmem:s30], [sflag:$0x3], $0x2000, $0x38;
	[tilespmem:$0x1D200] =	vst v63  }
0x96: {  	_ =	swait.ge [sflag:s29], $0x2000  }
0x97: {  	[sflag:s29] =	ssyncset.done $0x0  }
0x98: {  	[sflag:s29] =	ssyncadd.s32 $0xFFFFE000  }
0x99: {  	[tilespmem:s30], [sflag:$0x3] =	stream.linear.gather [spmem:s19], $0x2000, $0x38;
	[tilespmem:$0x1D200] =	vst v63  }
0x9a: {  	_ =	swait.ge [sflag:s29], $0x2000  }
0x9b: {  	[sflag:s29] =	ssyncset.done $0x0  }
0x9c: {  	s8 =	rddreg [dreg:$0x7];
	[sflag:s29] =	ssyncadd.s32 $0xFFFFE000  }
0x9d: {  	[hbm4b:s8+s1] =	stream.linear.scatter [tilespmem:s30], [sflag:$0x3], $0x2000, $0x38;
	[tilespmem:$0x1D200] =	vst v63  }
0x9e: {  	_ =	swait.ge [sflag:s29], $0x2000  }
0x9f: {  	[sflag:s29] =	ssyncset.done $0x0  }
0xa0: {  	[sflag:s29] =	ssyncadd.s32 $0xFFFFE000  }
0xa1: {  	[tilespmem:s30], [sflag:$0x3] =	stream.linear.gather [spmem:s20], $0x2000, $0x38;
	[tilespmem:$0x1D200] =	vst v63  }
0xa2: {  	_ =	swait.ge [sflag:s29], $0x2000  }
0xa3: {  	[sflag:s29] =	ssyncset.done $0x0  }
0xa4: {  	s9 =	rddreg [dreg:$0x8];
	[sflag:s29] =	ssyncadd.s32 $0xFFFFE000  }
0xa5: {  	[hbm4b:s9+s1] =	stream.linear.scatter [tilespmem:s30], [sflag:$0x3], $0x2000, $0x38;
	[tilespmem:$0x1D200] =	vst v63  }
0xa6: {  	_ =	swait.ge [sflag:s29], $0x2000  }
0xa7: {  	[sflag:s29] =	ssyncset.done $0x0  }
0xa8: {  	[sflag:s29] =	ssyncadd.s32 $0xFFFFE000  }
0xa9: {  	[tilespmem:s30], [sflag:$0x3] =	stream.linear.gather [spmem:s21], $0x2000, $0x38;
	[tilespmem:$0x1D200] =	vst v63  }
0xaa: {  	_ =	swait.ge [sflag:s29], $0x2000  }
0xab: {  	[sflag:s29] =	ssyncset.done $0x0  }
0xac: {  	s10 =	rddreg [dreg:$0x9];
	[sflag:s29] =	ssyncadd.s32 $0xFFFFE000  }
0xad: {  	[hbm4b:s10+s1] =	stream.linear.scatter [tilespmem:s30], [sflag:$0x3], $0x2000, $0x38;
	[tilespmem:$0x1D200] =	vst v63  }
0xae: {  	_ =	swait.ge [sflag:s29], $0x2000  }
0xaf: {  	[sflag:s29] =	ssyncset.done $0x0  }
0xb0: {  	[sflag:s29] =	ssyncadd.s32 $0xFFFFE000  }
0xb1: {  	[tilespmem:s30], [sflag:$0x3] =	stream.linear.gather [spmem:s22], $0x2000, $0x38;
	[tilespmem:$0x1D200] =	vst v63  }
0xb2: {  	_ =	swait.ge [sflag:s29], $0x2000  }
0xb3: {  	[sflag:s29] =	ssyncset.done $0x0  }
0xb4: {  	s8 =	rddreg [dreg:$0xa];
	[sflag:s29] =	ssyncadd.s32 $0xFFFFE000  }
0xb5: {  	[hbm4b:s8+s1] =	stream.linear.scatter [tilespmem:s30], [sflag:$0x3], $0x2000, $0x38;
	[tilespmem:$0x1D200] =	vst v63  }
0xb6: {  	_ =	swait.ge [sflag:s29], $0x2000  }
0xb7: {  	[sflag:s29] =	ssyncset.done $0x0  }
0xb8: {  	[sflag:s29] =	ssyncadd.s32 $0xFFFFE000  }
0xb9: {  	[tilespmem:s30], [sflag:$0x3] =	stream.linear.gather [spmem:s23], $0x2000, $0x38;
	[tilespmem:$0x1D200] =	vst v63  }
0xba: {  	_ =	swait.ge [sflag:s29], $0x2000  }
0xbb: {  	[sflag:s29] =	ssyncset.done $0x0  }
0xbc: {  	s9 =	rddreg [dreg:$0xb];
	[sflag:s29] =	ssyncadd.s32 $0xFFFFE000  }
0xbd: {  	[hbm4b:s9+s1] =	stream.linear.scatter [tilespmem:s30], [sflag:$0x3], $0x2000, $0x38;
	[tilespmem:$0x1D200] =	vst v63  }
0xbe: {  	_ =	swait.ge [sflag:s29], $0x2000  }
0xbf: {  	[sflag:s29] =	ssyncset.done $0x0  }
0xc0: {  	[sflag:s29] =	ssyncadd.s32 $0xFFFFE000  }
0xc1: {  	[tilespmem:s30], [sflag:$0x3] =	stream.linear.gather [spmem:s24], $0x2000, $0x38;
	[tilespmem:$0x1D200] =	vst v63  }
0xc2: {  	_ =	swait.ge [sflag:s29], $0x2000  }
0xc3: {  	[sflag:s29] =	ssyncset.done $0x0  }
0xc4: {  	s10 =	rddreg [dreg:$0xc];
	[sflag:s29] =	ssyncadd.s32 $0xFFFFE000  }
0xc5: {  	[hbm4b:s10+s1] =	stream.linear.scatter [tilespmem:s30], [sflag:$0x3], $0x2000, $0x38;
	[tilespmem:$0x1D200] =	vst v63  }
0xc6: {  	_ =	swait.ge [sflag:s29], $0x2000  }
0xc7: {  	[sflag:s29] =	ssyncset.done $0x0  }
0xc8: {  	[sflag:s29] =	ssyncadd.s32 $0xFFFFE000  }
0xc9: {  	[tilespmem:s30], [sflag:$0x3] =	stream.linear.gather [spmem:s25], $0x2000, $0x38;
	[tilespmem:$0x1D200] =	vst v63  }
0xca: {  	s6 =	sadd.s32 $0x1, s6;
	_ =	swait.ge [sflag:s29], $0x2000  }
0xcb: {  	p1 =	sne.s32 s6, s26;
	[sflag:s29] =	ssyncset.done $0x0  }
.Ltmp1:
0xcc: {  	[sflag:s29] =	ssyncadd.s32 $0xFFFFE000;
	(pc) =	sbr.rel @!p1 .LBB2_9-.Ltmp1, $4  }
0xcd: {  	[hbm4b:s14+s1] =	stream.linear.scatter [tilespmem:s30], [sflag:$0x3], $0x2000, $0x38;
	[tilespmem:$0x1D200] =	vst v63  }
0xce: {  	_ =	swait.ge [sflag:s29], $0x2000  }
0xcf: {  	[sflag:s29] =	ssyncset.done $0x0  }
0xd0: {  	[sflag:s29] =	ssyncadd.s32 $0xFFFFE000  }
.LBB2_1:
0xd1: {  	[tilespmem:s1], [sflag:$0x3] =	stream.linear.gather [hbm4b:s28+s1], $0x5000, $0x38;
	[tilespmem:$0x1D200] =	vst v63  }
0xd2: {  	_ =	swait.ge [sflag:s29], $0x5000  }
0xd3: {  	[sflag:s29] =	ssyncset.done $0x0  }
0xd4: {  	[sflag:s29] =	ssyncadd.s32 $0xFFFFB000  }
0xd5: {  	s7 =	rddreg [dreg:$0x1]  }
0xd6: {  	[tilespmem:s30], [sflag:$0x3] =	stream.linear.gather [hbm4b:s7+s1], $0x2000, $0x38;
	[tilespmem:$0x1D200] =	vst v63  }
0xd7: {  	_ =	swait.ge [sflag:s29], $0x2000  }
0xd8: {  	[sflag:s29] =	ssyncset.done $0x0  }
0xd9: {  	[sflag:s29] =	ssyncadd.s32 $0xFFFFE000  }
0xda: {  	[spmem:s16] =	stream.linear.scatter [tilespmem:s30], [sflag:$0x3], $0x2000, $0x38;
	[tilespmem:$0x1D200] =	vst v63  }
0xdb: {  	_ =	swait.ge [sflag:s29], $0x2000  }
0xdc: {  	[sflag:s29] =	ssyncset.done $0x0  }
0xdd: {  	[sflag:s29] =	ssyncadd.s32 $0xFFFFE000  }
0xde: {  	[spmem:s17] =	stream.linear.scatter [tilespmem:s30], [sflag:$0x3], $0x2000, $0x38;
	[tilespmem:$0x1D200] =	vst v63  }
0xdf: {  	_ =	swait.ge [sflag:s29], $0x2000  }
0xe0: {  	[sflag:s29] =	ssyncset.done $0x0  }
0xe1: {  	[sflag:s29] =	ssyncadd.s32 $0xFFFFE000  }
0xe2: {  	[spmem:s18] =	stream.linear.scatter [tilespmem:s30], [sflag:$0x3], $0x2000, $0x38;
	[tilespmem:$0x1D200] =	vst v63  }
0xe3: {  	_ =	swait.ge [sflag:s29], $0x2000  }
0xe4: {  	[sflag:s29] =	ssyncset.done $0x0  }
0xe5: {  	[sflag:s29] =	ssyncadd.s32 $0xFFFFE000  }
0xe6: {  	[spmem:s19] =	stream.linear.scatter [tilespmem:s30], [sflag:$0x3], $0x2000, $0x38;
	[tilespmem:$0x1D200] =	vst v63  }
0xe7: {  	_ =	swait.ge [sflag:s29], $0x2000  }
0xe8: {  	[sflag:s29] =	ssyncset.done $0x0  }
0xe9: {  	[sflag:s29] =	ssyncadd.s32 $0xFFFFE000  }
0xea: {  	[spmem:s20] =	stream.linear.scatter [tilespmem:s30], [sflag:$0x3], $0x2000, $0x38;
	[tilespmem:$0x1D200] =	vst v63  }
0xeb: {  	_ =	swait.ge [sflag:s29], $0x2000  }
0xec: {  	[sflag:s29] =	ssyncset.done $0x0  }
0xed: {  	[sflag:s29] =	ssyncadd.s32 $0xFFFFE000  }
0xee: {  	[spmem:s21] =	stream.linear.scatter [tilespmem:s30], [sflag:$0x3], $0x2000, $0x38;
	[tilespmem:$0x1D200] =	vst v63  }
0xef: {  	_ =	swait.ge [sflag:s29], $0x2000  }
0xf0: {  	[sflag:s29] =	ssyncset.done $0x0  }
0xf1: {  	[sflag:s29] =	ssyncadd.s32 $0xFFFFE000  }
0xf2: {  	[spmem:s22] =	stream.linear.scatter [tilespmem:s30], [sflag:$0x3], $0x2000, $0x38;
	[tilespmem:$0x1D200] =	vst v63  }
0xf3: {  	_ =	swait.ge [sflag:s29], $0x2000  }
0xf4: {  	[sflag:s29] =	ssyncset.done $0x0  }
0xf5: {  	[sflag:s29] =	ssyncadd.s32 $0xFFFFE000  }
0xf6: {  	[spmem:s23] =	stream.linear.scatter [tilespmem:s30], [sflag:$0x3], $0x2000, $0x38;
	[tilespmem:$0x1D200] =	vst v63  }
0xf7: {  	_ =	swait.ge [sflag:s29], $0x2000  }
0xf8: {  	[sflag:s29] =	ssyncset.done $0x0  }
0xf9: {  	[sflag:s29] =	ssyncadd.s32 $0xFFFFE000  }
0xfa: {  	[spmem:s24] =	stream.linear.scatter [tilespmem:s30], [sflag:$0x3], $0x2000, $0x38;
	[tilespmem:$0x1D200] =	vst v63  }
0xfb: {  	_ =	swait.ge [sflag:s29], $0x2000  }
0xfc: {  	[sflag:s29] =	ssyncset.done $0x0  }
0xfd: {  	[sflag:s29] =	ssyncadd.s32 $0xFFFFE000  }
0xfe: {  	[spmem:s25] =	stream.linear.scatter [tilespmem:s30], [sflag:$0x3], $0x2000, $0x38;
	[tilespmem:$0x1D200] =	vst v63  }
0xff: {  	_ =	swait.ge [sflag:s29], $0x2000  }
0x100: {  	[sflag:s29] =	ssyncset.done $0x0  }
0x101: {  	[sflag:s29] =	ssyncadd.s32 $0xFFFFE000  }
0x102: {  	[bflag:$0x0] =	sbarrier.arrive $0xFFFF  }
0x103: {  	v0 =	vld [tilespmem:$0x0]  }
0x104: {  	v1 =	vld [tilespmem:$0x10]  }
0x105: {  	v2 =	vld [tilespmem:$0x20]  }
0x106: {  	v3 =	vld [tilespmem:$0x30]  }
0x107: {  	v4 =	vld [tilespmem:$0x0]  }
0x108: {  	v5 =	vld [tilespmem:$0x10];
	v0 =	vand.u32 $0xFFFF, v0  }
0x109: {  	v56 =	vld [tilespmem:$0x20];
	v55 =	vand.u32 $0xFFFF, v1;
	[tilespmem:$0x5000] =	vst v0  }
0x10a: {  	v58 =	vld [tilespmem:$0x30];
	v57 =	vand.u32 $0xFFFF, v2;
	[tilespmem:$0x5010] =	vst v55  }
0x10b: {  	v59 =	vand.u32 $0xFFFF, v3;
	[tilespmem:$0x5020] =	vst v57  }
0x10c: {  	v60 =	vshrl.u32 v4, $0x10;
	[tilespmem:$0x5030] =	vst v59  }
.Ltmp2:
0x10d: {  	v61 =	vshrl.u32 v5, $0x10;
	[tilespmem:$0x5100] =	vst v60;
	(pc) =	sbr.rel @p0 .LBB2_5-.Ltmp2, $4  }
0x10e: {  	v62 =	vshrl.u32 v56, $0x10;
	[tilespmem:$0x5110] =	vst v61  }
0x10f: {  	v63 =	vshrl.u32 v58, $0x10;
	[tilespmem:$0x5120] =	vst v62  }
0x110: {  	s7 =	simm.s32 $0x0;
	[tilespmem:$0x5130] =	vst v63  }
0x111: {  	[tilespmem:s30], [sflag:$0x1] =	stream.indirect.gather [hbm4b:s15+s31], $0x80, s11, s31, $0xb8;
	[tilespmem:$0x1D200] =	vst v63  }
0x112: {  	v0 =	vld [tilespmem:s7+$0x80];
	_ =	sdelay $0x4  }
0x113: {  	v0 =	vand.u32 $0xFFFF, v0  }
0x114: {  	[tilespmem:$0x5080] =	vst v0  }
0x115: {  	v0 =	vld [tilespmem:s7+$0x90];
	_ =	sdelay $0x4  }
0x116: {  	v0 =	vand.u32 $0xFFFF, v0  }
0x117: {  	[tilespmem:$0x5090] =	vst v0  }
0x118: {  	v0 =	vld [tilespmem:s7+$0xA0];
	_ =	sdelay $0x4  }
0x119: {  	v0 =	vand.u32 $0xFFFF, v0  }
0x11a: {  	[tilespmem:$0x50A0] =	vst v0  }
0x11b: {  	v0 =	vld [tilespmem:s7+$0xB0];
	_ =	sdelay $0x4  }
0x11c: {  	v0 =	vand.u32 $0xFFFF, v0  }
0x11d: {  	[tilespmem:$0x50B0] =	vst v0  }
0x11e: {  	v0 =	vld [tilespmem:s7+$0x80];
	_ =	sdelay $0x4  }
0x11f: {  	v0 =	vshrl.u32 v0, $0x10  }
0x120: {  	[tilespmem:$0x5180] =	vst v0  }
0x121: {  	v0 =	vld [tilespmem:s7+$0x90];
	_ =	sdelay $0x4  }
0x122: {  	v0 =	vshrl.u32 v0, $0x10  }
0x123: {  	[tilespmem:$0x5190] =	vst v0  }
0x124: {  	v0 =	vld [tilespmem:s7+$0xA0];
	_ =	sdelay $0x4  }
0x125: {  	v0 =	vshrl.u32 v0, $0x10  }
0x126: {  	[tilespmem:$0x51A0] =	vst v0  }
0x127: {  	v0 =	vld [tilespmem:s7+$0xB0];
	_ =	sdelay $0x4  }
0x128: {  	v0 =	vshrl.u32 v0, $0x10  }
0x129: {  	[tilespmem:$0x51B0] =	vst v0  }
0x12a: {  	[tilespmem:s12], [sflag:$0x2] =	stream.indirect.gather [hbm4b:s15+s31], $0x80, s0, s31, $0xb8;
	[tilespmem:$0x1D200] =	vst v63  }
0x12b: {  	_ =	swait.ge [sflag:s2], $0x2000  }
0x12c: {  	[sflag:s2] =	ssyncset.done $0x0  }
0x12d: {  	[sflag:s2] =	ssyncadd.s32 $0xFFFFE000  }
0x12e: {  	[spmem:s13] =	stream.indirect.scatter.add.f32 [tilespmem:s30], [sflag:$0x3], $0x80, s3, s31, $0xb8;
	[tilespmem:$0x1D200] =	vst v63  }
0x12f: {  	_ =	swait.ge [sflag:s29], $0x2000  }
0x130: {  	[sflag:s29] =	ssyncset.done $0x0  }
0x131: {  	[sflag:s29] =	ssyncadd.s32 $0xFFFFE000  }
0x132: {  	v63 =	vld [tilespmem:s7+$0x100];
	_ =	sdelay $0x4  }
0x133: {  	v0 =	vand.u32 $0xFFFF, v63  }
0x134: {  	[tilespmem:$0x5000] =	vst v0  }
0x135: {  	v0 =	vld [tilespmem:s7+$0x110];
	_ =	sdelay $0x4  }
0x136: {  	v0 =	vand.u32 $0xFFFF, v0  }
0x137: {  	[tilespmem:$0x5010] =	vst v0  }
0x138: {  	v0 =	vld [tilespmem:s7+$0x120];
	_ =	sdelay $0x4  }
0x139: {  	v0 =	vand.u32 $0xFFFF, v0  }
0x13a: {  	[tilespmem:$0x5020] =	vst v0  }
0x13b: {  	v0 =	vld [tilespmem:s7+$0x130];
	_ =	sdelay $0x4  }
0x13c: {  	v0 =	vand.u32 $0xFFFF, v0  }
0x13d: {  	[tilespmem:$0x5030] =	vst v0  }
0x13e: {  	v0 =	vld [tilespmem:s7+$0x100];
	_ =	sdelay $0x4  }
0x13f: {  	v0 =	vshrl.u32 v0, $0x10  }
0x140: {  	[tilespmem:$0x5100] =	vst v0  }
0x141: {  	v0 =	vld [tilespmem:s7+$0x110];
	_ =	sdelay $0x4  }
0x142: {  	v0 =	vshrl.u32 v0, $0x10  }
0x143: {  	[tilespmem:$0x5110] =	vst v0  }
0x144: {  	v0 =	vld [tilespmem:s7+$0x120];
	_ =	sdelay $0x4  }
0x145: {  	v0 =	vshrl.u32 v0, $0x10  }
0x146: {  	[tilespmem:$0x5120] =	vst v0  }
0x147: {  	v0 =	vld [tilespmem:s7+$0x130];
	_ =	sdelay $0x4  }
0x148: {  	v0 =	vshrl.u32 v0, $0x10  }
0x149: {  	[tilespmem:$0x5130] =	vst v0  }
0x14a: {  	[tilespmem:s30], [sflag:$0x1] =	stream.indirect.gather [hbm4b:s15+s31], $0x80, s11, s31, $0xb8;
	[tilespmem:$0x1D200] =	vst v63  }
0x14b: {  	_ =	swait.ge [sflag:s4], $0x2000  }
0x14c: {  	[sflag:s4] =	ssyncset.done $0x0  }
0x14d: {  	[sflag:s4] =	ssyncadd.s32 $0xFFFFE000  }
0x14e: {  	[spmem:s13] =	stream.indirect.scatter.add.f32 [tilespmem:s12], [sflag:$0x3], $0x80, s5, s31, $0xb8;
	[tilespmem:$0x1D200] =	vst v63  }
0x14f: {  	_ =	swait.ge [sflag:s29], $0x2000  }
0x150: {  	s8 =	simm.s32 $0x800;
	s7 =	simm.s32 $0x400;
	[sflag:s29] =	ssyncset.done $0x0  }
.LBB2_3:
0x151: {  	s9 =	sshra.s32 s7, $0x2  }
0x152: {  	[sflag:s29] =	ssyncadd.s32 $0xFFFFE000;
	s7 =	smov.u32 s8;
	s10 =	sadd.s32 $0x400, s8  }
0x153: {  	p1 =	seq.s32 s8, $0x13800;
	v0 =	vld [tilespmem:s9+$0x80];
	_ =	sdelay $0x4  }
0x154: {  	v0 =	vand.u32 $0xFFFF, v0  }
0x155: {  	[tilespmem:$0x5080] =	vst v0  }
0x156: {  	v0 =	vld [tilespmem:s9+$0x90];
	_ =	sdelay $0x4  }
0x157: {  	v0 =	vand.u32 $0xFFFF, v0  }
0x158: {  	[tilespmem:$0x5090] =	vst v0  }
0x159: {  	v0 =	vld [tilespmem:s9+$0xA0];
	_ =	sdelay $0x4  }
0x15a: {  	v0 =	vand.u32 $0xFFFF, v0  }
0x15b: {  	[tilespmem:$0x50A0] =	vst v0  }
0x15c: {  	v0 =	vld [tilespmem:s9+$0xB0];
	_ =	sdelay $0x4  }
0x15d: {  	v0 =	vand.u32 $0xFFFF, v0  }
0x15e: {  	[tilespmem:$0x50B0] =	vst v0  }
0x15f: {  	v0 =	vld [tilespmem:s9+$0x80];
	_ =	sdelay $0x4  }
0x160: {  	v0 =	vshrl.u32 v0, $0x10  }
0x161: {  	[tilespmem:$0x5180] =	vst v0  }
0x162: {  	v0 =	vld [tilespmem:s9+$0x90];
	_ =	sdelay $0x4  }
0x163: {  	v0 =	vshrl.u32 v0, $0x10  }
0x164: {  	[tilespmem:$0x5190] =	vst v0  }
0x165: {  	v0 =	vld [tilespmem:s9+$0xA0];
	_ =	sdelay $0x4  }
0x166: {  	v0 =	vshrl.u32 v0, $0x10  }
0x167: {  	[tilespmem:$0x51A0] =	vst v0  }
0x168: {  	v0 =	vld [tilespmem:s9+$0xB0];
	_ =	sdelay $0x4  }
0x169: {  	v0 =	vshrl.u32 v0, $0x10  }
0x16a: {  	[tilespmem:$0x51B0] =	vst v0  }
0x16b: {  	[tilespmem:s12], [sflag:$0x2] =	stream.indirect.gather [hbm4b:s15+s31], $0x80, s0, s31, $0xb8;
	[tilespmem:$0x1D200] =	vst v63  }
0x16c: {  	_ =	swait.ge [sflag:s2], $0x2000  }
0x16d: {  	[sflag:s2] =	ssyncset.done $0x0  }
0x16e: {  	[sflag:s2] =	ssyncadd.s32 $0xFFFFE000  }
0x16f: {  	[spmem:s13] =	stream.indirect.scatter.add.f32 [tilespmem:s30], [sflag:$0x3], $0x80, s3, s31, $0xb8;
	[tilespmem:$0x1D200] =	vst v63  }
0x170: {  	_ =	swait.ge [sflag:s29], $0x2000  }
0x171: {  	[sflag:s29] =	ssyncset.done $0x0  }
0x172: {  	[sflag:s29] =	ssyncadd.s32 $0xFFFFE000  }
0x173: {  	v0 =	vld [tilespmem:s9+$0x100];
	_ =	sdelay $0x4  }
0x174: {  	v0 =	vand.u32 $0xFFFF, v0  }
0x175: {  	[tilespmem:$0x5000] =	vst v0  }
0x176: {  	v0 =	vld [tilespmem:s9+$0x110];
	_ =	sdelay $0x4  }
0x177: {  	v0 =	vand.u32 $0xFFFF, v0  }
0x178: {  	[tilespmem:$0x5010] =	vst v0  }
0x179: {  	v0 =	vld [tilespmem:s9+$0x120];
	_ =	sdelay $0x4  }
0x17a: {  	v0 =	vand.u32 $0xFFFF, v0  }
0x17b: {  	[tilespmem:$0x5020] =	vst v0  }
0x17c: {  	v0 =	vld [tilespmem:s9+$0x130];
	_ =	sdelay $0x4  }
0x17d: {  	v0 =	vand.u32 $0xFFFF, v0  }
0x17e: {  	[tilespmem:$0x5030] =	vst v0  }
0x17f: {  	v0 =	vld [tilespmem:s9+$0x100];
	_ =	sdelay $0x4  }
0x180: {  	v0 =	vshrl.u32 v0, $0x10  }
0x181: {  	[tilespmem:$0x5100] =	vst v0  }
0x182: {  	v0 =	vld [tilespmem:s9+$0x110];
	_ =	sdelay $0x4  }
0x183: {  	v0 =	vshrl.u32 v0, $0x10  }
0x184: {  	[tilespmem:$0x5110] =	vst v0  }
0x185: {  	v0 =	vld [tilespmem:s9+$0x120];
	_ =	sdelay $0x4  }
0x186: {  	v0 =	vshrl.u32 v0, $0x10  }
0x187: {  	[tilespmem:$0x5120] =	vst v0  }
0x188: {  	v0 =	vld [tilespmem:s9+$0x130];
	_ =	sdelay $0x4  }
0x189: {  	v0 =	vshrl.u32 v0, $0x10  }
0x18a: {  	[tilespmem:$0x5130] =	vst v0  }
0x18b: {  	[tilespmem:s30], [sflag:$0x1] =	stream.indirect.gather [hbm4b:s15+s31], $0x80, s11, s31, $0xb8;
	[tilespmem:$0x1D200] =	vst v63  }
0x18c: {  	_ =	swait.ge [sflag:s4], $0x2000  }
.Ltmp3:
0x18d: {  	[sflag:s4] =	ssyncset.done $0x0;
	(pc) =	sbr.rel @!p1 .LBB2_3-.Ltmp3, $4  }
0x18e: {  	[sflag:s4] =	ssyncadd.s32 $0xFFFFE000  }
0x18f: {  	[spmem:s13] =	stream.indirect.scatter.add.f32 [tilespmem:s12], [sflag:$0x3], $0x80, s5, s31, $0xb8;
	[tilespmem:$0x1D200] =	vst v63  }
0x190: {  	_ =	swait.ge [sflag:s29], $0x2000  }
0x191: {  	s8 =	smov.u32 s10;
	[sflag:s29] =	ssyncset.done $0x0  }
0x192: {  	s7 =	sshra.s32 s7, $0x2;
	[sflag:s29] =	ssyncadd.s32 $0xFFFFE000  }
0x193: {  	v0 =	vld [tilespmem:s7+$0x80];
	_ =	sdelay $0x4  }
0x194: {  	v0 =	vand.u32 $0xFFFF, v0  }
0x195: {  	[tilespmem:$0x5080] =	vst v0  }
0x196: {  	v0 =	vld [tilespmem:s7+$0x90];
	_ =	sdelay $0x4  }
0x197: {  	v0 =	vand.u32 $0xFFFF, v0  }
0x198: {  	[tilespmem:$0x5090] =	vst v0  }
0x199: {  	v0 =	vld [tilespmem:s7+$0xA0];
	_ =	sdelay $0x4  }
0x19a: {  	v0 =	vand.u32 $0xFFFF, v0  }
0x19b: {  	[tilespmem:$0x50A0] =	vst v0  }
0x19c: {  	v0 =	vld [tilespmem:s7+$0xB0];
	_ =	sdelay $0x4  }
0x19d: {  	v0 =	vand.u32 $0xFFFF, v0  }
0x19e: {  	[tilespmem:$0x50B0] =	vst v0  }
0x19f: {  	v0 =	vld [tilespmem:s7+$0x80];
	_ =	sdelay $0x4  }
0x1a0: {  	v0 =	vshrl.u32 v0, $0x10  }
0x1a1: {  	[tilespmem:$0x5180] =	vst v0  }
0x1a2: {  	v0 =	vld [tilespmem:s7+$0x90];
	_ =	sdelay $0x4  }
0x1a3: {  	v0 =	vshrl.u32 v0, $0x10  }
0x1a4: {  	[tilespmem:$0x5190] =	vst v0  }
0x1a5: {  	v0 =	vld [tilespmem:s7+$0xA0];
	_ =	sdelay $0x4  }
0x1a6: {  	v0 =	vshrl.u32 v0, $0x10  }
0x1a7: {  	[tilespmem:$0x51A0] =	vst v0  }
0x1a8: {  	v0 =	vld [tilespmem:s7+$0xB0];
	_ =	sdelay $0x4  }
0x1a9: {  	v0 =	vshrl.u32 v0, $0x10  }
0x1aa: {  	[tilespmem:$0x51B0] =	vst v0  }
0x1ab: {  	[tilespmem:s12], [sflag:$0x2] =	stream.indirect.gather [hbm4b:s15+s31], $0x80, s0, s31, $0xb8;
	[tilespmem:$0x1D200] =	vst v63  }
0x1ac: {  	_ =	swait.ge [sflag:s2], $0x2000  }
0x1ad: {  	[sflag:s2] =	ssyncset.done $0x0  }
0x1ae: {  	[sflag:s2] =	ssyncadd.s32 $0xFFFFE000  }
0x1af: {  	[spmem:s13] =	stream.indirect.scatter.add.f32 [tilespmem:s30], [sflag:$0x3], $0x80, s3, s31, $0xb8;
	[tilespmem:$0x1D200] =	vst v63  }
0x1b0: {  	_ =	swait.ge [sflag:s29], $0x2000  }
0x1b1: {  	[sflag:s29] =	ssyncset.done $0x0  }
0x1b2: {  	[sflag:s29] =	ssyncadd.s32 $0xFFFFE000  }
0x1b3: {  	v63 =	vld [tilespmem:s7+$0x100];
	_ =	sdelay $0x4  }
0x1b4: {  	v0 =	vand.u32 $0xFFFF, v63  }
0x1b5: {  	[tilespmem:$0x5000] =	vst v0  }
0x1b6: {  	v0 =	vld [tilespmem:s7+$0x110];
	_ =	sdelay $0x4  }
0x1b7: {  	v0 =	vand.u32 $0xFFFF, v0  }
0x1b8: {  	[tilespmem:$0x5010] =	vst v0  }
0x1b9: {  	v0 =	vld [tilespmem:s7+$0x120];
	_ =	sdelay $0x4  }
0x1ba: {  	v0 =	vand.u32 $0xFFFF, v0  }
0x1bb: {  	[tilespmem:$0x5020] =	vst v0  }
0x1bc: {  	v0 =	vld [tilespmem:s7+$0x130];
	_ =	sdelay $0x4  }
0x1bd: {  	v0 =	vand.u32 $0xFFFF, v0  }
0x1be: {  	[tilespmem:$0x5030] =	vst v0  }
0x1bf: {  	v0 =	vld [tilespmem:s7+$0x100];
	_ =	sdelay $0x4  }
0x1c0: {  	v0 =	vshrl.u32 v0, $0x10  }
0x1c1: {  	[tilespmem:$0x5100] =	vst v0  }
0x1c2: {  	v0 =	vld [tilespmem:s7+$0x110];
	_ =	sdelay $0x4  }
0x1c3: {  	v0 =	vshrl.u32 v0, $0x10  }
0x1c4: {  	[tilespmem:$0x5110] =	vst v0  }
0x1c5: {  	v0 =	vld [tilespmem:s7+$0x120];
	_ =	sdelay $0x4  }
0x1c6: {  	v0 =	vshrl.u32 v0, $0x10  }
0x1c7: {  	[tilespmem:$0x5120] =	vst v0  }
0x1c8: {  	v0 =	vld [tilespmem:s7+$0x130];
	_ =	sdelay $0x4  }
0x1c9: {  	v0 =	vshrl.u32 v0, $0x10  }
0x1ca: {  	[tilespmem:$0x5130] =	vst v0  }
0x1cb: {  	[tilespmem:s30], [sflag:$0x1] =	stream.indirect.gather [hbm4b:s15+s31], $0x80, s11, s31, $0xb8;
	[tilespmem:$0x1D200] =	vst v63  }
0x1cc: {  	_ =	swait.ge [sflag:s4], $0x2000  }
0x1cd: {  	[sflag:s4] =	ssyncset.done $0x0  }
.Ltmp4:
0x1ce: {  	[sflag:s4] =	ssyncadd.s32 $0xFFFFE000;
	(pc) =	sbr.rel .LBB2_8-.Ltmp4, $4  }
0x1cf: {  	[spmem:s13] =	stream.indirect.scatter.add.f32 [tilespmem:s12], [sflag:$0x3], $0x80, s5, s31, $0xb8;
	[tilespmem:$0x1D200] =	vst v63  }
0x1d0: {  	_ =	swait.ge [sflag:s29], $0x2000  }
0x1d1: {  	[sflag:s29] =	ssyncset.done $0x0  }
0x1d2: {  	[sflag:s29] =	ssyncadd.s32 $0xFFFFE000  }
.LBB2_5:
0x1d3: {  	v0 =	vld [tilespmem:s7+$0x80];
	_ =	sdelay $0x4  }
0x1d4: {  	v0 =	vand.u32 $0xFFFF, v0  }
0x1d5: {  	[tilespmem:$0x5080] =	vst v0  }
0x1d6: {  	v0 =	vld [tilespmem:s7+$0x90];
	_ =	sdelay $0x4  }
0x1d7: {  	v0 =	vand.u32 $0xFFFF, v0  }
0x1d8: {  	[tilespmem:$0x5090] =	vst v0  }
0x1d9: {  	v0 =	vld [tilespmem:s7+$0xA0];
	_ =	sdelay $0x4  }
0x1da: {  	v0 =	vand.u32 $0xFFFF, v0  }
0x1db: {  	[tilespmem:$0x50A0] =	vst v0  }
0x1dc: {  	v0 =	vld [tilespmem:s7+$0xB0];
	_ =	sdelay $0x4  }
0x1dd: {  	v0 =	vand.u32 $0xFFFF, v0  }
0x1de: {  	[tilespmem:$0x50B0] =	vst v0  }
0x1df: {  	v0 =	vld [tilespmem:s7+$0x80];
	_ =	sdelay $0x4  }
0x1e0: {  	v0 =	vshrl.u32 v0, $0x10  }
0x1e1: {  	[tilespmem:$0x5180] =	vst v0  }
0x1e2: {  	v0 =	vld [tilespmem:s7+$0x90];
	_ =	sdelay $0x4  }
0x1e3: {  	v0 =	vshrl.u32 v0, $0x10  }
0x1e4: {  	[tilespmem:$0x5190] =	vst v0  }
0x1e5: {  	v0 =	vld [tilespmem:s7+$0xA0];
	_ =	sdelay $0x4  }
0x1e6: {  	v0 =	vshrl.u32 v0, $0x10  }
0x1e7: {  	[tilespmem:$0x51A0] =	vst v0  }
0x1e8: {  	v0 =	vld [tilespmem:s7+$0xB0];
	_ =	sdelay $0x4  }
0x1e9: {  	v0 =	vshrl.u32 v0, $0x10  }
0x1ea: {  	[tilespmem:$0x51B0] =	vst v0  }
0x1eb: {  	[tilespmem:s12], [sflag:$0x2] =	stream.indirect.gather [hbm4b:s15+s31], $0x80, s0, s31, $0xb8;
	[tilespmem:$0x1D200] =	vst v63  }
0x1ec: {  	_ =	swait.ge [sflag:s2], $0x2000  }
0x1ed: {  	[sflag:s2] =	ssyncset.done $0x0  }
0x1ee: {  	[sflag:s2] =	ssyncadd.s32 $0xFFFFE000  }
0x1ef: {  	[spmem:s13] =	stream.indirect.scatter.add.f32 [tilespmem:s30], [sflag:$0x3], $0x80, s3, s31, $0xb8;
	[tilespmem:$0x1D200] =	vst v63  }
0x1f0: {  	_ =	swait.ge [sflag:s29], $0x2000  }
0x1f1: {  	[sflag:s29] =	ssyncset.done $0x0  }
0x1f2: {  	[sflag:s29] =	ssyncadd.s32 $0xFFFFE000  }
0x1f3: {  	v63 =	vld [tilespmem:s7+$0x100];
	_ =	sdelay $0x4  }
0x1f4: {  	v0 =	vand.u32 $0xFFFF, v63  }
0x1f5: {  	[tilespmem:$0x5000] =	vst v0  }
0x1f6: {  	v0 =	vld [tilespmem:s7+$0x110];
	_ =	sdelay $0x4  }
0x1f7: {  	v0 =	vand.u32 $0xFFFF, v0  }
0x1f8: {  	[tilespmem:$0x5010] =	vst v0  }
0x1f9: {  	v0 =	vld [tilespmem:s7+$0x120];
	_ =	sdelay $0x4  }
0x1fa: {  	v0 =	vand.u32 $0xFFFF, v0  }
0x1fb: {  	[tilespmem:$0x5020] =	vst v0  }
0x1fc: {  	v0 =	vld [tilespmem:s7+$0x130];
	_ =	sdelay $0x4  }
0x1fd: {  	v0 =	vand.u32 $0xFFFF, v0  }
0x1fe: {  	[tilespmem:$0x5030] =	vst v0  }
0x1ff: {  	v0 =	vld [tilespmem:s7+$0x100];
	_ =	sdelay $0x4  }
0x200: {  	v0 =	vshrl.u32 v0, $0x10  }
0x201: {  	[tilespmem:$0x5100] =	vst v0  }
0x202: {  	v0 =	vld [tilespmem:s7+$0x110];
	_ =	sdelay $0x4  }
0x203: {  	v0 =	vshrl.u32 v0, $0x10  }
0x204: {  	[tilespmem:$0x5110] =	vst v0  }
0x205: {  	v0 =	vld [tilespmem:s7+$0x120];
	_ =	sdelay $0x4  }
0x206: {  	v0 =	vshrl.u32 v0, $0x10  }
0x207: {  	[tilespmem:$0x5120] =	vst v0  }
0x208: {  	v0 =	vld [tilespmem:s7+$0x130];
	_ =	sdelay $0x4  }
0x209: {  	v0 =	vshrl.u32 v0, $0x10  }
0x20a: {  	[tilespmem:$0x5130] =	vst v0  }
0x20b: {  	[tilespmem:s30], [sflag:$0x1] =	stream.indirect.gather [hbm4b:s15+s31], $0x80, s11, s31, $0xb8;
	[tilespmem:$0x1D200] =	vst v63  }
0x20c: {  	_ =	swait.ge [sflag:s4], $0x2000  }
0x20d: {  	[sflag:s4] =	ssyncset.done $0x0  }
0x20e: {  	[sflag:s4] =	ssyncadd.s32 $0xFFFFE000  }
0x20f: {  	[spmem:s13] =	stream.indirect.scatter.add.f32 [tilespmem:s12], [sflag:$0x3], $0x80, s5, s31, $0xb8;
	[tilespmem:$0x1D200] =	vst v63  }
0x210: {  	_ =	swait.ge [sflag:s29], $0x2000  }
0x211: {  	s10 =	simm.s32 $0x800;
	s7 =	simm.s32 $0x400;
	[sflag:s29] =	ssyncset.done $0x0  }
.LBB2_6:
0x212: {  	s9 =	sshra.s32 s7, $0x2  }
0x213: {  	[sflag:s29] =	ssyncadd.s32 $0xFFFFE000;
	s7 =	smov.u32 s10;
	s8 =	sadd.s32 $0x400, s10  }
0x214: {  	p1 =	sne.s32 s10, $0x13800;
	v0 =	vld [tilespmem:s9+$0x80];
	_ =	sdelay $0x4  }
0x215: {  	v0 =	vand.u32 $0xFFFF, v0  }
0x216: {  	[tilespmem:$0x5080] =	vst v0  }
0x217: {  	v0 =	vld [tilespmem:s9+$0x90];
	_ =	sdelay $0x4  }
0x218: {  	v0 =	vand.u32 $0xFFFF, v0  }
0x219: {  	[tilespmem:$0x5090] =	vst v0  }
0x21a: {  	v0 =	vld [tilespmem:s9+$0xA0];
	_ =	sdelay $0x4  }
0x21b: {  	v0 =	vand.u32 $0xFFFF, v0  }
0x21c: {  	[tilespmem:$0x50A0] =	vst v0  }
0x21d: {  	v0 =	vld [tilespmem:s9+$0xB0];
	_ =	sdelay $0x4  }
0x21e: {  	v0 =	vand.u32 $0xFFFF, v0  }
0x21f: {  	[tilespmem:$0x50B0] =	vst v0  }
0x220: {  	v0 =	vld [tilespmem:s9+$0x80];
	_ =	sdelay $0x4  }
0x221: {  	v0 =	vshrl.u32 v0, $0x10  }
0x222: {  	[tilespmem:$0x5180] =	vst v0  }
0x223: {  	v0 =	vld [tilespmem:s9+$0x90];
	_ =	sdelay $0x4  }
0x224: {  	v0 =	vshrl.u32 v0, $0x10  }
0x225: {  	[tilespmem:$0x5190] =	vst v0  }
0x226: {  	v0 =	vld [tilespmem:s9+$0xA0];
	_ =	sdelay $0x4  }
0x227: {  	v0 =	vshrl.u32 v0, $0x10  }
0x228: {  	[tilespmem:$0x51A0] =	vst v0  }
0x229: {  	v0 =	vld [tilespmem:s9+$0xB0];
	_ =	sdelay $0x4  }
0x22a: {  	v0 =	vshrl.u32 v0, $0x10  }
0x22b: {  	[tilespmem:$0x51B0] =	vst v0  }
0x22c: {  	[tilespmem:s12], [sflag:$0x2] =	stream.indirect.gather [hbm4b:s15+s31], $0x80, s0, s31, $0xb8;
	[tilespmem:$0x1D200] =	vst v63  }
0x22d: {  	_ =	swait.ge [sflag:s2], $0x2000  }
0x22e: {  	[sflag:s2] =	ssyncset.done $0x0  }
0x22f: {  	[sflag:s2] =	ssyncadd.s32 $0xFFFFE000  }
0x230: {  	[spmem:s13] =	stream.indirect.scatter.add.f32 [tilespmem:s30], [sflag:$0x3], $0x80, s3, s31, $0xb8;
	[tilespmem:$0x1D200] =	vst v63  }
0x231: {  	_ =	swait.ge [sflag:s29], $0x2000  }
0x232: {  	[sflag:s29] =	ssyncset.done $0x0  }
0x233: {  	[sflag:s29] =	ssyncadd.s32 $0xFFFFE000  }
0x234: {  	v0 =	vld [tilespmem:s9+$0x100];
	_ =	sdelay $0x4  }
0x235: {  	v0 =	vand.u32 $0xFFFF, v0  }
0x236: {  	[tilespmem:$0x5000] =	vst v0  }
0x237: {  	v0 =	vld [tilespmem:s9+$0x110];
	_ =	sdelay $0x4  }
0x238: {  	v0 =	vand.u32 $0xFFFF, v0  }
0x239: {  	[tilespmem:$0x5010] =	vst v0  }
0x23a: {  	v0 =	vld [tilespmem:s9+$0x120];
	_ =	sdelay $0x4  }
0x23b: {  	v0 =	vand.u32 $0xFFFF, v0  }
0x23c: {  	[tilespmem:$0x5020] =	vst v0  }
0x23d: {  	v0 =	vld [tilespmem:s9+$0x130];
	_ =	sdelay $0x4  }
0x23e: {  	v0 =	vand.u32 $0xFFFF, v0  }
0x23f: {  	[tilespmem:$0x5030] =	vst v0  }
0x240: {  	v0 =	vld [tilespmem:s9+$0x100];
	_ =	sdelay $0x4  }
0x241: {  	v0 =	vshrl.u32 v0, $0x10  }
0x242: {  	[tilespmem:$0x5100] =	vst v0  }
0x243: {  	v0 =	vld [tilespmem:s9+$0x110];
	_ =	sdelay $0x4  }
0x244: {  	v0 =	vshrl.u32 v0, $0x10  }
0x245: {  	[tilespmem:$0x5110] =	vst v0  }
0x246: {  	v0 =	vld [tilespmem:s9+$0x120];
	_ =	sdelay $0x4  }
0x247: {  	v0 =	vshrl.u32 v0, $0x10  }
0x248: {  	[tilespmem:$0x5120] =	vst v0  }
0x249: {  	v0 =	vld [tilespmem:s9+$0x130];
	_ =	sdelay $0x4  }
0x24a: {  	v0 =	vshrl.u32 v0, $0x10  }
0x24b: {  	[tilespmem:$0x5130] =	vst v0  }
0x24c: {  	[tilespmem:s30], [sflag:$0x1] =	stream.indirect.gather [hbm4b:s15+s31], $0x80, s11, s31, $0xb8;
	[tilespmem:$0x1D200] =	vst v63  }
0x24d: {  	_ =	swait.ge [sflag:s4], $0x2000  }
.Ltmp5:
0x24e: {  	[sflag:s4] =	ssyncset.done $0x0;
	(pc) =	sbr.rel @p1 .LBB2_6-.Ltmp5, $4  }
0x24f: {  	[sflag:s4] =	ssyncadd.s32 $0xFFFFE000  }
0x250: {  	[spmem:s13] =	stream.indirect.scatter.add.f32 [tilespmem:s12], [sflag:$0x3], $0x80, s5, s31, $0xb8;
	[tilespmem:$0x1D200] =	vst v63  }
0x251: {  	_ =	swait.ge [sflag:s29], $0x2000  }
0x252: {  	s10 =	smov.u32 s8;
	[sflag:s29] =	ssyncset.done $0x0  }
.Ltmp6:
0x253: {  	_ = 	snop;
	(pc) =	sbr.rel .LBB2_7-.Ltmp6, $1  }
0x254: {  	_ =	sdelay $0x3  }
.LBB2_9:
0x255: {  	_ =	sfence.sel $0x180000  }
0x256: {  	[bflag:$0x0] =	sbarrier.arrive $0xFFFF  }
0x257: {  	_ =	strace $0x9000004A  }
0x258: {  	s0 =	stileid.u32;
	[bflag:$0x2] =	sbarrier.arrive $0xFFFF  }
0x259: {  	p0 =	sne.s32 s0, $0x0;
	s0 =	rddreg [dreg:$0x3]  }
0x25a: {  	s0 =	sadd.s32 @!p0 $0x100000, s0  }
0x25b: {  	[sflag:s0] =	ssyncadd.tile.s32 @!p0 $0x1;
	_ =	shalt  }
.Lfunc_end2:
_tile_overlayer_lowered:
.L_overlay_start_2:
0x25c: {  	(tag) =	ssettag $0x2  }
0x25d: {  	s0 =	rddreg [dreg:$0x0];
	s2 =	stileid.u32  }
0x25e: {  	s1 =	rddreg [dreg:$0x1];
	p0 =	sne.s32 s2, $0x0  }
0x25f: {  	s3 =	rddreg [dreg:$0x2];
	[bflag:$0x3] =	sbarrier.arrive $0xFFFF;
	s2 =	simm.s32 @!p0 $0x1C03  }
0x260: {  	[timem:s3], [sflag:s2] =	dma.local @!p0 [hbm:s0], s1  }
0x261: {  	s0 =	simm.s32 @!p0 $0x3  }
0x262: {  	_ =	swait.ge @!p0 [sflag:s0], s1  }
0x263: {  	s1 =	ssub.s32 @!p0 $0x0, s1;
	[sflag:s0] =	ssyncset.done @!p0 $0x0  }
0x264: {  	[sflag:s0] =	ssyncadd.s32 @!p0 s1  }
0x265: {  	[bflag:$0x3] =	sbarrier.arrive $0xFFFF  }
0x266: {  	_ =	shalt  }

// kernel: kernel.14.cloned.1.call-start
scs
__scs_entry_jumppad:
0x0: {  	(pc) =	sbr.rel $0x88, $3  }
0x1: {  	(tag) =	ssettag $0x0;
	lr =	simm.s32 $0x1  }
0x2: {  	[smem:$0x3F8E] =	sst lr;
	_ =	strace $0xD0000000  }
0x3: {  	_ = 	snop  }
0x4: {  	_ = 	snop  }
0x5: {  	_ = 	snop  }
0x6: {  	_ = 	snop  }
0x7: {  	_ = 	snop  }
__scs_overlays_trampoline_lowered:
0x8: {  	[smem:$0x3F9D] =	sst s0  }
0x9: {  	[smem:$0x3F9E] =	sst s1  }
0xa: {  	[smem:$0x3F9F] =	sst s2  }
0xb: {  	[smem:$0x3FA0] =	sst s3  }
0xc: {  	[smem:$0x3FA1] =	sst s4  }
0xd: {  	[smem:$0x3FA2] =	sst s5  }
0xe: {  	[smem:$0x3FA3] =	sst s6  }
0xf: {  	[smem:$0x3FA4] =	sst s7  }
0x10: {  	[smem:$0x3FA5] =	sst s8  }
0x11: {  	[smem:$0x3FA6] =	sst s9;
	s0 =	simm.s32 @!p0 $0x0  }
0x12: {  	s1 =	sld [smem:$0x3F8C];
	s0 =	simm.s32 @p0 $0x1  }
0x13: {  	[smem:$0x3FA7] =	sst s0;
	s0 =	simm.s32 @!p1 $0x0  }
0x14: {  	s2 =	sld [smem:$0x3F8B];
	s0 =	simm.s32 @p1 $0x1  }
0x15: {  	[smem:$0x3FA8] =	sst s0;
	s0 =	simm.s32 @!p2 $0x0  }
0x16: {  	s3 =	sld [smem:$0x3FDB];
	s0 =	simm.s32 @p2 $0x1  }
0x17: {  	s4 =	simm.s32 $0x1BF5;
	[smem:$0x3FAA] =	sst s0  }
0x18: {  	s0 =	sld [smem:$0x3F8D];
	_ =	swait.ge [sflag:s4], $0x0  }
0x19: {  	s7 =	sld [smem:$0x3F8E]  }
0x1a: {  	s8 =	sadd.s32 $0xFFFFE003, lr  }
0x1b: {  	s9 =	sadd.s32 $0xFFFFFEF7, lr;
	s5 =	simm.s32 $0xFFFFFFFF;
	p2 =	slt.u32 s8, $0xFFFFF086  }
0x1c: {  	p1 =	slt.u32 s9, $0xF7A;
	s5 =	simm.s32 @!p2 $0x0  }
0x1d: {  	s5 =	simm.s32 @p1 $0x1;
	p0 =	seq.s32 s7, s2  }
0x1e: {  	s7 =	smul.u32 @!p0 $0xF7A, s2;
	p2 =	seq.s32 @!p0 s5, $0x0  }
0x1f: {  	s9 =	smul.u32 $0xF7A, s1;
	s8 =	simm.s32 @!p0 $0x1BF5;
	p2 =	por !p2, p0  }
0x20: {  	[sflag:s8] =	ssyncset.s32 @!p0 $0xFFFFF086;
	s6 =	sadd.s32 @!p0 s3, s7;
	s7 =	simm.s32 @!p0 $0x108  }
0x21: {  	s3 =	sadd.s32 s3, s9;
	s6 =	sadd.s32 @!p0 $0x88, s6;
	s7 =	simm.s32 @p2 $0x1082  }
0x22: {  	[simem:s7], [sflag:s8] =	dma.local @!p0 [hbm:s6], $0xF7A  }
0x23: {  	s9 =	sor.u32 $0xD0000000, s2;
	s6 =	simm.s32 $0x108;
	_ =	swait.ge @!p0 [sflag:s8], $0x0  }
0x24: {  	s3 =	sadd.s32 $0x88, s3;
	s6 =	simm.s32 @!p1 $0x1082;
	[sflag:s4] =	ssyncset.s32 $0xFFFFF086  }
0x25: {  	[simem:s6], [sflag:s4] =	dma.local [hbm:s3], $0xF7A  }
0x26: {  	[smem:$0x3F8E] =	sst s1;
	(tag) =	ssettag s2;
	_ =	strace s9  }
0x27: {  	s1 =	sld [smem:$0x3F9E]  }
0x28: {  	s2 =	sld [smem:$0x3F9F]  }
0x29: {  	s4 =	sld [smem:$0x3FA1]  }
0x2a: {  	p0 =	seq.s32 s5, $0x0;
	s5 =	sld [smem:$0x3FA2]  }
0x2b: {  	s6 =	sld [smem:$0x3FA3]  }
0x2c: {  	s7 =	sld [smem:$0x3FA4]  }
0x2d: {  	s3 =	simm.s32 $0x108;
	s8 =	sld [smem:$0x3FA5]  }
0x2e: {  	s3 =	simm.s32 @!p0 $0x1082;
	s9 =	sld [smem:$0x3FA6]  }
0x2f: {  	lr =	sadd.s32 s0, s3;
	s0 =	sld [smem:$0x3F9D]  }
0x30: {  	s3 =	sld [smem:$0x3FA0]  }
0x31: {  	[smem:$0x3FA9] =	sst s10  }
0x32: {  	s10 =	sld [smem:$0x3FA7];
	_ =	sdelay $0x3  }
0x33: {  	p0 =	seq.s32 s10, $0x1;
	s10 =	sld [smem:$0x3FA9];
	_ =	sdelay $0x3  }
0x34: {  	[smem:$0x3FA9] =	sst s10  }
0x35: {  	s10 =	sld [smem:$0x3FA8];
	_ =	sdelay $0x3  }
0x36: {  	p1 =	seq.s32 s10, $0x1;
	s10 =	sld [smem:$0x3FA9];
	_ =	sdelay $0x3  }
0x37: {  	[smem:$0x3FA9] =	sst s10  }
0x38: {  	s10 =	sld [smem:$0x3FAA]  }
0x39: {  	_ = 	snop;
	(pc) =	sbr.ind lr, $3  }
0x3a: {  	_ = 	snop  }
0x3b: {  	_ = 	snop  }
0x3c: {  	p2 =	seq.s32 s10, $0x1;
	s10 =	sld [smem:$0x3FA9]  }
0x3d: {  	_ =	shalt  }
0x3e: {  	_ =	shalt  }
0x3f: {  	_ =	shalt  }
0x40: {  	_ =	shalt  }
0x41: {  	_ =	shalt  }
0x42: {  	_ =	shalt  }
0x43: {  	_ =	shalt  }
0x44: {  	_ =	shalt  }
0x45: {  	_ =	shalt  }
0x46: {  	_ =	shalt  }
0x47: {  	_ =	shalt  }
0x48: {  	_ =	shalt  }
0x49: {  	_ =	shalt  }
0x4a: {  	_ =	shalt  }
0x4b: {  	_ =	shalt  }
0x4c: {  	_ =	shalt  }
0x4d: {  	_ =	shalt  }
0x4e: {  	_ =	shalt  }
0x4f: {  	_ =	shalt  }
0x50: {  	_ =	shalt  }
0x51: {  	_ =	shalt  }
0x52: {  	_ =	shalt  }
0x53: {  	_ =	shalt  }
0x54: {  	_ =	shalt  }
0x55: {  	_ =	shalt  }
0x56: {  	_ =	shalt  }
0x57: {  	_ =	shalt  }
0x58: {  	_ =	shalt  }
0x59: {  	_ =	shalt  }
0x5a: {  	_ =	shalt  }
0x5b: {  	_ =	shalt  }
0x5c: {  	_ =	shalt  }
0x5d: {  	_ =	shalt  }
0x5e: {  	_ =	shalt  }
0x5f: {  	_ =	shalt  }
0x60: {  	_ =	shalt  }
0x61: {  	_ =	shalt  }
0x62: {  	_ =	shalt  }
0x63: {  	_ =	shalt  }
0x64: {  	_ =	shalt  }
0x65: {  	_ =	shalt  }
0x66: {  	_ =	shalt  }
0x67: {  	_ =	shalt  }
0x68: {  	_ =	shalt  }
0x69: {  	_ =	shalt  }
0x6a: {  	_ =	shalt  }
0x6b: {  	_ =	shalt  }
0x6c: {  	_ =	shalt  }
0x6d: {  	_ =	shalt  }
0x6e: {  	_ =	shalt  }
0x6f: {  	_ =	shalt  }
0x70: {  	_ =	shalt  }
0x71: {  	_ =	shalt  }
0x72: {  	_ =	shalt  }
0x73: {  	_ =	shalt  }
0x74: {  	_ =	shalt  }
0x75: {  	_ =	shalt  }
0x76: {  	_ =	shalt  }
0x77: {  	_ =	shalt  }
0x78: {  	_ =	shalt  }
0x79: {  	_ =	shalt  }
0x7a: {  	_ =	shalt  }
0x7b: {  	_ =	shalt  }
0x7c: {  	_ =	shalt  }
0x7d: {  	_ =	shalt  }
0x7e: {  	_ =	shalt  }
0x7f: {  	_ =	shalt  }
0x80: {  	_ =	shalt  }
0x81: {  	_ =	shalt  }
0x82: {  	_ =	shalt  }
0x83: {  	_ =	shalt  }
0x84: {  	_ =	shalt  }
0x85: {  	_ =	shalt  }
0x86: {  	_ =	shalt  }
0x87: {  	_ =	shalt  }
.Lfunc_end0:
.L_simem_size_0:
called_computation.2_lowered:
.L_overlay_start_0:
0x88: {  	s2 =	sld [smem:$0x3FD9]  }
0x89: {  	s3 =	sld [smem:$0x3FFE];
	_ =	sdelay $0x1  }
0x8a: {  	s1 =	srdreg.scid  }
0x8b: {  	s0 =	sand.u32 $0x1, s1  }
0x8c: {  	s14 =	sshll.u32 s0, $0xA;
	s2 =	sadd.s32 s3, s2  }
0x8d: {  	s2 =	sadd.s32 s2, s14  }
0x8e: {  	[smem:$0x3FB5] =	sst s2  }
0x8f: {  	_ = 	snop  }
0x90: {  	s2 =	sld [smem:$0x3FD0];
	_ =	sdelay $0x2  }
0x91: {  	s15 =	simm.s32 $0xA;
	s4 =	simm.s32 $0x10  }
0x92: {  	[smem:s4], [sflag:s15] =	dma.local [hbm:s2], $0x1  }
0x93: {  	_ =	swait.eq [sflag:s15], $0x1  }
0x94: {  	[sflag:s15] =	ssyncset.done $0x0  }
0x95: {  	[sflag:s15] =	ssyncadd.s32 $0xFFFFFFFF  }
0x96: {  	s16 =	sld [smem:$0x10];
	(tm) =	ssettm $0x1  }
0x97: {  	s17 =	sld [smem:$0x3FFB];
	_ =	sdelay $0x3  }
0x98: {  	_ =	strace s17  }
0x99: {  	s3 =	sld [smem:$0x3FFC];
	_ =	sdelay $0x3  }
0x9a: {  	_ =	strace s3  }
0x9b: {  	s3 =	sld [smem:$0x3FFD];
	_ =	sdelay $0x3  }
0x9c: {  	_ =	strace s3  }
0x9d: {  	_ =	strace $0x8FFFFFFF  }
0x9e: {  	s18 =	sld [smem:$0x3FDB];
	_ =	sdelay $0x1  }
0x9f: {  	s19 =	simm.s32 $_scs_section_size  }
0xa0: {  	s5 =	simm.s32 $_size__tile_overlayer_lowered;
	s6 =	simm.s32 $_tile_overlayer_lowered  }
0xa1: {  	s22 =	simm.s32 $0x1BFF;
	s21 =	sshll.u32 s6, $0x1;
	s3 =	sadd.s32 s19, s18  }
0xa2: {  	s7 =	simm.s32 $0x0;
	s20 =	sshll.u32 s5, $0x1;
	s5 =	sadd.s32 s21, s3  }
0xa3: {  	[timem:s7], [sflag:s22] =	dma.local [hbm:s5], s20  }
0xa4: {  	_ =	swait.ge [sflag:s22], s20  }
0xa5: {  	s4 =	ssub.s32 $0x0, s20;
	[sflag:s22] =	ssyncset.done $0x0  }
0xa6: {  	[sflag:s22] =	ssyncadd.s32 s4;
	_ =	sdelay $0x1  }
0xa7: {  	s23 =	simm.s32 $0x1B8B  }
0xa8: {  	_ =	swait.ge [sflag:s23], $0x1  }
0xa9: {  	[sflag:s23] =	ssyncset.done $0x0  }
0xaa: {  	s25 =	simm.s32 $0x1B8E;
	s24 =	sld [smem:$0x3FFE];
	[sflag:s23] =	ssyncadd.s32 $0xFFFFFFFF  }
0xab: {  	s26 =	simm.s32 $execute0_lowered;
	[smem:$0x3FD2] =	sst s25  }
0xac: {  	s5 =	sshll.u32 s26, $0x1;
	_ =	strace $0x8000004C;
	[dreg:$0x1] =	wrdreg $0xFFFFFFFF  }
0xad: {  	s28 =	simm.s32 $_size_execute0_lowered;
	s3 =	sadd.s32 s3, s5;
	[dreg:$0x0] =	wrdreg $0x0  }
0xae: {  	s5 =	sshll.u32 s28, $0x1;
	[dreg:$0x2] =	wrdreg s3  }
0xaf: {  	[dreg:$0x3] =	wrdreg s5  }
0xb0: {  	[dreg:$0x4] =	wrdreg $0xC0  }
0xb1: {  	_ =	task [dreg:s7], $0x5FFFF  }
0xb2: {  	[dreg:$0x1] =	wrdreg $0xFFFFFFFF  }
0xb3: {  	[dreg:$0x0] =	wrdreg $0x60  }
0xb4: {  	[dreg:$0x2] =	wrdreg s24  }
0xb5: {  	[dreg:$0x3] =	wrdreg s16  }
0xb6: {  	[dreg:$0x4] =	wrdreg $0x92000  }
0xb7: {  	[dreg:$0x5] =	wrdreg $0x9  }
0xb8: {  	_ =	task.clear_ibuf [dreg:s7], $0x6FFFF;
	_ =	strace $0x9000004C  }
0xb9: {  	s29 =	simm.s32 $0x9;
	_ =	strace $0x8000004E  }
0xba: {  	_ =	swait.ge [sflag:s29], $0x1  }
0xbb: {  	[sflag:s29] =	ssyncadd.s32 $0xFFFFFFFF  }
0xbc: {  	_ =	strace $0x9000004E  }
0xbd: {  	_ =	sfence  }
0xbe: {  	s30 =	sld [smem:$0x0];
	_ =	sdelay $0x2  }
0xbf: {  	s31 =	sshll.u32 s1, $0xD;
	s1 =	sshrl.u32 s1, $0x2  }
0xc0: {  	s3 =	sand.u32 $0x4000, s31;
	s1 =	sadd.s32 s1, s30  }
0xc1: {  	s0 =	sor.u32 s3, s0;
	s1 =	sshll.u32 s1, $0x11  }
0xc2: {  	s0 =	sor.u32 s1, s0  }
0xc3: {  	s0 =	sadd.s32 $0x8F2B, s0  }
0xc4: {  	[sflag:s0] =	ssyncadd.remote.s32 $0x1  }
0xc5: {  	_ =	sfence.sel $0xFFFF  }
0xc6: {  	[dreg:$0x0] =	wrdreg $0xFFFFFFFF;
	(pc) =	sbr.abs _section_cstart, $3  }
0xc7: {  	[dreg:$0x1] =	wrdreg $0xFFFFFFFF  }
0xc8: {  	_ =	task.clear_ibuf [dreg:s7], $0x2FFFF;
	_ =	strace $0x9FFFFFFF  }
0xc9: {  	(tm) =	ssettm $0x7FFFFFFF  }
tec
execute0_lowered:
.L_overlay_start_1:
0x0: {  	(tag) =	ssettag $0x1  }
0x1: {  	s0 =	rddreg [dreg:$0x0]  }
0x2: {  	s2 =	srdreg.scid;
	s15 =	stileid.u32;
	s1 =	simm.s32 $0x0  }
0x3: {  	s29 =	simm.s32 $0x3;
	s30 =	simm.s32 $0x5200;
	s3 =	smul.u32 $0x5000, s15  }
0x4: {  	s31 =	simm.s32 $0x40;
	s2 =	sand.u32 $0x1, s2;
	s4 =	smul.u32 $0xA00, s15  }
0x5: {  	[smem:$0x7FF] =	sst s1;
	s7 =	smul.u32 $0x14000, s15;
	p0 =	seq.s32 s2, $0x0  }
0x6: {  	s5 =	ssub.s32 $0x2, s2;
	s12 =	smul.u32 $0x140000, s2;
	s3 =	sshrl.u32 s3, $0x3  }
0x7: {  	s6 =	sshrl.u32 s5, $0x1;
	s8 =	sadd.s32 $0x4000, s7;
	s9 =	sadd.s32 $0x6000, s7  }
0x8: {  	s10 =	sadd.s32 $0x8000, s7;
	s11 =	sadd.s32 $0xA000, s7;
	s22 =	sadd.s32 $0xC000, s7  }
0x9: {  	s23 =	sadd.s32 $0xE000, s7;
	s24 =	sadd.s32 $0x10000, s7;
	s25 =	sadd.s32 $0x12000, s7  }
0xa: {  	s3 =	sadd.s32 $0xA000, s3;
	s5 =	ssub.s32 s5, s6;
	s6 =	sor.u32 $0x2000, s7  }
0xb: {  	s7 =	sadd.s32 s7, s12;
	s14 =	sadd.s32 s12, s8;
	s20 =	sadd.s32 s12, s9  }
0xc: {  	s21 =	sadd.s32 s12, s10;
	s26 =	sadd.s32 s12, s11;
	s16 =	sadd.s32 s12, s22  }
0xd: {  	s17 =	sadd.s32 s12, s23;
	s3 =	smov.u32 @p0 s4;
	s4 =	sadd.s32 $0x41400, s0  }
0xe: {  	s13 =	sadd.s32 s12, s6;
	s7 =	sshrl.u32 s7, $0x3;
	s19 =	sshrl.u32 s14, $0x3  }
0xf: {  	s14 =	sshrl.u32 s26, $0x3;
	s26 =	smul.u32 $0x50000, s15;
	p0 =	sne.s32 s2, $0x0  }
0x10: {  	s15 =	sadd.s32 $0x19400, s0;
	s13 =	sshrl.u32 s13, $0x3;
	s7 =	sadd.s32 s4, s7  }
0x11: {  	s2 =	simm.s32 $0x1;
	[dreg:$0x4] =	wrdreg s7;
	s18 =	sadd.s32 s4, s13  }
0x12: {  	s7 =	sadd.s32 s4, s19;
	s13 =	sshrl.u32 s21, $0x3;
	[dreg:$0x5] =	wrdreg s18  }
0x13: {  	[dreg:$0x6] =	wrdreg s7;
	s7 =	sshrl.u32 s20, $0x3;
	s13 =	sadd.s32 s4, s13  }
0x14: {  	s21 =	sadd.s32 s12, s25;
	s7 =	sadd.s32 s4, s7;
	[dreg:$0x8] =	wrdreg s13  }
0x15: {  	s26 =	sshrl.u32 s26, $0x2;
	s13 =	sshrl.u32 s17, $0x3;
	[dreg:$0x7] =	wrdreg s7  }
0x16: {  	s7 =	sadd.s32 s4, s14;
	s19 =	sadd.s32 s4, s13;
	s13 =	rddreg [dreg:$0x2]  }
0x17: {  	s18 =	sadd.s32 s12, s24;
	s12 =	simm.s32 $0x7200;
	[dreg:$0x9] =	wrdreg s7  }
0x18: {  	s20 =	sshrl.u32 s18, $0x3;
	s7 =	sshrl.u32 s16, $0x3;
	[dreg:$0xb] =	wrdreg s19  }
0x19: {  	s16 =	sadd.s32 s26, s13;
	s17 =	sadd.s32 s6, s13;
	s18 =	sadd.s32 s8, s13  }
0x1a: {  	s19 =	sadd.s32 s9, s13;
	s22 =	sadd.s32 s22, s13;
	s23 =	sadd.s32 s23, s13  }
0x1b: {  	s24 =	sadd.s32 s24, s13;
	s25 =	sadd.s32 s25, s13;
	s26 =	smax.u32 s5, $0x1  }
0x1c: {  	s5 =	simm.s32 $0x5180;
	s6 =	simm.s32 $0x0;
	s7 =	sadd.s32 s4, s7  }
.Ltmp0:
0x1d: {  	[dreg:$0xa] =	wrdreg s7;
	s7 =	sadd.s32 s4, s20;
	(pc) =	sbr.rel .LBB2_1-.Ltmp0, $4  }
0x1e: {  	s20 =	sadd.s32 s10, s13;
	[dreg:$0xc] =	wrdreg s7;
	s7 =	sshrl.u32 s21, $0x3  }
0x1f: {  	s21 =	sadd.s32 s11, s13;
	s11 =	simm.s32 $0x5000;
	s14 =	sadd.s32 s4, s7  }
0x20: {  	_ =	strace $0x8000004D;
	s7 =	sadd.s32 s3, s0;
	s0 =	simm.s32 $0x5080  }
0x21: {  	s3 =	simm.s32 $0x5100;
	s4 =	simm.s32 $0x2;
	s28 =	sadd.s32 $0x5400, s7  }
.LBB2_7:
0x22: {  	s7 =	sshra.s32 s7, $0x2;
	[sflag:s29] =	ssyncadd.s32 $0xFFFFE000  }
0x23: {  	v0 =	vld [tilespmem:s7+$0x80];
	_ =	sdelay $0x4  }
0x24: {  	v0 =	vand.u32 $0xFFFF, v0  }
0x25: {  	[tilespmem:$0x5080] =	vst v0  }
0x26: {  	v0 =	vld [tilespmem:s7+$0x90];
	_ =	sdelay $0x4  }
0x27: {  	v0 =	vand.u32 $0xFFFF, v0  }
0x28: {  	[tilespmem:$0x5090] =	vst v0  }
0x29: {  	v0 =	vld [tilespmem:s7+$0xA0];
	_ =	sdelay $0x4  }
0x2a: {  	v0 =	vand.u32 $0xFFFF, v0  }
0x2b: {  	[tilespmem:$0x50A0] =	vst v0  }
0x2c: {  	v0 =	vld [tilespmem:s7+$0xB0];
	_ =	sdelay $0x4  }
0x2d: {  	v0 =	vand.u32 $0xFFFF, v0  }
0x2e: {  	[tilespmem:$0x50B0] =	vst v0  }
0x2f: {  	v0 =	vld [tilespmem:s7+$0x80];
	_ =	sdelay $0x4  }
0x30: {  	v0 =	vshrl.u32 v0, $0x10  }
0x31: {  	[tilespmem:$0x5180] =	vst v0  }
0x32: {  	v0 =	vld [tilespmem:s7+$0x90];
	_ =	sdelay $0x4  }
0x33: {  	v0 =	vshrl.u32 v0, $0x10  }
0x34: {  	[tilespmem:$0x5190] =	vst v0  }
0x35: {  	v0 =	vld [tilespmem:s7+$0xA0];
	_ =	sdelay $0x4  }
0x36: {  	v0 =	vshrl.u32 v0, $0x10  }
0x37: {  	[tilespmem:$0x51A0] =	vst v0  }
0x38: {  	v0 =	vld [tilespmem:s7+$0xB0];
	_ =	sdelay $0x4  }
0x39: {  	v0 =	vshrl.u32 v0, $0x10  }
0x3a: {  	[tilespmem:$0x51B0] =	vst v0  }
0x3b: {  	[tilespmem:s12], [sflag:$0x2] =	stream.indirect.gather [hbm4b:s15+s31], $0x80, s0, s31, $0xb8;
	[tilespmem:$0x1D200] =	vst v63  }
0x3c: {  	_ =	swait.ge [sflag:s2], $0x2000  }
0x3d: {  	[sflag:s2] =	ssyncset.done $0x0  }
0x3e: {  	[sflag:s2] =	ssyncadd.s32 $0xFFFFE000  }
0x3f: {  	[spmem:s13] =	stream.indirect.scatter.add.f32 [tilespmem:s30], [sflag:$0x3], $0x80, s3, s31, $0xb8;
	[tilespmem:$0x1D200] =	vst v63  }
0x40: {  	_ =	swait.ge [sflag:s29], $0x2000  }
0x41: {  	[sflag:s29] =	ssyncset.done $0x0  }
0x42: {  	[sflag:s29] =	ssyncadd.s32 $0xFFFFE000  }
0x43: {  	v63 =	vld [tilespmem:s7+$0x100];
	_ =	sdelay $0x4  }
0x44: {  	v0 =	vand.u32 $0xFFFF, v63  }
0x45: {  	[tilespmem:$0x5000] =	vst v0  }
0x46: {  	v0 =	vld [tilespmem:s7+$0x110];
	_ =	sdelay $0x4  }
0x47: {  	v0 =	vand.u32 $0xFFFF, v0  }
0x48: {  	[tilespmem:$0x5010] =	vst v0  }
0x49: {  	v0 =	vld [tilespmem:s7+$0x120];
	_ =	sdelay $0x4  }
0x4a: {  	v0 =	vand.u32 $0xFFFF, v0  }
0x4b: {  	[tilespmem:$0x5020] =	vst v0  }
0x4c: {  	v0 =	vld [tilespmem:s7+$0x130];
	_ =	sdelay $0x4  }
0x4d: {  	v0 =	vand.u32 $0xFFFF, v0  }
0x4e: {  	[tilespmem:$0x5030] =	vst v0  }
0x4f: {  	v0 =	vld [tilespmem:s7+$0x100];
	_ =	sdelay $0x4  }
0x50: {  	v0 =	vshrl.u32 v0, $0x10  }
0x51: {  	[tilespmem:$0x5100] =	vst v0  }
0x52: {  	v0 =	vld [tilespmem:s7+$0x110];
	_ =	sdelay $0x4  }
0x53: {  	v0 =	vshrl.u32 v0, $0x10  }
0x54: {  	[tilespmem:$0x5110] =	vst v0  }
0x55: {  	v0 =	vld [tilespmem:s7+$0x120];
	_ =	sdelay $0x4  }
0x56: {  	v0 =	vshrl.u32 v0, $0x10  }
0x57: {  	[tilespmem:$0x5120] =	vst v0  }
0x58: {  	v0 =	vld [tilespmem:s7+$0x130];
	_ =	sdelay $0x4  }
0x59: {  	v0 =	vshrl.u32 v0, $0x10  }
0x5a: {  	[tilespmem:$0x5130] =	vst v0  }
0x5b: {  	[tilespmem:s30], [sflag:$0x1] =	stream.indirect.gather [hbm4b:s15+s31], $0x80, s11, s31, $0xb8;
	[tilespmem:$0x1D200] =	vst v63  }
0x5c: {  	_ =	swait.ge [sflag:s4], $0x2000  }
0x5d: {  	[sflag:s4] =	ssyncset.done $0x0  }
0x5e: {  	[sflag:s4] =	ssyncadd.s32 $0xFFFFE000  }
0x5f: {  	[spmem:s13] =	stream.indirect.scatter.add.f32 [tilespmem:s12], [sflag:$0x3], $0x80, s5, s31, $0xb8;
	[tilespmem:$0x1D200] =	vst v63  }
0x60: {  	_ =	swait.ge [sflag:s29], $0x2000  }
0x61: {  	[sflag:s29] =	ssyncset.done $0x0  }
0x62: {  	[sflag:s29] =	ssyncadd.s32 $0xFFFFE000  }
.LBB2_8:
0x63: {  	v0 =	vld [tilespmem:$0x4F80]  }
0x64: {  	v1 =	vld [tilespmem:$0x4F90]  }
0x65: {  	v2 =	vld [tilespmem:$0x4FA0]  }
0x66: {  	v3 =	vld [tilespmem:$0x4FB0]  }
0x67: {  	v4 =	vld [tilespmem:$0x4F80]  }
0x68: {  	v5 =	vld [tilespmem:$0x4F90];
	v0 =	vand.u32 $0xFFFF, v0  }
0x69: {  	v56 =	vld [tilespmem:$0x4FA0];
	v55 =	vand.u32 $0xFFFF, v1;
	[tilespmem:$0x5080] =	vst v0  }
0x6a: {  	v58 =	vld [tilespmem:$0x4FB0];
	v57 =	vand.u32 $0xFFFF, v2;
	[tilespmem:$0x5090] =	vst v55  }
0x6b: {  	v59 =	vand.u32 $0xFFFF, v3;
	[tilespmem:$0x50A0] =	vst v57  }
0x6c: {  	v60 =	vshrl.u32 v4, $0x10;
	[tilespmem:$0x50B0] =	vst v59  }
0x6d: {  	v61 =	vshrl.u32 v5, $0x10;
	[tilespmem:$0x5180] =	vst v60  }
0x6e: {  	v62 =	vshrl.u32 v56, $0x10;
	[tilespmem:$0x5190] =	vst v61  }
0x6f: {  	v63 =	vshrl.u32 v58, $0x10;
	[tilespmem:$0x51A0] =	vst v62  }
0x70: {  	[tilespmem:$0x51B0] =	vst v63  }
0x71: {  	[tilespmem:s12], [sflag:$0x2] =	stream.indirect.gather [hbm4b:s15+s31], $0x80, s0, s31, $0xb8;
	[tilespmem:$0x1D200] =	vst v63  }
0x72: {  	_ =	swait.ge [sflag:s2], $0x2000  }
0x73: {  	[sflag:s2] =	ssyncset.done $0x0  }
0x74: {  	[sflag:s2] =	ssyncadd.s32 $0xFFFFE000  }
0x75: {  	[spmem:s13] =	stream.indirect.scatter.add.f32 [tilespmem:s30], [sflag:$0x3], $0x80, s3, s31, $0xb8;
	[tilespmem:$0x1D200] =	vst v63  }
0x76: {  	_ =	swait.ge [sflag:s29], $0x2000  }
0x77: {  	[sflag:s29] =	ssyncset.done $0x0  }
0x78: {  	[sflag:s29] =	ssyncadd.s32 $0xFFFFE000  }
0x79: {  	_ =	swait.ge [sflag:s4], $0x2000  }
0x7a: {  	[sflag:s4] =	ssyncset.done $0x0  }
0x7b: {  	[sflag:s4] =	ssyncadd.s32 $0xFFFFE000  }
0x7c: {  	[spmem:s13] =	stream.indirect.scatter.add.f32 [tilespmem:s12], [sflag:$0x3], $0x80, s5, s31, $0xb8;
	[tilespmem:$0x1D200] =	vst v63  }
0x7d: {  	_ =	swait.ge [sflag:s29], $0x2000  }
0x7e: {  	[sflag:s29] =	ssyncset.done $0x0  }
0x7f: {  	[sflag:s29] =	ssyncadd.s32 $0xFFFFE000  }
0x80: {  	[bflag:$0x0] =	sbarrier.arrive $0xFFFF  }
0x81: {  	[tilespmem:s30], [sflag:$0x3] =	stream.linear.gather [spmem:s16], $0x2000, $0x38;
	[tilespmem:$0x1D200] =	vst v63  }
0x82: {  	_ =	swait.ge [sflag:s29], $0x2000  }
0x83: {  	[sflag:s29] =	ssyncset.done $0x0  }
0x84: {  	s7 =	rddreg [dreg:$0x4];
	[sflag:s29] =	ssyncadd.s32 $0xFFFFE000  }
0x85: {  	[hbm4b:s7+s1] =	stream.linear.scatter [tilespmem:s30], [sflag:$0x3], $0x2000, $0x38;
	[tilespmem:$0x1D200] =	vst v63  }
0x86: {  	_ =	swait.ge [sflag:s29], $0x2000  }
0x87: {  	[sflag:s29] =	ssyncset.done $0x0  }
0x88: {  	[sflag:s29] =	ssyncadd.s32 $0xFFFFE000  }
0x89: {  	[tilespmem:s30], [sflag:$0x3] =	stream.linear.gather [spmem:s17], $0x2000, $0x38;
	[tilespmem:$0x1D200] =	vst v63  }
0x8a: {  	_ =	swait.ge [sflag:s29], $0x2000  }
0x8b: {  	[sflag:s29] =	ssyncset.done $0x0  }
0x8c: {  	s9 =	rddreg [dreg:$0x5];
	[sflag:s29] =	ssyncadd.s32 $0xFFFFE000  }
0x8d: {  	[hbm4b:s9+s1] =	stream.linear.scatter [tilespmem:s30], [sflag:$0x3], $0x2000, $0x38;
	[tilespmem:$0x1D200] =	vst v63  }
0x8e: {  	_ =	swait.ge [sflag:s29], $0x2000  }
0x8f: {  	[sflag:s29] =	ssyncset.done $0x0  }
0x90: {  	[sflag:s29] =	ssyncadd.s32 $0xFFFFE000  }
0x91: {  	[tilespmem:s30], [sflag:$0x3] =	stream.linear.gather [spmem:s18], $0x2000, $0x38;
	[tilespmem:$0x1D200] =	vst v63  }
0x92: {  	_ =	swait.ge [sflag:s29], $0x2000  }
0x93: {  	[sflag:s29] =	ssyncset.done $0x0  }
0x94: {  	s10 =	rddreg [dreg:$0x6];
	[sflag:s29] =	ssyncadd.s32 $0xFFFFE000  }
0x95: {  	[hbm4b:s10+s1] =	stream.linear.scatter [tilespmem:s30], [sflag:$0x3], $0x2000, $0x38;
	[tilespmem:$0x1D200] =	vst v63  }
0x96: {  	_ =	swait.ge [sflag:s29], $0x2000  }
0x97: {  	[sflag:s29] =	ssyncset.done $0x0  }
0x98: {  	[sflag:s29] =	ssyncadd.s32 $0xFFFFE000  }
0x99: {  	[tilespmem:s30], [sflag:$0x3] =	stream.linear.gather [spmem:s19], $0x2000, $0x38;
	[tilespmem:$0x1D200] =	vst v63  }
0x9a: {  	_ =	swait.ge [sflag:s29], $0x2000  }
0x9b: {  	[sflag:s29] =	ssyncset.done $0x0  }
0x9c: {  	s8 =	rddreg [dreg:$0x7];
	[sflag:s29] =	ssyncadd.s32 $0xFFFFE000  }
0x9d: {  	[hbm4b:s8+s1] =	stream.linear.scatter [tilespmem:s30], [sflag:$0x3], $0x2000, $0x38;
	[tilespmem:$0x1D200] =	vst v63  }
0x9e: {  	_ =	swait.ge [sflag:s29], $0x2000  }
0x9f: {  	[sflag:s29] =	ssyncset.done $0x0  }
0xa0: {  	[sflag:s29] =	ssyncadd.s32 $0xFFFFE000  }
0xa1: {  	[tilespmem:s30], [sflag:$0x3] =	stream.linear.gather [spmem:s20], $0x2000, $0x38;
	[tilespmem:$0x1D200] =	vst v63  }
0xa2: {  	_ =	swait.ge [sflag:s29], $0x2000  }
0xa3: {  	[sflag:s29] =	ssyncset.done $0x0  }
0xa4: {  	s9 =	rddreg [dreg:$0x8];
	[sflag:s29] =	ssyncadd.s32 $0xFFFFE000  }
0xa5: {  	[hbm4b:s9+s1] =	stream.linear.scatter [tilespmem:s30], [sflag:$0x3], $0x2000, $0x38;
	[tilespmem:$0x1D200] =	vst v63  }
0xa6: {  	_ =	swait.ge [sflag:s29], $0x2000  }
0xa7: {  	[sflag:s29] =	ssyncset.done $0x0  }
0xa8: {  	[sflag:s29] =	ssyncadd.s32 $0xFFFFE000  }
0xa9: {  	[tilespmem:s30], [sflag:$0x3] =	stream.linear.gather [spmem:s21], $0x2000, $0x38;
	[tilespmem:$0x1D200] =	vst v63  }
0xaa: {  	_ =	swait.ge [sflag:s29], $0x2000  }
0xab: {  	[sflag:s29] =	ssyncset.done $0x0  }
0xac: {  	s10 =	rddreg [dreg:$0x9];
	[sflag:s29] =	ssyncadd.s32 $0xFFFFE000  }
0xad: {  	[hbm4b:s10+s1] =	stream.linear.scatter [tilespmem:s30], [sflag:$0x3], $0x2000, $0x38;
	[tilespmem:$0x1D200] =	vst v63  }
0xae: {  	_ =	swait.ge [sflag:s29], $0x2000  }
0xaf: {  	[sflag:s29] =	ssyncset.done $0x0  }
0xb0: {  	[sflag:s29] =	ssyncadd.s32 $0xFFFFE000  }
0xb1: {  	[tilespmem:s30], [sflag:$0x3] =	stream.linear.gather [spmem:s22], $0x2000, $0x38;
	[tilespmem:$0x1D200] =	vst v63  }
0xb2: {  	_ =	swait.ge [sflag:s29], $0x2000  }
0xb3: {  	[sflag:s29] =	ssyncset.done $0x0  }
0xb4: {  	s8 =	rddreg [dreg:$0xa];
	[sflag:s29] =	ssyncadd.s32 $0xFFFFE000  }
0xb5: {  	[hbm4b:s8+s1] =	stream.linear.scatter [tilespmem:s30], [sflag:$0x3], $0x2000, $0x38;
	[tilespmem:$0x1D200] =	vst v63  }
0xb6: {  	_ =	swait.ge [sflag:s29], $0x2000  }
0xb7: {  	[sflag:s29] =	ssyncset.done $0x0  }
0xb8: {  	[sflag:s29] =	ssyncadd.s32 $0xFFFFE000  }
0xb9: {  	[tilespmem:s30], [sflag:$0x3] =	stream.linear.gather [spmem:s23], $0x2000, $0x38;
	[tilespmem:$0x1D200] =	vst v63  }
0xba: {  	_ =	swait.ge [sflag:s29], $0x2000  }
0xbb: {  	[sflag:s29] =	ssyncset.done $0x0  }
0xbc: {  	s9 =	rddreg [dreg:$0xb];
	[sflag:s29] =	ssyncadd.s32 $0xFFFFE000  }
0xbd: {  	[hbm4b:s9+s1] =	stream.linear.scatter [tilespmem:s30], [sflag:$0x3], $0x2000, $0x38;
	[tilespmem:$0x1D200] =	vst v63  }
0xbe: {  	_ =	swait.ge [sflag:s29], $0x2000  }
0xbf: {  	[sflag:s29] =	ssyncset.done $0x0  }
0xc0: {  	[sflag:s29] =	ssyncadd.s32 $0xFFFFE000  }
0xc1: {  	[tilespmem:s30], [sflag:$0x3] =	stream.linear.gather [spmem:s24], $0x2000, $0x38;
	[tilespmem:$0x1D200] =	vst v63  }
0xc2: {  	_ =	swait.ge [sflag:s29], $0x2000  }
0xc3: {  	[sflag:s29] =	ssyncset.done $0x0  }
0xc4: {  	s10 =	rddreg [dreg:$0xc];
	[sflag:s29] =	ssyncadd.s32 $0xFFFFE000  }
0xc5: {  	[hbm4b:s10+s1] =	stream.linear.scatter [tilespmem:s30], [sflag:$0x3], $0x2000, $0x38;
	[tilespmem:$0x1D200] =	vst v63  }
0xc6: {  	_ =	swait.ge [sflag:s29], $0x2000  }
0xc7: {  	[sflag:s29] =	ssyncset.done $0x0  }
0xc8: {  	[sflag:s29] =	ssyncadd.s32 $0xFFFFE000  }
0xc9: {  	[tilespmem:s30], [sflag:$0x3] =	stream.linear.gather [spmem:s25], $0x2000, $0x38;
	[tilespmem:$0x1D200] =	vst v63  }
0xca: {  	s6 =	sadd.s32 $0x1, s6;
	_ =	swait.ge [sflag:s29], $0x2000  }
0xcb: {  	p1 =	sne.s32 s6, s26;
	[sflag:s29] =	ssyncset.done $0x0  }
.Ltmp1:
0xcc: {  	[sflag:s29] =	ssyncadd.s32 $0xFFFFE000;
	(pc) =	sbr.rel @!p1 .LBB2_9-.Ltmp1, $4  }
0xcd: {  	[hbm4b:s14+s1] =	stream.linear.scatter [tilespmem:s30], [sflag:$0x3], $0x2000, $0x38;
	[tilespmem:$0x1D200] =	vst v63  }
0xce: {  	_ =	swait.ge [sflag:s29], $0x2000  }
0xcf: {  	[sflag:s29] =	ssyncset.done $0x0  }
0xd0: {  	[sflag:s29] =	ssyncadd.s32 $0xFFFFE000  }
.LBB2_1:
0xd1: {  	[tilespmem:s1], [sflag:$0x3] =	stream.linear.gather [hbm4b:s28+s1], $0x5000, $0x38;
	[tilespmem:$0x1D200] =	vst v63  }
0xd2: {  	_ =	swait.ge [sflag:s29], $0x5000  }
0xd3: {  	[sflag:s29] =	ssyncset.done $0x0  }
0xd4: {  	[sflag:s29] =	ssyncadd.s32 $0xFFFFB000  }
0xd5: {  	s7 =	rddreg [dreg:$0x1]  }
0xd6: {  	[tilespmem:s30], [sflag:$0x3] =	stream.linear.gather [hbm4b:s7+s1], $0x2000, $0x38;
	[tilespmem:$0x1D200] =	vst v63  }
0xd7: {  	_ =	swait.ge [sflag:s29], $0x2000  }
0xd8: {  	[sflag:s29] =	ssyncset.done $0x0  }
0xd9: {  	[sflag:s29] =	ssyncadd.s32 $0xFFFFE000  }
0xda: {  	[spmem:s16] =	stream.linear.scatter [tilespmem:s30], [sflag:$0x3], $0x2000, $0x38;
	[tilespmem:$0x1D200] =	vst v63  }
0xdb: {  	_ =	swait.ge [sflag:s29], $0x2000  }
0xdc: {  	[sflag:s29] =	ssyncset.done $0x0  }
0xdd: {  	[sflag:s29] =	ssyncadd.s32 $0xFFFFE000  }
0xde: {  	[spmem:s17] =	stream.linear.scatter [tilespmem:s30], [sflag:$0x3], $0x2000, $0x38;
	[tilespmem:$0x1D200] =	vst v63  }
0xdf: {  	_ =	swait.ge [sflag:s29], $0x2000  }
0xe0: {  	[sflag:s29] =	ssyncset.done $0x0  }
0xe1: {  	[sflag:s29] =	ssyncadd.s32 $0xFFFFE000  }
0xe2: {  	[spmem:s18] =	stream.linear.scatter [tilespmem:s30], [sflag:$0x3], $0x2000, $0x38;
	[tilespmem:$0x1D200] =	vst v63  }
0xe3: {  	_ =	swait.ge [sflag:s29], $0x2000  }
0xe4: {  	[sflag:s29] =	ssyncset.done $0x0  }
0xe5: {  	[sflag:s29] =	ssyncadd.s32 $0xFFFFE000  }
0xe6: {  	[spmem:s19] =	stream.linear.scatter [tilespmem:s30], [sflag:$0x3], $0x2000, $0x38;
	[tilespmem:$0x1D200] =	vst v63  }
0xe7: {  	_ =	swait.ge [sflag:s29], $0x2000  }
0xe8: {  	[sflag:s29] =	ssyncset.done $0x0  }
0xe9: {  	[sflag:s29] =	ssyncadd.s32 $0xFFFFE000  }
0xea: {  	[spmem:s20] =	stream.linear.scatter [tilespmem:s30], [sflag:$0x3], $0x2000, $0x38;
	[tilespmem:$0x1D200] =	vst v63  }
0xeb: {  	_ =	swait.ge [sflag:s29], $0x2000  }
0xec: {  	[sflag:s29] =	ssyncset.done $0x0  }
0xed: {  	[sflag:s29] =	ssyncadd.s32 $0xFFFFE000  }
0xee: {  	[spmem:s21] =	stream.linear.scatter [tilespmem:s30], [sflag:$0x3], $0x2000, $0x38;
	[tilespmem:$0x1D200] =	vst v63  }
0xef: {  	_ =	swait.ge [sflag:s29], $0x2000  }
0xf0: {  	[sflag:s29] =	ssyncset.done $0x0  }
0xf1: {  	[sflag:s29] =	ssyncadd.s32 $0xFFFFE000  }
0xf2: {  	[spmem:s22] =	stream.linear.scatter [tilespmem:s30], [sflag:$0x3], $0x2000, $0x38;
	[tilespmem:$0x1D200] =	vst v63  }
0xf3: {  	_ =	swait.ge [sflag:s29], $0x2000  }
0xf4: {  	[sflag:s29] =	ssyncset.done $0x0  }
0xf5: {  	[sflag:s29] =	ssyncadd.s32 $0xFFFFE000  }
0xf6: {  	[spmem:s23] =	stream.linear.scatter [tilespmem:s30], [sflag:$0x3], $0x2000, $0x38;
	[tilespmem:$0x1D200] =	vst v63  }
0xf7: {  	_ =	swait.ge [sflag:s29], $0x2000  }
0xf8: {  	[sflag:s29] =	ssyncset.done $0x0  }
0xf9: {  	[sflag:s29] =	ssyncadd.s32 $0xFFFFE000  }
0xfa: {  	[spmem:s24] =	stream.linear.scatter [tilespmem:s30], [sflag:$0x3], $0x2000, $0x38;
	[tilespmem:$0x1D200] =	vst v63  }
0xfb: {  	_ =	swait.ge [sflag:s29], $0x2000  }
0xfc: {  	[sflag:s29] =	ssyncset.done $0x0  }
0xfd: {  	[sflag:s29] =	ssyncadd.s32 $0xFFFFE000  }
0xfe: {  	[spmem:s25] =	stream.linear.scatter [tilespmem:s30], [sflag:$0x3], $0x2000, $0x38;
	[tilespmem:$0x1D200] =	vst v63  }
0xff: {  	_ =	swait.ge [sflag:s29], $0x2000  }
0x100: {  	[sflag:s29] =	ssyncset.done $0x0  }
0x101: {  	[sflag:s29] =	ssyncadd.s32 $0xFFFFE000  }
0x102: {  	[bflag:$0x0] =	sbarrier.arrive $0xFFFF  }
0x103: {  	v0 =	vld [tilespmem:$0x0]  }
0x104: {  	v1 =	vld [tilespmem:$0x10]  }
0x105: {  	v2 =	vld [tilespmem:$0x20]  }
0x106: {  	v3 =	vld [tilespmem:$0x30]  }
0x107: {  	v4 =	vld [tilespmem:$0x0]  }
0x108: {  	v5 =	vld [tilespmem:$0x10];
	v0 =	vand.u32 $0xFFFF, v0  }
0x109: {  	v56 =	vld [tilespmem:$0x20];
	v55 =	vand.u32 $0xFFFF, v1;
	[tilespmem:$0x5000] =	vst v0  }
0x10a: {  	v58 =	vld [tilespmem:$0x30];
	v57 =	vand.u32 $0xFFFF, v2;
	[tilespmem:$0x5010] =	vst v55  }
0x10b: {  	v59 =	vand.u32 $0xFFFF, v3;
	[tilespmem:$0x5020] =	vst v57  }
0x10c: {  	v60 =	vshrl.u32 v4, $0x10;
	[tilespmem:$0x5030] =	vst v59  }
.Ltmp2:
0x10d: {  	v61 =	vshrl.u32 v5, $0x10;
	[tilespmem:$0x5100] =	vst v60;
	(pc) =	sbr.rel @p0 .LBB2_5-.Ltmp2, $4  }
0x10e: {  	v62 =	vshrl.u32 v56, $0x10;
	[tilespmem:$0x5110] =	vst v61  }
0x10f: {  	v63 =	vshrl.u32 v58, $0x10;
	[tilespmem:$0x5120] =	vst v62  }
0x110: {  	s7 =	simm.s32 $0x0;
	[tilespmem:$0x5130] =	vst v63  }
0x111: {  	[tilespmem:s30], [sflag:$0x1] =	stream.indirect.gather [hbm4b:s15+s31], $0x80, s11, s31, $0xb8;
	[tilespmem:$0x1D200] =	vst v63  }
0x112: {  	v0 =	vld [tilespmem:s7+$0x80];
	_ =	sdelay $0x4  }
0x113: {  	v0 =	vand.u32 $0xFFFF, v0  }
0x114: {  	[tilespmem:$0x5080] =	vst v0  }
0x115: {  	v0 =	vld [tilespmem:s7+$0x90];
	_ =	sdelay $0x4  }
0x116: {  	v0 =	vand.u32 $0xFFFF, v0  }
0x117: {  	[tilespmem:$0x5090] =	vst v0  }
0x118: {  	v0 =	vld [tilespmem:s7+$0xA0];
	_ =	sdelay $0x4  }
0x119: {  	v0 =	vand.u32 $0xFFFF, v0  }
0x11a: {  	[tilespmem:$0x50A0] =	vst v0  }
0x11b: {  	v0 =	vld [tilespmem:s7+$0xB0];
	_ =	sdelay $0x4  }
0x11c: {  	v0 =	vand.u32 $0xFFFF, v0  }
0x11d: {  	[tilespmem:$0x50B0] =	vst v0  }
0x11e: {  	v0 =	vld [tilespmem:s7+$0x80];
	_ =	sdelay $0x4  }
0x11f: {  	v0 =	vshrl.u32 v0, $0x10  }
0x120: {  	[tilespmem:$0x5180] =	vst v0  }
0x121: {  	v0 =	vld [tilespmem:s7+$0x90];
	_ =	sdelay $0x4  }
0x122: {  	v0 =	vshrl.u32 v0, $0x10  }
0x123: {  	[tilespmem:$0x5190] =	vst v0  }
0x124: {  	v0 =	vld [tilespmem:s7+$0xA0];
	_ =	sdelay $0x4  }
0x125: {  	v0 =	vshrl.u32 v0, $0x10  }
0x126: {  	[tilespmem:$0x51A0] =	vst v0  }
0x127: {  	v0 =	vld [tilespmem:s7+$0xB0];
	_ =	sdelay $0x4  }
0x128: {  	v0 =	vshrl.u32 v0, $0x10  }
0x129: {  	[tilespmem:$0x51B0] =	vst v0  }
0x12a: {  	[tilespmem:s12], [sflag:$0x2] =	stream.indirect.gather [hbm4b:s15+s31], $0x80, s0, s31, $0xb8;
	[tilespmem:$0x1D200] =	vst v63  }
0x12b: {  	_ =	swait.ge [sflag:s2], $0x2000  }
0x12c: {  	[sflag:s2] =	ssyncset.done $0x0  }
0x12d: {  	[sflag:s2] =	ssyncadd.s32 $0xFFFFE000  }
0x12e: {  	[spmem:s13] =	stream.indirect.scatter.add.f32 [tilespmem:s30], [sflag:$0x3], $0x80, s3, s31, $0xb8;
	[tilespmem:$0x1D200] =	vst v63  }
0x12f: {  	_ =	swait.ge [sflag:s29], $0x2000  }
0x130: {  	[sflag:s29] =	ssyncset.done $0x0  }
0x131: {  	[sflag:s29] =	ssyncadd.s32 $0xFFFFE000  }
0x132: {  	v63 =	vld [tilespmem:s7+$0x100];
	_ =	sdelay $0x4  }
0x133: {  	v0 =	vand.u32 $0xFFFF, v63  }
0x134: {  	[tilespmem:$0x5000] =	vst v0  }
0x135: {  	v0 =	vld [tilespmem:s7+$0x110];
	_ =	sdelay $0x4  }
0x136: {  	v0 =	vand.u32 $0xFFFF, v0  }
0x137: {  	[tilespmem:$0x5010] =	vst v0  }
0x138: {  	v0 =	vld [tilespmem:s7+$0x120];
	_ =	sdelay $0x4  }
0x139: {  	v0 =	vand.u32 $0xFFFF, v0  }
0x13a: {  	[tilespmem:$0x5020] =	vst v0  }
0x13b: {  	v0 =	vld [tilespmem:s7+$0x130];
	_ =	sdelay $0x4  }
0x13c: {  	v0 =	vand.u32 $0xFFFF, v0  }
0x13d: {  	[tilespmem:$0x5030] =	vst v0  }
0x13e: {  	v0 =	vld [tilespmem:s7+$0x100];
	_ =	sdelay $0x4  }
0x13f: {  	v0 =	vshrl.u32 v0, $0x10  }
0x140: {  	[tilespmem:$0x5100] =	vst v0  }
0x141: {  	v0 =	vld [tilespmem:s7+$0x110];
	_ =	sdelay $0x4  }
0x142: {  	v0 =	vshrl.u32 v0, $0x10  }
0x143: {  	[tilespmem:$0x5110] =	vst v0  }
0x144: {  	v0 =	vld [tilespmem:s7+$0x120];
	_ =	sdelay $0x4  }
0x145: {  	v0 =	vshrl.u32 v0, $0x10  }
0x146: {  	[tilespmem:$0x5120] =	vst v0  }
0x147: {  	v0 =	vld [tilespmem:s7+$0x130];
	_ =	sdelay $0x4  }
0x148: {  	v0 =	vshrl.u32 v0, $0x10  }
0x149: {  	[tilespmem:$0x5130] =	vst v0  }
0x14a: {  	[tilespmem:s30], [sflag:$0x1] =	stream.indirect.gather [hbm4b:s15+s31], $0x80, s11, s31, $0xb8;
	[tilespmem:$0x1D200] =	vst v63  }
0x14b: {  	_ =	swait.ge [sflag:s4], $0x2000  }
0x14c: {  	[sflag:s4] =	ssyncset.done $0x0  }
0x14d: {  	[sflag:s4] =	ssyncadd.s32 $0xFFFFE000  }
0x14e: {  	[spmem:s13] =	stream.indirect.scatter.add.f32 [tilespmem:s12], [sflag:$0x3], $0x80, s5, s31, $0xb8;
	[tilespmem:$0x1D200] =	vst v63  }
0x14f: {  	_ =	swait.ge [sflag:s29], $0x2000  }
0x150: {  	s8 =	simm.s32 $0x800;
	s7 =	simm.s32 $0x400;
	[sflag:s29] =	ssyncset.done $0x0  }
.LBB2_3:
0x151: {  	s9 =	sshra.s32 s7, $0x2  }
0x152: {  	[sflag:s29] =	ssyncadd.s32 $0xFFFFE000;
	s7 =	smov.u32 s8;
	s10 =	sadd.s32 $0x400, s8  }
0x153: {  	p1 =	seq.s32 s8, $0x13800;
	v0 =	vld [tilespmem:s9+$0x80];
	_ =	sdelay $0x4  }
0x154: {  	v0 =	vand.u32 $0xFFFF, v0  }
0x155: {  	[tilespmem:$0x5080] =	vst v0  }
0x156: {  	v0 =	vld [tilespmem:s9+$0x90];
	_ =	sdelay $0x4  }
0x157: {  	v0 =	vand.u32 $0xFFFF, v0  }
0x158: {  	[tilespmem:$0x5090] =	vst v0  }
0x159: {  	v0 =	vld [tilespmem:s9+$0xA0];
	_ =	sdelay $0x4  }
0x15a: {  	v0 =	vand.u32 $0xFFFF, v0  }
0x15b: {  	[tilespmem:$0x50A0] =	vst v0  }
0x15c: {  	v0 =	vld [tilespmem:s9+$0xB0];
	_ =	sdelay $0x4  }
0x15d: {  	v0 =	vand.u32 $0xFFFF, v0  }
0x15e: {  	[tilespmem:$0x50B0] =	vst v0  }
0x15f: {  	v0 =	vld [tilespmem:s9+$0x80];
	_ =	sdelay $0x4  }
0x160: {  	v0 =	vshrl.u32 v0, $0x10  }
0x161: {  	[tilespmem:$0x5180] =	vst v0  }
0x162: {  	v0 =	vld [tilespmem:s9+$0x90];
	_ =	sdelay $0x4  }
0x163: {  	v0 =	vshrl.u32 v0, $0x10  }
0x164: {  	[tilespmem:$0x5190] =	vst v0  }
0x165: {  	v0 =	vld [tilespmem:s9+$0xA0];
	_ =	sdelay $0x4  }
0x166: {  	v0 =	vshrl.u32 v0, $0x10  }
0x167: {  	[tilespmem:$0x51A0] =	vst v0  }
0x168: {  	v0 =	vld [tilespmem:s9+$0xB0];
	_ =	sdelay $0x4  }
0x169: {  	v0 =	vshrl.u32 v0, $0x10  }
0x16a: {  	[tilespmem:$0x51B0] =	vst v0  }
0x16b: {  	[tilespmem:s12], [sflag:$0x2] =	stream.indirect.gather [hbm4b:s15+s31], $0x80, s0, s31, $0xb8;
	[tilespmem:$0x1D200] =	vst v63  }
0x16c: {  	_ =	swait.ge [sflag:s2], $0x2000  }
0x16d: {  	[sflag:s2] =	ssyncset.done $0x0  }
0x16e: {  	[sflag:s2] =	ssyncadd.s32 $0xFFFFE000  }
0x16f: {  	[spmem:s13] =	stream.indirect.scatter.add.f32 [tilespmem:s30], [sflag:$0x3], $0x80, s3, s31, $0xb8;
	[tilespmem:$0x1D200] =	vst v63  }
0x170: {  	_ =	swait.ge [sflag:s29], $0x2000  }
0x171: {  	[sflag:s29] =	ssyncset.done $0x0  }
0x172: {  	[sflag:s29] =	ssyncadd.s32 $0xFFFFE000  }
0x173: {  	v0 =	vld [tilespmem:s9+$0x100];
	_ =	sdelay $0x4  }
0x174: {  	v0 =	vand.u32 $0xFFFF, v0  }
0x175: {  	[tilespmem:$0x5000] =	vst v0  }
0x176: {  	v0 =	vld [tilespmem:s9+$0x110];
	_ =	sdelay $0x4  }
0x177: {  	v0 =	vand.u32 $0xFFFF, v0  }
0x178: {  	[tilespmem:$0x5010] =	vst v0  }
0x179: {  	v0 =	vld [tilespmem:s9+$0x120];
	_ =	sdelay $0x4  }
0x17a: {  	v0 =	vand.u32 $0xFFFF, v0  }
0x17b: {  	[tilespmem:$0x5020] =	vst v0  }
0x17c: {  	v0 =	vld [tilespmem:s9+$0x130];
	_ =	sdelay $0x4  }
0x17d: {  	v0 =	vand.u32 $0xFFFF, v0  }
0x17e: {  	[tilespmem:$0x5030] =	vst v0  }
0x17f: {  	v0 =	vld [tilespmem:s9+$0x100];
	_ =	sdelay $0x4  }
0x180: {  	v0 =	vshrl.u32 v0, $0x10  }
0x181: {  	[tilespmem:$0x5100] =	vst v0  }
0x182: {  	v0 =	vld [tilespmem:s9+$0x110];
	_ =	sdelay $0x4  }
0x183: {  	v0 =	vshrl.u32 v0, $0x10  }
0x184: {  	[tilespmem:$0x5110] =	vst v0  }
0x185: {  	v0 =	vld [tilespmem:s9+$0x120];
	_ =	sdelay $0x4  }
0x186: {  	v0 =	vshrl.u32 v0, $0x10  }
0x187: {  	[tilespmem:$0x5120] =	vst v0  }
0x188: {  	v0 =	vld [tilespmem:s9+$0x130];
	_ =	sdelay $0x4  }
0x189: {  	v0 =	vshrl.u32 v0, $0x10  }
0x18a: {  	[tilespmem:$0x5130] =	vst v0  }
0x18b: {  	[tilespmem:s30], [sflag:$0x1] =	stream.indirect.gather [hbm4b:s15+s31], $0x80, s11, s31, $0xb8;
	[tilespmem:$0x1D200] =	vst v63  }
0x18c: {  	_ =	swait.ge [sflag:s4], $0x2000  }
.Ltmp3:
0x18d: {  	[sflag:s4] =	ssyncset.done $0x0;
	(pc) =	sbr.rel @!p1 .LBB2_3-.Ltmp3, $4  }
0x18e: {  	[sflag:s4] =	ssyncadd.s32 $0xFFFFE000  }
0x18f: {  	[spmem:s13] =	stream.indirect.scatter.add.f32 [tilespmem:s12], [sflag:$0x3], $0x80, s5, s31, $0xb8;
	[tilespmem:$0x1D200] =	vst v63  }
0x190: {  	_ =	swait.ge [sflag:s29], $0x2000  }
0x191: {  	s8 =	smov.u32 s10;
	[sflag:s29] =	ssyncset.done $0x0  }
0x192: {  	s7 =	sshra.s32 s7, $0x2;
	[sflag:s29] =	ssyncadd.s32 $0xFFFFE000  }
0x193: {  	v0 =	vld [tilespmem:s7+$0x80];
	_ =	sdelay $0x4  }
0x194: {  	v0 =	vand.u32 $0xFFFF, v0  }
0x195: {  	[tilespmem:$0x5080] =	vst v0  }
0x196: {  	v0 =	vld [tilespmem:s7+$0x90];
	_ =	sdelay $0x4  }
0x197: {  	v0 =	vand.u32 $0xFFFF, v0  }
0x198: {  	[tilespmem:$0x5090] =	vst v0  }
0x199: {  	v0 =	vld [tilespmem:s7+$0xA0];
	_ =	sdelay $0x4  }
0x19a: {  	v0 =	vand.u32 $0xFFFF, v0  }
0x19b: {  	[tilespmem:$0x50A0] =	vst v0  }
0x19c: {  	v0 =	vld [tilespmem:s7+$0xB0];
	_ =	sdelay $0x4  }
0x19d: {  	v0 =	vand.u32 $0xFFFF, v0  }
0x19e: {  	[tilespmem:$0x50B0] =	vst v0  }
0x19f: {  	v0 =	vld [tilespmem:s7+$0x80];
	_ =	sdelay $0x4  }
0x1a0: {  	v0 =	vshrl.u32 v0, $0x10  }
0x1a1: {  	[tilespmem:$0x5180] =	vst v0  }
0x1a2: {  	v0 =	vld [tilespmem:s7+$0x90];
	_ =	sdelay $0x4  }
0x1a3: {  	v0 =	vshrl.u32 v0, $0x10  }
0x1a4: {  	[tilespmem:$0x5190] =	vst v0  }
0x1a5: {  	v0 =	vld [tilespmem:s7+$0xA0];
	_ =	sdelay $0x4  }
0x1a6: {  	v0 =	vshrl.u32 v0, $0x10  }
0x1a7: {  	[tilespmem:$0x51A0] =	vst v0  }
0x1a8: {  	v0 =	vld [tilespmem:s7+$0xB0];
	_ =	sdelay $0x4  }
0x1a9: {  	v0 =	vshrl.u32 v0, $0x10  }
0x1aa: {  	[tilespmem:$0x51B0] =	vst v0  }
0x1ab: {  	[tilespmem:s12], [sflag:$0x2] =	stream.indirect.gather [hbm4b:s15+s31], $0x80, s0, s31, $0xb8;
	[tilespmem:$0x1D200] =	vst v63  }
0x1ac: {  	_ =	swait.ge [sflag:s2], $0x2000  }
0x1ad: {  	[sflag:s2] =	ssyncset.done $0x0  }
0x1ae: {  	[sflag:s2] =	ssyncadd.s32 $0xFFFFE000  }
0x1af: {  	[spmem:s13] =	stream.indirect.scatter.add.f32 [tilespmem:s30], [sflag:$0x3], $0x80, s3, s31, $0xb8;
	[tilespmem:$0x1D200] =	vst v63  }
0x1b0: {  	_ =	swait.ge [sflag:s29], $0x2000  }
0x1b1: {  	[sflag:s29] =	ssyncset.done $0x0  }
0x1b2: {  	[sflag:s29] =	ssyncadd.s32 $0xFFFFE000  }
0x1b3: {  	v63 =	vld [tilespmem:s7+$0x100];
	_ =	sdelay $0x4  }
0x1b4: {  	v0 =	vand.u32 $0xFFFF, v63  }
0x1b5: {  	[tilespmem:$0x5000] =	vst v0  }
0x1b6: {  	v0 =	vld [tilespmem:s7+$0x110];
	_ =	sdelay $0x4  }
0x1b7: {  	v0 =	vand.u32 $0xFFFF, v0  }
0x1b8: {  	[tilespmem:$0x5010] =	vst v0  }
0x1b9: {  	v0 =	vld [tilespmem:s7+$0x120];
	_ =	sdelay $0x4  }
0x1ba: {  	v0 =	vand.u32 $0xFFFF, v0  }
0x1bb: {  	[tilespmem:$0x5020] =	vst v0  }
0x1bc: {  	v0 =	vld [tilespmem:s7+$0x130];
	_ =	sdelay $0x4  }
0x1bd: {  	v0 =	vand.u32 $0xFFFF, v0  }
0x1be: {  	[tilespmem:$0x5030] =	vst v0  }
0x1bf: {  	v0 =	vld [tilespmem:s7+$0x100];
	_ =	sdelay $0x4  }
0x1c0: {  	v0 =	vshrl.u32 v0, $0x10  }
0x1c1: {  	[tilespmem:$0x5100] =	vst v0  }
0x1c2: {  	v0 =	vld [tilespmem:s7+$0x110];
	_ =	sdelay $0x4  }
0x1c3: {  	v0 =	vshrl.u32 v0, $0x10  }
0x1c4: {  	[tilespmem:$0x5110] =	vst v0  }
0x1c5: {  	v0 =	vld [tilespmem:s7+$0x120];
	_ =	sdelay $0x4  }
0x1c6: {  	v0 =	vshrl.u32 v0, $0x10  }
0x1c7: {  	[tilespmem:$0x5120] =	vst v0  }
0x1c8: {  	v0 =	vld [tilespmem:s7+$0x130];
	_ =	sdelay $0x4  }
0x1c9: {  	v0 =	vshrl.u32 v0, $0x10  }
0x1ca: {  	[tilespmem:$0x5130] =	vst v0  }
0x1cb: {  	[tilespmem:s30], [sflag:$0x1] =	stream.indirect.gather [hbm4b:s15+s31], $0x80, s11, s31, $0xb8;
	[tilespmem:$0x1D200] =	vst v63  }
0x1cc: {  	_ =	swait.ge [sflag:s4], $0x2000  }
0x1cd: {  	[sflag:s4] =	ssyncset.done $0x0  }
.Ltmp4:
0x1ce: {  	[sflag:s4] =	ssyncadd.s32 $0xFFFFE000;
	(pc) =	sbr.rel .LBB2_8-.Ltmp4, $4  }
0x1cf: {  	[spmem:s13] =	stream.indirect.scatter.add.f32 [tilespmem:s12], [sflag:$0x3], $0x80, s5, s31, $0xb8;
	[tilespmem:$0x1D200] =	vst v63  }
0x1d0: {  	_ =	swait.ge [sflag:s29], $0x2000  }
0x1d1: {  	[sflag:s29] =	ssyncset.done $0x0  }
0x1d2: {  	[sflag:s29] =	ssyncadd.s32 $0xFFFFE000  }
.LBB2_5:
0x1d3: {  	v0 =	vld [tilespmem:s7+$0x80];
	_ =	sdelay $0x4  }
0x1d4: {  	v0 =	vand.u32 $0xFFFF, v0  }
0x1d5: {  	[tilespmem:$0x5080] =	vst v0  }
0x1d6: {  	v0 =	vld [tilespmem:s7+$0x90];
	_ =	sdelay $0x4  }
0x1d7: {  	v0 =	vand.u32 $0xFFFF, v0  }
0x1d8: {  	[tilespmem:$0x5090] =	vst v0  }
0x1d9: {  	v0 =	vld [tilespmem:s7+$0xA0];
	_ =	sdelay $0x4  }
0x1da: {  	v0 =	vand.u32 $0xFFFF, v0  }
0x1db: {  	[tilespmem:$0x50A0] =	vst v0  }
0x1dc: {  	v0 =	vld [tilespmem:s7+$0xB0];
	_ =	sdelay $0x4  }
0x1dd: {  	v0 =	vand.u32 $0xFFFF, v0  }
0x1de: {  	[tilespmem:$0x50B0] =	vst v0  }
0x1df: {  	v0 =	vld [tilespmem:s7+$0x80];
	_ =	sdelay $0x4  }
0x1e0: {  	v0 =	vshrl.u32 v0, $0x10  }
0x1e1: {  	[tilespmem:$0x5180] =	vst v0  }
0x1e2: {  	v0 =	vld [tilespmem:s7+$0x90];
	_ =	sdelay $0x4  }
0x1e3: {  	v0 =	vshrl.u32 v0, $0x10  }
0x1e4: {  	[tilespmem:$0x5190] =	vst v0  }
0x1e5: {  	v0 =	vld [tilespmem:s7+$0xA0];
	_ =	sdelay $0x4  }
0x1e6: {  	v0 =	vshrl.u32 v0, $0x10  }
0x1e7: {  	[tilespmem:$0x51A0] =	vst v0  }
0x1e8: {  	v0 =	vld [tilespmem:s7+$0xB0];
	_ =	sdelay $0x4  }
0x1e9: {  	v0 =	vshrl.u32 v0, $0x10  }
0x1ea: {  	[tilespmem:$0x51B0] =	vst v0  }
0x1eb: {  	[tilespmem:s12], [sflag:$0x2] =	stream.indirect.gather [hbm4b:s15+s31], $0x80, s0, s31, $0xb8;
	[tilespmem:$0x1D200] =	vst v63  }
0x1ec: {  	_ =	swait.ge [sflag:s2], $0x2000  }
0x1ed: {  	[sflag:s2] =	ssyncset.done $0x0  }
0x1ee: {  	[sflag:s2] =	ssyncadd.s32 $0xFFFFE000  }
0x1ef: {  	[spmem:s13] =	stream.indirect.scatter.add.f32 [tilespmem:s30], [sflag:$0x3], $0x80, s3, s31, $0xb8;
	[tilespmem:$0x1D200] =	vst v63  }
0x1f0: {  	_ =	swait.ge [sflag:s29], $0x2000  }
0x1f1: {  	[sflag:s29] =	ssyncset.done $0x0  }
0x1f2: {  	[sflag:s29] =	ssyncadd.s32 $0xFFFFE000  }
0x1f3: {  	v63 =	vld [tilespmem:s7+$0x100];
	_ =	sdelay $0x4  }
0x1f4: {  	v0 =	vand.u32 $0xFFFF, v63  }
0x1f5: {  	[tilespmem:$0x5000] =	vst v0  }
0x1f6: {  	v0 =	vld [tilespmem:s7+$0x110];
	_ =	sdelay $0x4  }
0x1f7: {  	v0 =	vand.u32 $0xFFFF, v0  }
0x1f8: {  	[tilespmem:$0x5010] =	vst v0  }
0x1f9: {  	v0 =	vld [tilespmem:s7+$0x120];
	_ =	sdelay $0x4  }
0x1fa: {  	v0 =	vand.u32 $0xFFFF, v0  }
0x1fb: {  	[tilespmem:$0x5020] =	vst v0  }
0x1fc: {  	v0 =	vld [tilespmem:s7+$0x130];
	_ =	sdelay $0x4  }
0x1fd: {  	v0 =	vand.u32 $0xFFFF, v0  }
0x1fe: {  	[tilespmem:$0x5030] =	vst v0  }
0x1ff: {  	v0 =	vld [tilespmem:s7+$0x100];
	_ =	sdelay $0x4  }
0x200: {  	v0 =	vshrl.u32 v0, $0x10  }
0x201: {  	[tilespmem:$0x5100] =	vst v0  }
0x202: {  	v0 =	vld [tilespmem:s7+$0x110];
	_ =	sdelay $0x4  }
0x203: {  	v0 =	vshrl.u32 v0, $0x10  }
0x204: {  	[tilespmem:$0x5110] =	vst v0  }
0x205: {  	v0 =	vld [tilespmem:s7+$0x120];
	_ =	sdelay $0x4  }
0x206: {  	v0 =	vshrl.u32 v0, $0x10  }
0x207: {  	[tilespmem:$0x5120] =	vst v0  }
0x208: {  	v0 =	vld [tilespmem:s7+$0x130];
	_ =	sdelay $0x4  }
0x209: {  	v0 =	vshrl.u32 v0, $0x10  }
0x20a: {  	[tilespmem:$0x5130] =	vst v0  }
0x20b: {  	[tilespmem:s30], [sflag:$0x1] =	stream.indirect.gather [hbm4b:s15+s31], $0x80, s11, s31, $0xb8;
	[tilespmem:$0x1D200] =	vst v63  }
0x20c: {  	_ =	swait.ge [sflag:s4], $0x2000  }
0x20d: {  	[sflag:s4] =	ssyncset.done $0x0  }
0x20e: {  	[sflag:s4] =	ssyncadd.s32 $0xFFFFE000  }
0x20f: {  	[spmem:s13] =	stream.indirect.scatter.add.f32 [tilespmem:s12], [sflag:$0x3], $0x80, s5, s31, $0xb8;
	[tilespmem:$0x1D200] =	vst v63  }
0x210: {  	_ =	swait.ge [sflag:s29], $0x2000  }
0x211: {  	s10 =	simm.s32 $0x800;
	s7 =	simm.s32 $0x400;
	[sflag:s29] =	ssyncset.done $0x0  }
.LBB2_6:
0x212: {  	s9 =	sshra.s32 s7, $0x2  }
0x213: {  	[sflag:s29] =	ssyncadd.s32 $0xFFFFE000;
	s7 =	smov.u32 s10;
	s8 =	sadd.s32 $0x400, s10  }
0x214: {  	p1 =	sne.s32 s10, $0x13800;
	v0 =	vld [tilespmem:s9+$0x80];
	_ =	sdelay $0x4  }
0x215: {  	v0 =	vand.u32 $0xFFFF, v0  }
0x216: {  	[tilespmem:$0x5080] =	vst v0  }
0x217: {  	v0 =	vld [tilespmem:s9+$0x90];
	_ =	sdelay $0x4  }
0x218: {  	v0 =	vand.u32 $0xFFFF, v0  }
0x219: {  	[tilespmem:$0x5090] =	vst v0  }
0x21a: {  	v0 =	vld [tilespmem:s9+$0xA0];
	_ =	sdelay $0x4  }
0x21b: {  	v0 =	vand.u32 $0xFFFF, v0  }
0x21c: {  	[tilespmem:$0x50A0] =	vst v0  }
0x21d: {  	v0 =	vld [tilespmem:s9+$0xB0];
	_ =	sdelay $0x4  }
0x21e: {  	v0 =	vand.u32 $0xFFFF, v0  }
0x21f: {  	[tilespmem:$0x50B0] =	vst v0  }
0x220: {  	v0 =	vld [tilespmem:s9+$0x80];
	_ =	sdelay $0x4  }
0x221: {  	v0 =	vshrl.u32 v0, $0x10  }
0x222: {  	[tilespmem:$0x5180] =	vst v0  }
0x223: {  	v0 =	vld [tilespmem:s9+$0x90];
	_ =	sdelay $0x4  }
0x224: {  	v0 =	vshrl.u32 v0, $0x10  }
0x225: {  	[tilespmem:$0x5190] =	vst v0  }
0x226: {  	v0 =	vld [tilespmem:s9+$0xA0];
	_ =	sdelay $0x4  }
0x227: {  	v0 =	vshrl.u32 v0, $0x10  }
0x228: {  	[tilespmem:$0x51A0] =	vst v0  }
0x229: {  	v0 =	vld [tilespmem:s9+$0xB0];
	_ =	sdelay $0x4  }
0x22a: {  	v0 =	vshrl.u32 v0, $0x10  }
0x22b: {  	[tilespmem:$0x51B0] =	vst v0  }
0x22c: {  	[tilespmem:s12], [sflag:$0x2] =	stream.indirect.gather [hbm4b:s15+s31], $0x80, s0, s31, $0xb8;
	[tilespmem:$0x1D200] =	vst v63  }
0x22d: {  	_ =	swait.ge [sflag:s2], $0x2000  }
0x22e: {  	[sflag:s2] =	ssyncset.done $0x0  }
0x22f: {  	[sflag:s2] =	ssyncadd.s32 $0xFFFFE000  }
0x230: {  	[spmem:s13] =	stream.indirect.scatter.add.f32 [tilespmem:s30], [sflag:$0x3], $0x80, s3, s31, $0xb8;
	[tilespmem:$0x1D200] =	vst v63  }
0x231: {  	_ =	swait.ge [sflag:s29], $0x2000  }
0x232: {  	[sflag:s29] =	ssyncset.done $0x0  }
0x233: {  	[sflag:s29] =	ssyncadd.s32 $0xFFFFE000  }
0x234: {  	v0 =	vld [tilespmem:s9+$0x100];
	_ =	sdelay $0x4  }
0x235: {  	v0 =	vand.u32 $0xFFFF, v0  }
0x236: {  	[tilespmem:$0x5000] =	vst v0  }
0x237: {  	v0 =	vld [tilespmem:s9+$0x110];
	_ =	sdelay $0x4  }
0x238: {  	v0 =	vand.u32 $0xFFFF, v0  }
0x239: {  	[tilespmem:$0x5010] =	vst v0  }
0x23a: {  	v0 =	vld [tilespmem:s9+$0x120];
	_ =	sdelay $0x4  }
0x23b: {  	v0 =	vand.u32 $0xFFFF, v0  }
0x23c: {  	[tilespmem:$0x5020] =	vst v0  }
0x23d: {  	v0 =	vld [tilespmem:s9+$0x130];
	_ =	sdelay $0x4  }
0x23e: {  	v0 =	vand.u32 $0xFFFF, v0  }
0x23f: {  	[tilespmem:$0x5030] =	vst v0  }
0x240: {  	v0 =	vld [tilespmem:s9+$0x100];
	_ =	sdelay $0x4  }
0x241: {  	v0 =	vshrl.u32 v0, $0x10  }
0x242: {  	[tilespmem:$0x5100] =	vst v0  }
0x243: {  	v0 =	vld [tilespmem:s9+$0x110];
	_ =	sdelay $0x4  }
0x244: {  	v0 =	vshrl.u32 v0, $0x10  }
0x245: {  	[tilespmem:$0x5110] =	vst v0  }
0x246: {  	v0 =	vld [tilespmem:s9+$0x120];
	_ =	sdelay $0x4  }
0x247: {  	v0 =	vshrl.u32 v0, $0x10  }
0x248: {  	[tilespmem:$0x5120] =	vst v0  }
0x249: {  	v0 =	vld [tilespmem:s9+$0x130];
	_ =	sdelay $0x4  }
0x24a: {  	v0 =	vshrl.u32 v0, $0x10  }
0x24b: {  	[tilespmem:$0x5130] =	vst v0  }
0x24c: {  	[tilespmem:s30], [sflag:$0x1] =	stream.indirect.gather [hbm4b:s15+s31], $0x80, s11, s31, $0xb8;
	[tilespmem:$0x1D200] =	vst v63  }
0x24d: {  	_ =	swait.ge [sflag:s4], $0x2000  }
.Ltmp5:
0x24e: {  	[sflag:s4] =	ssyncset.done $0x0;
	(pc) =	sbr.rel @p1 .LBB2_6-.Ltmp5, $4  }
0x24f: {  	[sflag:s4] =	ssyncadd.s32 $0xFFFFE000  }
0x250: {  	[spmem:s13] =	stream.indirect.scatter.add.f32 [tilespmem:s12], [sflag:$0x3], $0x80, s5, s31, $0xb8;
	[tilespmem:$0x1D200] =	vst v63  }
0x251: {  	_ =	swait.ge [sflag:s29], $0x2000  }
0x252: {  	s10 =	smov.u32 s8;
	[sflag:s29] =	ssyncset.done $0x0  }
.Ltmp6:
0x253: {  	_ = 	snop;
	(pc) =	sbr.rel .LBB2_7-.Ltmp6, $1  }
0x254: {  	_ =	sdelay $0x3  }
.LBB2_9:
0x255: {  	_ =	sfence.sel $0x180000  }
0x256: {  	[bflag:$0x0] =	sbarrier.arrive $0xFFFF  }
0x257: {  	_ =	strace $0x9000004D  }
0x258: {  	s0 =	stileid.u32;
	[bflag:$0x2] =	sbarrier.arrive $0xFFFF  }
0x259: {  	p0 =	sne.s32 s0, $0x0;
	s0 =	rddreg [dreg:$0x3]  }
0x25a: {  	s0 =	sadd.s32 @!p0 $0x100000, s0  }
0x25b: {  	[sflag:s0] =	ssyncadd.tile.s32 @!p0 $0x1;
	_ =	shalt  }
.Lfunc_end2:
_tile_overlayer_lowered:
.L_overlay_start_2:
0x25c: {  	(tag) =	ssettag $0x2  }
0x25d: {  	s0 =	rddreg [dreg:$0x0];
	s2 =	stileid.u32  }
0x25e: {  	s1 =	rddreg [dreg:$0x1];
	p0 =	sne.s32 s2, $0x0  }
0x25f: {  	s3 =	rddreg [dreg:$0x2];
	[bflag:$0x3] =	sbarrier.arrive $0xFFFF;
	s2 =	simm.s32 @!p0 $0x1C03  }
0x260: {  	[timem:s3], [sflag:s2] =	dma.local @!p0 [hbm:s0], s1  }
0x261: {  	s0 =	simm.s32 @!p0 $0x3  }
0x262: {  	_ =	swait.ge @!p0 [sflag:s0], s1  }
0x263: {  	s1 =	ssub.s32 @!p0 $0x0, s1;
	[sflag:s0] =	ssyncset.done @!p0 $0x0  }
0x264: {  	[sflag:s0] =	ssyncadd.s32 @!p0 s1  }
0x265: {  	[bflag:$0x3] =	sbarrier.arrive $0xFFFF  }
0x266: {  	_ =	shalt  }

// kernel: kernel.8.cloned.1.call-start
scs
__scs_entry_jumppad:
0x0: {  	(pc) =	sbr.rel $0x88, $3  }
0x1: {  	(tag) =	ssettag $0x0;
	lr =	simm.s32 $0x1  }
0x2: {  	[smem:$0x3F8E] =	sst lr;
	_ =	strace $0xD0000000  }
0x3: {  	_ = 	snop  }
0x4: {  	_ = 	snop  }
0x5: {  	_ = 	snop  }
0x6: {  	_ = 	snop  }
0x7: {  	_ = 	snop  }
__scs_overlays_trampoline_lowered:
0x8: {  	[smem:$0x3F9D] =	sst s0  }
0x9: {  	[smem:$0x3F9E] =	sst s1  }
0xa: {  	[smem:$0x3F9F] =	sst s2  }
0xb: {  	[smem:$0x3FA0] =	sst s3  }
0xc: {  	[smem:$0x3FA1] =	sst s4  }
0xd: {  	[smem:$0x3FA2] =	sst s5  }
0xe: {  	[smem:$0x3FA3] =	sst s6  }
0xf: {  	[smem:$0x3FA4] =	sst s7  }
0x10: {  	[smem:$0x3FA5] =	sst s8  }
0x11: {  	[smem:$0x3FA6] =	sst s9;
	s0 =	simm.s32 @!p0 $0x0  }
0x12: {  	s1 =	sld [smem:$0x3F8C];
	s0 =	simm.s32 @p0 $0x1  }
0x13: {  	[smem:$0x3FA7] =	sst s0;
	s0 =	simm.s32 @!p1 $0x0  }
0x14: {  	s2 =	sld [smem:$0x3F8B];
	s0 =	simm.s32 @p1 $0x1  }
0x15: {  	[smem:$0x3FA8] =	sst s0;
	s0 =	simm.s32 @!p2 $0x0  }
0x16: {  	s3 =	sld [smem:$0x3FDB];
	s0 =	simm.s32 @p2 $0x1  }
0x17: {  	s4 =	simm.s32 $0x1BF5;
	[smem:$0x3FAA] =	sst s0  }
0x18: {  	s0 =	sld [smem:$0x3F8D];
	_ =	swait.ge [sflag:s4], $0x0  }
0x19: {  	s7 =	sld [smem:$0x3F8E]  }
0x1a: {  	s8 =	sadd.s32 $0xFFFFE003, lr  }
0x1b: {  	s9 =	sadd.s32 $0xFFFFFEF7, lr;
	s5 =	simm.s32 $0xFFFFFFFF;
	p2 =	slt.u32 s8, $0xFFFFF086  }
0x1c: {  	p1 =	slt.u32 s9, $0xF7A;
	s5 =	simm.s32 @!p2 $0x0  }
0x1d: {  	s5 =	simm.s32 @p1 $0x1;
	p0 =	seq.s32 s7, s2  }
0x1e: {  	s7 =	smul.u32 @!p0 $0xF7A, s2;
	p2 =	seq.s32 @!p0 s5, $0x0  }
0x1f: {  	s9 =	smul.u32 $0xF7A, s1;
	s8 =	simm.s32 @!p0 $0x1BF5;
	p2 =	por !p2, p0  }
0x20: {  	[sflag:s8] =	ssyncset.s32 @!p0 $0xFFFFF086;
	s6 =	sadd.s32 @!p0 s3, s7;
	s7 =	simm.s32 @!p0 $0x108  }
0x21: {  	s3 =	sadd.s32 s3, s9;
	s6 =	sadd.s32 @!p0 $0x88, s6;
	s7 =	simm.s32 @p2 $0x1082  }
0x22: {  	[simem:s7], [sflag:s8] =	dma.local @!p0 [hbm:s6], $0xF7A  }
0x23: {  	s9 =	sor.u32 $0xD0000000, s2;
	s6 =	simm.s32 $0x108;
	_ =	swait.ge @!p0 [sflag:s8], $0x0  }
0x24: {  	s3 =	sadd.s32 $0x88, s3;
	s6 =	simm.s32 @!p1 $0x1082;
	[sflag:s4] =	ssyncset.s32 $0xFFFFF086  }
0x25: {  	[simem:s6], [sflag:s4] =	dma.local [hbm:s3], $0xF7A  }
0x26: {  	[smem:$0x3F8E] =	sst s1;
	(tag) =	ssettag s2;
	_ =	strace s9  }
0x27: {  	s1 =	sld [smem:$0x3F9E]  }
0x28: {  	s2 =	sld [smem:$0x3F9F]  }
0x29: {  	s4 =	sld [smem:$0x3FA1]  }
0x2a: {  	p0 =	seq.s32 s5, $0x0;
	s5 =	sld [smem:$0x3FA2]  }
0x2b: {  	s6 =	sld [smem:$0x3FA3]  }
0x2c: {  	s7 =	sld [smem:$0x3FA4]  }
0x2d: {  	s3 =	simm.s32 $0x108;
	s8 =	sld [smem:$0x3FA5]  }
0x2e: {  	s3 =	simm.s32 @!p0 $0x1082;
	s9 =	sld [smem:$0x3FA6]  }
0x2f: {  	lr =	sadd.s32 s0, s3;
	s0 =	sld [smem:$0x3F9D]  }
0x30: {  	s3 =	sld [smem:$0x3FA0]  }
0x31: {  	[smem:$0x3FA9] =	sst s10  }
0x32: {  	s10 =	sld [smem:$0x3FA7];
	_ =	sdelay $0x3  }
0x33: {  	p0 =	seq.s32 s10, $0x1;
	s10 =	sld [smem:$0x3FA9];
	_ =	sdelay $0x3  }
0x34: {  	[smem:$0x3FA9] =	sst s10  }
0x35: {  	s10 =	sld [smem:$0x3FA8];
	_ =	sdelay $0x3  }
0x36: {  	p1 =	seq.s32 s10, $0x1;
	s10 =	sld [smem:$0x3FA9];
	_ =	sdelay $0x3  }
0x37: {  	[smem:$0x3FA9] =	sst s10  }
0x38: {  	s10 =	sld [smem:$0x3FAA]  }
0x39: {  	_ = 	snop;
	(pc) =	sbr.ind lr, $3  }
0x3a: {  	_ = 	snop  }
0x3b: {  	_ = 	snop  }
0x3c: {  	p2 =	seq.s32 s10, $0x1;
	s10 =	sld [smem:$0x3FA9]  }
0x3d: {  	_ =	shalt  }
0x3e: {  	_ =	shalt  }
0x3f: {  	_ =	shalt  }
0x40: {  	_ =	shalt  }
0x41: {  	_ =	shalt  }
0x42: {  	_ =	shalt  }
0x43: {  	_ =	shalt  }
0x44: {  	_ =	shalt  }
0x45: {  	_ =	shalt  }
0x46: {  	_ =	shalt  }
0x47: {  	_ =	shalt  }
0x48: {  	_ =	shalt  }
0x49: {  	_ =	shalt  }
0x4a: {  	_ =	shalt  }
0x4b: {  	_ =	shalt  }
0x4c: {  	_ =	shalt  }
0x4d: {  	_ =	shalt  }
0x4e: {  	_ =	shalt  }
0x4f: {  	_ =	shalt  }
0x50: {  	_ =	shalt  }
0x51: {  	_ =	shalt  }
0x52: {  	_ =	shalt  }
0x53: {  	_ =	shalt  }
0x54: {  	_ =	shalt  }
0x55: {  	_ =	shalt  }
0x56: {  	_ =	shalt  }
0x57: {  	_ =	shalt  }
0x58: {  	_ =	shalt  }
0x59: {  	_ =	shalt  }
0x5a: {  	_ =	shalt  }
0x5b: {  	_ =	shalt  }
0x5c: {  	_ =	shalt  }
0x5d: {  	_ =	shalt  }
0x5e: {  	_ =	shalt  }
0x5f: {  	_ =	shalt  }
0x60: {  	_ =	shalt  }
0x61: {  	_ =	shalt  }
0x62: {  	_ =	shalt  }
0x63: {  	_ =	shalt  }
0x64: {  	_ =	shalt  }
0x65: {  	_ =	shalt  }
0x66: {  	_ =	shalt  }
0x67: {  	_ =	shalt  }
0x68: {  	_ =	shalt  }
0x69: {  	_ =	shalt  }
0x6a: {  	_ =	shalt  }
0x6b: {  	_ =	shalt  }
0x6c: {  	_ =	shalt  }
0x6d: {  	_ =	shalt  }
0x6e: {  	_ =	shalt  }
0x6f: {  	_ =	shalt  }
0x70: {  	_ =	shalt  }
0x71: {  	_ =	shalt  }
0x72: {  	_ =	shalt  }
0x73: {  	_ =	shalt  }
0x74: {  	_ =	shalt  }
0x75: {  	_ =	shalt  }
0x76: {  	_ =	shalt  }
0x77: {  	_ =	shalt  }
0x78: {  	_ =	shalt  }
0x79: {  	_ =	shalt  }
0x7a: {  	_ =	shalt  }
0x7b: {  	_ =	shalt  }
0x7c: {  	_ =	shalt  }
0x7d: {  	_ =	shalt  }
0x7e: {  	_ =	shalt  }
0x7f: {  	_ =	shalt  }
0x80: {  	_ =	shalt  }
0x81: {  	_ =	shalt  }
0x82: {  	_ =	shalt  }
0x83: {  	_ =	shalt  }
0x84: {  	_ =	shalt  }
0x85: {  	_ =	shalt  }
0x86: {  	_ =	shalt  }
0x87: {  	_ =	shalt  }
.Lfunc_end0:
.L_simem_size_0:
called_computation_lowered:
.L_overlay_start_0:
0x88: {  	s2 =	sld [smem:$0x3FD9]  }
0x89: {  	s3 =	sld [smem:$0x3FFE];
	_ =	sdelay $0x1  }
0x8a: {  	s1 =	srdreg.scid  }
0x8b: {  	s0 =	sand.u32 $0x1, s1  }
0x8c: {  	s14 =	sshll.u32 s0, $0xA;
	s2 =	sadd.s32 s3, s2  }
0x8d: {  	s2 =	sadd.s32 s2, s14  }
0x8e: {  	[smem:$0x3FB5] =	sst s2  }
0x8f: {  	_ = 	snop  }
0x90: {  	s2 =	sld [smem:$0x3FD0];
	_ =	sdelay $0x2  }
0x91: {  	s15 =	simm.s32 $0xA;
	s4 =	simm.s32 $0x10  }
0x92: {  	[smem:s4], [sflag:s15] =	dma.local [hbm:s2], $0x1  }
0x93: {  	_ =	swait.eq [sflag:s15], $0x1  }
0x94: {  	[sflag:s15] =	ssyncset.done $0x0  }
0x95: {  	s16 =	sld [smem:$0x10];
	[sflag:s15] =	ssyncadd.s32 $0xFFFFFFFF  }
0x96: {  	s17 =	sld [smem:$0x11];
	(tm) =	ssettm $0x1  }
0x97: {  	s18 =	sld [smem:$0x3FFB];
	_ =	sdelay $0x3  }
0x98: {  	_ =	strace s18  }
0x99: {  	s4 =	sld [smem:$0x3FFC];
	_ =	sdelay $0x3  }
0x9a: {  	_ =	strace s4  }
0x9b: {  	s4 =	sld [smem:$0x3FFD];
	_ =	sdelay $0x3  }
0x9c: {  	_ =	strace s4  }
0x9d: {  	_ =	strace $0x8FFFFFFF  }
0x9e: {  	s19 =	sld [smem:$0x3FDB];
	_ =	sdelay $0x1  }
0x9f: {  	s5 =	simm.s32 $_scs_section_size  }
0xa0: {  	s6 =	simm.s32 $_size__tile_overlayer_lowered;
	s7 =	simm.s32 $_tile_overlayer_lowered  }
0xa1: {  	s22 =	simm.s32 $0x1BFF;
	s21 =	sshll.u32 s7, $0x1;
	s4 =	sadd.s32 s5, s19  }
0xa2: {  	s8 =	simm.s32 $0x0;
	s20 =	sshll.u32 s6, $0x1;
	s6 =	sadd.s32 s21, s4  }
0xa3: {  	[timem:s8], [sflag:s22] =	dma.local [hbm:s6], s20  }
0xa4: {  	_ =	swait.ge [sflag:s22], s20  }
0xa5: {  	s5 =	ssub.s32 $0x0, s20;
	[sflag:s22] =	ssyncset.done $0x0  }
0xa6: {  	[sflag:s22] =	ssyncadd.s32 s5;
	_ =	sdelay $0x1  }
0xa7: {  	s23 =	simm.s32 $0x1B8B  }
0xa8: {  	_ =	swait.ge [sflag:s23], $0x1  }
0xa9: {  	[sflag:s23] =	ssyncset.done $0x0  }
0xaa: {  	s25 =	simm.s32 $0x1B8E;
	s24 =	sld [smem:$0x3FFE];
	[sflag:s23] =	ssyncadd.s32 $0xFFFFFFFF  }
0xab: {  	s26 =	simm.s32 $execute0_lowered;
	[smem:$0x3FD2] =	sst s25  }
0xac: {  	s6 =	sshll.u32 s26, $0x1;
	_ =	strace $0x80000046;
	[dreg:$0x1] =	wrdreg $0xFFFFFFFF  }
0xad: {  	s28 =	simm.s32 $_size_execute0_lowered;
	s4 =	sadd.s32 s4, s6;
	[dreg:$0x0] =	wrdreg $0x0  }
0xae: {  	s6 =	sshll.u32 s28, $0x1;
	[dreg:$0x2] =	wrdreg s4  }
0xaf: {  	[dreg:$0x3] =	wrdreg s6  }
0xb0: {  	[dreg:$0x4] =	wrdreg $0xC0  }
0xb1: {  	_ =	task [dreg:s8], $0x5FFFF  }
0xb2: {  	[dreg:$0x1] =	wrdreg $0xFFFFFFFF  }
0xb3: {  	[dreg:$0x0] =	wrdreg $0x60  }
0xb4: {  	[dreg:$0x2] =	wrdreg s24  }
0xb5: {  	[dreg:$0x3] =	wrdreg s17  }
0xb6: {  	[dreg:$0x4] =	wrdreg s16  }
0xb7: {  	[dreg:$0x5] =	wrdreg $0x91000  }
0xb8: {  	[dreg:$0x6] =	wrdreg $0x9  }
0xb9: {  	_ =	task.clear_ibuf [dreg:s8], $0x7FFFF;
	_ =	strace $0x90000046  }
0xba: {  	s29 =	simm.s32 $0x9;
	_ =	strace $0x80000048  }
0xbb: {  	_ =	swait.ge [sflag:s29], $0x1  }
0xbc: {  	[sflag:s29] =	ssyncadd.s32 $0xFFFFFFFF  }
0xbd: {  	_ =	strace $0x90000048  }
0xbe: {  	_ =	sfence  }
0xbf: {  	s30 =	sld [smem:$0x0];
	_ =	sdelay $0x2  }
0xc0: {  	s31 =	sshll.u32 s1, $0xD;
	s1 =	sshrl.u32 s1, $0x2  }
0xc1: {  	s3 =	sand.u32 $0x4000, s31;
	s1 =	sadd.s32 s1, s30  }
0xc2: {  	s0 =	sor.u32 s3, s0;
	s1 =	sshll.u32 s1, $0x11  }
0xc3: {  	s0 =	sor.u32 s1, s0  }
0xc4: {  	s0 =	sadd.s32 $0x8F2B, s0  }
0xc5: {  	[sflag:s0] =	ssyncadd.remote.s32 $0x1  }
0xc6: {  	_ =	sfence.sel $0xFFFF  }
0xc7: {  	[dreg:$0x0] =	wrdreg $0xFFFFFFFF;
	(pc) =	sbr.abs _section_cstart, $3  }
0xc8: {  	[dreg:$0x1] =	wrdreg $0xFFFFFFFF  }
0xc9: {  	_ =	task.clear_ibuf [dreg:s8], $0x2FFFF;
	_ =	strace $0x9FFFFFFF  }
0xca: {  	(tm) =	ssettm $0x7FFFFFFF  }
0xcb: {  	_ =	shalt  }
tec
execute0_lowered:
.L_overlay_start_1:
0x0: {  	(tag) =	ssettag $0x1  }
0x1: {  	s0 =	srdreg.scid  }
0x2: {  	s1 =	rddreg [dreg:$0x0];
	s14 =	stileid.u32  }
0x3: {  	s3 =	simm.s32 $0x0;
	s29 =	simm.s32 $0x3;
	s30 =	simm.s32 $0x5100  }
0x4: {  	s31 =	simm.s32 $0x7100;
	s0 =	sand.u32 $0x1, s0;
	[smem:$0x7FF] =	sst s3  }
0x5: {  	s6 =	smul.u32 $0x14000, s14;
	s2 =	sshll.u32 s0, $0x4;
	s4 =	ssub.s32 $0x2, s0  }
0x6: {  	s0 =	smul.u32 $0x140000, s0;
	s2 =	sor.u32 s14, s2;
	s5 =	sshrl.u32 s4, $0x1  }
0x7: {  	s7 =	sadd.s32 $0x4000, s6;
	s12 =	sadd.s32 $0x6000, s6;
	s21 =	sadd.s32 $0x8000, s6  }
0x8: {  	s22 =	sadd.s32 $0xA000, s6;
	s23 =	sadd.s32 $0xC000, s6;
	s24 =	sadd.s32 $0xE000, s6  }
0x9: {  	s25 =	sadd.s32 $0x10000, s6;
	s26 =	sadd.s32 $0x12000, s6;
	s2 =	smul.u32 $0xA00, s2  }
0xa: {  	s4 =	ssub.s32 s4, s5;
	s5 =	sor.u32 $0x2000, s6;
	s6 =	sadd.s32 s6, s0  }
0xb: {  	s9 =	sadd.s32 s0, s7;
	s13 =	sadd.s32 s0, s12;
	s15 =	sadd.s32 s0, s21  }
0xc: {  	s16 =	sadd.s32 s0, s22;
	s18 =	sadd.s32 s0, s23;
	s8 =	sadd.s32 s0, s5  }
0xd: {  	s6 =	sshrl.u32 s6, $0x3;
	s11 =	sshrl.u32 s9, $0x3;
	s17 =	sshrl.u32 s16, $0x3  }
0xe: {  	s16 =	smul.u32 $0x50000, s14;
	s28 =	smax.u32 s4, $0x1;
	s4 =	simm.s32 $0x2  }
0xf: {  	s2 =	sadd.s32 s2, s1;
	s1 =	sadd.s32 $0x19400, s1;
	s8 =	sshrl.u32 s8, $0x3  }
0x10: {  	s6 =	sadd.s32 s1, s6;
	s10 =	sadd.s32 s1, s8;
	s8 =	sshrl.u32 s15, $0x3  }
0x11: {  	s9 =	sadd.s32 s1, s17;
	s20 =	sshrl.u32 s16, $0x2;
	[dreg:$0x5] =	wrdreg s6  }
0x12: {  	s16 =	sadd.s32 $0x5400, s2;
	s2 =	simm.s32 $0x1;
	[dreg:$0x6] =	wrdreg s10  }
0x13: {  	s6 =	sadd.s32 s1, s11;
	s8 =	sadd.s32 s1, s8;
	s10 =	sadd.s32 s0, s24  }
0x14: {  	[dreg:$0x7] =	wrdreg s6;
	s6 =	sshrl.u32 s13, $0x3;
	s11 =	sshrl.u32 s10, $0x3  }
0x15: {  	s13 =	sadd.s32 s0, s25;
	s0 =	sadd.s32 s0, s26;
	s6 =	sadd.s32 s1, s6  }
0x16: {  	s11 =	sadd.s32 s1, s11;
	s19 =	sshrl.u32 s13, $0x3;
	s13 =	rddreg [dreg:$0x3]  }
0x17: {  	s0 =	sshrl.u32 s0, $0x3;
	[dreg:$0x8] =	wrdreg s6;
	s6 =	sshrl.u32 s18, $0x3  }
0x18: {  	s14 =	sadd.s32 s1, s19;
	s15 =	sadd.s32 s1, s0;
	s17 =	sadd.s32 s20, s13  }
0x19: {  	s18 =	sadd.s32 s5, s13;
	s19 =	sadd.s32 s7, s13;
	s20 =	sadd.s32 s12, s13  }
0x1a: {  	s21 =	sadd.s32 s21, s13;
	s22 =	sadd.s32 s22, s13;
	s23 =	sadd.s32 s23, s13  }
0x1b: {  	s24 =	sadd.s32 s24, s13;
	s25 =	sadd.s32 s25, s13;
	s26 =	sadd.s32 s26, s13  }
0x1c: {  	s12 =	simm.s32 $0x40;
	s0 =	simm.s32 $0x5000;
	s5 =	simm.s32 $0x0  }
0x1d: {  	s10 =	sadd.s32 s1, s6;
	_ =	strace $0x80000047;
	s1 =	simm.s32 $0x5080  }
.LBB2_1:
0x1e: {  	[tilespmem:s3], [sflag:$0x3] =	stream.linear.gather [hbm4b:s16+s3], $0x5000, $0x38;
	[tilespmem:$0x1D100] =	vst v63  }
0x1f: {  	_ =	swait.ge [sflag:s29], $0x5000  }
0x20: {  	[sflag:s29] =	ssyncset.done $0x0  }
0x21: {  	[sflag:s29] =	ssyncadd.s32 $0xFFFFB000  }
0x22: {  	s6 =	rddreg [dreg:$0x1]  }
0x23: {  	[tilespmem:s30], [sflag:$0x3] =	stream.linear.gather [hbm4b:s6+s3], $0x2000, $0x38;
	[tilespmem:$0x1D100] =	vst v63  }
0x24: {  	_ =	swait.ge [sflag:s29], $0x2000  }
0x25: {  	[sflag:s29] =	ssyncset.done $0x0  }
0x26: {  	[sflag:s29] =	ssyncadd.s32 $0xFFFFE000  }
0x27: {  	s7 =	rddreg [dreg:$0x2]  }
0x28: {  	[tilespmem:s31], [sflag:$0x3] =	stream.linear.gather [hbm4b:s7+s3], $0x2000, $0x38;
	[tilespmem:$0x1D100] =	vst v63  }
0x29: {  	_ =	swait.ge [sflag:s29], $0x2000  }
0x2a: {  	[sflag:s29] =	ssyncset.done $0x0  }
0x2b: {  	[sflag:s29] =	ssyncadd.s32 $0xFFFFE000  }
0x2c: {  	[spmem:s17] =	stream.linear.scatter [tilespmem:s31], [sflag:$0x3], $0x2000, $0x38;
	[tilespmem:$0x1D100] =	vst v63  }
0x2d: {  	_ =	swait.ge [sflag:s29], $0x2000  }
0x2e: {  	[sflag:s29] =	ssyncset.done $0x0  }
0x2f: {  	[sflag:s29] =	ssyncadd.s32 $0xFFFFE000  }
0x30: {  	[spmem:s18] =	stream.linear.scatter [tilespmem:s31], [sflag:$0x3], $0x2000, $0x38;
	[tilespmem:$0x1D100] =	vst v63  }
0x31: {  	_ =	swait.ge [sflag:s29], $0x2000  }
0x32: {  	[sflag:s29] =	ssyncset.done $0x0  }
0x33: {  	[sflag:s29] =	ssyncadd.s32 $0xFFFFE000  }
0x34: {  	[spmem:s19] =	stream.linear.scatter [tilespmem:s31], [sflag:$0x3], $0x2000, $0x38;
	[tilespmem:$0x1D100] =	vst v63  }
0x35: {  	_ =	swait.ge [sflag:s29], $0x2000  }
0x36: {  	[sflag:s29] =	ssyncset.done $0x0  }
0x37: {  	[sflag:s29] =	ssyncadd.s32 $0xFFFFE000  }
0x38: {  	[spmem:s20] =	stream.linear.scatter [tilespmem:s31], [sflag:$0x3], $0x2000, $0x38;
	[tilespmem:$0x1D100] =	vst v63  }
0x39: {  	_ =	swait.ge [sflag:s29], $0x2000  }
0x3a: {  	[sflag:s29] =	ssyncset.done $0x0  }
0x3b: {  	[sflag:s29] =	ssyncadd.s32 $0xFFFFE000  }
0x3c: {  	[spmem:s21] =	stream.linear.scatter [tilespmem:s31], [sflag:$0x3], $0x2000, $0x38;
	[tilespmem:$0x1D100] =	vst v63  }
0x3d: {  	_ =	swait.ge [sflag:s29], $0x2000  }
0x3e: {  	[sflag:s29] =	ssyncset.done $0x0  }
0x3f: {  	[sflag:s29] =	ssyncadd.s32 $0xFFFFE000  }
0x40: {  	[spmem:s22] =	stream.linear.scatter [tilespmem:s31], [sflag:$0x3], $0x2000, $0x38;
	[tilespmem:$0x1D100] =	vst v63  }
0x41: {  	_ =	swait.ge [sflag:s29], $0x2000  }
0x42: {  	[sflag:s29] =	ssyncset.done $0x0  }
0x43: {  	[sflag:s29] =	ssyncadd.s32 $0xFFFFE000  }
0x44: {  	[spmem:s23] =	stream.linear.scatter [tilespmem:s31], [sflag:$0x3], $0x2000, $0x38;
	[tilespmem:$0x1D100] =	vst v63  }
0x45: {  	_ =	swait.ge [sflag:s29], $0x2000  }
0x46: {  	[sflag:s29] =	ssyncset.done $0x0  }
0x47: {  	[sflag:s29] =	ssyncadd.s32 $0xFFFFE000  }
0x48: {  	[spmem:s24] =	stream.linear.scatter [tilespmem:s31], [sflag:$0x3], $0x2000, $0x38;
	[tilespmem:$0x1D100] =	vst v63  }
0x49: {  	_ =	swait.ge [sflag:s29], $0x2000  }
0x4a: {  	[sflag:s29] =	ssyncset.done $0x0  }
0x4b: {  	[sflag:s29] =	ssyncadd.s32 $0xFFFFE000  }
0x4c: {  	[spmem:s25] =	stream.linear.scatter [tilespmem:s31], [sflag:$0x3], $0x2000, $0x38;
	[tilespmem:$0x1D100] =	vst v63  }
0x4d: {  	_ =	swait.ge [sflag:s29], $0x2000  }
0x4e: {  	[sflag:s29] =	ssyncset.done $0x0  }
0x4f: {  	[sflag:s29] =	ssyncadd.s32 $0xFFFFE000  }
0x50: {  	[spmem:s26] =	stream.linear.scatter [tilespmem:s31], [sflag:$0x3], $0x2000, $0x38;
	[tilespmem:$0x1D100] =	vst v63  }
0x51: {  	_ =	swait.ge [sflag:s29], $0x2000  }
0x52: {  	[sflag:s29] =	ssyncset.done $0x0  }
0x53: {  	[sflag:s29] =	ssyncadd.s32 $0xFFFFE000  }
0x54: {  	[bflag:$0x0] =	sbarrier.arrive $0xFFFF  }
0x55: {  	v0 =	vld [tilespmem:$0x0]  }
0x56: {  	v1 =	vld [tilespmem:$0x10]  }
0x57: {  	v2 =	vld [tilespmem:$0x20]  }
0x58: {  	v3 =	vld [tilespmem:$0x30];
	_ =	sdelay $0x1  }
0x59: {  	v0 =	vshrl.u32 v0, $0x10  }
0x5a: {  	v52 =	vshrl.u32 v1, $0x10;
	[tilespmem:$0x5000] =	vst v0  }
0x5b: {  	v53 =	vshrl.u32 v2, $0x10;
	[tilespmem:$0x5010] =	vst v52  }
0x5c: {  	v54 =	vshrl.u32 v3, $0x10;
	[tilespmem:$0x5020] =	vst v53  }
0x5d: {  	[tilespmem:$0x5030] =	vst v54  }
0x5e: {  	[spmem:s13] =	stream.indirect.scatter.add.f32 [tilespmem:s30], [sflag:$0x1], $0x80, s0, s12, $0xb8;
	[tilespmem:$0x1D100] =	vst v63  }
0x5f: {  	v55 =	vld [tilespmem:$0x80]  }
0x60: {  	v56 =	vld [tilespmem:$0x90]  }
0x61: {  	v57 =	vld [tilespmem:$0xA0]  }
0x62: {  	v58 =	vld [tilespmem:$0xB0];
	_ =	sdelay $0x1  }
0x63: {  	v0 =	vshrl.u32 v55, $0x10  }
0x64: {  	v59 =	vshrl.u32 v56, $0x10;
	[tilespmem:$0x5080] =	vst v0  }
0x65: {  	v60 =	vshrl.u32 v57, $0x10;
	[tilespmem:$0x5090] =	vst v59  }
0x66: {  	v61 =	vshrl.u32 v58, $0x10;
	[tilespmem:$0x50A0] =	vst v60  }
0x67: {  	[tilespmem:$0x50B0] =	vst v61  }
0x68: {  	[spmem:s13] =	stream.indirect.scatter.add.f32 [tilespmem:s30], [sflag:$0x2], $0x80, s1, s12, $0xb8;
	[tilespmem:$0x1D100] =	vst v63  }
0x69: {  	_ =	swait.ge [sflag:s2], $0x2000  }
0x6a: {  	[sflag:s2] =	ssyncset.done $0x0  }
0x6b: {  	s7 =	simm.s32 $0x1B0;
	[sflag:s2] =	ssyncadd.s32 $0xFFFFE000  }
0x6c: {  	v62 =	vld [tilespmem:s7+$0xFFFFFF50];
	_ =	sdelay $0x4  }
0x6d: {  	v0 =	vshrl.u32 v62, $0x10  }
0x6e: {  	[tilespmem:$0x5000] =	vst v0  }
0x6f: {  	v0 =	vld [tilespmem:s7+$0xFFFFFF60];
	_ =	sdelay $0x4  }
0x70: {  	v0 =	vshrl.u32 v0, $0x10  }
0x71: {  	[tilespmem:$0x5010] =	vst v0  }
0x72: {  	v0 =	vld [tilespmem:s7+$0xFFFFFF70];
	_ =	sdelay $0x4  }
0x73: {  	v0 =	vshrl.u32 v0, $0x10  }
0x74: {  	[tilespmem:$0x5020] =	vst v0  }
0x75: {  	v0 =	vld [tilespmem:s7+$0xFFFFFF80];
	_ =	sdelay $0x4  }
0x76: {  	v0 =	vshrl.u32 v0, $0x10  }
0x77: {  	[tilespmem:$0x5030] =	vst v0  }
0x78: {  	[spmem:s13] =	stream.indirect.scatter.add.f32 [tilespmem:s30], [sflag:$0x1], $0x80, s0, s12, $0xb8;
	[tilespmem:$0x1D100] =	vst v63  }
0x79: {  	_ =	swait.ge [sflag:s4], $0x2000  }
0x7a: {  	[sflag:s4] =	ssyncset.done $0x0  }
0x7b: {  	[sflag:s4] =	ssyncadd.s32 $0xFFFFE000  }
0x7c: {  	v63 =	vld [tilespmem:s7+$0xFFFFFFD0];
	_ =	sdelay $0x4  }
0x7d: {  	v0 =	vshrl.u32 v63, $0x10  }
0x7e: {  	[tilespmem:$0x5080] =	vst v0  }
0x7f: {  	v0 =	vld [tilespmem:s7+$0xFFFFFFE0];
	_ =	sdelay $0x4  }
0x80: {  	v0 =	vshrl.u32 v0, $0x10  }
0x81: {  	[tilespmem:$0x5090] =	vst v0  }
0x82: {  	v0 =	vld [tilespmem:s7+$0xFFFFFFF0];
	_ =	sdelay $0x4  }
0x83: {  	v0 =	vshrl.u32 v0, $0x10  }
0x84: {  	[tilespmem:$0x50A0] =	vst v0  }
0x85: {  	v0 =	vld [tilespmem:s7+$0x0];
	_ =	sdelay $0x4  }
0x86: {  	v0 =	vshrl.u32 v0, $0x10  }
0x87: {  	s6 =	simm.s32 $0xAC0;
	[tilespmem:$0x50B0] =	vst v0  }
.LBB2_2:
0x88: {  	[spmem:s13] =	stream.indirect.scatter.add.f32 [tilespmem:s30], [sflag:$0x2], $0x80, s1, s12, $0xb8;
	[tilespmem:$0x1D100] =	vst v63  }
0x89: {  	s7 =	smov.u32 s6  }
0x8a: {  	p0 =	sne.s32 s6, $0x13EC0;
	s6 =	sadd.s32 $0x400, s6;
	_ =	swait.ge [sflag:s2], $0x2000  }
0x8b: {  	[sflag:s2] =	ssyncset.done $0x0  }
0x8c: {  	s7 =	sshra.s32 s7, $0x2;
	[sflag:s2] =	ssyncadd.s32 $0xFFFFE000  }
0x8d: {  	v0 =	vld [tilespmem:s7+$0xFFFFFF50];
	_ =	sdelay $0x4  }
0x8e: {  	v0 =	vshrl.u32 v0, $0x10  }
0x8f: {  	[tilespmem:$0x5000] =	vst v0  }
0x90: {  	v0 =	vld [tilespmem:s7+$0xFFFFFF60];
	_ =	sdelay $0x4  }
0x91: {  	v0 =	vshrl.u32 v0, $0x10  }
0x92: {  	[tilespmem:$0x5010] =	vst v0  }
0x93: {  	v0 =	vld [tilespmem:s7+$0xFFFFFF70];
	_ =	sdelay $0x4  }
0x94: {  	v0 =	vshrl.u32 v0, $0x10  }
0x95: {  	[tilespmem:$0x5020] =	vst v0  }
0x96: {  	v0 =	vld [tilespmem:s7+$0xFFFFFF80];
	_ =	sdelay $0x4  }
0x97: {  	v0 =	vshrl.u32 v0, $0x10  }
0x98: {  	[tilespmem:$0x5030] =	vst v0  }
0x99: {  	[spmem:s13] =	stream.indirect.scatter.add.f32 [tilespmem:s30], [sflag:$0x1], $0x80, s0, s12, $0xb8;
	[tilespmem:$0x1D100] =	vst v63  }
0x9a: {  	_ =	swait.ge [sflag:s4], $0x2000  }
0x9b: {  	[sflag:s4] =	ssyncset.done $0x0  }
0x9c: {  	[sflag:s4] =	ssyncadd.s32 $0xFFFFE000  }
0x9d: {  	v0 =	vld [tilespmem:s7+$0xFFFFFFD0];
	_ =	sdelay $0x4  }
0x9e: {  	v0 =	vshrl.u32 v0, $0x10  }
0x9f: {  	[tilespmem:$0x5080] =	vst v0  }
0xa0: {  	v0 =	vld [tilespmem:s7+$0xFFFFFFE0];
	_ =	sdelay $0x4  }
0xa1: {  	v0 =	vshrl.u32 v0, $0x10  }
0xa2: {  	[tilespmem:$0x5090] =	vst v0  }
0xa3: {  	v0 =	vld [tilespmem:s7+$0xFFFFFFF0];
	_ =	sdelay $0x4  }
0xa4: {  	v0 =	vshrl.u32 v0, $0x10  }
0xa5: {  	[tilespmem:$0x50A0] =	vst v0  }
0xa6: {  	v0 =	vld [tilespmem:s7+$0x0];
	_ =	sdelay $0x1  }
.Ltmp0:
0xa7: {  	(pc) =	sbr.rel @p0 .LBB2_2-.Ltmp0, $3  }
0xa8: {  	_ =	sdelay $0x1  }
0xa9: {  	v0 =	vshrl.u32 v0, $0x10  }
0xaa: {  	[tilespmem:$0x50B0] =	vst v0  }
0xab: {  	[spmem:s13] =	stream.indirect.scatter.add.f32 [tilespmem:s30], [sflag:$0x2], $0x80, s1, s12, $0xb8;
	[tilespmem:$0x1D100] =	vst v63  }
0xac: {  	_ =	swait.ge [sflag:s2], $0x2000  }
0xad: {  	[sflag:s2] =	ssyncset.done $0x0  }
0xae: {  	[sflag:s2] =	ssyncadd.s32 $0xFFFFE000  }
0xaf: {  	_ =	swait.ge [sflag:s4], $0x2000  }
0xb0: {  	[sflag:s4] =	ssyncset.done $0x0  }
0xb1: {  	[sflag:s4] =	ssyncadd.s32 $0xFFFFE000  }
0xb2: {  	[bflag:$0x0] =	sbarrier.arrive $0xFFFF  }
0xb3: {  	[tilespmem:s31], [sflag:$0x3] =	stream.linear.gather [spmem:s17], $0x2000, $0x38;
	[tilespmem:$0x1D100] =	vst v63  }
0xb4: {  	_ =	swait.ge [sflag:s29], $0x2000  }
0xb5: {  	[sflag:s29] =	ssyncset.done $0x0  }
0xb6: {  	s6 =	rddreg [dreg:$0x5];
	[sflag:s29] =	ssyncadd.s32 $0xFFFFE000  }
0xb7: {  	[hbm4b:s6+s3] =	stream.linear.scatter [tilespmem:s31], [sflag:$0x3], $0x2000, $0x38;
	[tilespmem:$0x1D100] =	vst v63  }
0xb8: {  	_ =	swait.ge [sflag:s29], $0x2000  }
0xb9: {  	[sflag:s29] =	ssyncset.done $0x0  }
0xba: {  	[sflag:s29] =	ssyncadd.s32 $0xFFFFE000  }
0xbb: {  	[tilespmem:s31], [sflag:$0x3] =	stream.linear.gather [spmem:s18], $0x2000, $0x38;
	[tilespmem:$0x1D100] =	vst v63  }
0xbc: {  	_ =	swait.ge [sflag:s29], $0x2000  }
0xbd: {  	[sflag:s29] =	ssyncset.done $0x0  }
0xbe: {  	s7 =	rddreg [dreg:$0x6];
	[sflag:s29] =	ssyncadd.s32 $0xFFFFE000  }
0xbf: {  	[hbm4b:s7+s3] =	stream.linear.scatter [tilespmem:s31], [sflag:$0x3], $0x2000, $0x38;
	[tilespmem:$0x1D100] =	vst v63  }
0xc0: {  	_ =	swait.ge [sflag:s29], $0x2000  }
0xc1: {  	[sflag:s29] =	ssyncset.done $0x0  }
0xc2: {  	[sflag:s29] =	ssyncadd.s32 $0xFFFFE000  }
0xc3: {  	[tilespmem:s31], [sflag:$0x3] =	stream.linear.gather [spmem:s19], $0x2000, $0x38;
	[tilespmem:$0x1D100] =	vst v63  }
0xc4: {  	_ =	swait.ge [sflag:s29], $0x2000  }
0xc5: {  	[sflag:s29] =	ssyncset.done $0x0  }
0xc6: {  	s7 =	rddreg [dreg:$0x7];
	[sflag:s29] =	ssyncadd.s32 $0xFFFFE000  }
0xc7: {  	[hbm4b:s7+s3] =	stream.linear.scatter [tilespmem:s31], [sflag:$0x3], $0x2000, $0x38;
	[tilespmem:$0x1D100] =	vst v63  }
0xc8: {  	_ =	swait.ge [sflag:s29], $0x2000  }
0xc9: {  	[sflag:s29] =	ssyncset.done $0x0  }
0xca: {  	[sflag:s29] =	ssyncadd.s32 $0xFFFFE000  }
0xcb: {  	[tilespmem:s31], [sflag:$0x3] =	stream.linear.gather [spmem:s20], $0x2000, $0x38;
	[tilespmem:$0x1D100] =	vst v63  }
0xcc: {  	_ =	swait.ge [sflag:s29], $0x2000  }
0xcd: {  	[sflag:s29] =	ssyncset.done $0x0  }
0xce: {  	s7 =	rddreg [dreg:$0x8];
	[sflag:s29] =	ssyncadd.s32 $0xFFFFE000  }
0xcf: {  	[hbm4b:s7+s3] =	stream.linear.scatter [tilespmem:s31], [sflag:$0x3], $0x2000, $0x38;
	[tilespmem:$0x1D100] =	vst v63  }
0xd0: {  	_ =	swait.ge [sflag:s29], $0x2000  }
0xd1: {  	[sflag:s29] =	ssyncset.done $0x0  }
0xd2: {  	[sflag:s29] =	ssyncadd.s32 $0xFFFFE000  }
0xd3: {  	[tilespmem:s31], [sflag:$0x3] =	stream.linear.gather [spmem:s21], $0x2000, $0x38;
	[tilespmem:$0x1D100] =	vst v63  }
0xd4: {  	_ =	swait.ge [sflag:s29], $0x2000  }
0xd5: {  	[sflag:s29] =	ssyncset.done $0x0  }
0xd6: {  	[sflag:s29] =	ssyncadd.s32 $0xFFFFE000  }
0xd7: {  	[hbm4b:s8+s3] =	stream.linear.scatter [tilespmem:s31], [sflag:$0x3], $0x2000, $0x38;
	[tilespmem:$0x1D100] =	vst v63  }
0xd8: {  	_ =	swait.ge [sflag:s29], $0x2000  }
0xd9: {  	[sflag:s29] =	ssyncset.done $0x0  }
0xda: {  	[sflag:s29] =	ssyncadd.s32 $0xFFFFE000  }
0xdb: {  	[tilespmem:s31], [sflag:$0x3] =	stream.linear.gather [spmem:s22], $0x2000, $0x38;
	[tilespmem:$0x1D100] =	vst v63  }
0xdc: {  	_ =	swait.ge [sflag:s29], $0x2000  }
0xdd: {  	[sflag:s29] =	ssyncset.done $0x0  }
0xde: {  	[sflag:s29] =	ssyncadd.s32 $0xFFFFE000  }
0xdf: {  	[hbm4b:s9+s3] =	stream.linear.scatter [tilespmem:s31], [sflag:$0x3], $0x2000, $0x38;
	[tilespmem:$0x1D100] =	vst v63  }
0xe0: {  	_ =	swait.ge [sflag:s29], $0x2000  }
0xe1: {  	[sflag:s29] =	ssyncset.done $0x0  }
0xe2: {  	[sflag:s29] =	ssyncadd.s32 $0xFFFFE000  }
0xe3: {  	[tilespmem:s31], [sflag:$0x3] =	stream.linear.gather [spmem:s23], $0x2000, $0x38;
	[tilespmem:$0x1D100] =	vst v63  }
0xe4: {  	_ =	swait.ge [sflag:s29], $0x2000  }
0xe5: {  	[sflag:s29] =	ssyncset.done $0x0  }
0xe6: {  	[sflag:s29] =	ssyncadd.s32 $0xFFFFE000  }
0xe7: {  	[hbm4b:s10+s3] =	stream.linear.scatter [tilespmem:s31], [sflag:$0x3], $0x2000, $0x38;
	[tilespmem:$0x1D100] =	vst v63  }
0xe8: {  	_ =	swait.ge [sflag:s29], $0x2000  }
0xe9: {  	[sflag:s29] =	ssyncset.done $0x0  }
0xea: {  	[sflag:s29] =	ssyncadd.s32 $0xFFFFE000  }
0xeb: {  	[tilespmem:s31], [sflag:$0x3] =	stream.linear.gather [spmem:s24], $0x2000, $0x38;
	[tilespmem:$0x1D100] =	vst v63  }
0xec: {  	_ =	swait.ge [sflag:s29], $0x2000  }
0xed: {  	[sflag:s29] =	ssyncset.done $0x0  }
0xee: {  	[sflag:s29] =	ssyncadd.s32 $0xFFFFE000  }
0xef: {  	[hbm4b:s11+s3] =	stream.linear.scatter [tilespmem:s31], [sflag:$0x3], $0x2000, $0x38;
	[tilespmem:$0x1D100] =	vst v63  }
0xf0: {  	_ =	swait.ge [sflag:s29], $0x2000  }
0xf1: {  	[sflag:s29] =	ssyncset.done $0x0  }
0xf2: {  	[sflag:s29] =	ssyncadd.s32 $0xFFFFE000  }
0xf3: {  	[tilespmem:s31], [sflag:$0x3] =	stream.linear.gather [spmem:s25], $0x2000, $0x38;
	[tilespmem:$0x1D100] =	vst v63  }
0xf4: {  	_ =	swait.ge [sflag:s29], $0x2000  }
0xf5: {  	[sflag:s29] =	ssyncset.done $0x0  }
0xf6: {  	[sflag:s29] =	ssyncadd.s32 $0xFFFFE000  }
0xf7: {  	[hbm4b:s14+s3] =	stream.linear.scatter [tilespmem:s31], [sflag:$0x3], $0x2000, $0x38;
	[tilespmem:$0x1D100] =	vst v63  }
0xf8: {  	_ =	swait.ge [sflag:s29], $0x2000  }
0xf9: {  	[sflag:s29] =	ssyncset.done $0x0  }
0xfa: {  	[sflag:s29] =	ssyncadd.s32 $0xFFFFE000  }
0xfb: {  	[tilespmem:s31], [sflag:$0x3] =	stream.linear.gather [spmem:s26], $0x2000, $0x38;
	[tilespmem:$0x1D100] =	vst v63  }
0xfc: {  	s5 =	sadd.s32 $0x1, s5;
	_ =	swait.ge [sflag:s29], $0x2000  }
0xfd: {  	p0 =	sne.s32 s5, s28;
	[sflag:s29] =	ssyncset.done $0x0  }
.Ltmp1:
0xfe: {  	[sflag:s29] =	ssyncadd.s32 $0xFFFFE000;
	(pc) =	sbr.rel @p0 .LBB2_1-.Ltmp1, $4  }
0xff: {  	[hbm4b:s15+s3] =	stream.linear.scatter [tilespmem:s31], [sflag:$0x3], $0x2000, $0x38;
	[tilespmem:$0x1D100] =	vst v63  }
0x100: {  	_ =	swait.ge [sflag:s29], $0x2000  }
0x101: {  	[sflag:s29] =	ssyncset.done $0x0  }
0x102: {  	[sflag:s29] =	ssyncadd.s32 $0xFFFFE000  }
0x103: {  	_ =	sfence.sel $0x180000  }
0x104: {  	[bflag:$0x0] =	sbarrier.arrive $0xFFFF  }
0x105: {  	_ =	strace $0x90000047  }
0x106: {  	s0 =	stileid.u32;
	[bflag:$0x2] =	sbarrier.arrive $0xFFFF  }
0x107: {  	p0 =	sne.s32 s0, $0x0;
	s0 =	rddreg [dreg:$0x4]  }
0x108: {  	s0 =	sadd.s32 @!p0 $0x100000, s0  }
0x109: {  	[sflag:s0] =	ssyncadd.tile.s32 @!p0 $0x1;
	_ =	shalt  }
.Lfunc_end2:
_tile_overlayer_lowered:
.L_overlay_start_2:
0x10a: {  	(tag) =	ssettag $0x2  }
0x10b: {  	s0 =	rddreg [dreg:$0x0];
	s2 =	stileid.u32  }
0x10c: {  	s1 =	rddreg [dreg:$0x1];
	p0 =	sne.s32 s2, $0x0  }
0x10d: {  	s3 =	rddreg [dreg:$0x2];
	[bflag:$0x3] =	sbarrier.arrive $0xFFFF;
	s2 =	simm.s32 @!p0 $0x1C03  }
0x10e: {  	[timem:s3], [sflag:s2] =	dma.local @!p0 [hbm:s0], s1  }
0x10f: {  	s0 =	simm.s32 @!p0 $0x3  }
0x110: {  	_ =	swait.ge @!p0 [sflag:s0], s1  }
0x111: {  	s1 =	ssub.s32 @!p0 $0x0, s1;
	[sflag:s0] =	ssyncset.done @!p0 $0x0  }
0x112: {  	[sflag:s0] =	ssyncadd.s32 @!p0 s1  }
0x113: {  	[bflag:$0x3] =	sbarrier.arrive $0xFFFF  }
0x114: {  	_ =	shalt  }

</sc_bundles>
